<compile_context>
chip_gen: v7x
topology: tpu7x:2x2x1
jax: 0.10.2.dev20260603
libtpu: 0.0.44.dev20260713+nightly
codegen_flags: <defaults>
</compile_context>

<pallas_src>
import functools

import jax
import jax.numpy as jnp
from jax import lax
from jax.experimental import pallas as pl
from jax.experimental.pallas import tpu as pltpu
from jax.experimental.pallas import tpu_sc as plsc

_N = 10000
_E = 320000
_DIN = 128
_DH = 16
_DOUT = 2
_NPAD = 10240
_NPACK = _NPAD // 8
_NVALID = _N // 8
_DUMMY = _NPAD - 1

_NC = 2
_NS = 16
_NW = _NC * _NS
_CHUNK = 128
_NCHUNK = 80
_EPT = _NCHUNK * _CHUNK
_EPAD = _NW * _EPT
_KDEP = 8
_NGRP = _NCHUNK // _KDEP
_ZROWS = 128
_RPT = _NPAD // _NS


def _sc_mesh():
    return plsc.VectorSubcoreMesh(core_axis_name="c", subcore_axis_name="s")


_SC_PARAMS = pltpu.CompilerParams(use_tc_tiling_on_sc=False)


def _zero_shared(fill_v, acc_sh, s):
    def zrow(i, carry):
        fill_v[i, :] = jnp.zeros((_DH,), jnp.float32)
        return carry
    lax.fori_loop(0, _ZROWS, zrow, 0)
    row0 = s * _RPT
    for b in range(_RPT // _ZROWS):
        pltpu.sync_copy(fill_v, acc_sh.at[pl.ds(row0 + b * _ZROWS, _ZROWS)])


def _writeout_shared(acc_sh, out_hbm, c, s):
    row0 = s * _RPT
    pltpu.sync_copy(acc_sh.at[pl.ds(row0, _RPT)],
                    out_hbm.at[c].at[pl.ds(row0, _RPT)])


def _sc_degree(ei):
    @functools.partial(
        pl.kernel,
        mesh=_sc_mesh(),
        out_type=jax.ShapeDtypeStruct((_NC, _NPAD, _DH), jnp.float32),
        compiler_params=_SC_PARAMS,
        scratch_types=[
            pltpu.VMEM((_NCHUNK, _CHUNK), jnp.int32),
            pltpu.VMEM((_ZROWS, _DH), jnp.float32),
            pltpu.VMEM_SHARED((_NPAD, _DH), jnp.float32),
        ] + [pltpu.SemaphoreType.DMA] * _KDEP,
    )
    def k(ei_hbm, out_hbm, dst_v, fill_v, acc_sh, *sems):
        c = lax.axis_index("c")
        s = lax.axis_index("s")
        wid = c * _NS + s
        pltpu.sync_copy(ei_hbm.at[1].at[wid], dst_v)
        _zero_shared(fill_v, acc_sh, s)
        plsc.subcore_barrier()

        def orow(i, carry):
            fill_v[i, :] = jnp.ones((_DH,), jnp.float32)
            return carry
        lax.fori_loop(0, _CHUNK, orow, 0)

        def body(j, carry):
            for b in range(_KDEP):
                ch = j * _KDEP + b

                @pl.when(j > 0)
                def _drain():
                    pltpu.make_async_copy(
                        fill_v, acc_sh.at[dst_v.at[ch - _KDEP]],
                        sems[b]).wait()
                pltpu.async_copy(fill_v, acc_sh.at[dst_v.at[ch]], sems[b],
                                 add=True)
            return carry
        lax.fori_loop(0, _NGRP, body, 0)
        for b in range(_KDEP):
            pltpu.make_async_copy(
                fill_v, acc_sh.at[dst_v.at[(_NGRP - 1) * _KDEP + b]],
                sems[b]).wait()
        plsc.subcore_barrier()
        _writeout_shared(acc_sh, out_hbm, c, s)

    return k(ei)


def _sc_gather_scatter_add(table, ei):
    @functools.partial(
        pl.kernel,
        mesh=_sc_mesh(),
        out_type=jax.ShapeDtypeStruct((_NC, _NPAD, _DH), jnp.float32),
        compiler_params=_SC_PARAMS,
        scratch_types=[
            pltpu.VMEM((_NCHUNK, _CHUNK), jnp.int32),
            pltpu.VMEM((_NCHUNK, _CHUNK), jnp.int32),
            pltpu.VMEM((_KDEP, _CHUNK, _DH), jnp.float32),
            pltpu.VMEM((_ZROWS, _DH), jnp.float32),
            pltpu.VMEM_SHARED((_NPAD, _DH), jnp.float32),
        ] + [pltpu.SemaphoreType.DMA] * _KDEP,
    )
    def k(tab_hbm, ei_hbm, out_hbm,
          src_v, dst_v, rows_v, fill_v, acc_sh, *gsems):
        c = lax.axis_index("c")
        s = lax.axis_index("s")
        wid = c * _NS + s
        pltpu.sync_copy(ei_hbm.at[0].at[wid], src_v)
        pltpu.sync_copy(ei_hbm.at[1].at[wid], dst_v)
        _zero_shared(fill_v, acc_sh, s)
        plsc.subcore_barrier()

        for b in range(_KDEP):
            pltpu.async_copy(tab_hbm.at[src_v.at[b]], rows_v.at[b], gsems[b])

        def body(j, carry):
            for b in range(_KDEP):
                ch = j * _KDEP + b
                pltpu.make_async_copy(
                    tab_hbm.at[src_v.at[ch]], rows_v.at[b], gsems[b]).wait()
                pltpu.sync_copy(rows_v.at[b], acc_sh.at[dst_v.at[ch]],
                                add=True)

                @pl.when(j < _NGRP - 1)
                def _refill():
                    pltpu.async_copy(tab_hbm.at[src_v.at[ch + _KDEP]],
                                     rows_v.at[b], gsems[b])
            return carry
        lax.fori_loop(0, _NGRP, body, 0)
        plsc.subcore_barrier()
        _writeout_shared(acc_sh, out_hbm, c, s)

    return k(table, ei)


def _pack_cols(v16):
    return jnp.concatenate([v16] * 8, axis=1)


def _fold_cols(v128):
    return sum(v128[:, 16 * j:16 * (j + 1)] for j in range(8))


def _kron8(w, d):
    return jnp.concatenate(
        [jnp.pad(w, ((0, 0), (d * j, d * (7 - j)))) for j in range(8)], axis=0)


def _tc_matmul1(x, W1):
    def body(x_ref, w_ref, o_ref):
        o_ref[...] = jnp.dot(x_ref[...], w_ref[...],
                             preferred_element_type=jnp.float32)
    return pl.pallas_call(
        body, out_shape=jax.ShapeDtypeStruct((_N, _DH), jnp.float32))(x, W1)


def _tc_scale1(p1p, degflat):
    def body(p_ref, d_ref, hs_ref, dis_ref):
        d = d_ref[...]
        dis = lax.rsqrt(d[:_NPACK] + d[_NPACK:] + 1.0)
        p = jnp.pad(p_ref[...], ((0, _NPACK - _NVALID), (0, 0)))
        hs_ref[...] = p * dis
        dis_ref[...] = dis
    return pl.pallas_call(
        body,
        out_shape=(jax.ShapeDtypeStruct((_NPACK, 128), jnp.float32),
                   jax.ShapeDtypeStruct((_NPACK, 128), jnp.float32)),
    )(p1p, degflat)


def _tc_mid(aggflat, hsp, disp, b, g, be, W_next):
    def body(a_ref, hs_ref, dis_ref, b_ref, g_ref, be_ref, w_ref, o_ref):
        a = a_ref[...]
        dis = dis_ref[...]
        agg = a[:_NPACK] + a[_NPACK:] + hs_ref[...]
        conv = agg * dis + _pack_cols(b_ref[...])
        r = jnp.maximum(conv, 0.0)
        rv = r[:_NVALID]
        s1 = jnp.sum(rv, axis=0, keepdims=True)
        s2 = jnp.sum(rv * rv, axis=0, keepdims=True)
        m16 = _fold_cols(s1) * (1.0 / _N)
        e2 = _fold_cols(s2) * (1.0 / _N)
        v16 = e2 - m16 * m16
        hn = ((r - _pack_cols(m16)) * lax.rsqrt(_pack_cols(v16) + 1e-5)
              * _pack_cols(g_ref[...]) + _pack_cols(be_ref[...]))
        p = jnp.dot(hn, _kron8(w_ref[...], _DH),
                    preferred_element_type=jnp.float32)
        o_ref[...] = p * dis

    return pl.pallas_call(
        body,
        out_shape=jax.ShapeDtypeStruct((_NPACK, 128), jnp.float32),
    )(aggflat, hsp, disp, b, g, be, W_next)


def _tc_final(aggflat, hsp, disp, b, fcW, fcb):
    def body(a_ref, hs_ref, dis_ref, b_ref, w_ref, fb_ref, o_ref):
        a = a_ref[...]
        agg = a[:_NPACK] + a[_NPACK:] + hs_ref[...]
        conv = agg * dis_ref[...] + _pack_cols(b_ref[...])
        wk = _kron8(w_ref[...], _DOUT)
        fbp = jnp.concatenate([fb_ref[...]] * 8, axis=1)
        lp = jnp.dot(conv, wk, preferred_element_type=jnp.float32) + fbp
        r16 = lax.broadcasted_iota(jnp.int32, (16, 8), 0)
        c8 = lax.broadcasted_iota(jnp.int32, (16, 8), 1)
        se = (r16 == 2 * c8).astype(jnp.float32)
        so = (r16 == 2 * c8 + 1).astype(jnp.float32)
        r8 = lax.broadcasted_iota(jnp.int32, (8, 16), 0)
        c16 = lax.broadcasted_iota(jnp.int32, (8, 16), 1)
        sb = (c16 // 2 == r8).astype(jnp.float32)
        ev = jnp.dot(lp, se, preferred_element_type=jnp.float32)
        ov = jnp.dot(lp, so, preferred_element_type=jnp.float32)
        mx = jnp.maximum(ev, ov)
        lse = mx + jnp.log(jnp.exp(ev - mx) + jnp.exp(ov - mx))
        o_ref[...] = lp - jnp.dot(lse, sb, preferred_element_type=jnp.float32)

    return pl.pallas_call(
        body,
        out_shape=jax.ShapeDtypeStruct((_NPACK, _DH), jnp.float32),
    )(aggflat, hsp, disp, b, fcW, fcb)


def kernel(x, edge_index, W1, b1, W2, b2, W3, b3, g1, be1, g2, be2, fcW, fcb):
    dummy = _N + (jnp.arange(_EPAD - _E, dtype=edge_index.dtype) % (_NPAD - _N))
    ei = jnp.concatenate(
        [edge_index, jnp.broadcast_to(dummy, (2, _EPAD - _E))], axis=1)
    ei = ei.reshape(2, _NW, _NCHUNK, _CHUNK)

    degflat = _sc_degree(ei).reshape(2 * _NPACK, 128)
    p1p = _tc_matmul1(x, W1).reshape(_NVALID, 128)
    hs1p, disp = _tc_scale1(p1p, degflat)
    agg1 = _sc_gather_scatter_add(
        hs1p.reshape(_NPAD, _DH), ei).reshape(2 * _NPACK, 128)
    hs2p = _tc_mid(agg1, hs1p, disp, b1.reshape(1, -1), g1.reshape(1, -1),
                   be1.reshape(1, -1), W2)
    agg2 = _sc_gather_scatter_add(
        hs2p.reshape(_NPAD, _DH), ei).reshape(2 * _NPACK, 128)
    hs3p = _tc_mid(agg2, hs2p, disp, b2.reshape(1, -1), g2.reshape(1, -1),
                   be2.reshape(1, -1), W3)
    agg3 = _sc_gather_scatter_add(
        hs3p.reshape(_NPAD, _DH), ei).reshape(2 * _NPACK, 128)
    lp = _tc_final(agg3, hs3p, disp, b3.reshape(1, -1), fcW,
                   fcb.reshape(1, -1))
    return lp.reshape(_NPAD, _DOUT)[:_N]

# --- scband reference (transcript-rebuilt; emitter-appended) ---
"""Pipeline reference for scband-gcn-55310588838369 (READ-ONLY COPY).

The authoritative reference and input builder live on the scoring server;
editing this copy changes nothing except your own understanding.
"""

import jax, jax.numpy as jnp
import numpy as np

N_NODES = 10000
N_EDGES = 320000
D_IN = 128
D_HID = 16
D_OUT = 2


def setup_inputs(seed: int = 0) -> dict:
    key = jax.random.key(seed)
    ks = jax.random.split(key, 16)
    x = jax.random.normal(ks[0], (N_NODES, D_IN), dtype=jnp.float32)
    edge_index = jax.random.randint(ks[1], (2, N_EDGES), 0, N_NODES, dtype=jnp.int32)
    W1 = jax.random.normal(ks[2], (D_IN, D_HID), dtype=jnp.float32) * (1.0 / np.sqrt(D_IN))
    b1 = jnp.zeros((D_HID,), dtype=jnp.float32)
    W2 = jax.random.normal(ks[3], (D_HID, D_HID), dtype=jnp.float32) * (1.0 / np.sqrt(D_HID))
    b2 = jnp.zeros((D_HID,), dtype=jnp.float32)
    W3 = jax.random.normal(ks[4], (D_HID, D_HID), dtype=jnp.float32) * (1.0 / np.sqrt(D_HID))
    b3 = jnp.zeros((D_HID,), dtype=jnp.float32)
    g1 = jnp.ones((D_HID,), dtype=jnp.float32)
    be1 = jnp.zeros((D_HID,), dtype=jnp.float32)
    g2 = jnp.ones((D_HID,), dtype=jnp.float32)
    be2 = jnp.zeros((D_HID,), dtype=jnp.float32)
    fcW = jax.random.normal(ks[5], (D_HID, D_OUT), dtype=jnp.float32) * (1.0 / np.sqrt(D_HID))
    fcb = jnp.zeros((D_OUT,), dtype=jnp.float32)
    return {"x": x, "edge_index": edge_index, "W1": W1, "b1": b1, "W2": W2, "b2": b2,
            "W3": W3, "b3": b3, "g1": g1, "be1": be1, "g2": g2, "be2": be2,
            "fcW": fcW, "fcb": fcb}


def _gcn_conv(x, src, dst, W, b):
    # GCNConv: linear transform, add self-loops, symmetric normalization, scatter-add
    n = x.shape[0]
    h = x @ W
    loop = jnp.arange(n, dtype=src.dtype)
    s = jnp.concatenate([src, loop])
    d = jnp.concatenate([dst, loop])
    deg = jnp.zeros((n,), dtype=h.dtype).at[d].add(1.0)
    deg_inv_sqrt = jnp.where(deg > 0, 1.0 / jnp.sqrt(deg), 0.0)
    norm = deg_inv_sqrt[s] * deg_inv_sqrt[d]
    msg = h[s] * norm[:, None]
    out = jnp.zeros_like(h).at[d].add(msg)
    return out + b


def _batch_norm(x, gamma, beta, eps=1e-5):
    m = jnp.mean(x, axis=0)
    v = jnp.var(x, axis=0)
    return (x - m) / jnp.sqrt(v + eps) * gamma + beta


def reference(x, edge_index, W1, b1, W2, b2, W3, b3, g1, be1, g2, be2, fcW, fcb):
    src, dst = edge_index[0], edge_index[1]
    h = _gcn_conv(x, src, dst, W1, b1)
    h = jax.nn.relu(h)
    h = _batch_norm(h, g1, be1)
    # dropout is identity in eval mode
    h = _gcn_conv(h, src, dst, W2, b2)
    h = jax.nn.relu(h)
    h = _batch_norm(h, g2, be2)
    h = _gcn_conv(h, src, dst, W3, b3)
    h = h @ fcW + fcb
    return jax.nn.log_softmax(h, axis=1)

if __name__ == "__main__":
    import jax
    _d = setup_inputs()
    print(jax.jit(kernel)(*tuple(_d.values())))

</pallas_src>

<mosaic_0001>
#map = affine_map<(d0, d1) -> (0, 0, 0, 0)>
#map1 = affine_map<(d0, d1) -> (0, 0, 0)>
module attributes {stable_mosaic.version = 14 : i64} {
  func.func @k(%arg0: i32, %arg1: i32, %arg2: memref<2x32x80x128xi32, #tpu.memory_space<hbm>>, %arg3: memref<2x10240x16xf32, #tpu.memory_space<hbm>>, %arg4: memref<80x128xi32, #tpu.memory_space<vmem>>, %arg5: memref<128x16xf32, #tpu.memory_space<vmem>>, %arg6: memref<10240x16xf32, #tpu.memory_space<vmem_shared>>, %arg7: memref<!tpu.dma_semaphore, #tpu.memory_space<semaphore_mem>>, %arg8: memref<!tpu.dma_semaphore, #tpu.memory_space<semaphore_mem>>, %arg9: memref<!tpu.dma_semaphore, #tpu.memory_space<semaphore_mem>>, %arg10: memref<!tpu.dma_semaphore, #tpu.memory_space<semaphore_mem>>, %arg11: memref<!tpu.dma_semaphore, #tpu.memory_space<semaphore_mem>>, %arg12: memref<!tpu.dma_semaphore, #tpu.memory_space<semaphore_mem>>, %arg13: memref<!tpu.dma_semaphore, #tpu.memory_space<semaphore_mem>>, %arg14: memref<!tpu.dma_semaphore, #tpu.memory_space<semaphore_mem>>) attributes {dimension_semantics = [#tpu.dimension_semantics<core_parallel>, #tpu.dimension_semantics<subcore_parallel>], iteration_bounds = array<i64: 2, 16>, scalar_prefetch = 0 : i64, scratch_operands = 11 : i64, tpu.core_type = #tpu.core_type<sc_vector_subcore>, window_params = [{transform_indices = #map}, {transform_indices = #map1}]} {
    %mul3A = arith.constant 16 : i32
    %mul3A_0 = arith.muli %arg0, %mul3A : i32
    %add3A = arith.addi %mul3A_0, %arg1 : i32
    %run_scoped3A = arith.constant 1 : i32
    "tpu.region"() ({
      %run_scoped3A_88 = tpu.sem_alloc : memref<!tpu.dma_semaphore, #tpu.memory_space<semaphore_mem>>
      %dma_start3A = arith.constant 0 : i32
      %dma_start3A_89 = arith.constant 0 : i32
      %dma_start3A_90 = arith.constant 0 : i32
      %dma_start3A_91 = tpu.memref_slice %arg2[%run_scoped3A, %dma_start3A, %dma_start3A_89, %dma_start3A_90] : memref<2x32x80x128xi32, #tpu.memory_space<hbm>> -> memref<1x32x80x128xi32, #tpu.memory_space<hbm>>
      %dma_start3A_92 = tpu.memref_squeeze %dma_start3A_91 : memref<1x32x80x128xi32, #tpu.memory_space<hbm>> -> memref<32x80x128xi32, #tpu.memory_space<hbm>>
      %dma_start3A_93 = arith.constant 0 : i32
      %dma_start3A_94 = arith.constant 0 : i32
      %dma_start3A_95 = tpu.memref_slice %dma_start3A_92[%add3A, %dma_start3A_93, %dma_start3A_94] : memref<32x80x128xi32, #tpu.memory_space<hbm>> -> memref<1x80x128xi32, #tpu.memory_space<hbm>>
      %dma_start3A_96 = tpu.memref_squeeze %dma_start3A_95 : memref<1x80x128xi32, #tpu.memory_space<hbm>> -> memref<80x128xi32, #tpu.memory_space<hbm>>
      %dma_start3A_97 = arith.constant 0 : i32
      %dma_start3A_98 = arith.constant 0 : i32
      %dma_start3A_99 = arith.constant 0 : i32
      %dma_start3A_100 = tpu.memref_slice %arg2[%run_scoped3A, %dma_start3A_97, %dma_start3A_98, %dma_start3A_99] : memref<2x32x80x128xi32, #tpu.memory_space<hbm>> -> memref<1x32x80x128xi32, #tpu.memory_space<hbm>>
      %dma_start3A_101 = tpu.memref_squeeze %dma_start3A_100 : memref<1x32x80x128xi32, #tpu.memory_space<hbm>> -> memref<32x80x128xi32, #tpu.memory_space<hbm>>
      %dma_start3A_102 = arith.constant 0 : i32
      %dma_start3A_103 = arith.constant 0 : i32
      %dma_start3A_104 = tpu.memref_slice %dma_start3A_101[%add3A, %dma_start3A_102, %dma_start3A_103] : memref<32x80x128xi32, #tpu.memory_space<hbm>> -> memref<1x80x128xi32, #tpu.memory_space<hbm>>
      %dma_start3A_105 = tpu.memref_squeeze %dma_start3A_104 : memref<1x80x128xi32, #tpu.memory_space<hbm>> -> memref<80x128xi32, #tpu.memory_space<hbm>>
      tpu.enqueue_dma source(%dma_start3A_105 : memref<80x128xi32, #tpu.memory_space<hbm>>) target(%arg4 : memref<80x128xi32, #tpu.memory_space<vmem>>) target_semaphore(%run_scoped3A_88 : memref<!tpu.dma_semaphore, #tpu.memory_space<semaphore_mem>>)
      %dma_wait3A_106 = arith.constant 0 : i32
      %dma_wait3A_107 = arith.constant 0 : i32
      %dma_wait3A_108 = arith.constant 0 : i32
      %dma_wait3A_109 = tpu.memref_slice %arg2[%run_scoped3A, %dma_wait3A_106, %dma_wait3A_107, %dma_wait3A_108] : memref<2x32x80x128xi32, #tpu.memory_space<hbm>> -> memref<1x32x80x128xi32, #tpu.memory_space<hbm>>
      %dma_wait3A_110 = tpu.memref_squeeze %dma_wait3A_109 : memref<1x32x80x128xi32, #tpu.memory_space<hbm>> -> memref<32x80x128xi32, #tpu.memory_space<hbm>>
      %dma_wait3A_111 = arith.constant 0 : i32
      %dma_wait3A_112 = arith.constant 0 : i32
      %dma_wait3A_113 = tpu.memref_slice %dma_wait3A_110[%add3A, %dma_wait3A_111, %dma_wait3A_112] : memref<32x80x128xi32, #tpu.memory_space<hbm>> -> memref<1x80x128xi32, #tpu.memory_space<hbm>>
      %dma_wait3A_114 = tpu.memref_squeeze %dma_wait3A_113 : memref<1x80x128xi32, #tpu.memory_space<hbm>> -> memref<80x128xi32, #tpu.memory_space<hbm>>
      %dma_wait3A_115 = arith.constant 0 : i32
      %dma_wait3A_116 = arith.constant 0 : i32
      %dma_wait3A_117 = arith.constant 0 : i32
      %dma_wait3A_118 = tpu.memref_slice %arg2[%run_scoped3A, %dma_wait3A_115, %dma_wait3A_116, %dma_wait3A_117] : memref<2x32x80x128xi32, #tpu.memory_space<hbm>> -> memref<1x32x80x128xi32, #tpu.memory_space<hbm>>
      %dma_wait3A_119 = tpu.memref_squeeze %dma_wait3A_118 : memref<1x32x80x128xi32, #tpu.memory_space<hbm>> -> memref<32x80x128xi32, #tpu.memory_space<hbm>>
      %dma_wait3A_120 = arith.constant 0 : i32
      %dma_wait3A_121 = arith.constant 0 : i32
      %dma_wait3A_122 = tpu.memref_slice %dma_wait3A_119[%add3A, %dma_wait3A_120, %dma_wait3A_121] : memref<32x80x128xi32, #tpu.memory_space<hbm>> -> memref<1x80x128xi32, #tpu.memory_space<hbm>>
      %dma_wait3A_123 = tpu.memref_squeeze %dma_wait3A_122 : memref<1x80x128xi32, #tpu.memory_space<hbm>> -> memref<80x128xi32, #tpu.memory_space<hbm>>
      tpu.wait_dma2 semaphore(%run_scoped3A_88 : memref<!tpu.dma_semaphore, #tpu.memory_space<semaphore_mem>>) src(%dma_wait3A_123 : memref<80x128xi32, #tpu.memory_space<hbm>>) dst(%arg4 : memref<80x128xi32, #tpu.memory_space<vmem>>)
      tpu.yield
    }) : () -> ()
    %scan3A = arith.constant 0 : i32
    %scan3A_1 = arith.constant 0 : i32
    %scan3A_2 = arith.constant 128 : i32
    %scan3A_3 = arith.addi %scan3A_1, %scan3A_2 : i32
    %scan3A_4 = arith.constant 1 : i32
    scf.for %scan3A_88 = %scan3A_1 to %scan3A_3 step %scan3A_4  : i32 {
      %broadcast_in_dim3A = arith.constant 0.000000e+00 : f32
      %broadcast_in_dim3A_89 = vector.broadcast %broadcast_in_dim3A : f32 to vector<16xf32>
      %swap3A = arith.index_cast %scan3A_88 : i32 to index
      %swap3A_90 = arith.constant 0 : index
      %swap3A_91 = tpu.vector_load %arg5[%swap3A, %swap3A_90] {strides = array<i32>} : memref<128x16xf32, #tpu.memory_space<vmem>>, vector<1x16xf32>,
      %swap3A_92 = vector.shape_cast %swap3A_91 : vector<1x16xf32> to vector<16xf32>
      %swap3A_93 = vector.shape_cast %broadcast_in_dim3A_89 : vector<16xf32> to vector<1x16xf32>
      tpu.vector_store %arg5[%swap3A, %swap3A_90], %swap3A_93 {strides = array<i32>} : memref<128x16xf32, #tpu.memory_space<vmem>>, vector<1x16xf32>,
    }
    %scan3A_5 = arith.constant 128 : i32
    %mul3A_6 = arith.constant 640 : i32
    %mul3A_7 = arith.muli %arg1, %mul3A_6 : i32
    %add3A_8 = arith.constant 0 : i32
    %add3A_9 = arith.addi %mul3A_7, %add3A_8 : i32
    "tpu.region"() ({
      %run_scoped3A_88 = tpu.sem_alloc : memref<!tpu.dma_semaphore, #tpu.memory_space<semaphore_mem>>
      %dma_start3A = arith.constant 0 : i32
      %dma_start3A_89 = tpu.memref_slice %arg6[%add3A_9, %dma_start3A] : memref<10240x16xf32, #tpu.memory_space<vmem_shared>> -> memref<128x16xf32, #tpu.memory_space<vmem_shared>>
      %dma_start3A_90 = arith.constant 0 : i32
      %dma_start3A_91 = tpu.memref_slice %arg6[%add3A_9, %dma_start3A_90] : memref<10240x16xf32, #tpu.memory_space<vmem_shared>> -> memref<128x16xf32, #tpu.memory_space<vmem_shared>>
      tpu.enqueue_dma source(%arg5 : memref<128x16xf32, #tpu.memory_space<vmem>>) target(%dma_start3A_91 : memref<128x16xf32, #tpu.memory_space<vmem_shared>>) target_semaphore(%run_scoped3A_88 : memref<!tpu.dma_semaphore, #tpu.memory_space<semaphore_mem>>)
      %dma_wait3A_92 = arith.constant 0 : i32
      %dma_wait3A_93 = tpu.memref_slice %arg6[%add3A_9, %dma_wait3A_92] : memref<10240x16xf32, #tpu.memory_space<vmem_shared>> -> memref<128x16xf32, #tpu.memory_space<vmem_shared>>
      %dma_wait3A_94 = arith.constant 0 : i32
      %dma_wait3A_95 = tpu.memref_slice %arg6[%add3A_9, %dma_wait3A_94] : memref<10240x16xf32, #tpu.memory_space<vmem_shared>> -> memref<128x16xf32, #tpu.memory_space<vmem_shared>>
      tpu.wait_dma2 semaphore(%run_scoped3A_88 : memref<!tpu.dma_semaphore, #tpu.memory_space<semaphore_mem>>) src(%arg5 : memref<128x16xf32, #tpu.memory_space<vmem>>) dst(%dma_wait3A_95 : memref<128x16xf32, #tpu.memory_space<vmem_shared>>)
      tpu.yield
    }) : () -> ()
    %add3A_10 = arith.constant 128 : i32
    %add3A_11 = arith.addi %mul3A_7, %add3A_10 : i32
    "tpu.region"() ({
      %run_scoped3A_88 = tpu.sem_alloc : memref<!tpu.dma_semaphore, #tpu.memory_space<semaphore_mem>>
      %dma_start3A = arith.constant 0 : i32
      %dma_start3A_89 = tpu.memref_slice %arg6[%add3A_11, %dma_start3A] : memref<10240x16xf32, #tpu.memory_space<vmem_shared>> -> memref<128x16xf32, #tpu.memory_space<vmem_shared>>
      %dma_start3A_90 = arith.constant 0 : i32
      %dma_start3A_91 = tpu.memref_slice %arg6[%add3A_11, %dma_start3A_90] : memref<10240x16xf32, #tpu.memory_space<vmem_shared>> -> memref<128x16xf32, #tpu.memory_space<vmem_shared>>
      tpu.enqueue_dma source(%arg5 : memref<128x16xf32, #tpu.memory_space<vmem>>) target(%dma_start3A_91 : memref<128x16xf32, #tpu.memory_space<vmem_shared>>) target_semaphore(%run_scoped3A_88 : memref<!tpu.dma_semaphore, #tpu.memory_space<semaphore_mem>>)
      %dma_wait3A_92 = arith.constant 0 : i32
      %dma_wait3A_93 = tpu.memref_slice %arg6[%add3A_11, %dma_wait3A_92] : memref<10240x16xf32, #tpu.memory_space<vmem_shared>> -> memref<128x16xf32, #tpu.memory_space<vmem_shared>>
      %dma_wait3A_94 = arith.constant 0 : i32
      %dma_wait3A_95 = tpu.memref_slice %arg6[%add3A_11, %dma_wait3A_94] : memref<10240x16xf32, #tpu.memory_space<vmem_shared>> -> memref<128x16xf32, #tpu.memory_space<vmem_shared>>
      tpu.wait_dma2 semaphore(%run_scoped3A_88 : memref<!tpu.dma_semaphore, #tpu.memory_space<semaphore_mem>>) src(%arg5 : memref<128x16xf32, #tpu.memory_space<vmem>>) dst(%dma_wait3A_95 : memref<128x16xf32, #tpu.memory_space<vmem_shared>>)
      tpu.yield
    }) : () -> ()
    %add3A_12 = arith.constant 256 : i32
    %add3A_13 = arith.addi %mul3A_7, %add3A_12 : i32
    "tpu.region"() ({
      %run_scoped3A_88 = tpu.sem_alloc : memref<!tpu.dma_semaphore, #tpu.memory_space<semaphore_mem>>
      %dma_start3A = arith.constant 0 : i32
      %dma_start3A_89 = tpu.memref_slice %arg6[%add3A_13, %dma_start3A] : memref<10240x16xf32, #tpu.memory_space<vmem_shared>> -> memref<128x16xf32, #tpu.memory_space<vmem_shared>>
      %dma_start3A_90 = arith.constant 0 : i32
      %dma_start3A_91 = tpu.memref_slice %arg6[%add3A_13, %dma_start3A_90] : memref<10240x16xf32, #tpu.memory_space<vmem_shared>> -> memref<128x16xf32, #tpu.memory_space<vmem_shared>>
      tpu.enqueue_dma source(%arg5 : memref<128x16xf32, #tpu.memory_space<vmem>>) target(%dma_start3A_91 : memref<128x16xf32, #tpu.memory_space<vmem_shared>>) target_semaphore(%run_scoped3A_88 : memref<!tpu.dma_semaphore, #tpu.memory_space<semaphore_mem>>)
      %dma_wait3A_92 = arith.constant 0 : i32
      %dma_wait3A_93 = tpu.memref_slice %arg6[%add3A_13, %dma_wait3A_92] : memref<10240x16xf32, #tpu.memory_space<vmem_shared>> -> memref<128x16xf32, #tpu.memory_space<vmem_shared>>
      %dma_wait3A_94 = arith.constant 0 : i32
      %dma_wait3A_95 = tpu.memref_slice %arg6[%add3A_13, %dma_wait3A_94] : memref<10240x16xf32, #tpu.memory_space<vmem_shared>> -> memref<128x16xf32, #tpu.memory_space<vmem_shared>>
      tpu.wait_dma2 semaphore(%run_scoped3A_88 : memref<!tpu.dma_semaphore, #tpu.memory_space<semaphore_mem>>) src(%arg5 : memref<128x16xf32, #tpu.memory_space<vmem>>) dst(%dma_wait3A_95 : memref<128x16xf32, #tpu.memory_space<vmem_shared>>)
      tpu.yield
    }) : () -> ()
    %add3A_14 = arith.constant 384 : i32
    %add3A_15 = arith.addi %mul3A_7, %add3A_14 : i32
    "tpu.region"() ({
      %run_scoped3A_88 = tpu.sem_alloc : memref<!tpu.dma_semaphore, #tpu.memory_space<semaphore_mem>>
      %dma_start3A = arith.constant 0 : i32
      %dma_start3A_89 = tpu.memref_slice %arg6[%add3A_15, %dma_start3A] : memref<10240x16xf32, #tpu.memory_space<vmem_shared>> -> memref<128x16xf32, #tpu.memory_space<vmem_shared>>
      %dma_start3A_90 = arith.constant 0 : i32
      %dma_start3A_91 = tpu.memref_slice %arg6[%add3A_15, %dma_start3A_90] : memref<10240x16xf32, #tpu.memory_space<vmem_shared>> -> memref<128x16xf32, #tpu.memory_space<vmem_shared>>
      tpu.enqueue_dma source(%arg5 : memref<128x16xf32, #tpu.memory_space<vmem>>) target(%dma_start3A_91 : memref<128x16xf32, #tpu.memory_space<vmem_shared>>) target_semaphore(%run_scoped3A_88 : memref<!tpu.dma_semaphore, #tpu.memory_space<semaphore_mem>>)
      %dma_wait3A_92 = arith.constant 0 : i32
      %dma_wait3A_93 = tpu.memref_slice %arg6[%add3A_15, %dma_wait3A_92] : memref<10240x16xf32, #tpu.memory_space<vmem_shared>> -> memref<128x16xf32, #tpu.memory_space<vmem_shared>>
      %dma_wait3A_94 = arith.constant 0 : i32
      %dma_wait3A_95 = tpu.memref_slice %arg6[%add3A_15, %dma_wait3A_94] : memref<10240x16xf32, #tpu.memory_space<vmem_shared>> -> memref<128x16xf32, #tpu.memory_space<vmem_shared>>
      tpu.wait_dma2 semaphore(%run_scoped3A_88 : memref<!tpu.dma_semaphore, #tpu.memory_space<semaphore_mem>>) src(%arg5 : memref<128x16xf32, #tpu.memory_space<vmem>>) dst(%dma_wait3A_95 : memref<128x16xf32, #tpu.memory_space<vmem_shared>>)
      tpu.yield
    }) : () -> ()
    %add3A_16 = arith.constant 512 : i32
    %add3A_17 = arith.addi %mul3A_7, %add3A_16 : i32
    "tpu.region"() ({
      %run_scoped3A_88 = tpu.sem_alloc : memref<!tpu.dma_semaphore, #tpu.memory_space<semaphore_mem>>
      %dma_start3A = arith.constant 0 : i32
      %dma_start3A_89 = tpu.memref_slice %arg6[%add3A_17, %dma_start3A] : memref<10240x16xf32, #tpu.memory_space<vmem_shared>> -> memref<128x16xf32, #tpu.memory_space<vmem_shared>>
      %dma_start3A_90 = arith.constant 0 : i32
      %dma_start3A_91 = tpu.memref_slice %arg6[%add3A_17, %dma_start3A_90] : memref<10240x16xf32, #tpu.memory_space<vmem_shared>> -> memref<128x16xf32, #tpu.memory_space<vmem_shared>>
      tpu.enqueue_dma source(%arg5 : memref<128x16xf32, #tpu.memory_space<vmem>>) target(%dma_start3A_91 : memref<128x16xf32, #tpu.memory_space<vmem_shared>>) target_semaphore(%run_scoped3A_88 : memref<!tpu.dma_semaphore, #tpu.memory_space<semaphore_mem>>)
      %dma_wait3A_92 = arith.constant 0 : i32
      %dma_wait3A_93 = tpu.memref_slice %arg6[%add3A_17, %dma_wait3A_92] : memref<10240x16xf32, #tpu.memory_space<vmem_shared>> -> memref<128x16xf32, #tpu.memory_space<vmem_shared>>
      %dma_wait3A_94 = arith.constant 0 : i32
      %dma_wait3A_95 = tpu.memref_slice %arg6[%add3A_17, %dma_wait3A_94] : memref<10240x16xf32, #tpu.memory_space<vmem_shared>> -> memref<128x16xf32, #tpu.memory_space<vmem_shared>>
      tpu.wait_dma2 semaphore(%run_scoped3A_88 : memref<!tpu.dma_semaphore, #tpu.memory_space<semaphore_mem>>) src(%arg5 : memref<128x16xf32, #tpu.memory_space<vmem>>) dst(%dma_wait3A_95 : memref<128x16xf32, #tpu.memory_space<vmem_shared>>)
      tpu.yield
    }) : () -> ()
    %barrier3A = arith.constant 0 : index
    tpu.barrier barrier_id(%barrier3A)
    %scan3A_18 = arith.constant 0 : i32
    %scan3A_19 = arith.constant 0 : i32
    %scan3A_20 = arith.constant 128 : i32
    %scan3A_21 = arith.addi %scan3A_19, %scan3A_20 : i32
    %scan3A_22 = arith.constant 1 : i32
    scf.for %scan3A_88 = %scan3A_19 to %scan3A_21 step %scan3A_22  : i32 {
      %broadcast_in_dim3A = arith.constant 1.000000e+00 : f32
      %broadcast_in_dim3A_89 = vector.broadcast %broadcast_in_dim3A : f32 to vector<16xf32>
      %swap3A = arith.index_cast %scan3A_88 : i32 to index
      %swap3A_90 = arith.constant 0 : index
      %swap3A_91 = tpu.vector_load %arg5[%swap3A, %swap3A_90] {strides = array<i32>} : memref<128x16xf32, #tpu.memory_space<vmem>>, vector<1x16xf32>,
      %swap3A_92 = vector.shape_cast %swap3A_91 : vector<1x16xf32> to vector<16xf32>
      %swap3A_93 = vector.shape_cast %broadcast_in_dim3A_89 : vector<16xf32> to vector<1x16xf32>
      tpu.vector_store %arg5[%swap3A, %swap3A_90], %swap3A_93 {strides = array<i32>} : memref<128x16xf32, #tpu.memory_space<vmem>>, vector<1x16xf32>,
    }
    %scan3A_23 = arith.constant 128 : i32
    %scan3A_24 = arith.constant 0 : i32
    %scan3A_25 = arith.constant 0 : i32
    %scan3A_26 = arith.constant 10 : i32
    %scan3A_27 = arith.addi %scan3A_25, %scan3A_26 : i32
    %scan3A_28 = arith.constant 1 : i32
    scf.for %scan3A_88 = %scan3A_25 to %scan3A_27 step %scan3A_28  : i32 {
      %mul3A_89 = arith.constant 8 : i32
      %mul3A_90 = arith.muli %scan3A_88, %mul3A_89 : i32
      %add3A_91 = arith.constant 0 : i32
      %add3A_92 = arith.addi %mul3A_90, %add3A_91 : i32
      %gt3A = arith.constant 0 : i32
      %gt3A_93 = arith.cmpi sgt, %scan3A_88, %gt3A : i32
      %convert_element_type3A = arith.extui %gt3A_93 : i1 to i32
      %cond3A = arith.constant 0 : i32
      %cond3A_94 = arith.cmpi ne, %convert_element_type3A, %cond3A : i32
      scf.if %cond3A_94 {
        %sub3A = arith.constant 8 : i32
        %sub3A_205 = arith.subi %add3A_92, %sub3A : i32
        %dma_wait3A_206 = arith.constant 0 : i32
        %dma_wait3A_207 = tpu.memref_slice %arg4[%sub3A_205, %dma_wait3A_206] : memref<80x128xi32, #tpu.memory_space<vmem>> -> memref<1x128xi32, #tpu.memory_space<vmem>>
        %dma_wait3A_208 = tpu.memref_squeeze %dma_wait3A_207 : memref<1x128xi32, #tpu.memory_space<vmem>> -> memref<128xi32, #tpu.memory_space<vmem>>
        %dma_wait3A_209 = arith.constant 0 : i32
        %dma_wait3A_210 = arith.constant 0 : i32
        %dma_wait3A_211 = tpu.memref_slice %arg6[%dma_wait3A_209, %dma_wait3A_210] : memref<10240x16xf32, #tpu.memory_space<vmem_shared>> -> memref<10240x16xf32, #tpu.memory_space<vmem_shared>>
        tpu.wait_indirect_dma semaphore(%arg7 : memref<!tpu.dma_semaphore, #tpu.memory_space<semaphore_mem>>) src(%arg5 : memref<128x16xf32, #tpu.memory_space<vmem>>) dst(%dma_wait3A_211 : memref<10240x16xf32, #tpu.memory_space<vmem_shared>>)
      } else {
      }
      %dma_start3A = arith.constant 0 : i32
      %dma_start3A_95 = tpu.memref_slice %arg4[%add3A_92, %dma_start3A] : memref<80x128xi32, #tpu.memory_space<vmem>> -> memref<1x128xi32, #tpu.memory_space<vmem>>
      %dma_start3A_96 = tpu.memref_squeeze %dma_start3A_95 : memref<1x128xi32, #tpu.memory_space<vmem>> -> memref<128xi32, #tpu.memory_space<vmem>>
      %dma_start3A_97 = arith.constant 0 : i32
      %dma_start3A_98 = arith.constant 0 : i32
      %dma_start3A_99 = tpu.memref_slice %arg6[%dma_start3A_97, %dma_start3A_98] : memref<10240x16xf32, #tpu.memory_space<vmem_shared>> -> memref<10240x16xf32, #tpu.memory_space<vmem_shared>>
      tpu.enqueue_indirect_dma source(%arg5 : memref<128x16xf32, #tpu.memory_space<vmem>>) target(%dma_start3A_99 : memref<10240x16xf32, #tpu.memory_space<vmem_shared>>) offsets(%dma_start3A_96 : memref<128xi32, #tpu.memory_space<vmem>>) semaphore(%arg7 : memref<!tpu.dma_semaphore, #tpu.memory_space<semaphore_mem>>) {add = true}
      %mul3A_100 = arith.constant 8 : i32
      %mul3A_101 = arith.muli %scan3A_88, %mul3A_100 : i32
      %add3A_102 = arith.constant 1 : i32
      %add3A_103 = arith.addi %mul3A_101, %add3A_102 : i32
      %gt3A_104 = arith.constant 0 : i32
      %gt3A_105 = arith.cmpi sgt, %scan3A_88, %gt3A_104 : i32
      %convert_element_type3A_106 = arith.extui %gt3A_105 : i1 to i32
      %cond3A_107 = arith.constant 0 : i32
      %cond3A_108 = arith.cmpi ne, %convert_element_type3A_106, %cond3A_107 : i32
      scf.if %cond3A_108 {
        %sub3A = arith.constant 8 : i32
        %sub3A_205 = arith.subi %add3A_103, %sub3A : i32
        %dma_wait3A_206 = arith.constant 0 : i32
        %dma_wait3A_207 = tpu.memref_slice %arg4[%sub3A_205, %dma_wait3A_206] : memref<80x128xi32, #tpu.memory_space<vmem>> -> memref<1x128xi32, #tpu.memory_space<vmem>>
        %dma_wait3A_208 = tpu.memref_squeeze %dma_wait3A_207 : memref<1x128xi32, #tpu.memory_space<vmem>> -> memref<128xi32, #tpu.memory_space<vmem>>
        %dma_wait3A_209 = arith.constant 0 : i32
        %dma_wait3A_210 = arith.constant 0 : i32
        %dma_wait3A_211 = tpu.memref_slice %arg6[%dma_wait3A_209, %dma_wait3A_210] : memref<10240x16xf32, #tpu.memory_space<vmem_shared>> -> memref<10240x16xf32, #tpu.memory_space<vmem_shared>>
        tpu.wait_indirect_dma semaphore(%arg8 : memref<!tpu.dma_semaphore, #tpu.memory_space<semaphore_mem>>) src(%arg5 : memref<128x16xf32, #tpu.memory_space<vmem>>) dst(%dma_wait3A_211 : memref<10240x16xf32, #tpu.memory_space<vmem_shared>>)
      } else {
      }
      %dma_start3A_109 = arith.constant 0 : i32
      %dma_start3A_110 = tpu.memref_slice %arg4[%add3A_103, %dma_start3A_109] : memref<80x128xi32, #tpu.memory_space<vmem>> -> memref<1x128xi32, #tpu.memory_space<vmem>>
      %dma_start3A_111 = tpu.memref_squeeze %dma_start3A_110 : memref<1x128xi32, #tpu.memory_space<vmem>> -> memref<128xi32, #tpu.memory_space<vmem>>
      %dma_start3A_112 = arith.constant 0 : i32
      %dma_start3A_113 = arith.constant 0 : i32
      %dma_start3A_114 = tpu.memref_slice %arg6[%dma_start3A_112, %dma_start3A_113] : memref<10240x16xf32, #tpu.memory_space<vmem_shared>> -> memref<10240x16xf32, #tpu.memory_space<vmem_shared>>
      tpu.enqueue_indirect_dma source(%arg5 : memref<128x16xf32, #tpu.memory_space<vmem>>) target(%dma_start3A_114 : memref<10240x16xf32, #tpu.memory_space<vmem_shared>>) offsets(%dma_start3A_111 : memref<128xi32, #tpu.memory_space<vmem>>) semaphore(%arg8 : memref<!tpu.dma_semaphore, #tpu.memory_space<semaphore_mem>>) {add = true}
      %mul3A_115 = arith.constant 8 : i32
      %mul3A_116 = arith.muli %scan3A_88, %mul3A_115 : i32
      %add3A_117 = arith.constant 2 : i32
      %add3A_118 = arith.addi %mul3A_116, %add3A_117 : i32
      %gt3A_119 = arith.constant 0 : i32
      %gt3A_120 = arith.cmpi sgt, %scan3A_88, %gt3A_119 : i32
      %convert_element_type3A_121 = arith.extui %gt3A_120 : i1 to i32
      %cond3A_122 = arith.constant 0 : i32
      %cond3A_123 = arith.cmpi ne, %convert_element_type3A_121, %cond3A_122 : i32
      scf.if %cond3A_123 {
        %sub3A = arith.constant 8 : i32
        %sub3A_205 = arith.subi %add3A_118, %sub3A : i32
        %dma_wait3A_206 = arith.constant 0 : i32
        %dma_wait3A_207 = tpu.memref_slice %arg4[%sub3A_205, %dma_wait3A_206] : memref<80x128xi32, #tpu.memory_space<vmem>> -> memref<1x128xi32, #tpu.memory_space<vmem>>
        %dma_wait3A_208 = tpu.memref_squeeze %dma_wait3A_207 : memref<1x128xi32, #tpu.memory_space<vmem>> -> memref<128xi32, #tpu.memory_space<vmem>>
        %dma_wait3A_209 = arith.constant 0 : i32
        %dma_wait3A_210 = arith.constant 0 : i32
        %dma_wait3A_211 = tpu.memref_slice %arg6[%dma_wait3A_209, %dma_wait3A_210] : memref<10240x16xf32, #tpu.memory_space<vmem_shared>> -> memref<10240x16xf32, #tpu.memory_space<vmem_shared>>
        tpu.wait_indirect_dma semaphore(%arg9 : memref<!tpu.dma_semaphore, #tpu.memory_space<semaphore_mem>>) src(%arg5 : memref<128x16xf32, #tpu.memory_space<vmem>>) dst(%dma_wait3A_211 : memref<10240x16xf32, #tpu.memory_space<vmem_shared>>)
      } else {
      }
      %dma_start3A_124 = arith.constant 0 : i32
      %dma_start3A_125 = tpu.memref_slice %arg4[%add3A_118, %dma_start3A_124] : memref<80x128xi32, #tpu.memory_space<vmem>> -> memref<1x128xi32, #tpu.memory_space<vmem>>
      %dma_start3A_126 = tpu.memref_squeeze %dma_start3A_125 : memref<1x128xi32, #tpu.memory_space<vmem>> -> memref<128xi32, #tpu.memory_space<vmem>>
      %dma_start3A_127 = arith.constant 0 : i32
      %dma_start3A_128 = arith.constant 0 : i32
      %dma_start3A_129 = tpu.memref_slice %arg6[%dma_start3A_127, %dma_start3A_128] : memref<10240x16xf32, #tpu.memory_space<vmem_shared>> -> memref<10240x16xf32, #tpu.memory_space<vmem_shared>>
      tpu.enqueue_indirect_dma source(%arg5 : memref<128x16xf32, #tpu.memory_space<vmem>>) target(%dma_start3A_129 : memref<10240x16xf32, #tpu.memory_space<vmem_shared>>) offsets(%dma_start3A_126 : memref<128xi32, #tpu.memory_space<vmem>>) semaphore(%arg9 : memref<!tpu.dma_semaphore, #tpu.memory_space<semaphore_mem>>) {add = true}
      %mul3A_130 = arith.constant 8 : i32
      %mul3A_131 = arith.muli %scan3A_88, %mul3A_130 : i32
      %add3A_132 = arith.constant 3 : i32
      %add3A_133 = arith.addi %mul3A_131, %add3A_132 : i32
      %gt3A_134 = arith.constant 0 : i32
      %gt3A_135 = arith.cmpi sgt, %scan3A_88, %gt3A_134 : i32
      %convert_element_type3A_136 = arith.extui %gt3A_135 : i1 to i32
      %cond3A_137 = arith.constant 0 : i32
      %cond3A_138 = arith.cmpi ne, %convert_element_type3A_136, %cond3A_137 : i32
      scf.if %cond3A_138 {
        %sub3A = arith.constant 8 : i32
        %sub3A_205 = arith.subi %add3A_133, %sub3A : i32
        %dma_wait3A_206 = arith.constant 0 : i32
        %dma_wait3A_207 = tpu.memref_slice %arg4[%sub3A_205, %dma_wait3A_206] : memref<80x128xi32, #tpu.memory_space<vmem>> -> memref<1x128xi32, #tpu.memory_space<vmem>>
        %dma_wait3A_208 = tpu.memref_squeeze %dma_wait3A_207 : memref<1x128xi32, #tpu.memory_space<vmem>> -> memref<128xi32, #tpu.memory_space<vmem>>
        %dma_wait3A_209 = arith.constant 0 : i32
        %dma_wait3A_210 = arith.constant 0 : i32
        %dma_wait3A_211 = tpu.memref_slice %arg6[%dma_wait3A_209, %dma_wait3A_210] : memref<10240x16xf32, #tpu.memory_space<vmem_shared>> -> memref<10240x16xf32, #tpu.memory_space<vmem_shared>>
        tpu.wait_indirect_dma semaphore(%arg10 : memref<!tpu.dma_semaphore, #tpu.memory_space<semaphore_mem>>) src(%arg5 : memref<128x16xf32, #tpu.memory_space<vmem>>) dst(%dma_wait3A_211 : memref<10240x16xf32, #tpu.memory_space<vmem_shared>>)
      } else {
      }
      %dma_start3A_139 = arith.constant 0 : i32
      %dma_start3A_140 = tpu.memref_slice %arg4[%add3A_133, %dma_start3A_139] : memref<80x128xi32, #tpu.memory_space<vmem>> -> memref<1x128xi32, #tpu.memory_space<vmem>>
      %dma_start3A_141 = tpu.memref_squeeze %dma_start3A_140 : memref<1x128xi32, #tpu.memory_space<vmem>> -> memref<128xi32, #tpu.memory_space<vmem>>
      %dma_start3A_142 = arith.constant 0 : i32
      %dma_start3A_143 = arith.constant 0 : i32
      %dma_start3A_144 = tpu.memref_slice %arg6[%dma_start3A_142, %dma_start3A_143] : memref<10240x16xf32, #tpu.memory_space<vmem_shared>> -> memref<10240x16xf32, #tpu.memory_space<vmem_shared>>
      tpu.enqueue_indirect_dma source(%arg5 : memref<128x16xf32, #tpu.memory_space<vmem>>) target(%dma_start3A_144 : memref<10240x16xf32, #tpu.memory_space<vmem_shared>>) offsets(%dma_start3A_141 : memref<128xi32, #tpu.memory_space<vmem>>) semaphore(%arg10 : memref<!tpu.dma_semaphore, #tpu.memory_space<semaphore_mem>>) {add = true}
      %mul3A_145 = arith.constant 8 : i32
      %mul3A_146 = arith.muli %scan3A_88, %mul3A_145 : i32
      %add3A_147 = arith.constant 4 : i32
      %add3A_148 = arith.addi %mul3A_146, %add3A_147 : i32
      %gt3A_149 = arith.constant 0 : i32
      %gt3A_150 = arith.cmpi sgt, %scan3A_88, %gt3A_149 : i32
      %convert_element_type3A_151 = arith.extui %gt3A_150 : i1 to i32
      %cond3A_152 = arith.constant 0 : i32
      %cond3A_153 = arith.cmpi ne, %convert_element_type3A_151, %cond3A_152 : i32
      scf.if %cond3A_153 {
        %sub3A = arith.constant 8 : i32
        %sub3A_205 = arith.subi %add3A_148, %sub3A : i32
        %dma_wait3A_206 = arith.constant 0 : i32
        %dma_wait3A_207 = tpu.memref_slice %arg4[%sub3A_205, %dma_wait3A_206] : memref<80x128xi32, #tpu.memory_space<vmem>> -> memref<1x128xi32, #tpu.memory_space<vmem>>
        %dma_wait3A_208 = tpu.memref_squeeze %dma_wait3A_207 : memref<1x128xi32, #tpu.memory_space<vmem>> -> memref<128xi32, #tpu.memory_space<vmem>>
        %dma_wait3A_209 = arith.constant 0 : i32
        %dma_wait3A_210 = arith.constant 0 : i32
        %dma_wait3A_211 = tpu.memref_slice %arg6[%dma_wait3A_209, %dma_wait3A_210] : memref<10240x16xf32, #tpu.memory_space<vmem_shared>> -> memref<10240x16xf32, #tpu.memory_space<vmem_shared>>
        tpu.wait_indirect_dma semaphore(%arg11 : memref<!tpu.dma_semaphore, #tpu.memory_space<semaphore_mem>>) src(%arg5 : memref<128x16xf32, #tpu.memory_space<vmem>>) dst(%dma_wait3A_211 : memref<10240x16xf32, #tpu.memory_space<vmem_shared>>)
      } else {
      }
      %dma_start3A_154 = arith.constant 0 : i32
      %dma_start3A_155 = tpu.memref_slice %arg4[%add3A_148, %dma_start3A_154] : memref<80x128xi32, #tpu.memory_space<vmem>> -> memref<1x128xi32, #tpu.memory_space<vmem>>
      %dma_start3A_156 = tpu.memref_squeeze %dma_start3A_155 : memref<1x128xi32, #tpu.memory_space<vmem>> -> memref<128xi32, #tpu.memory_space<vmem>>
      %dma_start3A_157 = arith.constant 0 : i32
      %dma_start3A_158 = arith.constant 0 : i32
      %dma_start3A_159 = tpu.memref_slice %arg6[%dma_start3A_157, %dma_start3A_158] : memref<10240x16xf32, #tpu.memory_space<vmem_shared>> -> memref<10240x16xf32, #tpu.memory_space<vmem_shared>>
      tpu.enqueue_indirect_dma source(%arg5 : memref<128x16xf32, #tpu.memory_space<vmem>>) target(%dma_start3A_159 : memref<10240x16xf32, #tpu.memory_space<vmem_shared>>) offsets(%dma_start3A_156 : memref<128xi32, #tpu.memory_space<vmem>>) semaphore(%arg11 : memref<!tpu.dma_semaphore, #tpu.memory_space<semaphore_mem>>) {add = true}
      %mul3A_160 = arith.constant 8 : i32
      %mul3A_161 = arith.muli %scan3A_88, %mul3A_160 : i32
      %add3A_162 = arith.constant 5 : i32
      %add3A_163 = arith.addi %mul3A_161, %add3A_162 : i32
      %gt3A_164 = arith.constant 0 : i32
      %gt3A_165 = arith.cmpi sgt, %scan3A_88, %gt3A_164 : i32
      %convert_element_type3A_166 = arith.extui %gt3A_165 : i1 to i32
      %cond3A_167 = arith.constant 0 : i32
      %cond3A_168 = arith.cmpi ne, %convert_element_type3A_166, %cond3A_167 : i32
      scf.if %cond3A_168 {
        %sub3A = arith.constant 8 : i32
        %sub3A_205 = arith.subi %add3A_163, %sub3A : i32
        %dma_wait3A_206 = arith.constant 0 : i32
        %dma_wait3A_207 = tpu.memref_slice %arg4[%sub3A_205, %dma_wait3A_206] : memref<80x128xi32, #tpu.memory_space<vmem>> -> memref<1x128xi32, #tpu.memory_space<vmem>>
        %dma_wait3A_208 = tpu.memref_squeeze %dma_wait3A_207 : memref<1x128xi32, #tpu.memory_space<vmem>> -> memref<128xi32, #tpu.memory_space<vmem>>
        %dma_wait3A_209 = arith.constant 0 : i32
        %dma_wait3A_210 = arith.constant 0 : i32
        %dma_wait3A_211 = tpu.memref_slice %arg6[%dma_wait3A_209, %dma_wait3A_210] : memref<10240x16xf32, #tpu.memory_space<vmem_shared>> -> memref<10240x16xf32, #tpu.memory_space<vmem_shared>>
        tpu.wait_indirect_dma semaphore(%arg12 : memref<!tpu.dma_semaphore, #tpu.memory_space<semaphore_mem>>) src(%arg5 : memref<128x16xf32, #tpu.memory_space<vmem>>) dst(%dma_wait3A_211 : memref<10240x16xf32, #tpu.memory_space<vmem_shared>>)
      } else {
      }
      %dma_start3A_169 = arith.constant 0 : i32
      %dma_start3A_170 = tpu.memref_slice %arg4[%add3A_163, %dma_start3A_169] : memref<80x128xi32, #tpu.memory_space<vmem>> -> memref<1x128xi32, #tpu.memory_space<vmem>>
      %dma_start3A_171 = tpu.memref_squeeze %dma_start3A_170 : memref<1x128xi32, #tpu.memory_space<vmem>> -> memref<128xi32, #tpu.memory_space<vmem>>
      %dma_start3A_172 = arith.constant 0 : i32
      %dma_start3A_173 = arith.constant 0 : i32
      %dma_start3A_174 = tpu.memref_slice %arg6[%dma_start3A_172, %dma_start3A_173] : memref<10240x16xf32, #tpu.memory_space<vmem_shared>> -> memref<10240x16xf32, #tpu.memory_space<vmem_shared>>
      tpu.enqueue_indirect_dma source(%arg5 : memref<128x16xf32, #tpu.memory_space<vmem>>) target(%dma_start3A_174 : memref<10240x16xf32, #tpu.memory_space<vmem_shared>>) offsets(%dma_start3A_171 : memref<128xi32, #tpu.memory_space<vmem>>) semaphore(%arg12 : memref<!tpu.dma_semaphore, #tpu.memory_space<semaphore_mem>>) {add = true}
      %mul3A_175 = arith.constant 8 : i32
      %mul3A_176 = arith.muli %scan3A_88, %mul3A_175 : i32
      %add3A_177 = arith.constant 6 : i32
      %add3A_178 = arith.addi %mul3A_176, %add3A_177 : i32
      %gt3A_179 = arith.constant 0 : i32
      %gt3A_180 = arith.cmpi sgt, %scan3A_88, %gt3A_179 : i32
      %convert_element_type3A_181 = arith.extui %gt3A_180 : i1 to i32
      %cond3A_182 = arith.constant 0 : i32
      %cond3A_183 = arith.cmpi ne, %convert_element_type3A_181, %cond3A_182 : i32
      scf.if %cond3A_183 {
        %sub3A = arith.constant 8 : i32
        %sub3A_205 = arith.subi %add3A_178, %sub3A : i32
        %dma_wait3A_206 = arith.constant 0 : i32
        %dma_wait3A_207 = tpu.memref_slice %arg4[%sub3A_205, %dma_wait3A_206] : memref<80x128xi32, #tpu.memory_space<vmem>> -> memref<1x128xi32, #tpu.memory_space<vmem>>
        %dma_wait3A_208 = tpu.memref_squeeze %dma_wait3A_207 : memref<1x128xi32, #tpu.memory_space<vmem>> -> memref<128xi32, #tpu.memory_space<vmem>>
        %dma_wait3A_209 = arith.constant 0 : i32
        %dma_wait3A_210 = arith.constant 0 : i32
        %dma_wait3A_211 = tpu.memref_slice %arg6[%dma_wait3A_209, %dma_wait3A_210] : memref<10240x16xf32, #tpu.memory_space<vmem_shared>> -> memref<10240x16xf32, #tpu.memory_space<vmem_shared>>
        tpu.wait_indirect_dma semaphore(%arg13 : memref<!tpu.dma_semaphore, #tpu.memory_space<semaphore_mem>>) src(%arg5 : memref<128x16xf32, #tpu.memory_space<vmem>>) dst(%dma_wait3A_211 : memref<10240x16xf32, #tpu.memory_space<vmem_shared>>)
      } else {
      }
      %dma_start3A_184 = arith.constant 0 : i32
      %dma_start3A_185 = tpu.memref_slice %arg4[%add3A_178, %dma_start3A_184] : memref<80x128xi32, #tpu.memory_space<vmem>> -> memref<1x128xi32, #tpu.memory_space<vmem>>
      %dma_start3A_186 = tpu.memref_squeeze %dma_start3A_185 : memref<1x128xi32, #tpu.memory_space<vmem>> -> memref<128xi32, #tpu.memory_space<vmem>>
      %dma_start3A_187 = arith.constant 0 : i32
      %dma_start3A_188 = arith.constant 0 : i32
      %dma_start3A_189 = tpu.memref_slice %arg6[%dma_start3A_187, %dma_start3A_188] : memref<10240x16xf32, #tpu.memory_space<vmem_shared>> -> memref<10240x16xf32, #tpu.memory_space<vmem_shared>>
      tpu.enqueue_indirect_dma source(%arg5 : memref<128x16xf32, #tpu.memory_space<vmem>>) target(%dma_start3A_189 : memref<10240x16xf32, #tpu.memory_space<vmem_shared>>) offsets(%dma_start3A_186 : memref<128xi32, #tpu.memory_space<vmem>>) semaphore(%arg13 : memref<!tpu.dma_semaphore, #tpu.memory_space<semaphore_mem>>) {add = true}
      %mul3A_190 = arith.constant 8 : i32
      %mul3A_191 = arith.muli %scan3A_88, %mul3A_190 : i32
      %add3A_192 = arith.constant 7 : i32
      %add3A_193 = arith.addi %mul3A_191, %add3A_192 : i32
      %gt3A_194 = arith.constant 0 : i32
      %gt3A_195 = arith.cmpi sgt, %scan3A_88, %gt3A_194 : i32
      %convert_element_type3A_196 = arith.extui %gt3A_195 : i1 to i32
      %cond3A_197 = arith.constant 0 : i32
      %cond3A_198 = arith.cmpi ne, %convert_element_type3A_196, %cond3A_197 : i32
      scf.if %cond3A_198 {
        %sub3A = arith.constant 8 : i32
        %sub3A_205 = arith.subi %add3A_193, %sub3A : i32
        %dma_wait3A_206 = arith.constant 0 : i32
        %dma_wait3A_207 = tpu.memref_slice %arg4[%sub3A_205, %dma_wait3A_206] : memref<80x128xi32, #tpu.memory_space<vmem>> -> memref<1x128xi32, #tpu.memory_space<vmem>>
        %dma_wait3A_208 = tpu.memref_squeeze %dma_wait3A_207 : memref<1x128xi32, #tpu.memory_space<vmem>> -> memref<128xi32, #tpu.memory_space<vmem>>
        %dma_wait3A_209 = arith.constant 0 : i32
        %dma_wait3A_210 = arith.constant 0 : i32
        %dma_wait3A_211 = tpu.memref_slice %arg6[%dma_wait3A_209, %dma_wait3A_210] : memref<10240x16xf32, #tpu.memory_space<vmem_shared>> -> memref<10240x16xf32, #tpu.memory_space<vmem_shared>>
        tpu.wait_indirect_dma semaphore(%arg14 : memref<!tpu.dma_semaphore, #tpu.memory_space<semaphore_mem>>) src(%arg5 : memref<128x16xf32, #tpu.memory_space<vmem>>) dst(%dma_wait3A_211 : memref<10240x16xf32, #tpu.memory_space<vmem_shared>>)
      } else {
      }
      %dma_start3A_199 = arith.constant 0 : i32
      %dma_start3A_200 = tpu.memref_slice %arg4[%add3A_193, %dma_start3A_199] : memref<80x128xi32, #tpu.memory_space<vmem>> -> memref<1x128xi32, #tpu.memory_space<vmem>>
      %dma_start3A_201 = tpu.memref_squeeze %dma_start3A_200 : memref<1x128xi32, #tpu.memory_space<vmem>> -> memref<128xi32, #tpu.memory_space<vmem>>
      %dma_start3A_202 = arith.constant 0 : i32
      %dma_start3A_203 = arith.constant 0 : i32
      %dma_start3A_204 = tpu.memref_slice %arg6[%dma_start3A_202, %dma_start3A_203] : memref<10240x16xf32, #tpu.memory_space<vmem_shared>> -> memref<10240x16xf32, #tpu.memory_space<vmem_shared>>
      tpu.enqueue_indirect_dma source(%arg5 : memref<128x16xf32, #tpu.memory_space<vmem>>) target(%dma_start3A_204 : memref<10240x16xf32, #tpu.memory_space<vmem_shared>>) offsets(%dma_start3A_201 : memref<128xi32, #tpu.memory_space<vmem>>) semaphore(%arg14 : memref<!tpu.dma_semaphore, #tpu.memory_space<semaphore_mem>>) {add = true}
    }
    %scan3A_29 = arith.constant 10 : i32
    %dma_wait3A = arith.constant 72 : i32
    %dma_wait3A_30 = arith.constant 0 : i32
    %dma_wait3A_31 = tpu.memref_slice %arg4[%dma_wait3A, %dma_wait3A_30] : memref<80x128xi32, #tpu.memory_space<vmem>> -> memref<1x128xi32, #tpu.memory_space<vmem>>
    %dma_wait3A_32 = tpu.memref_squeeze %dma_wait3A_31 : memref<1x128xi32, #tpu.memory_space<vmem>> -> memref<128xi32, #tpu.memory_space<vmem>>
    %dma_wait3A_33 = arith.constant 0 : i32
    %dma_wait3A_34 = arith.constant 0 : i32
    %dma_wait3A_35 = tpu.memref_slice %arg6[%dma_wait3A_33, %dma_wait3A_34] : memref<10240x16xf32, #tpu.memory_space<vmem_shared>> -> memref<10240x16xf32, #tpu.memory_space<vmem_shared>>
    tpu.wait_indirect_dma semaphore(%arg7 : memref<!tpu.dma_semaphore, #tpu.memory_space<semaphore_mem>>) src(%arg5 : memref<128x16xf32, #tpu.memory_space<vmem>>) dst(%dma_wait3A_35 : memref<10240x16xf32, #tpu.memory_space<vmem_shared>>)
    %dma_wait3A_36 = arith.constant 73 : i32
    %dma_wait3A_37 = arith.constant 0 : i32
    %dma_wait3A_38 = tpu.memref_slice %arg4[%dma_wait3A_36, %dma_wait3A_37] : memref<80x128xi32, #tpu.memory_space<vmem>> -> memref<1x128xi32, #tpu.memory_space<vmem>>
    %dma_wait3A_39 = tpu.memref_squeeze %dma_wait3A_38 : memref<1x128xi32, #tpu.memory_space<vmem>> -> memref<128xi32, #tpu.memory_space<vmem>>
    %dma_wait3A_40 = arith.constant 0 : i32
    %dma_wait3A_41 = arith.constant 0 : i32
    %dma_wait3A_42 = tpu.memref_slice %arg6[%dma_wait3A_40, %dma_wait3A_41] : memref<10240x16xf32, #tpu.memory_space<vmem_shared>> -> memref<10240x16xf32, #tpu.memory_space<vmem_shared>>
    tpu.wait_indirect_dma semaphore(%arg8 : memref<!tpu.dma_semaphore, #tpu.memory_space<semaphore_mem>>) src(%arg5 : memref<128x16xf32, #tpu.memory_space<vmem>>) dst(%dma_wait3A_42 : memref<10240x16xf32, #tpu.memory_space<vmem_shared>>)
    %dma_wait3A_43 = arith.constant 74 : i32
    %dma_wait3A_44 = arith.constant 0 : i32
    %dma_wait3A_45 = tpu.memref_slice %arg4[%dma_wait3A_43, %dma_wait3A_44] : memref<80x128xi32, #tpu.memory_space<vmem>> -> memref<1x128xi32, #tpu.memory_space<vmem>>
    %dma_wait3A_46 = tpu.memref_squeeze %dma_wait3A_45 : memref<1x128xi32, #tpu.memory_space<vmem>> -> memref<128xi32, #tpu.memory_space<vmem>>
    %dma_wait3A_47 = arith.constant 0 : i32
    %dma_wait3A_48 = arith.constant 0 : i32
    %dma_wait3A_49 = tpu.memref_slice %arg6[%dma_wait3A_47, %dma_wait3A_48] : memref<10240x16xf32, #tpu.memory_space<vmem_shared>> -> memref<10240x16xf32, #tpu.memory_space<vmem_shared>>
    tpu.wait_indirect_dma semaphore(%arg9 : memref<!tpu.dma_semaphore, #tpu.memory_space<semaphore_mem>>) src(%arg5 : memref<128x16xf32, #tpu.memory_space<vmem>>) dst(%dma_wait3A_49 : memref<10240x16xf32, #tpu.memory_space<vmem_shared>>)
    %dma_wait3A_50 = arith.constant 75 : i32
    %dma_wait3A_51 = arith.constant 0 : i32
    %dma_wait3A_52 = tpu.memref_slice %arg4[%dma_wait3A_50, %dma_wait3A_51] : memref<80x128xi32, #tpu.memory_space<vmem>> -> memref<1x128xi32, #tpu.memory_space<vmem>>
    %dma_wait3A_53 = tpu.memref_squeeze %dma_wait3A_52 : memref<1x128xi32, #tpu.memory_space<vmem>> -> memref<128xi32, #tpu.memory_space<vmem>>
    %dma_wait3A_54 = arith.constant 0 : i32
    %dma_wait3A_55 = arith.constant 0 : i32
    %dma_wait3A_56 = tpu.memref_slice %arg6[%dma_wait3A_54, %dma_wait3A_55] : memref<10240x16xf32, #tpu.memory_space<vmem_shared>> -> memref<10240x16xf32, #tpu.memory_space<vmem_shared>>
    tpu.wait_indirect_dma semaphore(%arg10 : memref<!tpu.dma_semaphore, #tpu.memory_space<semaphore_mem>>) src(%arg5 : memref<128x16xf32, #tpu.memory_space<vmem>>) dst(%dma_wait3A_56 : memref<10240x16xf32, #tpu.memory_space<vmem_shared>>)
    %dma_wait3A_57 = arith.constant 76 : i32
    %dma_wait3A_58 = arith.constant 0 : i32
    %dma_wait3A_59 = tpu.memref_slice %arg4[%dma_wait3A_57, %dma_wait3A_58] : memref<80x128xi32, #tpu.memory_space<vmem>> -> memref<1x128xi32, #tpu.memory_space<vmem>>
    %dma_wait3A_60 = tpu.memref_squeeze %dma_wait3A_59 : memref<1x128xi32, #tpu.memory_space<vmem>> -> memref<128xi32, #tpu.memory_space<vmem>>
    %dma_wait3A_61 = arith.constant 0 : i32
    %dma_wait3A_62 = arith.constant 0 : i32
    %dma_wait3A_63 = tpu.memref_slice %arg6[%dma_wait3A_61, %dma_wait3A_62] : memref<10240x16xf32, #tpu.memory_space<vmem_shared>> -> memref<10240x16xf32, #tpu.memory_space<vmem_shared>>
    tpu.wait_indirect_dma semaphore(%arg11 : memref<!tpu.dma_semaphore, #tpu.memory_space<semaphore_mem>>) src(%arg5 : memref<128x16xf32, #tpu.memory_space<vmem>>) dst(%dma_wait3A_63 : memref<10240x16xf32, #tpu.memory_space<vmem_shared>>)
    %dma_wait3A_64 = arith.constant 77 : i32
    %dma_wait3A_65 = arith.constant 0 : i32
    %dma_wait3A_66 = tpu.memref_slice %arg4[%dma_wait3A_64, %dma_wait3A_65] : memref<80x128xi32, #tpu.memory_space<vmem>> -> memref<1x128xi32, #tpu.memory_space<vmem>>
    %dma_wait3A_67 = tpu.memref_squeeze %dma_wait3A_66 : memref<1x128xi32, #tpu.memory_space<vmem>> -> memref<128xi32, #tpu.memory_space<vmem>>
    %dma_wait3A_68 = arith.constant 0 : i32
    %dma_wait3A_69 = arith.constant 0 : i32
    %dma_wait3A_70 = tpu.memref_slice %arg6[%dma_wait3A_68, %dma_wait3A_69] : memref<10240x16xf32, #tpu.memory_space<vmem_shared>> -> memref<10240x16xf32, #tpu.memory_space<vmem_shared>>
    tpu.wait_indirect_dma semaphore(%arg12 : memref<!tpu.dma_semaphore, #tpu.memory_space<semaphore_mem>>) src(%arg5 : memref<128x16xf32, #tpu.memory_space<vmem>>) dst(%dma_wait3A_70 : memref<10240x16xf32, #tpu.memory_space<vmem_shared>>)
    %dma_wait3A_71 = arith.constant 78 : i32
    %dma_wait3A_72 = arith.constant 0 : i32
    %dma_wait3A_73 = tpu.memref_slice %arg4[%dma_wait3A_71, %dma_wait3A_72] : memref<80x128xi32, #tpu.memory_space<vmem>> -> memref<1x128xi32, #tpu.memory_space<vmem>>
    %dma_wait3A_74 = tpu.memref_squeeze %dma_wait3A_73 : memref<1x128xi32, #tpu.memory_space<vmem>> -> memref<128xi32, #tpu.memory_space<vmem>>
    %dma_wait3A_75 = arith.constant 0 : i32
    %dma_wait3A_76 = arith.constant 0 : i32
    %dma_wait3A_77 = tpu.memref_slice %arg6[%dma_wait3A_75, %dma_wait3A_76] : memref<10240x16xf32, #tpu.memory_space<vmem_shared>> -> memref<10240x16xf32, #tpu.memory_space<vmem_shared>>
    tpu.wait_indirect_dma semaphore(%arg13 : memref<!tpu.dma_semaphore, #tpu.memory_space<semaphore_mem>>) src(%arg5 : memref<128x16xf32, #tpu.memory_space<vmem>>) dst(%dma_wait3A_77 : memref<10240x16xf32, #tpu.memory_space<vmem_shared>>)
    %dma_wait3A_78 = arith.constant 79 : i32
    %dma_wait3A_79 = arith.constant 0 : i32
    %dma_wait3A_80 = tpu.memref_slice %arg4[%dma_wait3A_78, %dma_wait3A_79] : memref<80x128xi32, #tpu.memory_space<vmem>> -> memref<1x128xi32, #tpu.memory_space<vmem>>
    %dma_wait3A_81 = tpu.memref_squeeze %dma_wait3A_80 : memref<1x128xi32, #tpu.memory_space<vmem>> -> memref<128xi32, #tpu.memory_space<vmem>>
    %dma_wait3A_82 = arith.constant 0 : i32
    %dma_wait3A_83 = arith.constant 0 : i32
    %dma_wait3A_84 = tpu.memref_slice %arg6[%dma_wait3A_82, %dma_wait3A_83] : memref<10240x16xf32, #tpu.memory_space<vmem_shared>> -> memref<10240x16xf32, #tpu.memory_space<vmem_shared>>
    tpu.wait_indirect_dma semaphore(%arg14 : memref<!tpu.dma_semaphore, #tpu.memory_space<semaphore_mem>>) src(%arg5 : memref<128x16xf32, #tpu.memory_space<vmem>>) dst(%dma_wait3A_84 : memref<10240x16xf32, #tpu.memory_space<vmem_shared>>)
    %barrier3A_85 = arith.constant 0 : index
    tpu.barrier barrier_id(%barrier3A_85)
    %mul3A_86 = arith.constant 640 : i32
    %mul3A_87 = arith.muli %arg1, %mul3A_86 : i32
    "tpu.region"() ({
      %run_scoped3A_88 = tpu.sem_alloc : memref<!tpu.dma_semaphore, #tpu.memory_space<semaphore_mem>>
      %dma_start3A = arith.constant 0 : i32
      %dma_start3A_89 = arith.constant 0 : i32
      %dma_start3A_90 = tpu.memref_slice %arg3[%arg0, %dma_start3A, %dma_start3A_89] : memref<2x10240x16xf32, #tpu.memory_space<hbm>> -> memref<1x10240x16xf32, #tpu.memory_space<hbm>>
      %dma_start3A_91 = tpu.memref_squeeze %dma_start3A_90 : memref<1x10240x16xf32, #tpu.memory_space<hbm>> -> memref<10240x16xf32, #tpu.memory_space<hbm>>
      %dma_start3A_92 = arith.constant 0 : i32
      %dma_start3A_93 = tpu.memref_slice %dma_start3A_91[%mul3A_87, %dma_start3A_92] : memref<10240x16xf32, #tpu.memory_space<hbm>> -> memref<640x16xf32, #tpu.memory_space<hbm>>
      %dma_start3A_94 = arith.constant 0 : i32
      %dma_start3A_95 = tpu.memref_slice %arg6[%mul3A_87, %dma_start3A_94] : memref<10240x16xf32, #tpu.memory_space<vmem_shared>> -> memref<640x16xf32, #tpu.memory_space<vmem_shared>>
      tpu.enqueue_dma source(%dma_start3A_95 : memref<640x16xf32, #tpu.memory_space<vmem_shared>>) target(%dma_start3A_93 : memref<640x16xf32, #tpu.memory_space<hbm>>) target_semaphore(%run_scoped3A_88 : memref<!tpu.dma_semaphore, #tpu.memory_space<semaphore_mem>>)
      %dma_wait3A_96 = arith.constant 0 : i32
      %dma_wait3A_97 = arith.constant 0 : i32
      %dma_wait3A_98 = tpu.memref_slice %arg3[%arg0, %dma_wait3A_96, %dma_wait3A_97] : memref<2x10240x16xf32, #tpu.memory_space<hbm>> -> memref<1x10240x16xf32, #tpu.memory_space<hbm>>
      %dma_wait3A_99 = tpu.memref_squeeze %dma_wait3A_98 : memref<1x10240x16xf32, #tpu.memory_space<hbm>> -> memref<10240x16xf32, #tpu.memory_space<hbm>>
      %dma_wait3A_100 = arith.constant 0 : i32
      %dma_wait3A_101 = tpu.memref_slice %dma_wait3A_99[%mul3A_87, %dma_wait3A_100] : memref<10240x16xf32, #tpu.memory_space<hbm>> -> memref<640x16xf32, #tpu.memory_space<hbm>>
      %dma_wait3A_102 = arith.constant 0 : i32
      %dma_wait3A_103 = tpu.memref_slice %arg6[%mul3A_87, %dma_wait3A_102] : memref<10240x16xf32, #tpu.memory_space<vmem_shared>> -> memref<640x16xf32, #tpu.memory_space<vmem_shared>>
      tpu.wait_dma2 semaphore(%run_scoped3A_88 : memref<!tpu.dma_semaphore, #tpu.memory_space<semaphore_mem>>) src(%dma_wait3A_103 : memref<640x16xf32, #tpu.memory_space<vmem_shared>>) dst(%dma_wait3A_101 : memref<640x16xf32, #tpu.memory_space<hbm>>)
      tpu.yield
    }) : () -> ()
    return
  }
}

#map = affine_map<(d0, d1) -> (0, 0)>
#map1 = affine_map<(d0, d1) -> (0, 0, 0, 0)>
#map2 = affine_map<(d0, d1) -> (0, 0, 0)>
module attributes {stable_mosaic.version = 14 : i64} {
  func.func @k(%arg0: i32, %arg1: i32, %arg2: memref<10240x16xf32, #tpu.memory_space<hbm>>, %arg3: memref<2x32x80x128xi32, #tpu.memory_space<hbm>>, %arg4: memref<2x10240x16xf32, #tpu.memory_space<hbm>>, %arg5: memref<80x128xi32, #tpu.memory_space<vmem>>, %arg6: memref<80x128xi32, #tpu.memory_space<vmem>>, %arg7: memref<8x128x16xf32, #tpu.memory_space<vmem>>, %arg8: memref<128x16xf32, #tpu.memory_space<vmem>>, %arg9: memref<10240x16xf32, #tpu.memory_space<vmem_shared>>, %arg10: memref<!tpu.dma_semaphore, #tpu.memory_space<semaphore_mem>>, %arg11: memref<!tpu.dma_semaphore, #tpu.memory_space<semaphore_mem>>, %arg12: memref<!tpu.dma_semaphore, #tpu.memory_space<semaphore_mem>>, %arg13: memref<!tpu.dma_semaphore, #tpu.memory_space<semaphore_mem>>, %arg14: memref<!tpu.dma_semaphore, #tpu.memory_space<semaphore_mem>>, %arg15: memref<!tpu.dma_semaphore, #tpu.memory_space<semaphore_mem>>, %arg16: memref<!tpu.dma_semaphore, #tpu.memory_space<semaphore_mem>>, %arg17: memref<!tpu.dma_semaphore, #tpu.memory_space<semaphore_mem>>) attributes {dimension_semantics = [#tpu.dimension_semantics<core_parallel>, #tpu.dimension_semantics<subcore_parallel>], iteration_bounds = array<i64: 2, 16>, scalar_prefetch = 0 : i64, scratch_operands = 13 : i64, tpu.core_type = #tpu.core_type<sc_vector_subcore>, window_params = [{transform_indices = #map}, {transform_indices = #map1}, {transform_indices = #map2}]} {
    %mul3A = arith.constant 16 : i32
    %mul3A_0 = arith.muli %arg0, %mul3A : i32
    %add3A = arith.addi %mul3A_0, %arg1 : i32
    %run_scoped3A = arith.constant 0 : i32
    "tpu.region"() ({
      %run_scoped3A_123 = tpu.sem_alloc : memref<!tpu.dma_semaphore, #tpu.memory_space<semaphore_mem>>
      %dma_start3A_124 = arith.constant 0 : i32
      %dma_start3A_125 = arith.constant 0 : i32
      %dma_start3A_126 = arith.constant 0 : i32
      %dma_start3A_127 = tpu.memref_slice %arg3[%run_scoped3A, %dma_start3A_124, %dma_start3A_125, %dma_start3A_126] : memref<2x32x80x128xi32, #tpu.memory_space<hbm>> -> memref<1x32x80x128xi32, #tpu.memory_space<hbm>>
      %dma_start3A_128 = tpu.memref_squeeze %dma_start3A_127 : memref<1x32x80x128xi32, #tpu.memory_space<hbm>> -> memref<32x80x128xi32, #tpu.memory_space<hbm>>
      %dma_start3A_129 = arith.constant 0 : i32
      %dma_start3A_130 = arith.constant 0 : i32
      %dma_start3A_131 = tpu.memref_slice %dma_start3A_128[%add3A, %dma_start3A_129, %dma_start3A_130] : memref<32x80x128xi32, #tpu.memory_space<hbm>> -> memref<1x80x128xi32, #tpu.memory_space<hbm>>
      %dma_start3A_132 = tpu.memref_squeeze %dma_start3A_131 : memref<1x80x128xi32, #tpu.memory_space<hbm>> -> memref<80x128xi32, #tpu.memory_space<hbm>>
      %dma_start3A_133 = arith.constant 0 : i32
      %dma_start3A_134 = arith.constant 0 : i32
      %dma_start3A_135 = arith.constant 0 : i32
      %dma_start3A_136 = tpu.memref_slice %arg3[%run_scoped3A, %dma_start3A_133, %dma_start3A_134, %dma_start3A_135] : memref<2x32x80x128xi32, #tpu.memory_space<hbm>> -> memref<1x32x80x128xi32, #tpu.memory_space<hbm>>
      %dma_start3A_137 = tpu.memref_squeeze %dma_start3A_136 : memref<1x32x80x128xi32, #tpu.memory_space<hbm>> -> memref<32x80x128xi32, #tpu.memory_space<hbm>>
      %dma_start3A_138 = arith.constant 0 : i32
      %dma_start3A_139 = arith.constant 0 : i32
      %dma_start3A_140 = tpu.memref_slice %dma_start3A_137[%add3A, %dma_start3A_138, %dma_start3A_139] : memref<32x80x128xi32, #tpu.memory_space<hbm>> -> memref<1x80x128xi32, #tpu.memory_space<hbm>>
      %dma_start3A_141 = tpu.memref_squeeze %dma_start3A_140 : memref<1x80x128xi32, #tpu.memory_space<hbm>> -> memref<80x128xi32, #tpu.memory_space<hbm>>
      tpu.enqueue_dma source(%dma_start3A_141 : memref<80x128xi32, #tpu.memory_space<hbm>>) target(%arg5 : memref<80x128xi32, #tpu.memory_space<vmem>>) target_semaphore(%run_scoped3A_123 : memref<!tpu.dma_semaphore, #tpu.memory_space<semaphore_mem>>)
      %dma_wait3A = arith.constant 0 : i32
      %dma_wait3A_142 = arith.constant 0 : i32
      %dma_wait3A_143 = arith.constant 0 : i32
      %dma_wait3A_144 = tpu.memref_slice %arg3[%run_scoped3A, %dma_wait3A, %dma_wait3A_142, %dma_wait3A_143] : memref<2x32x80x128xi32, #tpu.memory_space<hbm>> -> memref<1x32x80x128xi32, #tpu.memory_space<hbm>>
      %dma_wait3A_145 = tpu.memref_squeeze %dma_wait3A_144 : memref<1x32x80x128xi32, #tpu.memory_space<hbm>> -> memref<32x80x128xi32, #tpu.memory_space<hbm>>
      %dma_wait3A_146 = arith.constant 0 : i32
      %dma_wait3A_147 = arith.constant 0 : i32
      %dma_wait3A_148 = tpu.memref_slice %dma_wait3A_145[%add3A, %dma_wait3A_146, %dma_wait3A_147] : memref<32x80x128xi32, #tpu.memory_space<hbm>> -> memref<1x80x128xi32, #tpu.memory_space<hbm>>
      %dma_wait3A_149 = tpu.memref_squeeze %dma_wait3A_148 : memref<1x80x128xi32, #tpu.memory_space<hbm>> -> memref<80x128xi32, #tpu.memory_space<hbm>>
      %dma_wait3A_150 = arith.constant 0 : i32
      %dma_wait3A_151 = arith.constant 0 : i32
      %dma_wait3A_152 = arith.constant 0 : i32
      %dma_wait3A_153 = tpu.memref_slice %arg3[%run_scoped3A, %dma_wait3A_150, %dma_wait3A_151, %dma_wait3A_152] : memref<2x32x80x128xi32, #tpu.memory_space<hbm>> -> memref<1x32x80x128xi32, #tpu.memory_space<hbm>>
      %dma_wait3A_154 = tpu.memref_squeeze %dma_wait3A_153 : memref<1x32x80x128xi32, #tpu.memory_space<hbm>> -> memref<32x80x128xi32, #tpu.memory_space<hbm>>
      %dma_wait3A_155 = arith.constant 0 : i32
      %dma_wait3A_156 = arith.constant 0 : i32
      %dma_wait3A_157 = tpu.memref_slice %dma_wait3A_154[%add3A, %dma_wait3A_155, %dma_wait3A_156] : memref<32x80x128xi32, #tpu.memory_space<hbm>> -> memref<1x80x128xi32, #tpu.memory_space<hbm>>
      %dma_wait3A_158 = tpu.memref_squeeze %dma_wait3A_157 : memref<1x80x128xi32, #tpu.memory_space<hbm>> -> memref<80x128xi32, #tpu.memory_space<hbm>>
      tpu.wait_dma2 semaphore(%run_scoped3A_123 : memref<!tpu.dma_semaphore, #tpu.memory_space<semaphore_mem>>) src(%dma_wait3A_158 : memref<80x128xi32, #tpu.memory_space<hbm>>) dst(%arg5 : memref<80x128xi32, #tpu.memory_space<vmem>>)
      tpu.yield
    }) : () -> ()
    %run_scoped3A_1 = arith.constant 1 : i32
    "tpu.region"() ({
      %run_scoped3A_123 = tpu.sem_alloc : memref<!tpu.dma_semaphore, #tpu.memory_space<semaphore_mem>>
      %dma_start3A_124 = arith.constant 0 : i32
      %dma_start3A_125 = arith.constant 0 : i32
      %dma_start3A_126 = arith.constant 0 : i32
      %dma_start3A_127 = tpu.memref_slice %arg3[%run_scoped3A_1, %dma_start3A_124, %dma_start3A_125, %dma_start3A_126] : memref<2x32x80x128xi32, #tpu.memory_space<hbm>> -> memref<1x32x80x128xi32, #tpu.memory_space<hbm>>
      %dma_start3A_128 = tpu.memref_squeeze %dma_start3A_127 : memref<1x32x80x128xi32, #tpu.memory_space<hbm>> -> memref<32x80x128xi32, #tpu.memory_space<hbm>>
      %dma_start3A_129 = arith.constant 0 : i32
      %dma_start3A_130 = arith.constant 0 : i32
      %dma_start3A_131 = tpu.memref_slice %dma_start3A_128[%add3A, %dma_start3A_129, %dma_start3A_130] : memref<32x80x128xi32, #tpu.memory_space<hbm>> -> memref<1x80x128xi32, #tpu.memory_space<hbm>>
      %dma_start3A_132 = tpu.memref_squeeze %dma_start3A_131 : memref<1x80x128xi32, #tpu.memory_space<hbm>> -> memref<80x128xi32, #tpu.memory_space<hbm>>
      %dma_start3A_133 = arith.constant 0 : i32
      %dma_start3A_134 = arith.constant 0 : i32
      %dma_start3A_135 = arith.constant 0 : i32
      %dma_start3A_136 = tpu.memref_slice %arg3[%run_scoped3A_1, %dma_start3A_133, %dma_start3A_134, %dma_start3A_135] : memref<2x32x80x128xi32, #tpu.memory_space<hbm>> -> memref<1x32x80x128xi32, #tpu.memory_space<hbm>>
      %dma_start3A_137 = tpu.memref_squeeze %dma_start3A_136 : memref<1x32x80x128xi32, #tpu.memory_space<hbm>> -> memref<32x80x128xi32, #tpu.memory_space<hbm>>
      %dma_start3A_138 = arith.constant 0 : i32
      %dma_start3A_139 = arith.constant 0 : i32
      %dma_start3A_140 = tpu.memref_slice %dma_start3A_137[%add3A, %dma_start3A_138, %dma_start3A_139] : memref<32x80x128xi32, #tpu.memory_space<hbm>> -> memref<1x80x128xi32, #tpu.memory_space<hbm>>
      %dma_start3A_141 = tpu.memref_squeeze %dma_start3A_140 : memref<1x80x128xi32, #tpu.memory_space<hbm>> -> memref<80x128xi32, #tpu.memory_space<hbm>>
      tpu.enqueue_dma source(%dma_start3A_141 : memref<80x128xi32, #tpu.memory_space<hbm>>) target(%arg6 : memref<80x128xi32, #tpu.memory_space<vmem>>) target_semaphore(%run_scoped3A_123 : memref<!tpu.dma_semaphore, #tpu.memory_space<semaphore_mem>>)
      %dma_wait3A = arith.constant 0 : i32
      %dma_wait3A_142 = arith.constant 0 : i32
      %dma_wait3A_143 = arith.constant 0 : i32
      %dma_wait3A_144 = tpu.memref_slice %arg3[%run_scoped3A_1, %dma_wait3A, %dma_wait3A_142, %dma_wait3A_143] : memref<2x32x80x128xi32, #tpu.memory_space<hbm>> -> memref<1x32x80x128xi32, #tpu.memory_space<hbm>>
      %dma_wait3A_145 = tpu.memref_squeeze %dma_wait3A_144 : memref<1x32x80x128xi32, #tpu.memory_space<hbm>> -> memref<32x80x128xi32, #tpu.memory_space<hbm>>
      %dma_wait3A_146 = arith.constant 0 : i32
      %dma_wait3A_147 = arith.constant 0 : i32
      %dma_wait3A_148 = tpu.memref_slice %dma_wait3A_145[%add3A, %dma_wait3A_146, %dma_wait3A_147] : memref<32x80x128xi32, #tpu.memory_space<hbm>> -> memref<1x80x128xi32, #tpu.memory_space<hbm>>
      %dma_wait3A_149 = tpu.memref_squeeze %dma_wait3A_148 : memref<1x80x128xi32, #tpu.memory_space<hbm>> -> memref<80x128xi32, #tpu.memory_space<hbm>>
      %dma_wait3A_150 = arith.constant 0 : i32
      %dma_wait3A_151 = arith.constant 0 : i32
      %dma_wait3A_152 = arith.constant 0 : i32
      %dma_wait3A_153 = tpu.memref_slice %arg3[%run_scoped3A_1, %dma_wait3A_150, %dma_wait3A_151, %dma_wait3A_152] : memref<2x32x80x128xi32, #tpu.memory_space<hbm>> -> memref<1x32x80x128xi32, #tpu.memory_space<hbm>>
      %dma_wait3A_154 = tpu.memref_squeeze %dma_wait3A_153 : memref<1x32x80x128xi32, #tpu.memory_space<hbm>> -> memref<32x80x128xi32, #tpu.memory_space<hbm>>
      %dma_wait3A_155 = arith.constant 0 : i32
      %dma_wait3A_156 = arith.constant 0 : i32
      %dma_wait3A_157 = tpu.memref_slice %dma_wait3A_154[%add3A, %dma_wait3A_155, %dma_wait3A_156] : memref<32x80x128xi32, #tpu.memory_space<hbm>> -> memref<1x80x128xi32, #tpu.memory_space<hbm>>
      %dma_wait3A_158 = tpu.memref_squeeze %dma_wait3A_157 : memref<1x80x128xi32, #tpu.memory_space<hbm>> -> memref<80x128xi32, #tpu.memory_space<hbm>>
      tpu.wait_dma2 semaphore(%run_scoped3A_123 : memref<!tpu.dma_semaphore, #tpu.memory_space<semaphore_mem>>) src(%dma_wait3A_158 : memref<80x128xi32, #tpu.memory_space<hbm>>) dst(%arg6 : memref<80x128xi32, #tpu.memory_space<vmem>>)
      tpu.yield
    }) : () -> ()
    %scan3A = arith.constant 0 : i32
    %scan3A_2 = arith.constant 0 : i32
    %scan3A_3 = arith.constant 128 : i32
    %scan3A_4 = arith.addi %scan3A_2, %scan3A_3 : i32
    %scan3A_5 = arith.constant 1 : i32
    scf.for %scan3A_123 = %scan3A_2 to %scan3A_4 step %scan3A_5  : i32 {
      %broadcast_in_dim3A = arith.constant 0.000000e+00 : f32
      %broadcast_in_dim3A_124 = vector.broadcast %broadcast_in_dim3A : f32 to vector<16xf32>
      %swap3A = arith.index_cast %scan3A_123 : i32 to index
      %swap3A_125 = arith.constant 0 : index
      %swap3A_126 = tpu.vector_load %arg8[%swap3A, %swap3A_125] {strides = array<i32>} : memref<128x16xf32, #tpu.memory_space<vmem>>, vector<1x16xf32>,
      %swap3A_127 = vector.shape_cast %swap3A_126 : vector<1x16xf32> to vector<16xf32>
      %swap3A_128 = vector.shape_cast %broadcast_in_dim3A_124 : vector<16xf32> to vector<1x16xf32>
      tpu.vector_store %arg8[%swap3A, %swap3A_125], %swap3A_128 {strides = array<i32>} : memref<128x16xf32, #tpu.memory_space<vmem>>, vector<1x16xf32>,
    }
    %scan3A_6 = arith.constant 128 : i32
    %mul3A_7 = arith.constant 640 : i32
    %mul3A_8 = arith.muli %arg1, %mul3A_7 : i32
    %add3A_9 = arith.constant 0 : i32
    %add3A_10 = arith.addi %mul3A_8, %add3A_9 : i32
    "tpu.region"() ({
      %run_scoped3A_123 = tpu.sem_alloc : memref<!tpu.dma_semaphore, #tpu.memory_space<semaphore_mem>>
      %dma_start3A_124 = arith.constant 0 : i32
      %dma_start3A_125 = tpu.memref_slice %arg9[%add3A_10, %dma_start3A_124] : memref<10240x16xf32, #tpu.memory_space<vmem_shared>> -> memref<128x16xf32, #tpu.memory_space<vmem_shared>>
      %dma_start3A_126 = arith.constant 0 : i32
      %dma_start3A_127 = tpu.memref_slice %arg9[%add3A_10, %dma_start3A_126] : memref<10240x16xf32, #tpu.memory_space<vmem_shared>> -> memref<128x16xf32, #tpu.memory_space<vmem_shared>>
      tpu.enqueue_dma source(%arg8 : memref<128x16xf32, #tpu.memory_space<vmem>>) target(%dma_start3A_127 : memref<128x16xf32, #tpu.memory_space<vmem_shared>>) target_semaphore(%run_scoped3A_123 : memref<!tpu.dma_semaphore, #tpu.memory_space<semaphore_mem>>)
      %dma_wait3A = arith.constant 0 : i32
      %dma_wait3A_128 = tpu.memref_slice %arg9[%add3A_10, %dma_wait3A] : memref<10240x16xf32, #tpu.memory_space<vmem_shared>> -> memref<128x16xf32, #tpu.memory_space<vmem_shared>>
      %dma_wait3A_129 = arith.constant 0 : i32
      %dma_wait3A_130 = tpu.memref_slice %arg9[%add3A_10, %dma_wait3A_129] : memref<10240x16xf32, #tpu.memory_space<vmem_shared>> -> memref<128x16xf32, #tpu.memory_space<vmem_shared>>
      tpu.wait_dma2 semaphore(%run_scoped3A_123 : memref<!tpu.dma_semaphore, #tpu.memory_space<semaphore_mem>>) src(%arg8 : memref<128x16xf32, #tpu.memory_space<vmem>>) dst(%dma_wait3A_130 : memref<128x16xf32, #tpu.memory_space<vmem_shared>>)
      tpu.yield
    }) : () -> ()
    %add3A_11 = arith.constant 128 : i32
    %add3A_12 = arith.addi %mul3A_8, %add3A_11 : i32
    "tpu.region"() ({
      %run_scoped3A_123 = tpu.sem_alloc : memref<!tpu.dma_semaphore, #tpu.memory_space<semaphore_mem>>
      %dma_start3A_124 = arith.constant 0 : i32
      %dma_start3A_125 = tpu.memref_slice %arg9[%add3A_12, %dma_start3A_124] : memref<10240x16xf32, #tpu.memory_space<vmem_shared>> -> memref<128x16xf32, #tpu.memory_space<vmem_shared>>
      %dma_start3A_126 = arith.constant 0 : i32
      %dma_start3A_127 = tpu.memref_slice %arg9[%add3A_12, %dma_start3A_126] : memref<10240x16xf32, #tpu.memory_space<vmem_shared>> -> memref<128x16xf32, #tpu.memory_space<vmem_shared>>
      tpu.enqueue_dma source(%arg8 : memref<128x16xf32, #tpu.memory_space<vmem>>) target(%dma_start3A_127 : memref<128x16xf32, #tpu.memory_space<vmem_shared>>) target_semaphore(%run_scoped3A_123 : memref<!tpu.dma_semaphore, #tpu.memory_space<semaphore_mem>>)
      %dma_wait3A = arith.constant 0 : i32
      %dma_wait3A_128 = tpu.memref_slice %arg9[%add3A_12, %dma_wait3A] : memref<10240x16xf32, #tpu.memory_space<vmem_shared>> -> memref<128x16xf32, #tpu.memory_space<vmem_shared>>
      %dma_wait3A_129 = arith.constant 0 : i32
      %dma_wait3A_130 = tpu.memref_slice %arg9[%add3A_12, %dma_wait3A_129] : memref<10240x16xf32, #tpu.memory_space<vmem_shared>> -> memref<128x16xf32, #tpu.memory_space<vmem_shared>>
      tpu.wait_dma2 semaphore(%run_scoped3A_123 : memref<!tpu.dma_semaphore, #tpu.memory_space<semaphore_mem>>) src(%arg8 : memref<128x16xf32, #tpu.memory_space<vmem>>) dst(%dma_wait3A_130 : memref<128x16xf32, #tpu.memory_space<vmem_shared>>)
      tpu.yield
    }) : () -> ()
    %add3A_13 = arith.constant 256 : i32
    %add3A_14 = arith.addi %mul3A_8, %add3A_13 : i32
    "tpu.region"() ({
      %run_scoped3A_123 = tpu.sem_alloc : memref<!tpu.dma_semaphore, #tpu.memory_space<semaphore_mem>>
      %dma_start3A_124 = arith.constant 0 : i32
      %dma_start3A_125 = tpu.memref_slice %arg9[%add3A_14, %dma_start3A_124] : memref<10240x16xf32, #tpu.memory_space<vmem_shared>> -> memref<128x16xf32, #tpu.memory_space<vmem_shared>>
      %dma_start3A_126 = arith.constant 0 : i32
      %dma_start3A_127 = tpu.memref_slice %arg9[%add3A_14, %dma_start3A_126] : memref<10240x16xf32, #tpu.memory_space<vmem_shared>> -> memref<128x16xf32, #tpu.memory_space<vmem_shared>>
      tpu.enqueue_dma source(%arg8 : memref<128x16xf32, #tpu.memory_space<vmem>>) target(%dma_start3A_127 : memref<128x16xf32, #tpu.memory_space<vmem_shared>>) target_semaphore(%run_scoped3A_123 : memref<!tpu.dma_semaphore, #tpu.memory_space<semaphore_mem>>)
      %dma_wait3A = arith.constant 0 : i32
      %dma_wait3A_128 = tpu.memref_slice %arg9[%add3A_14, %dma_wait3A] : memref<10240x16xf32, #tpu.memory_space<vmem_shared>> -> memref<128x16xf32, #tpu.memory_space<vmem_shared>>
      %dma_wait3A_129 = arith.constant 0 : i32
      %dma_wait3A_130 = tpu.memref_slice %arg9[%add3A_14, %dma_wait3A_129] : memref<10240x16xf32, #tpu.memory_space<vmem_shared>> -> memref<128x16xf32, #tpu.memory_space<vmem_shared>>
      tpu.wait_dma2 semaphore(%run_scoped3A_123 : memref<!tpu.dma_semaphore, #tpu.memory_space<semaphore_mem>>) src(%arg8 : memref<128x16xf32, #tpu.memory_space<vmem>>) dst(%dma_wait3A_130 : memref<128x16xf32, #tpu.memory_space<vmem_shared>>)
      tpu.yield
    }) : () -> ()
    %add3A_15 = arith.constant 384 : i32
    %add3A_16 = arith.addi %mul3A_8, %add3A_15 : i32
    "tpu.region"() ({
      %run_scoped3A_123 = tpu.sem_alloc : memref<!tpu.dma_semaphore, #tpu.memory_space<semaphore_mem>>
      %dma_start3A_124 = arith.constant 0 : i32
      %dma_start3A_125 = tpu.memref_slice %arg9[%add3A_16, %dma_start3A_124] : memref<10240x16xf32, #tpu.memory_space<vmem_shared>> -> memref<128x16xf32, #tpu.memory_space<vmem_shared>>
      %dma_start3A_126 = arith.constant 0 : i32
      %dma_start3A_127 = tpu.memref_slice %arg9[%add3A_16, %dma_start3A_126] : memref<10240x16xf32, #tpu.memory_space<vmem_shared>> -> memref<128x16xf32, #tpu.memory_space<vmem_shared>>
      tpu.enqueue_dma source(%arg8 : memref<128x16xf32, #tpu.memory_space<vmem>>) target(%dma_start3A_127 : memref<128x16xf32, #tpu.memory_space<vmem_shared>>) target_semaphore(%run_scoped3A_123 : memref<!tpu.dma_semaphore, #tpu.memory_space<semaphore_mem>>)
      %dma_wait3A = arith.constant 0 : i32
      %dma_wait3A_128 = tpu.memref_slice %arg9[%add3A_16, %dma_wait3A] : memref<10240x16xf32, #tpu.memory_space<vmem_shared>> -> memref<128x16xf32, #tpu.memory_space<vmem_shared>>
      %dma_wait3A_129 = arith.constant 0 : i32
      %dma_wait3A_130 = tpu.memref_slice %arg9[%add3A_16, %dma_wait3A_129] : memref<10240x16xf32, #tpu.memory_space<vmem_shared>> -> memref<128x16xf32, #tpu.memory_space<vmem_shared>>
      tpu.wait_dma2 semaphore(%run_scoped3A_123 : memref<!tpu.dma_semaphore, #tpu.memory_space<semaphore_mem>>) src(%arg8 : memref<128x16xf32, #tpu.memory_space<vmem>>) dst(%dma_wait3A_130 : memref<128x16xf32, #tpu.memory_space<vmem_shared>>)
      tpu.yield
    }) : () -> ()
    %add3A_17 = arith.constant 512 : i32
    %add3A_18 = arith.addi %mul3A_8, %add3A_17 : i32
    "tpu.region"() ({
      %run_scoped3A_123 = tpu.sem_alloc : memref<!tpu.dma_semaphore, #tpu.memory_space<semaphore_mem>>
      %dma_start3A_124 = arith.constant 0 : i32
      %dma_start3A_125 = tpu.memref_slice %arg9[%add3A_18, %dma_start3A_124] : memref<10240x16xf32, #tpu.memory_space<vmem_shared>> -> memref<128x16xf32, #tpu.memory_space<vmem_shared>>
      %dma_start3A_126 = arith.constant 0 : i32
      %dma_start3A_127 = tpu.memref_slice %arg9[%add3A_18, %dma_start3A_126] : memref<10240x16xf32, #tpu.memory_space<vmem_shared>> -> memref<128x16xf32, #tpu.memory_space<vmem_shared>>
      tpu.enqueue_dma source(%arg8 : memref<128x16xf32, #tpu.memory_space<vmem>>) target(%dma_start3A_127 : memref<128x16xf32, #tpu.memory_space<vmem_shared>>) target_semaphore(%run_scoped3A_123 : memref<!tpu.dma_semaphore, #tpu.memory_space<semaphore_mem>>)
      %dma_wait3A = arith.constant 0 : i32
      %dma_wait3A_128 = tpu.memref_slice %arg9[%add3A_18, %dma_wait3A] : memref<10240x16xf32, #tpu.memory_space<vmem_shared>> -> memref<128x16xf32, #tpu.memory_space<vmem_shared>>
      %dma_wait3A_129 = arith.constant 0 : i32
      %dma_wait3A_130 = tpu.memref_slice %arg9[%add3A_18, %dma_wait3A_129] : memref<10240x16xf32, #tpu.memory_space<vmem_shared>> -> memref<128x16xf32, #tpu.memory_space<vmem_shared>>
      tpu.wait_dma2 semaphore(%run_scoped3A_123 : memref<!tpu.dma_semaphore, #tpu.memory_space<semaphore_mem>>) src(%arg8 : memref<128x16xf32, #tpu.memory_space<vmem>>) dst(%dma_wait3A_130 : memref<128x16xf32, #tpu.memory_space<vmem_shared>>)
      tpu.yield
    }) : () -> ()
    %barrier3A = arith.constant 0 : index
    tpu.barrier barrier_id(%barrier3A)
    %dma_start3A = arith.constant 0 : i32
    %dma_start3A_19 = arith.constant 0 : i32
    %dma_start3A_20 = arith.constant 0 : i32
    %dma_start3A_21 = arith.constant 0 : i32
    %dma_start3A_22 = tpu.memref_slice %arg7[%dma_start3A_19, %dma_start3A_20, %dma_start3A_21] : memref<8x128x16xf32, #tpu.memory_space<vmem>> -> memref<1x128x16xf32, #tpu.memory_space<vmem>>
    %dma_start3A_23 = tpu.memref_squeeze %dma_start3A_22 : memref<1x128x16xf32, #tpu.memory_space<vmem>> -> memref<128x16xf32, #tpu.memory_space<vmem>>
    %dma_start3A_24 = arith.constant 0 : i32
    %dma_start3A_25 = tpu.memref_slice %arg5[%dma_start3A, %dma_start3A_24] : memref<80x128xi32, #tpu.memory_space<vmem>> -> memref<1x128xi32, #tpu.memory_space<vmem>>
    %dma_start3A_26 = tpu.memref_squeeze %dma_start3A_25 : memref<1x128xi32, #tpu.memory_space<vmem>> -> memref<128xi32, #tpu.memory_space<vmem>>
    %dma_start3A_27 = arith.constant 0 : i32
    %dma_start3A_28 = arith.constant 0 : i32
    %dma_start3A_29 = tpu.memref_slice %arg2[%dma_start3A_27, %dma_start3A_28] : memref<10240x16xf32, #tpu.memory_space<hbm>> -> memref<10240x16xf32, #tpu.memory_space<hbm>>
    tpu.enqueue_indirect_dma source(%dma_start3A_29 : memref<10240x16xf32, #tpu.memory_space<hbm>>) target(%dma_start3A_23 : memref<128x16xf32, #tpu.memory_space<vmem>>) offsets(%dma_start3A_26 : memref<128xi32, #tpu.memory_space<vmem>>) semaphore(%arg10 : memref<!tpu.dma_semaphore, #tpu.memory_space<semaphore_mem>>)
    %dma_start3A_30 = arith.constant 1 : i32
    %dma_start3A_31 = arith.constant 1 : i32
    %dma_start3A_32 = arith.constant 0 : i32
    %dma_start3A_33 = arith.constant 0 : i32
    %dma_start3A_34 = tpu.memref_slice %arg7[%dma_start3A_31, %dma_start3A_32, %dma_start3A_33] : memref<8x128x16xf32, #tpu.memory_space<vmem>> -> memref<1x128x16xf32, #tpu.memory_space<vmem>>
    %dma_start3A_35 = tpu.memref_squeeze %dma_start3A_34 : memref<1x128x16xf32, #tpu.memory_space<vmem>> -> memref<128x16xf32, #tpu.memory_space<vmem>>
    %dma_start3A_36 = arith.constant 0 : i32
    %dma_start3A_37 = tpu.memref_slice %arg5[%dma_start3A_30, %dma_start3A_36] : memref<80x128xi32, #tpu.memory_space<vmem>> -> memref<1x128xi32, #tpu.memory_space<vmem>>
    %dma_start3A_38 = tpu.memref_squeeze %dma_start3A_37 : memref<1x128xi32, #tpu.memory_space<vmem>> -> memref<128xi32, #tpu.memory_space<vmem>>
    %dma_start3A_39 = arith.constant 0 : i32
    %dma_start3A_40 = arith.constant 0 : i32
    %dma_start3A_41 = tpu.memref_slice %arg2[%dma_start3A_39, %dma_start3A_40] : memref<10240x16xf32, #tpu.memory_space<hbm>> -> memref<10240x16xf32, #tpu.memory_space<hbm>>
    tpu.enqueue_indirect_dma source(%dma_start3A_41 : memref<10240x16xf32, #tpu.memory_space<hbm>>) target(%dma_start3A_35 : memref<128x16xf32, #tpu.memory_space<vmem>>) offsets(%dma_start3A_38 : memref<128xi32, #tpu.memory_space<vmem>>) semaphore(%arg11 : memref<!tpu.dma_semaphore, #tpu.memory_space<semaphore_mem>>)
    %dma_start3A_42 = arith.constant 2 : i32
    %dma_start3A_43 = arith.constant 2 : i32
    %dma_start3A_44 = arith.constant 0 : i32
    %dma_start3A_45 = arith.constant 0 : i32
    %dma_start3A_46 = tpu.memref_slice %arg7[%dma_start3A_43, %dma_start3A_44, %dma_start3A_45] : memref<8x128x16xf32, #tpu.memory_space<vmem>> -> memref<1x128x16xf32, #tpu.memory_space<vmem>>
    %dma_start3A_47 = tpu.memref_squeeze %dma_start3A_46 : memref<1x128x16xf32, #tpu.memory_space<vmem>> -> memref<128x16xf32, #tpu.memory_space<vmem>>
    %dma_start3A_48 = arith.constant 0 : i32
    %dma_start3A_49 = tpu.memref_slice %arg5[%dma_start3A_42, %dma_start3A_48] : memref<80x128xi32, #tpu.memory_space<vmem>> -> memref<1x128xi32, #tpu.memory_space<vmem>>
    %dma_start3A_50 = tpu.memref_squeeze %dma_start3A_49 : memref<1x128xi32, #tpu.memory_space<vmem>> -> memref<128xi32, #tpu.memory_space<vmem>>
    %dma_start3A_51 = arith.constant 0 : i32
    %dma_start3A_52 = arith.constant 0 : i32
    %dma_start3A_53 = tpu.memref_slice %arg2[%dma_start3A_51, %dma_start3A_52] : memref<10240x16xf32, #tpu.memory_space<hbm>> -> memref<10240x16xf32, #tpu.memory_space<hbm>>
    tpu.enqueue_indirect_dma source(%dma_start3A_53 : memref<10240x16xf32, #tpu.memory_space<hbm>>) target(%dma_start3A_47 : memref<128x16xf32, #tpu.memory_space<vmem>>) offsets(%dma_start3A_50 : memref<128xi32, #tpu.memory_space<vmem>>) semaphore(%arg12 : memref<!tpu.dma_semaphore, #tpu.memory_space<semaphore_mem>>)
    %dma_start3A_54 = arith.constant 3 : i32
    %dma_start3A_55 = arith.constant 3 : i32
    %dma_start3A_56 = arith.constant 0 : i32
    %dma_start3A_57 = arith.constant 0 : i32
    %dma_start3A_58 = tpu.memref_slice %arg7[%dma_start3A_55, %dma_start3A_56, %dma_start3A_57] : memref<8x128x16xf32, #tpu.memory_space<vmem>> -> memref<1x128x16xf32, #tpu.memory_space<vmem>>
    %dma_start3A_59 = tpu.memref_squeeze %dma_start3A_58 : memref<1x128x16xf32, #tpu.memory_space<vmem>> -> memref<128x16xf32, #tpu.memory_space<vmem>>
    %dma_start3A_60 = arith.constant 0 : i32
    %dma_start3A_61 = tpu.memref_slice %arg5[%dma_start3A_54, %dma_start3A_60] : memref<80x128xi32, #tpu.memory_space<vmem>> -> memref<1x128xi32, #tpu.memory_space<vmem>>
    %dma_start3A_62 = tpu.memref_squeeze %dma_start3A_61 : memref<1x128xi32, #tpu.memory_space<vmem>> -> memref<128xi32, #tpu.memory_space<vmem>>
    %dma_start3A_63 = arith.constant 0 : i32
    %dma_start3A_64 = arith.constant 0 : i32
    %dma_start3A_65 = tpu.memref_slice %arg2[%dma_start3A_63, %dma_start3A_64] : memref<10240x16xf32, #tpu.memory_space<hbm>> -> memref<10240x16xf32, #tpu.memory_space<hbm>>
    tpu.enqueue_indirect_dma source(%dma_start3A_65 : memref<10240x16xf32, #tpu.memory_space<hbm>>) target(%dma_start3A_59 : memref<128x16xf32, #tpu.memory_space<vmem>>) offsets(%dma_start3A_62 : memref<128xi32, #tpu.memory_space<vmem>>) semaphore(%arg13 : memref<!tpu.dma_semaphore, #tpu.memory_space<semaphore_mem>>)
    %dma_start3A_66 = arith.constant 4 : i32
    %dma_start3A_67 = arith.constant 4 : i32
    %dma_start3A_68 = arith.constant 0 : i32
    %dma_start3A_69 = arith.constant 0 : i32
    %dma_start3A_70 = tpu.memref_slice %arg7[%dma_start3A_67, %dma_start3A_68, %dma_start3A_69] : memref<8x128x16xf32, #tpu.memory_space<vmem>> -> memref<1x128x16xf32, #tpu.memory_space<vmem>>
    %dma_start3A_71 = tpu.memref_squeeze %dma_start3A_70 : memref<1x128x16xf32, #tpu.memory_space<vmem>> -> memref<128x16xf32, #tpu.memory_space<vmem>>
    %dma_start3A_72 = arith.constant 0 : i32
    %dma_start3A_73 = tpu.memref_slice %arg5[%dma_start3A_66, %dma_start3A_72] : memref<80x128xi32, #tpu.memory_space<vmem>> -> memref<1x128xi32, #tpu.memory_space<vmem>>
    %dma_start3A_74 = tpu.memref_squeeze %dma_start3A_73 : memref<1x128xi32, #tpu.memory_space<vmem>> -> memref<128xi32, #tpu.memory_space<vmem>>
    %dma_start3A_75 = arith.constant 0 : i32
    %dma_start3A_76 = arith.constant 0 : i32
    %dma_start3A_77 = tpu.memref_slice %arg2[%dma_start3A_75, %dma_start3A_76] : memref<10240x16xf32, #tpu.memory_space<hbm>> -> memref<10240x16xf32, #tpu.memory_space<hbm>>
    tpu.enqueue_indirect_dma source(%dma_start3A_77 : memref<10240x16xf32, #tpu.memory_space<hbm>>) target(%dma_start3A_71 : memref<128x16xf32, #tpu.memory_space<vmem>>) offsets(%dma_start3A_74 : memref<128xi32, #tpu.memory_space<vmem>>) semaphore(%arg14 : memref<!tpu.dma_semaphore, #tpu.memory_space<semaphore_mem>>)
    %dma_start3A_78 = arith.constant 5 : i32
    %dma_start3A_79 = arith.constant 5 : i32
    %dma_start3A_80 = arith.constant 0 : i32
    %dma_start3A_81 = arith.constant 0 : i32
    %dma_start3A_82 = tpu.memref_slice %arg7[%dma_start3A_79, %dma_start3A_80, %dma_start3A_81] : memref<8x128x16xf32, #tpu.memory_space<vmem>> -> memref<1x128x16xf32, #tpu.memory_space<vmem>>
    %dma_start3A_83 = tpu.memref_squeeze %dma_start3A_82 : memref<1x128x16xf32, #tpu.memory_space<vmem>> -> memref<128x16xf32, #tpu.memory_space<vmem>>
    %dma_start3A_84 = arith.constant 0 : i32
    %dma_start3A_85 = tpu.memref_slice %arg5[%dma_start3A_78, %dma_start3A_84] : memref<80x128xi32, #tpu.memory_space<vmem>> -> memref<1x128xi32, #tpu.memory_space<vmem>>
    %dma_start3A_86 = tpu.memref_squeeze %dma_start3A_85 : memref<1x128xi32, #tpu.memory_space<vmem>> -> memref<128xi32, #tpu.memory_space<vmem>>
    %dma_start3A_87 = arith.constant 0 : i32
    %dma_start3A_88 = arith.constant 0 : i32
    %dma_start3A_89 = tpu.memref_slice %arg2[%dma_start3A_87, %dma_start3A_88] : memref<10240x16xf32, #tpu.memory_space<hbm>> -> memref<10240x16xf32, #tpu.memory_space<hbm>>
    tpu.enqueue_indirect_dma source(%dma_start3A_89 : memref<10240x16xf32, #tpu.memory_space<hbm>>) target(%dma_start3A_83 : memref<128x16xf32, #tpu.memory_space<vmem>>) offsets(%dma_start3A_86 : memref<128xi32, #tpu.memory_space<vmem>>) semaphore(%arg15 : memref<!tpu.dma_semaphore, #tpu.memory_space<semaphore_mem>>)
    %dma_start3A_90 = arith.constant 6 : i32
    %dma_start3A_91 = arith.constant 6 : i32
    %dma_start3A_92 = arith.constant 0 : i32
    %dma_start3A_93 = arith.constant 0 : i32
    %dma_start3A_94 = tpu.memref_slice %arg7[%dma_start3A_91, %dma_start3A_92, %dma_start3A_93] : memref<8x128x16xf32, #tpu.memory_space<vmem>> -> memref<1x128x16xf32, #tpu.memory_space<vmem>>
    %dma_start3A_95 = tpu.memref_squeeze %dma_start3A_94 : memref<1x128x16xf32, #tpu.memory_space<vmem>> -> memref<128x16xf32, #tpu.memory_space<vmem>>
    %dma_start3A_96 = arith.constant 0 : i32
    %dma_start3A_97 = tpu.memref_slice %arg5[%dma_start3A_90, %dma_start3A_96] : memref<80x128xi32, #tpu.memory_space<vmem>> -> memref<1x128xi32, #tpu.memory_space<vmem>>
    %dma_start3A_98 = tpu.memref_squeeze %dma_start3A_97 : memref<1x128xi32, #tpu.memory_space<vmem>> -> memref<128xi32, #tpu.memory_space<vmem>>
    %dma_start3A_99 = arith.constant 0 : i32
    %dma_start3A_100 = arith.constant 0 : i32
    %dma_start3A_101 = tpu.memref_slice %arg2[%dma_start3A_99, %dma_start3A_100] : memref<10240x16xf32, #tpu.memory_space<hbm>> -> memref<10240x16xf32, #tpu.memory_space<hbm>>
    tpu.enqueue_indirect_dma source(%dma_start3A_101 : memref<10240x16xf32, #tpu.memory_space<hbm>>) target(%dma_start3A_95 : memref<128x16xf32, #tpu.memory_space<vmem>>) offsets(%dma_start3A_98 : memref<128xi32, #tpu.memory_space<vmem>>) semaphore(%arg16 : memref<!tpu.dma_semaphore, #tpu.memory_space<semaphore_mem>>)
    %dma_start3A_102 = arith.constant 7 : i32
    %dma_start3A_103 = arith.constant 7 : i32
    %dma_start3A_104 = arith.constant 0 : i32
    %dma_start3A_105 = arith.constant 0 : i32
    %dma_start3A_106 = tpu.memref_slice %arg7[%dma_start3A_103, %dma_start3A_104, %dma_start3A_105] : memref<8x128x16xf32, #tpu.memory_space<vmem>> -> memref<1x128x16xf32, #tpu.memory_space<vmem>>
    %dma_start3A_107 = tpu.memref_squeeze %dma_start3A_106 : memref<1x128x16xf32, #tpu.memory_space<vmem>> -> memref<128x16xf32, #tpu.memory_space<vmem>>
    %dma_start3A_108 = arith.constant 0 : i32
    %dma_start3A_109 = tpu.memref_slice %arg5[%dma_start3A_102, %dma_start3A_108] : memref<80x128xi32, #tpu.memory_space<vmem>> -> memref<1x128xi32, #tpu.memory_space<vmem>>
    %dma_start3A_110 = tpu.memref_squeeze %dma_start3A_109 : memref<1x128xi32, #tpu.memory_space<vmem>> -> memref<128xi32, #tpu.memory_space<vmem>>
    %dma_start3A_111 = arith.constant 0 : i32
    %dma_start3A_112 = arith.constant 0 : i32
    %dma_start3A_113 = tpu.memref_slice %arg2[%dma_start3A_111, %dma_start3A_112] : memref<10240x16xf32, #tpu.memory_space<hbm>> -> memref<10240x16xf32, #tpu.memory_space<hbm>>
    tpu.enqueue_indirect_dma source(%dma_start3A_113 : memref<10240x16xf32, #tpu.memory_space<hbm>>) target(%dma_start3A_107 : memref<128x16xf32, #tpu.memory_space<vmem>>) offsets(%dma_start3A_110 : memref<128xi32, #tpu.memory_space<vmem>>) semaphore(%arg17 : memref<!tpu.dma_semaphore, #tpu.memory_space<semaphore_mem>>)
    %scan3A_114 = arith.constant 0 : i32
    %scan3A_115 = arith.constant 0 : i32
    %scan3A_116 = arith.constant 10 : i32
    %scan3A_117 = arith.addi %scan3A_115, %scan3A_116 : i32
    %scan3A_118 = arith.constant 1 : i32
    scf.for %scan3A_123 = %scan3A_115 to %scan3A_117 step %scan3A_118  : i32 {
      %mul3A_124 = arith.constant 8 : i32
      %mul3A_125 = arith.muli %scan3A_123, %mul3A_124 : i32
      %add3A_126 = arith.constant 0 : i32
      %add3A_127 = arith.addi %mul3A_125, %add3A_126 : i32
      %dma_wait3A = arith.constant 0 : i32
      %dma_wait3A_128 = arith.constant 0 : i32
      %dma_wait3A_129 = arith.constant 0 : i32
      %dma_wait3A_130 = tpu.memref_slice %arg7[%dma_wait3A, %dma_wait3A_128, %dma_wait3A_129] : memref<8x128x16xf32, #tpu.memory_space<vmem>> -> memref<1x128x16xf32, #tpu.memory_space<vmem>>
      %dma_wait3A_131 = tpu.memref_squeeze %dma_wait3A_130 : memref<1x128x16xf32, #tpu.memory_space<vmem>> -> memref<128x16xf32, #tpu.memory_space<vmem>>
      %dma_wait3A_132 = arith.constant 0 : i32
      %dma_wait3A_133 = tpu.memref_slice %arg5[%add3A_127, %dma_wait3A_132] : memref<80x128xi32, #tpu.memory_space<vmem>> -> memref<1x128xi32, #tpu.memory_space<vmem>>
      %dma_wait3A_134 = tpu.memref_squeeze %dma_wait3A_133 : memref<1x128xi32, #tpu.memory_space<vmem>> -> memref<128xi32, #tpu.memory_space<vmem>>
      %dma_wait3A_135 = arith.constant 0 : i32
      %dma_wait3A_136 = arith.constant 0 : i32
      %dma_wait3A_137 = tpu.memref_slice %arg2[%dma_wait3A_135, %dma_wait3A_136] : memref<10240x16xf32, #tpu.memory_space<hbm>> -> memref<10240x16xf32, #tpu.memory_space<hbm>>
      tpu.wait_indirect_dma semaphore(%arg10 : memref<!tpu.dma_semaphore, #tpu.memory_space<semaphore_mem>>) src(%dma_wait3A_137 : memref<10240x16xf32, #tpu.memory_space<hbm>>) dst(%dma_wait3A_131 : memref<128x16xf32, #tpu.memory_space<vmem>>)
      %run_scoped3A_138 = arith.constant 0 : i32
      "tpu.region"() ({
        %run_scoped3A_288 = tpu.sem_alloc : memref<!tpu.dma_semaphore, #tpu.memory_space<semaphore_mem>>
        %dma_start3A_289 = arith.constant 0 : i32
        %dma_start3A_290 = arith.constant 0 : i32
        %dma_start3A_291 = tpu.memref_slice %arg7[%run_scoped3A_138, %dma_start3A_289, %dma_start3A_290] : memref<8x128x16xf32, #tpu.memory_space<vmem>> -> memref<1x128x16xf32, #tpu.memory_space<vmem>>
        %dma_start3A_292 = tpu.memref_squeeze %dma_start3A_291 : memref<1x128x16xf32, #tpu.memory_space<vmem>> -> memref<128x16xf32, #tpu.memory_space<vmem>>
        %dma_start3A_293 = arith.constant 0 : i32
        %dma_start3A_294 = tpu.memref_slice %arg6[%add3A_127, %dma_start3A_293] : memref<80x128xi32, #tpu.memory_space<vmem>> -> memref<1x128xi32, #tpu.memory_space<vmem>>
        %dma_start3A_295 = tpu.memref_squeeze %dma_start3A_294 : memref<1x128xi32, #tpu.memory_space<vmem>> -> memref<128xi32, #tpu.memory_space<vmem>>
        %dma_start3A_296 = arith.constant 0 : i32
        %dma_start3A_297 = arith.constant 0 : i32
        %dma_start3A_298 = tpu.memref_slice %arg9[%dma_start3A_296, %dma_start3A_297] : memref<10240x16xf32, #tpu.memory_space<vmem_shared>> -> memref<10240x16xf32, #tpu.memory_space<vmem_shared>>
        tpu.enqueue_indirect_dma source(%dma_start3A_292 : memref<128x16xf32, #tpu.memory_space<vmem>>) target(%dma_start3A_298 : memref<10240x16xf32, #tpu.memory_space<vmem_shared>>) offsets(%dma_start3A_295 : memref<128xi32, #tpu.memory_space<vmem>>) semaphore(%run_scoped3A_288 : memref<!tpu.dma_semaphore, #tpu.memory_space<semaphore_mem>>) {add = true}
        %dma_wait3A_299 = arith.constant 0 : i32
        %dma_wait3A_300 = arith.constant 0 : i32
        %dma_wait3A_301 = tpu.memref_slice %arg7[%run_scoped3A_138, %dma_wait3A_299, %dma_wait3A_300] : memref<8x128x16xf32, #tpu.memory_space<vmem>> -> memref<1x128x16xf32, #tpu.memory_space<vmem>>
        %dma_wait3A_302 = tpu.memref_squeeze %dma_wait3A_301 : memref<1x128x16xf32, #tpu.memory_space<vmem>> -> memref<128x16xf32, #tpu.memory_space<vmem>>
        %dma_wait3A_303 = arith.constant 0 : i32
        %dma_wait3A_304 = tpu.memref_slice %arg6[%add3A_127, %dma_wait3A_303] : memref<80x128xi32, #tpu.memory_space<vmem>> -> memref<1x128xi32, #tpu.memory_space<vmem>>
        %dma_wait3A_305 = tpu.memref_squeeze %dma_wait3A_304 : memref<1x128xi32, #tpu.memory_space<vmem>> -> memref<128xi32, #tpu.memory_space<vmem>>
        %dma_wait3A_306 = arith.constant 0 : i32
        %dma_wait3A_307 = arith.constant 0 : i32
        %dma_wait3A_308 = tpu.memref_slice %arg9[%dma_wait3A_306, %dma_wait3A_307] : memref<10240x16xf32, #tpu.memory_space<vmem_shared>> -> memref<10240x16xf32, #tpu.memory_space<vmem_shared>>
        tpu.wait_indirect_dma semaphore(%run_scoped3A_288 : memref<!tpu.dma_semaphore, #tpu.memory_space<semaphore_mem>>) src(%dma_wait3A_302 : memref<128x16xf32, #tpu.memory_space<vmem>>) dst(%dma_wait3A_308 : memref<10240x16xf32, #tpu.memory_space<vmem_shared>>)
        tpu.yield
      }) : () -> ()
      %lt3A = arith.constant 9 : i32
      %lt3A_139 = arith.cmpi slt, %scan3A_123, %lt3A : i32
      %convert_element_type3A = arith.extui %lt3A_139 : i1 to i32
      %cond3A = arith.constant 0 : i32
      %cond3A_140 = arith.cmpi ne, %convert_element_type3A, %cond3A : i32
      scf.if %cond3A_140 {
        %add3A_288 = arith.constant 8 : i32
        %add3A_289 = arith.addi %add3A_127, %add3A_288 : i32
        %dma_start3A_290 = arith.constant 0 : i32
        %dma_start3A_291 = arith.constant 0 : i32
        %dma_start3A_292 = arith.constant 0 : i32
        %dma_start3A_293 = tpu.memref_slice %arg7[%dma_start3A_290, %dma_start3A_291, %dma_start3A_292] : memref<8x128x16xf32, #tpu.memory_space<vmem>> -> memref<1x128x16xf32, #tpu.memory_space<vmem>>
        %dma_start3A_294 = tpu.memref_squeeze %dma_start3A_293 : memref<1x128x16xf32, #tpu.memory_space<vmem>> -> memref<128x16xf32, #tpu.memory_space<vmem>>
        %dma_start3A_295 = arith.constant 0 : i32
        %dma_start3A_296 = tpu.memref_slice %arg5[%add3A_289, %dma_start3A_295] : memref<80x128xi32, #tpu.memory_space<vmem>> -> memref<1x128xi32, #tpu.memory_space<vmem>>
        %dma_start3A_297 = tpu.memref_squeeze %dma_start3A_296 : memref<1x128xi32, #tpu.memory_space<vmem>> -> memref<128xi32, #tpu.memory_space<vmem>>
        %dma_start3A_298 = arith.constant 0 : i32
        %dma_start3A_299 = arith.constant 0 : i32
        %dma_start3A_300 = tpu.memref_slice %arg2[%dma_start3A_298, %dma_start3A_299] : memref<10240x16xf32, #tpu.memory_space<hbm>> -> memref<10240x16xf32, #tpu.memory_space<hbm>>
        tpu.enqueue_indirect_dma source(%dma_start3A_300 : memref<10240x16xf32, #tpu.memory_space<hbm>>) target(%dma_start3A_294 : memref<128x16xf32, #tpu.memory_space<vmem>>) offsets(%dma_start3A_297 : memref<128xi32, #tpu.memory_space<vmem>>) semaphore(%arg10 : memref<!tpu.dma_semaphore, #tpu.memory_space<semaphore_mem>>)
      } else {
      }
      %mul3A_141 = arith.constant 8 : i32
      %mul3A_142 = arith.muli %scan3A_123, %mul3A_141 : i32
      %add3A_143 = arith.constant 1 : i32
      %add3A_144 = arith.addi %mul3A_142, %add3A_143 : i32
      %dma_wait3A_145 = arith.constant 1 : i32
      %dma_wait3A_146 = arith.constant 0 : i32
      %dma_wait3A_147 = arith.constant 0 : i32
      %dma_wait3A_148 = tpu.memref_slice %arg7[%dma_wait3A_145, %dma_wait3A_146, %dma_wait3A_147] : memref<8x128x16xf32, #tpu.memory_space<vmem>> -> memref<1x128x16xf32, #tpu.memory_space<vmem>>
      %dma_wait3A_149 = tpu.memref_squeeze %dma_wait3A_148 : memref<1x128x16xf32, #tpu.memory_space<vmem>> -> memref<128x16xf32, #tpu.memory_space<vmem>>
      %dma_wait3A_150 = arith.constant 0 : i32
      %dma_wait3A_151 = tpu.memref_slice %arg5[%add3A_144, %dma_wait3A_150] : memref<80x128xi32, #tpu.memory_space<vmem>> -> memref<1x128xi32, #tpu.memory_space<vmem>>
      %dma_wait3A_152 = tpu.memref_squeeze %dma_wait3A_151 : memref<1x128xi32, #tpu.memory_space<vmem>> -> memref<128xi32, #tpu.memory_space<vmem>>
      %dma_wait3A_153 = arith.constant 0 : i32
      %dma_wait3A_154 = arith.constant 0 : i32
      %dma_wait3A_155 = tpu.memref_slice %arg2[%dma_wait3A_153, %dma_wait3A_154] : memref<10240x16xf32, #tpu.memory_space<hbm>> -> memref<10240x16xf32, #tpu.memory_space<hbm>>
      tpu.wait_indirect_dma semaphore(%arg11 : memref<!tpu.dma_semaphore, #tpu.memory_space<semaphore_mem>>) src(%dma_wait3A_155 : memref<10240x16xf32, #tpu.memory_space<hbm>>) dst(%dma_wait3A_149 : memref<128x16xf32, #tpu.memory_space<vmem>>)
      %run_scoped3A_156 = arith.constant 1 : i32
      "tpu.region"() ({
        %run_scoped3A_288 = tpu.sem_alloc : memref<!tpu.dma_semaphore, #tpu.memory_space<semaphore_mem>>
        %dma_start3A_289 = arith.constant 0 : i32
        %dma_start3A_290 = arith.constant 0 : i32
        %dma_start3A_291 = tpu.memref_slice %arg7[%run_scoped3A_156, %dma_start3A_289, %dma_start3A_290] : memref<8x128x16xf32, #tpu.memory_space<vmem>> -> memref<1x128x16xf32, #tpu.memory_space<vmem>>
        %dma_start3A_292 = tpu.memref_squeeze %dma_start3A_291 : memref<1x128x16xf32, #tpu.memory_space<vmem>> -> memref<128x16xf32, #tpu.memory_space<vmem>>
        %dma_start3A_293 = arith.constant 0 : i32
        %dma_start3A_294 = tpu.memref_slice %arg6[%add3A_144, %dma_start3A_293] : memref<80x128xi32, #tpu.memory_space<vmem>> -> memref<1x128xi32, #tpu.memory_space<vmem>>
        %dma_start3A_295 = tpu.memref_squeeze %dma_start3A_294 : memref<1x128xi32, #tpu.memory_space<vmem>> -> memref<128xi32, #tpu.memory_space<vmem>>
        %dma_start3A_296 = arith.constant 0 : i32
        %dma_start3A_297 = arith.constant 0 : i32
        %dma_start3A_298 = tpu.memref_slice %arg9[%dma_start3A_296, %dma_start3A_297] : memref<10240x16xf32, #tpu.memory_space<vmem_shared>> -> memref<10240x16xf32, #tpu.memory_space<vmem_shared>>
        tpu.enqueue_indirect_dma source(%dma_start3A_292 : memref<128x16xf32, #tpu.memory_space<vmem>>) target(%dma_start3A_298 : memref<10240x16xf32, #tpu.memory_space<vmem_shared>>) offsets(%dma_start3A_295 : memref<128xi32, #tpu.memory_space<vmem>>) semaphore(%run_scoped3A_288 : memref<!tpu.dma_semaphore, #tpu.memory_space<semaphore_mem>>) {add = true}
        %dma_wait3A_299 = arith.constant 0 : i32
        %dma_wait3A_300 = arith.constant 0 : i32
        %dma_wait3A_301 = tpu.memref_slice %arg7[%run_scoped3A_156, %dma_wait3A_299, %dma_wait3A_300] : memref<8x128x16xf32, #tpu.memory_space<vmem>> -> memref<1x128x16xf32, #tpu.memory_space<vmem>>
        %dma_wait3A_302 = tpu.memref_squeeze %dma_wait3A_301 : memref<1x128x16xf32, #tpu.memory_space<vmem>> -> memref<128x16xf32, #tpu.memory_space<vmem>>
        %dma_wait3A_303 = arith.constant 0 : i32
        %dma_wait3A_304 = tpu.memref_slice %arg6[%add3A_144, %dma_wait3A_303] : memref<80x128xi32, #tpu.memory_space<vmem>> -> memref<1x128xi32, #tpu.memory_space<vmem>>
        %dma_wait3A_305 = tpu.memref_squeeze %dma_wait3A_304 : memref<1x128xi32, #tpu.memory_space<vmem>> -> memref<128xi32, #tpu.memory_space<vmem>>
        %dma_wait3A_306 = arith.constant 0 : i32
        %dma_wait3A_307 = arith.constant 0 : i32
        %dma_wait3A_308 = tpu.memref_slice %arg9[%dma_wait3A_306, %dma_wait3A_307] : memref<10240x16xf32, #tpu.memory_space<vmem_shared>> -> memref<10240x16xf32, #tpu.memory_space<vmem_shared>>
        tpu.wait_indirect_dma semaphore(%run_scoped3A_288 : memref<!tpu.dma_semaphore, #tpu.memory_space<semaphore_mem>>) src(%dma_wait3A_302 : memref<128x16xf32, #tpu.memory_space<vmem>>) dst(%dma_wait3A_308 : memref<10240x16xf32, #tpu.memory_space<vmem_shared>>)
        tpu.yield
      }) : () -> ()
      %lt3A_157 = arith.constant 9 : i32
      %lt3A_158 = arith.cmpi slt, %scan3A_123, %lt3A_157 : i32
      %convert_element_type3A_159 = arith.extui %lt3A_158 : i1 to i32
      %cond3A_160 = arith.constant 0 : i32
      %cond3A_161 = arith.cmpi ne, %convert_element_type3A_159, %cond3A_160 : i32
      scf.if %cond3A_161 {
        %add3A_288 = arith.constant 8 : i32
        %add3A_289 = arith.addi %add3A_144, %add3A_288 : i32
        %dma_start3A_290 = arith.constant 1 : i32
        %dma_start3A_291 = arith.constant 0 : i32
        %dma_start3A_292 = arith.constant 0 : i32
        %dma_start3A_293 = tpu.memref_slice %arg7[%dma_start3A_290, %dma_start3A_291, %dma_start3A_292] : memref<8x128x16xf32, #tpu.memory_space<vmem>> -> memref<1x128x16xf32, #tpu.memory_space<vmem>>
        %dma_start3A_294 = tpu.memref_squeeze %dma_start3A_293 : memref<1x128x16xf32, #tpu.memory_space<vmem>> -> memref<128x16xf32, #tpu.memory_space<vmem>>
        %dma_start3A_295 = arith.constant 0 : i32
        %dma_start3A_296 = tpu.memref_slice %arg5[%add3A_289, %dma_start3A_295] : memref<80x128xi32, #tpu.memory_space<vmem>> -> memref<1x128xi32, #tpu.memory_space<vmem>>
        %dma_start3A_297 = tpu.memref_squeeze %dma_start3A_296 : memref<1x128xi32, #tpu.memory_space<vmem>> -> memref<128xi32, #tpu.memory_space<vmem>>
        %dma_start3A_298 = arith.constant 0 : i32
        %dma_start3A_299 = arith.constant 0 : i32
        %dma_start3A_300 = tpu.memref_slice %arg2[%dma_start3A_298, %dma_start3A_299] : memref<10240x16xf32, #tpu.memory_space<hbm>> -> memref<10240x16xf32, #tpu.memory_space<hbm>>
        tpu.enqueue_indirect_dma source(%dma_start3A_300 : memref<10240x16xf32, #tpu.memory_space<hbm>>) target(%dma_start3A_294 : memref<128x16xf32, #tpu.memory_space<vmem>>) offsets(%dma_start3A_297 : memref<128xi32, #tpu.memory_space<vmem>>) semaphore(%arg11 : memref<!tpu.dma_semaphore, #tpu.memory_space<semaphore_mem>>)
      } else {
      }
      %mul3A_162 = arith.constant 8 : i32
      %mul3A_163 = arith.muli %scan3A_123, %mul3A_162 : i32
      %add3A_164 = arith.constant 2 : i32
      %add3A_165 = arith.addi %mul3A_163, %add3A_164 : i32
      %dma_wait3A_166 = arith.constant 2 : i32
      %dma_wait3A_167 = arith.constant 0 : i32
      %dma_wait3A_168 = arith.constant 0 : i32
      %dma_wait3A_169 = tpu.memref_slice %arg7[%dma_wait3A_166, %dma_wait3A_167, %dma_wait3A_168] : memref<8x128x16xf32, #tpu.memory_space<vmem>> -> memref<1x128x16xf32, #tpu.memory_space<vmem>>
      %dma_wait3A_170 = tpu.memref_squeeze %dma_wait3A_169 : memref<1x128x16xf32, #tpu.memory_space<vmem>> -> memref<128x16xf32, #tpu.memory_space<vmem>>
      %dma_wait3A_171 = arith.constant 0 : i32
      %dma_wait3A_172 = tpu.memref_slice %arg5[%add3A_165, %dma_wait3A_171] : memref<80x128xi32, #tpu.memory_space<vmem>> -> memref<1x128xi32, #tpu.memory_space<vmem>>
      %dma_wait3A_173 = tpu.memref_squeeze %dma_wait3A_172 : memref<1x128xi32, #tpu.memory_space<vmem>> -> memref<128xi32, #tpu.memory_space<vmem>>
      %dma_wait3A_174 = arith.constant 0 : i32
      %dma_wait3A_175 = arith.constant 0 : i32
      %dma_wait3A_176 = tpu.memref_slice %arg2[%dma_wait3A_174, %dma_wait3A_175] : memref<10240x16xf32, #tpu.memory_space<hbm>> -> memref<10240x16xf32, #tpu.memory_space<hbm>>
      tpu.wait_indirect_dma semaphore(%arg12 : memref<!tpu.dma_semaphore, #tpu.memory_space<semaphore_mem>>) src(%dma_wait3A_176 : memref<10240x16xf32, #tpu.memory_space<hbm>>) dst(%dma_wait3A_170 : memref<128x16xf32, #tpu.memory_space<vmem>>)
      %run_scoped3A_177 = arith.constant 2 : i32
      "tpu.region"() ({
        %run_scoped3A_288 = tpu.sem_alloc : memref<!tpu.dma_semaphore, #tpu.memory_space<semaphore_mem>>
        %dma_start3A_289 = arith.constant 0 : i32
        %dma_start3A_290 = arith.constant 0 : i32
        %dma_start3A_291 = tpu.memref_slice %arg7[%run_scoped3A_177, %dma_start3A_289, %dma_start3A_290] : memref<8x128x16xf32, #tpu.memory_space<vmem>> -> memref<1x128x16xf32, #tpu.memory_space<vmem>>
        %dma_start3A_292 = tpu.memref_squeeze %dma_start3A_291 : memref<1x128x16xf32, #tpu.memory_space<vmem>> -> memref<128x16xf32, #tpu.memory_space<vmem>>
        %dma_start3A_293 = arith.constant 0 : i32
        %dma_start3A_294 = tpu.memref_slice %arg6[%add3A_165, %dma_start3A_293] : memref<80x128xi32, #tpu.memory_space<vmem>> -> memref<1x128xi32, #tpu.memory_space<vmem>>
        %dma_start3A_295 = tpu.memref_squeeze %dma_start3A_294 : memref<1x128xi32, #tpu.memory_space<vmem>> -> memref<128xi32, #tpu.memory_space<vmem>>
        %dma_start3A_296 = arith.constant 0 : i32
        %dma_start3A_297 = arith.constant 0 : i32
        %dma_start3A_298 = tpu.memref_slice %arg9[%dma_start3A_296, %dma_start3A_297] : memref<10240x16xf32, #tpu.memory_space<vmem_shared>> -> memref<10240x16xf32, #tpu.memory_space<vmem_shared>>
        tpu.enqueue_indirect_dma source(%dma_start3A_292 : memref<128x16xf32, #tpu.memory_space<vmem>>) target(%dma_start3A_298 : memref<10240x16xf32, #tpu.memory_space<vmem_shared>>) offsets(%dma_start3A_295 : memref<128xi32, #tpu.memory_space<vmem>>) semaphore(%run_scoped3A_288 : memref<!tpu.dma_semaphore, #tpu.memory_space<semaphore_mem>>) {add = true}
        %dma_wait3A_299 = arith.constant 0 : i32
        %dma_wait3A_300 = arith.constant 0 : i32
        %dma_wait3A_301 = tpu.memref_slice %arg7[%run_scoped3A_177, %dma_wait3A_299, %dma_wait3A_300] : memref<8x128x16xf32, #tpu.memory_space<vmem>> -> memref<1x128x16xf32, #tpu.memory_space<vmem>>
        %dma_wait3A_302 = tpu.memref_squeeze %dma_wait3A_301 : memref<1x128x16xf32, #tpu.memory_space<vmem>> -> memref<128x16xf32, #tpu.memory_space<vmem>>
        %dma_wait3A_303 = arith.constant 0 : i32
        %dma_wait3A_304 = tpu.memref_slice %arg6[%add3A_165, %dma_wait3A_303] : memref<80x128xi32, #tpu.memory_space<vmem>> -> memref<1x128xi32, #tpu.memory_space<vmem>>
        %dma_wait3A_305 = tpu.memref_squeeze %dma_wait3A_304 : memref<1x128xi32, #tpu.memory_space<vmem>> -> memref<128xi32, #tpu.memory_space<vmem>>
        %dma_wait3A_306 = arith.constant 0 : i32
        %dma_wait3A_307 = arith.constant 0 : i32
        %dma_wait3A_308 = tpu.memref_slice %arg9[%dma_wait3A_306, %dma_wait3A_307] : memref<10240x16xf32, #tpu.memory_space<vmem_shared>> -> memref<10240x16xf32, #tpu.memory_space<vmem_shared>>
        tpu.wait_indirect_dma semaphore(%run_scoped3A_288 : memref<!tpu.dma_semaphore, #tpu.memory_space<semaphore_mem>>) src(%dma_wait3A_302 : memref<128x16xf32, #tpu.memory_space<vmem>>) dst(%dma_wait3A_308 : memref<10240x16xf32, #tpu.memory_space<vmem_shared>>)
        tpu.yield
      }) : () -> ()
      %lt3A_178 = arith.constant 9 : i32
      %lt3A_179 = arith.cmpi slt, %scan3A_123, %lt3A_178 : i32
      %convert_element_type3A_180 = arith.extui %lt3A_179 : i1 to i32
      %cond3A_181 = arith.constant 0 : i32
      %cond3A_182 = arith.cmpi ne, %convert_element_type3A_180, %cond3A_181 : i32
      scf.if %cond3A_182 {
        %add3A_288 = arith.constant 8 : i32
        %add3A_289 = arith.addi %add3A_165, %add3A_288 : i32
        %dma_start3A_290 = arith.constant 2 : i32
        %dma_start3A_291 = arith.constant 0 : i32
        %dma_start3A_292 = arith.constant 0 : i32
        %dma_start3A_293 = tpu.memref_slice %arg7[%dma_start3A_290, %dma_start3A_291, %dma_start3A_292] : memref<8x128x16xf32, #tpu.memory_space<vmem>> -> memref<1x128x16xf32, #tpu.memory_space<vmem>>
        %dma_start3A_294 = tpu.memref_squeeze %dma_start3A_293 : memref<1x128x16xf32, #tpu.memory_space<vmem>> -> memref<128x16xf32, #tpu.memory_space<vmem>>
        %dma_start3A_295 = arith.constant 0 : i32
        %dma_start3A_296 = tpu.memref_slice %arg5[%add3A_289, %dma_start3A_295] : memref<80x128xi32, #tpu.memory_space<vmem>> -> memref<1x128xi32, #tpu.memory_space<vmem>>
        %dma_start3A_297 = tpu.memref_squeeze %dma_start3A_296 : memref<1x128xi32, #tpu.memory_space<vmem>> -> memref<128xi32, #tpu.memory_space<vmem>>
        %dma_start3A_298 = arith.constant 0 : i32
        %dma_start3A_299 = arith.constant 0 : i32
        %dma_start3A_300 = tpu.memref_slice %arg2[%dma_start3A_298, %dma_start3A_299] : memref<10240x16xf32, #tpu.memory_space<hbm>> -> memref<10240x16xf32, #tpu.memory_space<hbm>>
        tpu.enqueue_indirect_dma source(%dma_start3A_300 : memref<10240x16xf32, #tpu.memory_space<hbm>>) target(%dma_start3A_294 : memref<128x16xf32, #tpu.memory_space<vmem>>) offsets(%dma_start3A_297 : memref<128xi32, #tpu.memory_space<vmem>>) semaphore(%arg12 : memref<!tpu.dma_semaphore, #tpu.memory_space<semaphore_mem>>)
      } else {
      }
      %mul3A_183 = arith.constant 8 : i32
      %mul3A_184 = arith.muli %scan3A_123, %mul3A_183 : i32
      %add3A_185 = arith.constant 3 : i32
      %add3A_186 = arith.addi %mul3A_184, %add3A_185 : i32
      %dma_wait3A_187 = arith.constant 3 : i32
      %dma_wait3A_188 = arith.constant 0 : i32
      %dma_wait3A_189 = arith.constant 0 : i32
      %dma_wait3A_190 = tpu.memref_slice %arg7[%dma_wait3A_187, %dma_wait3A_188, %dma_wait3A_189] : memref<8x128x16xf32, #tpu.memory_space<vmem>> -> memref<1x128x16xf32, #tpu.memory_space<vmem>>
      %dma_wait3A_191 = tpu.memref_squeeze %dma_wait3A_190 : memref<1x128x16xf32, #tpu.memory_space<vmem>> -> memref<128x16xf32, #tpu.memory_space<vmem>>
      %dma_wait3A_192 = arith.constant 0 : i32
      %dma_wait3A_193 = tpu.memref_slice %arg5[%add3A_186, %dma_wait3A_192] : memref<80x128xi32, #tpu.memory_space<vmem>> -> memref<1x128xi32, #tpu.memory_space<vmem>>
      %dma_wait3A_194 = tpu.memref_squeeze %dma_wait3A_193 : memref<1x128xi32, #tpu.memory_space<vmem>> -> memref<128xi32, #tpu.memory_space<vmem>>
      %dma_wait3A_195 = arith.constant 0 : i32
      %dma_wait3A_196 = arith.constant 0 : i32
      %dma_wait3A_197 = tpu.memref_slice %arg2[%dma_wait3A_195, %dma_wait3A_196] : memref<10240x16xf32, #tpu.memory_space<hbm>> -> memref<10240x16xf32, #tpu.memory_space<hbm>>
      tpu.wait_indirect_dma semaphore(%arg13 : memref<!tpu.dma_semaphore, #tpu.memory_space<semaphore_mem>>) src(%dma_wait3A_197 : memref<10240x16xf32, #tpu.memory_space<hbm>>) dst(%dma_wait3A_191 : memref<128x16xf32, #tpu.memory_space<vmem>>)
      %run_scoped3A_198 = arith.constant 3 : i32
      "tpu.region"() ({
        %run_scoped3A_288 = tpu.sem_alloc : memref<!tpu.dma_semaphore, #tpu.memory_space<semaphore_mem>>
        %dma_start3A_289 = arith.constant 0 : i32
        %dma_start3A_290 = arith.constant 0 : i32
        %dma_start3A_291 = tpu.memref_slice %arg7[%run_scoped3A_198, %dma_start3A_289, %dma_start3A_290] : memref<8x128x16xf32, #tpu.memory_space<vmem>> -> memref<1x128x16xf32, #tpu.memory_space<vmem>>
        %dma_start3A_292 = tpu.memref_squeeze %dma_start3A_291 : memref<1x128x16xf32, #tpu.memory_space<vmem>> -> memref<128x16xf32, #tpu.memory_space<vmem>>
        %dma_start3A_293 = arith.constant 0 : i32
        %dma_start3A_294 = tpu.memref_slice %arg6[%add3A_186, %dma_start3A_293] : memref<80x128xi32, #tpu.memory_space<vmem>> -> memref<1x128xi32, #tpu.memory_space<vmem>>
        %dma_start3A_295 = tpu.memref_squeeze %dma_start3A_294 : memref<1x128xi32, #tpu.memory_space<vmem>> -> memref<128xi32, #tpu.memory_space<vmem>>
        %dma_start3A_296 = arith.constant 0 : i32
        %dma_start3A_297 = arith.constant 0 : i32
        %dma_start3A_298 = tpu.memref_slice %arg9[%dma_start3A_296, %dma_start3A_297] : memref<10240x16xf32, #tpu.memory_space<vmem_shared>> -> memref<10240x16xf32, #tpu.memory_space<vmem_shared>>
        tpu.enqueue_indirect_dma source(%dma_start3A_292 : memref<128x16xf32, #tpu.memory_space<vmem>>) target(%dma_start3A_298 : memref<10240x16xf32, #tpu.memory_space<vmem_shared>>) offsets(%dma_start3A_295 : memref<128xi32, #tpu.memory_space<vmem>>) semaphore(%run_scoped3A_288 : memref<!tpu.dma_semaphore, #tpu.memory_space<semaphore_mem>>) {add = true}
        %dma_wait3A_299 = arith.constant 0 : i32
        %dma_wait3A_300 = arith.constant 0 : i32
        %dma_wait3A_301 = tpu.memref_slice %arg7[%run_scoped3A_198, %dma_wait3A_299, %dma_wait3A_300] : memref<8x128x16xf32, #tpu.memory_space<vmem>> -> memref<1x128x16xf32, #tpu.memory_space<vmem>>
        %dma_wait3A_302 = tpu.memref_squeeze %dma_wait3A_301 : memref<1x128x16xf32, #tpu.memory_space<vmem>> -> memref<128x16xf32, #tpu.memory_space<vmem>>
        %dma_wait3A_303 = arith.constant 0 : i32
        %dma_wait3A_304 = tpu.memref_slice %arg6[%add3A_186, %dma_wait3A_303] : memref<80x128xi32, #tpu.memory_space<vmem>> -> memref<1x128xi32, #tpu.memory_space<vmem>>
        %dma_wait3A_305 = tpu.memref_squeeze %dma_wait3A_304 : memref<1x128xi32, #tpu.memory_space<vmem>> -> memref<128xi32, #tpu.memory_space<vmem>>
        %dma_wait3A_306 = arith.constant 0 : i32
        %dma_wait3A_307 = arith.constant 0 : i32
        %dma_wait3A_308 = tpu.memref_slice %arg9[%dma_wait3A_306, %dma_wait3A_307] : memref<10240x16xf32, #tpu.memory_space<vmem_shared>> -> memref<10240x16xf32, #tpu.memory_space<vmem_shared>>
        tpu.wait_indirect_dma semaphore(%run_scoped3A_288 : memref<!tpu.dma_semaphore, #tpu.memory_space<semaphore_mem>>) src(%dma_wait3A_302 : memref<128x16xf32, #tpu.memory_space<vmem>>) dst(%dma_wait3A_308 : memref<10240x16xf32, #tpu.memory_space<vmem_shared>>)
        tpu.yield
      }) : () -> ()
      %lt3A_199 = arith.constant 9 : i32
      %lt3A_200 = arith.cmpi slt, %scan3A_123, %lt3A_199 : i32
      %convert_element_type3A_201 = arith.extui %lt3A_200 : i1 to i32
      %cond3A_202 = arith.constant 0 : i32
      %cond3A_203 = arith.cmpi ne, %convert_element_type3A_201, %cond3A_202 : i32
      scf.if %cond3A_203 {
        %add3A_288 = arith.constant 8 : i32
        %add3A_289 = arith.addi %add3A_186, %add3A_288 : i32
        %dma_start3A_290 = arith.constant 3 : i32
        %dma_start3A_291 = arith.constant 0 : i32
        %dma_start3A_292 = arith.constant 0 : i32
        %dma_start3A_293 = tpu.memref_slice %arg7[%dma_start3A_290, %dma_start3A_291, %dma_start3A_292] : memref<8x128x16xf32, #tpu.memory_space<vmem>> -> memref<1x128x16xf32, #tpu.memory_space<vmem>>
        %dma_start3A_294 = tpu.memref_squeeze %dma_start3A_293 : memref<1x128x16xf32, #tpu.memory_space<vmem>> -> memref<128x16xf32, #tpu.memory_space<vmem>>
        %dma_start3A_295 = arith.constant 0 : i32
        %dma_start3A_296 = tpu.memref_slice %arg5[%add3A_289, %dma_start3A_295] : memref<80x128xi32, #tpu.memory_space<vmem>> -> memref<1x128xi32, #tpu.memory_space<vmem>>
        %dma_start3A_297 = tpu.memref_squeeze %dma_start3A_296 : memref<1x128xi32, #tpu.memory_space<vmem>> -> memref<128xi32, #tpu.memory_space<vmem>>
        %dma_start3A_298 = arith.constant 0 : i32
        %dma_start3A_299 = arith.constant 0 : i32
        %dma_start3A_300 = tpu.memref_slice %arg2[%dma_start3A_298, %dma_start3A_299] : memref<10240x16xf32, #tpu.memory_space<hbm>> -> memref<10240x16xf32, #tpu.memory_space<hbm>>
        tpu.enqueue_indirect_dma source(%dma_start3A_300 : memref<10240x16xf32, #tpu.memory_space<hbm>>) target(%dma_start3A_294 : memref<128x16xf32, #tpu.memory_space<vmem>>) offsets(%dma_start3A_297 : memref<128xi32, #tpu.memory_space<vmem>>) semaphore(%arg13 : memref<!tpu.dma_semaphore, #tpu.memory_space<semaphore_mem>>)
      } else {
      }
      %mul3A_204 = arith.constant 8 : i32
      %mul3A_205 = arith.muli %scan3A_123, %mul3A_204 : i32
      %add3A_206 = arith.constant 4 : i32
      %add3A_207 = arith.addi %mul3A_205, %add3A_206 : i32
      %dma_wait3A_208 = arith.constant 4 : i32
      %dma_wait3A_209 = arith.constant 0 : i32
      %dma_wait3A_210 = arith.constant 0 : i32
      %dma_wait3A_211 = tpu.memref_slice %arg7[%dma_wait3A_208, %dma_wait3A_209, %dma_wait3A_210] : memref<8x128x16xf32, #tpu.memory_space<vmem>> -> memref<1x128x16xf32, #tpu.memory_space<vmem>>
      %dma_wait3A_212 = tpu.memref_squeeze %dma_wait3A_211 : memref<1x128x16xf32, #tpu.memory_space<vmem>> -> memref<128x16xf32, #tpu.memory_space<vmem>>
      %dma_wait3A_213 = arith.constant 0 : i32
      %dma_wait3A_214 = tpu.memref_slice %arg5[%add3A_207, %dma_wait3A_213] : memref<80x128xi32, #tpu.memory_space<vmem>> -> memref<1x128xi32, #tpu.memory_space<vmem>>
      %dma_wait3A_215 = tpu.memref_squeeze %dma_wait3A_214 : memref<1x128xi32, #tpu.memory_space<vmem>> -> memref<128xi32, #tpu.memory_space<vmem>>
      %dma_wait3A_216 = arith.constant 0 : i32
      %dma_wait3A_217 = arith.constant 0 : i32
      %dma_wait3A_218 = tpu.memref_slice %arg2[%dma_wait3A_216, %dma_wait3A_217] : memref<10240x16xf32, #tpu.memory_space<hbm>> -> memref<10240x16xf32, #tpu.memory_space<hbm>>
      tpu.wait_indirect_dma semaphore(%arg14 : memref<!tpu.dma_semaphore, #tpu.memory_space<semaphore_mem>>) src(%dma_wait3A_218 : memref<10240x16xf32, #tpu.memory_space<hbm>>) dst(%dma_wait3A_212 : memref<128x16xf32, #tpu.memory_space<vmem>>)
      %run_scoped3A_219 = arith.constant 4 : i32
      "tpu.region"() ({
        %run_scoped3A_288 = tpu.sem_alloc : memref<!tpu.dma_semaphore, #tpu.memory_space<semaphore_mem>>
        %dma_start3A_289 = arith.constant 0 : i32
        %dma_start3A_290 = arith.constant 0 : i32
        %dma_start3A_291 = tpu.memref_slice %arg7[%run_scoped3A_219, %dma_start3A_289, %dma_start3A_290] : memref<8x128x16xf32, #tpu.memory_space<vmem>> -> memref<1x128x16xf32, #tpu.memory_space<vmem>>
        %dma_start3A_292 = tpu.memref_squeeze %dma_start3A_291 : memref<1x128x16xf32, #tpu.memory_space<vmem>> -> memref<128x16xf32, #tpu.memory_space<vmem>>
        %dma_start3A_293 = arith.constant 0 : i32
        %dma_start3A_294 = tpu.memref_slice %arg6[%add3A_207, %dma_start3A_293] : memref<80x128xi32, #tpu.memory_space<vmem>> -> memref<1x128xi32, #tpu.memory_space<vmem>>
        %dma_start3A_295 = tpu.memref_squeeze %dma_start3A_294 : memref<1x128xi32, #tpu.memory_space<vmem>> -> memref<128xi32, #tpu.memory_space<vmem>>
        %dma_start3A_296 = arith.constant 0 : i32
        %dma_start3A_297 = arith.constant 0 : i32
        %dma_start3A_298 = tpu.memref_slice %arg9[%dma_start3A_296, %dma_start3A_297] : memref<10240x16xf32, #tpu.memory_space<vmem_shared>> -> memref<10240x16xf32, #tpu.memory_space<vmem_shared>>
        tpu.enqueue_indirect_dma source(%dma_start3A_292 : memref<128x16xf32, #tpu.memory_space<vmem>>) target(%dma_start3A_298 : memref<10240x16xf32, #tpu.memory_space<vmem_shared>>) offsets(%dma_start3A_295 : memref<128xi32, #tpu.memory_space<vmem>>) semaphore(%run_scoped3A_288 : memref<!tpu.dma_semaphore, #tpu.memory_space<semaphore_mem>>) {add = true}
        %dma_wait3A_299 = arith.constant 0 : i32
        %dma_wait3A_300 = arith.constant 0 : i32
        %dma_wait3A_301 = tpu.memref_slice %arg7[%run_scoped3A_219, %dma_wait3A_299, %dma_wait3A_300] : memref<8x128x16xf32, #tpu.memory_space<vmem>> -> memref<1x128x16xf32, #tpu.memory_space<vmem>>
        %dma_wait3A_302 = tpu.memref_squeeze %dma_wait3A_301 : memref<1x128x16xf32, #tpu.memory_space<vmem>> -> memref<128x16xf32, #tpu.memory_space<vmem>>
        %dma_wait3A_303 = arith.constant 0 : i32
        %dma_wait3A_304 = tpu.memref_slice %arg6[%add3A_207, %dma_wait3A_303] : memref<80x128xi32, #tpu.memory_space<vmem>> -> memref<1x128xi32, #tpu.memory_space<vmem>>
        %dma_wait3A_305 = tpu.memref_squeeze %dma_wait3A_304 : memref<1x128xi32, #tpu.memory_space<vmem>> -> memref<128xi32, #tpu.memory_space<vmem>>
        %dma_wait3A_306 = arith.constant 0 : i32
        %dma_wait3A_307 = arith.constant 0 : i32
        %dma_wait3A_308 = tpu.memref_slice %arg9[%dma_wait3A_306, %dma_wait3A_307] : memref<10240x16xf32, #tpu.memory_space<vmem_shared>> -> memref<10240x16xf32, #tpu.memory_space<vmem_shared>>
        tpu.wait_indirect_dma semaphore(%run_scoped3A_288 : memref<!tpu.dma_semaphore, #tpu.memory_space<semaphore_mem>>) src(%dma_wait3A_302 : memref<128x16xf32, #tpu.memory_space<vmem>>) dst(%dma_wait3A_308 : memref<10240x16xf32, #tpu.memory_space<vmem_shared>>)
        tpu.yield
      }) : () -> ()
      %lt3A_220 = arith.constant 9 : i32
      %lt3A_221 = arith.cmpi slt, %scan3A_123, %lt3A_220 : i32
      %convert_element_type3A_222 = arith.extui %lt3A_221 : i1 to i32
      %cond3A_223 = arith.constant 0 : i32
      %cond3A_224 = arith.cmpi ne, %convert_element_type3A_222, %cond3A_223 : i32
      scf.if %cond3A_224 {
        %add3A_288 = arith.constant 8 : i32
        %add3A_289 = arith.addi %add3A_207, %add3A_288 : i32
        %dma_start3A_290 = arith.constant 4 : i32
        %dma_start3A_291 = arith.constant 0 : i32
        %dma_start3A_292 = arith.constant 0 : i32
        %dma_start3A_293 = tpu.memref_slice %arg7[%dma_start3A_290, %dma_start3A_291, %dma_start3A_292] : memref<8x128x16xf32, #tpu.memory_space<vmem>> -> memref<1x128x16xf32, #tpu.memory_space<vmem>>
        %dma_start3A_294 = tpu.memref_squeeze %dma_start3A_293 : memref<1x128x16xf32, #tpu.memory_space<vmem>> -> memref<128x16xf32, #tpu.memory_space<vmem>>
        %dma_start3A_295 = arith.constant 0 : i32
        %dma_start3A_296 = tpu.memref_slice %arg5[%add3A_289, %dma_start3A_295] : memref<80x128xi32, #tpu.memory_space<vmem>> -> memref<1x128xi32, #tpu.memory_space<vmem>>
        %dma_start3A_297 = tpu.memref_squeeze %dma_start3A_296 : memref<1x128xi32, #tpu.memory_space<vmem>> -> memref<128xi32, #tpu.memory_space<vmem>>
        %dma_start3A_298 = arith.constant 0 : i32
        %dma_start3A_299 = arith.constant 0 : i32
        %dma_start3A_300 = tpu.memref_slice %arg2[%dma_start3A_298, %dma_start3A_299] : memref<10240x16xf32, #tpu.memory_space<hbm>> -> memref<10240x16xf32, #tpu.memory_space<hbm>>
        tpu.enqueue_indirect_dma source(%dma_start3A_300 : memref<10240x16xf32, #tpu.memory_space<hbm>>) target(%dma_start3A_294 : memref<128x16xf32, #tpu.memory_space<vmem>>) offsets(%dma_start3A_297 : memref<128xi32, #tpu.memory_space<vmem>>) semaphore(%arg14 : memref<!tpu.dma_semaphore, #tpu.memory_space<semaphore_mem>>)
      } else {
      }
      %mul3A_225 = arith.constant 8 : i32
      %mul3A_226 = arith.muli %scan3A_123, %mul3A_225 : i32
      %add3A_227 = arith.constant 5 : i32
      %add3A_228 = arith.addi %mul3A_226, %add3A_227 : i32
      %dma_wait3A_229 = arith.constant 5 : i32
      %dma_wait3A_230 = arith.constant 0 : i32
      %dma_wait3A_231 = arith.constant 0 : i32
      %dma_wait3A_232 = tpu.memref_slice %arg7[%dma_wait3A_229, %dma_wait3A_230, %dma_wait3A_231] : memref<8x128x16xf32, #tpu.memory_space<vmem>> -> memref<1x128x16xf32, #tpu.memory_space<vmem>>
      %dma_wait3A_233 = tpu.memref_squeeze %dma_wait3A_232 : memref<1x128x16xf32, #tpu.memory_space<vmem>> -> memref<128x16xf32, #tpu.memory_space<vmem>>
      %dma_wait3A_234 = arith.constant 0 : i32
      %dma_wait3A_235 = tpu.memref_slice %arg5[%add3A_228, %dma_wait3A_234] : memref<80x128xi32, #tpu.memory_space<vmem>> -> memref<1x128xi32, #tpu.memory_space<vmem>>
      %dma_wait3A_236 = tpu.memref_squeeze %dma_wait3A_235 : memref<1x128xi32, #tpu.memory_space<vmem>> -> memref<128xi32, #tpu.memory_space<vmem>>
      %dma_wait3A_237 = arith.constant 0 : i32
      %dma_wait3A_238 = arith.constant 0 : i32
      %dma_wait3A_239 = tpu.memref_slice %arg2[%dma_wait3A_237, %dma_wait3A_238] : memref<10240x16xf32, #tpu.memory_space<hbm>> -> memref<10240x16xf32, #tpu.memory_space<hbm>>
      tpu.wait_indirect_dma semaphore(%arg15 : memref<!tpu.dma_semaphore, #tpu.memory_space<semaphore_mem>>) src(%dma_wait3A_239 : memref<10240x16xf32, #tpu.memory_space<hbm>>) dst(%dma_wait3A_233 : memref<128x16xf32, #tpu.memory_space<vmem>>)
      %run_scoped3A_240 = arith.constant 5 : i32
      "tpu.region"() ({
        %run_scoped3A_288 = tpu.sem_alloc : memref<!tpu.dma_semaphore, #tpu.memory_space<semaphore_mem>>
        %dma_start3A_289 = arith.constant 0 : i32
        %dma_start3A_290 = arith.constant 0 : i32
        %dma_start3A_291 = tpu.memref_slice %arg7[%run_scoped3A_240, %dma_start3A_289, %dma_start3A_290] : memref<8x128x16xf32, #tpu.memory_space<vmem>> -> memref<1x128x16xf32, #tpu.memory_space<vmem>>
        %dma_start3A_292 = tpu.memref_squeeze %dma_start3A_291 : memref<1x128x16xf32, #tpu.memory_space<vmem>> -> memref<128x16xf32, #tpu.memory_space<vmem>>
        %dma_start3A_293 = arith.constant 0 : i32
        %dma_start3A_294 = tpu.memref_slice %arg6[%add3A_228, %dma_start3A_293] : memref<80x128xi32, #tpu.memory_space<vmem>> -> memref<1x128xi32, #tpu.memory_space<vmem>>
        %dma_start3A_295 = tpu.memref_squeeze %dma_start3A_294 : memref<1x128xi32, #tpu.memory_space<vmem>> -> memref<128xi32, #tpu.memory_space<vmem>>
        %dma_start3A_296 = arith.constant 0 : i32
        %dma_start3A_297 = arith.constant 0 : i32
        %dma_start3A_298 = tpu.memref_slice %arg9[%dma_start3A_296, %dma_start3A_297] : memref<10240x16xf32, #tpu.memory_space<vmem_shared>> -> memref<10240x16xf32, #tpu.memory_space<vmem_shared>>
        tpu.enqueue_indirect_dma source(%dma_start3A_292 : memref<128x16xf32, #tpu.memory_space<vmem>>) target(%dma_start3A_298 : memref<10240x16xf32, #tpu.memory_space<vmem_shared>>) offsets(%dma_start3A_295 : memref<128xi32, #tpu.memory_space<vmem>>) semaphore(%run_scoped3A_288 : memref<!tpu.dma_semaphore, #tpu.memory_space<semaphore_mem>>) {add = true}
        %dma_wait3A_299 = arith.constant 0 : i32
        %dma_wait3A_300 = arith.constant 0 : i32
        %dma_wait3A_301 = tpu.memref_slice %arg7[%run_scoped3A_240, %dma_wait3A_299, %dma_wait3A_300] : memref<8x128x16xf32, #tpu.memory_space<vmem>> -> memref<1x128x16xf32, #tpu.memory_space<vmem>>
        %dma_wait3A_302 = tpu.memref_squeeze %dma_wait3A_301 : memref<1x128x16xf32, #tpu.memory_space<vmem>> -> memref<128x16xf32, #tpu.memory_space<vmem>>
        %dma_wait3A_303 = arith.constant 0 : i32
        %dma_wait3A_304 = tpu.memref_slice %arg6[%add3A_228, %dma_wait3A_303] : memref<80x128xi32, #tpu.memory_space<vmem>> -> memref<1x128xi32, #tpu.memory_space<vmem>>
        %dma_wait3A_305 = tpu.memref_squeeze %dma_wait3A_304 : memref<1x128xi32, #tpu.memory_space<vmem>> -> memref<128xi32, #tpu.memory_space<vmem>>
        %dma_wait3A_306 = arith.constant 0 : i32
        %dma_wait3A_307 = arith.constant 0 : i32
        %dma_wait3A_308 = tpu.memref_slice %arg9[%dma_wait3A_306, %dma_wait3A_307] : memref<10240x16xf32, #tpu.memory_space<vmem_shared>> -> memref<10240x16xf32, #tpu.memory_space<vmem_shared>>
        tpu.wait_indirect_dma semaphore(%run_scoped3A_288 : memref<!tpu.dma_semaphore, #tpu.memory_space<semaphore_mem>>) src(%dma_wait3A_302 : memref<128x16xf32, #tpu.memory_space<vmem>>) dst(%dma_wait3A_308 : memref<10240x16xf32, #tpu.memory_space<vmem_shared>>)
        tpu.yield
      }) : () -> ()
      %lt3A_241 = arith.constant 9 : i32
      %lt3A_242 = arith.cmpi slt, %scan3A_123, %lt3A_241 : i32
      %convert_element_type3A_243 = arith.extui %lt3A_242 : i1 to i32
      %cond3A_244 = arith.constant 0 : i32
      %cond3A_245 = arith.cmpi ne, %convert_element_type3A_243, %cond3A_244 : i32
      scf.if %cond3A_245 {
        %add3A_288 = arith.constant 8 : i32
        %add3A_289 = arith.addi %add3A_228, %add3A_288 : i32
        %dma_start3A_290 = arith.constant 5 : i32
        %dma_start3A_291 = arith.constant 0 : i32
        %dma_start3A_292 = arith.constant 0 : i32
        %dma_start3A_293 = tpu.memref_slice %arg7[%dma_start3A_290, %dma_start3A_291, %dma_start3A_292] : memref<8x128x16xf32, #tpu.memory_space<vmem>> -> memref<1x128x16xf32, #tpu.memory_space<vmem>>
        %dma_start3A_294 = tpu.memref_squeeze %dma_start3A_293 : memref<1x128x16xf32, #tpu.memory_space<vmem>> -> memref<128x16xf32, #tpu.memory_space<vmem>>
        %dma_start3A_295 = arith.constant 0 : i32
        %dma_start3A_296 = tpu.memref_slice %arg5[%add3A_289, %dma_start3A_295] : memref<80x128xi32, #tpu.memory_space<vmem>> -> memref<1x128xi32, #tpu.memory_space<vmem>>
        %dma_start3A_297 = tpu.memref_squeeze %dma_start3A_296 : memref<1x128xi32, #tpu.memory_space<vmem>> -> memref<128xi32, #tpu.memory_space<vmem>>
        %dma_start3A_298 = arith.constant 0 : i32
        %dma_start3A_299 = arith.constant 0 : i32
        %dma_start3A_300 = tpu.memref_slice %arg2[%dma_start3A_298, %dma_start3A_299] : memref<10240x16xf32, #tpu.memory_space<hbm>> -> memref<10240x16xf32, #tpu.memory_space<hbm>>
        tpu.enqueue_indirect_dma source(%dma_start3A_300 : memref<10240x16xf32, #tpu.memory_space<hbm>>) target(%dma_start3A_294 : memref<128x16xf32, #tpu.memory_space<vmem>>) offsets(%dma_start3A_297 : memref<128xi32, #tpu.memory_space<vmem>>) semaphore(%arg15 : memref<!tpu.dma_semaphore, #tpu.memory_space<semaphore_mem>>)
      } else {
      }
      %mul3A_246 = arith.constant 8 : i32
      %mul3A_247 = arith.muli %scan3A_123, %mul3A_246 : i32
      %add3A_248 = arith.constant 6 : i32
      %add3A_249 = arith.addi %mul3A_247, %add3A_248 : i32
      %dma_wait3A_250 = arith.constant 6 : i32
      %dma_wait3A_251 = arith.constant 0 : i32
      %dma_wait3A_252 = arith.constant 0 : i32
      %dma_wait3A_253 = tpu.memref_slice %arg7[%dma_wait3A_250, %dma_wait3A_251, %dma_wait3A_252] : memref<8x128x16xf32, #tpu.memory_space<vmem>> -> memref<1x128x16xf32, #tpu.memory_space<vmem>>
      %dma_wait3A_254 = tpu.memref_squeeze %dma_wait3A_253 : memref<1x128x16xf32, #tpu.memory_space<vmem>> -> memref<128x16xf32, #tpu.memory_space<vmem>>
      %dma_wait3A_255 = arith.constant 0 : i32
      %dma_wait3A_256 = tpu.memref_slice %arg5[%add3A_249, %dma_wait3A_255] : memref<80x128xi32, #tpu.memory_space<vmem>> -> memref<1x128xi32, #tpu.memory_space<vmem>>
      %dma_wait3A_257 = tpu.memref_squeeze %dma_wait3A_256 : memref<1x128xi32, #tpu.memory_space<vmem>> -> memref<128xi32, #tpu.memory_space<vmem>>
      %dma_wait3A_258 = arith.constant 0 : i32
      %dma_wait3A_259 = arith.constant 0 : i32
      %dma_wait3A_260 = tpu.memref_slice %arg2[%dma_wait3A_258, %dma_wait3A_259] : memref<10240x16xf32, #tpu.memory_space<hbm>> -> memref<10240x16xf32, #tpu.memory_space<hbm>>
      tpu.wait_indirect_dma semaphore(%arg16 : memref<!tpu.dma_semaphore, #tpu.memory_space<semaphore_mem>>) src(%dma_wait3A_260 : memref<10240x16xf32, #tpu.memory_space<hbm>>) dst(%dma_wait3A_254 : memref<128x16xf32, #tpu.memory_space<vmem>>)
      %run_scoped3A_261 = arith.constant 6 : i32
      "tpu.region"() ({
        %run_scoped3A_288 = tpu.sem_alloc : memref<!tpu.dma_semaphore, #tpu.memory_space<semaphore_mem>>
        %dma_start3A_289 = arith.constant 0 : i32
        %dma_start3A_290 = arith.constant 0 : i32
        %dma_start3A_291 = tpu.memref_slice %arg7[%run_scoped3A_261, %dma_start3A_289, %dma_start3A_290] : memref<8x128x16xf32, #tpu.memory_space<vmem>> -> memref<1x128x16xf32, #tpu.memory_space<vmem>>
        %dma_start3A_292 = tpu.memref_squeeze %dma_start3A_291 : memref<1x128x16xf32, #tpu.memory_space<vmem>> -> memref<128x16xf32, #tpu.memory_space<vmem>>
        %dma_start3A_293 = arith.constant 0 : i32
        %dma_start3A_294 = tpu.memref_slice %arg6[%add3A_249, %dma_start3A_293] : memref<80x128xi32, #tpu.memory_space<vmem>> -> memref<1x128xi32, #tpu.memory_space<vmem>>
        %dma_start3A_295 = tpu.memref_squeeze %dma_start3A_294 : memref<1x128xi32, #tpu.memory_space<vmem>> -> memref<128xi32, #tpu.memory_space<vmem>>
        %dma_start3A_296 = arith.constant 0 : i32
        %dma_start3A_297 = arith.constant 0 : i32
        %dma_start3A_298 = tpu.memref_slice %arg9[%dma_start3A_296, %dma_start3A_297] : memref<10240x16xf32, #tpu.memory_space<vmem_shared>> -> memref<10240x16xf32, #tpu.memory_space<vmem_shared>>
        tpu.enqueue_indirect_dma source(%dma_start3A_292 : memref<128x16xf32, #tpu.memory_space<vmem>>) target(%dma_start3A_298 : memref<10240x16xf32, #tpu.memory_space<vmem_shared>>) offsets(%dma_start3A_295 : memref<128xi32, #tpu.memory_space<vmem>>) semaphore(%run_scoped3A_288 : memref<!tpu.dma_semaphore, #tpu.memory_space<semaphore_mem>>) {add = true}
        %dma_wait3A_299 = arith.constant 0 : i32
        %dma_wait3A_300 = arith.constant 0 : i32
        %dma_wait3A_301 = tpu.memref_slice %arg7[%run_scoped3A_261, %dma_wait3A_299, %dma_wait3A_300] : memref<8x128x16xf32, #tpu.memory_space<vmem>> -> memref<1x128x16xf32, #tpu.memory_space<vmem>>
        %dma_wait3A_302 = tpu.memref_squeeze %dma_wait3A_301 : memref<1x128x16xf32, #tpu.memory_space<vmem>> -> memref<128x16xf32, #tpu.memory_space<vmem>>
        %dma_wait3A_303 = arith.constant 0 : i32
        %dma_wait3A_304 = tpu.memref_slice %arg6[%add3A_249, %dma_wait3A_303] : memref<80x128xi32, #tpu.memory_space<vmem>> -> memref<1x128xi32, #tpu.memory_space<vmem>>
        %dma_wait3A_305 = tpu.memref_squeeze %dma_wait3A_304 : memref<1x128xi32, #tpu.memory_space<vmem>> -> memref<128xi32, #tpu.memory_space<vmem>>
        %dma_wait3A_306 = arith.constant 0 : i32
        %dma_wait3A_307 = arith.constant 0 : i32
        %dma_wait3A_308 = tpu.memref_slice %arg9[%dma_wait3A_306, %dma_wait3A_307] : memref<10240x16xf32, #tpu.memory_space<vmem_shared>> -> memref<10240x16xf32, #tpu.memory_space<vmem_shared>>
        tpu.wait_indirect_dma semaphore(%run_scoped3A_288 : memref<!tpu.dma_semaphore, #tpu.memory_space<semaphore_mem>>) src(%dma_wait3A_302 : memref<128x16xf32, #tpu.memory_space<vmem>>) dst(%dma_wait3A_308 : memref<10240x16xf32, #tpu.memory_space<vmem_shared>>)
        tpu.yield
      }) : () -> ()
      %lt3A_262 = arith.constant 9 : i32
      %lt3A_263 = arith.cmpi slt, %scan3A_123, %lt3A_262 : i32
      %convert_element_type3A_264 = arith.extui %lt3A_263 : i1 to i32
      %cond3A_265 = arith.constant 0 : i32
      %cond3A_266 = arith.cmpi ne, %convert_element_type3A_264, %cond3A_265 : i32
      scf.if %cond3A_266 {
        %add3A_288 = arith.constant 8 : i32
        %add3A_289 = arith.addi %add3A_249, %add3A_288 : i32
        %dma_start3A_290 = arith.constant 6 : i32
        %dma_start3A_291 = arith.constant 0 : i32
        %dma_start3A_292 = arith.constant 0 : i32
        %dma_start3A_293 = tpu.memref_slice %arg7[%dma_start3A_290, %dma_start3A_291, %dma_start3A_292] : memref<8x128x16xf32, #tpu.memory_space<vmem>> -> memref<1x128x16xf32, #tpu.memory_space<vmem>>
        %dma_start3A_294 = tpu.memref_squeeze %dma_start3A_293 : memref<1x128x16xf32, #tpu.memory_space<vmem>> -> memref<128x16xf32, #tpu.memory_space<vmem>>
        %dma_start3A_295 = arith.constant 0 : i32
        %dma_start3A_296 = tpu.memref_slice %arg5[%add3A_289, %dma_start3A_295] : memref<80x128xi32, #tpu.memory_space<vmem>> -> memref<1x128xi32, #tpu.memory_space<vmem>>
        %dma_start3A_297 = tpu.memref_squeeze %dma_start3A_296 : memref<1x128xi32, #tpu.memory_space<vmem>> -> memref<128xi32, #tpu.memory_space<vmem>>
        %dma_start3A_298 = arith.constant 0 : i32
        %dma_start3A_299 = arith.constant 0 : i32
        %dma_start3A_300 = tpu.memref_slice %arg2[%dma_start3A_298, %dma_start3A_299] : memref<10240x16xf32, #tpu.memory_space<hbm>> -> memref<10240x16xf32, #tpu.memory_space<hbm>>
        tpu.enqueue_indirect_dma source(%dma_start3A_300 : memref<10240x16xf32, #tpu.memory_space<hbm>>) target(%dma_start3A_294 : memref<128x16xf32, #tpu.memory_space<vmem>>) offsets(%dma_start3A_297 : memref<128xi32, #tpu.memory_space<vmem>>) semaphore(%arg16 : memref<!tpu.dma_semaphore, #tpu.memory_space<semaphore_mem>>)
      } else {
      }
      %mul3A_267 = arith.constant 8 : i32
      %mul3A_268 = arith.muli %scan3A_123, %mul3A_267 : i32
      %add3A_269 = arith.constant 7 : i32
      %add3A_270 = arith.addi %mul3A_268, %add3A_269 : i32
      %dma_wait3A_271 = arith.constant 7 : i32
      %dma_wait3A_272 = arith.constant 0 : i32
      %dma_wait3A_273 = arith.constant 0 : i32
      %dma_wait3A_274 = tpu.memref_slice %arg7[%dma_wait3A_271, %dma_wait3A_272, %dma_wait3A_273] : memref<8x128x16xf32, #tpu.memory_space<vmem>> -> memref<1x128x16xf32, #tpu.memory_space<vmem>>
      %dma_wait3A_275 = tpu.memref_squeeze %dma_wait3A_274 : memref<1x128x16xf32, #tpu.memory_space<vmem>> -> memref<128x16xf32, #tpu.memory_space<vmem>>
      %dma_wait3A_276 = arith.constant 0 : i32
      %dma_wait3A_277 = tpu.memref_slice %arg5[%add3A_270, %dma_wait3A_276] : memref<80x128xi32, #tpu.memory_space<vmem>> -> memref<1x128xi32, #tpu.memory_space<vmem>>
      %dma_wait3A_278 = tpu.memref_squeeze %dma_wait3A_277 : memref<1x128xi32, #tpu.memory_space<vmem>> -> memref<128xi32, #tpu.memory_space<vmem>>
      %dma_wait3A_279 = arith.constant 0 : i32
      %dma_wait3A_280 = arith.constant 0 : i32
      %dma_wait3A_281 = tpu.memref_slice %arg2[%dma_wait3A_279, %dma_wait3A_280] : memref<10240x16xf32, #tpu.memory_space<hbm>> -> memref<10240x16xf32, #tpu.memory_space<hbm>>
      tpu.wait_indirect_dma semaphore(%arg17 : memref<!tpu.dma_semaphore, #tpu.memory_space<semaphore_mem>>) src(%dma_wait3A_281 : memref<10240x16xf32, #tpu.memory_space<hbm>>) dst(%dma_wait3A_275 : memref<128x16xf32, #tpu.memory_space<vmem>>)
      %run_scoped3A_282 = arith.constant 7 : i32
      "tpu.region"() ({
        %run_scoped3A_288 = tpu.sem_alloc : memref<!tpu.dma_semaphore, #tpu.memory_space<semaphore_mem>>
        %dma_start3A_289 = arith.constant 0 : i32
        %dma_start3A_290 = arith.constant 0 : i32
        %dma_start3A_291 = tpu.memref_slice %arg7[%run_scoped3A_282, %dma_start3A_289, %dma_start3A_290] : memref<8x128x16xf32, #tpu.memory_space<vmem>> -> memref<1x128x16xf32, #tpu.memory_space<vmem>>
        %dma_start3A_292 = tpu.memref_squeeze %dma_start3A_291 : memref<1x128x16xf32, #tpu.memory_space<vmem>> -> memref<128x16xf32, #tpu.memory_space<vmem>>
        %dma_start3A_293 = arith.constant 0 : i32
        %dma_start3A_294 = tpu.memref_slice %arg6[%add3A_270, %dma_start3A_293] : memref<80x128xi32, #tpu.memory_space<vmem>> -> memref<1x128xi32, #tpu.memory_space<vmem>>
        %dma_start3A_295 = tpu.memref_squeeze %dma_start3A_294 : memref<1x128xi32, #tpu.memory_space<vmem>> -> memref<128xi32, #tpu.memory_space<vmem>>
        %dma_start3A_296 = arith.constant 0 : i32
        %dma_start3A_297 = arith.constant 0 : i32
        %dma_start3A_298 = tpu.memref_slice %arg9[%dma_start3A_296, %dma_start3A_297] : memref<10240x16xf32, #tpu.memory_space<vmem_shared>> -> memref<10240x16xf32, #tpu.memory_space<vmem_shared>>
        tpu.enqueue_indirect_dma source(%dma_start3A_292 : memref<128x16xf32, #tpu.memory_space<vmem>>) target(%dma_start3A_298 : memref<10240x16xf32, #tpu.memory_space<vmem_shared>>) offsets(%dma_start3A_295 : memref<128xi32, #tpu.memory_space<vmem>>) semaphore(%run_scoped3A_288 : memref<!tpu.dma_semaphore, #tpu.memory_space<semaphore_mem>>) {add = true}
        %dma_wait3A_299 = arith.constant 0 : i32
        %dma_wait3A_300 = arith.constant 0 : i32
        %dma_wait3A_301 = tpu.memref_slice %arg7[%run_scoped3A_282, %dma_wait3A_299, %dma_wait3A_300] : memref<8x128x16xf32, #tpu.memory_space<vmem>> -> memref<1x128x16xf32, #tpu.memory_space<vmem>>
        %dma_wait3A_302 = tpu.memref_squeeze %dma_wait3A_301 : memref<1x128x16xf32, #tpu.memory_space<vmem>> -> memref<128x16xf32, #tpu.memory_space<vmem>>
        %dma_wait3A_303 = arith.constant 0 : i32
        %dma_wait3A_304 = tpu.memref_slice %arg6[%add3A_270, %dma_wait3A_303] : memref<80x128xi32, #tpu.memory_space<vmem>> -> memref<1x128xi32, #tpu.memory_space<vmem>>
        %dma_wait3A_305 = tpu.memref_squeeze %dma_wait3A_304 : memref<1x128xi32, #tpu.memory_space<vmem>> -> memref<128xi32, #tpu.memory_space<vmem>>
        %dma_wait3A_306 = arith.constant 0 : i32
        %dma_wait3A_307 = arith.constant 0 : i32
        %dma_wait3A_308 = tpu.memref_slice %arg9[%dma_wait3A_306, %dma_wait3A_307] : memref<10240x16xf32, #tpu.memory_space<vmem_shared>> -> memref<10240x16xf32, #tpu.memory_space<vmem_shared>>
        tpu.wait_indirect_dma semaphore(%run_scoped3A_288 : memref<!tpu.dma_semaphore, #tpu.memory_space<semaphore_mem>>) src(%dma_wait3A_302 : memref<128x16xf32, #tpu.memory_space<vmem>>) dst(%dma_wait3A_308 : memref<10240x16xf32, #tpu.memory_space<vmem_shared>>)
        tpu.yield
      }) : () -> ()
      %lt3A_283 = arith.constant 9 : i32
      %lt3A_284 = arith.cmpi slt, %scan3A_123, %lt3A_283 : i32
      %convert_element_type3A_285 = arith.extui %lt3A_284 : i1 to i32
      %cond3A_286 = arith.constant 0 : i32
      %cond3A_287 = arith.cmpi ne, %convert_element_type3A_285, %cond3A_286 : i32
      scf.if %cond3A_287 {
        %add3A_288 = arith.constant 8 : i32
        %add3A_289 = arith.addi %add3A_270, %add3A_288 : i32
        %dma_start3A_290 = arith.constant 7 : i32
        %dma_start3A_291 = arith.constant 0 : i32
        %dma_start3A_292 = arith.constant 0 : i32
        %dma_start3A_293 = tpu.memref_slice %arg7[%dma_start3A_290, %dma_start3A_291, %dma_start3A_292] : memref<8x128x16xf32, #tpu.memory_space<vmem>> -> memref<1x128x16xf32, #tpu.memory_space<vmem>>
        %dma_start3A_294 = tpu.memref_squeeze %dma_start3A_293 : memref<1x128x16xf32, #tpu.memory_space<vmem>> -> memref<128x16xf32, #tpu.memory_space<vmem>>
        %dma_start3A_295 = arith.constant 0 : i32
        %dma_start3A_296 = tpu.memref_slice %arg5[%add3A_289, %dma_start3A_295] : memref<80x128xi32, #tpu.memory_space<vmem>> -> memref<1x128xi32, #tpu.memory_space<vmem>>
        %dma_start3A_297 = tpu.memref_squeeze %dma_start3A_296 : memref<1x128xi32, #tpu.memory_space<vmem>> -> memref<128xi32, #tpu.memory_space<vmem>>
        %dma_start3A_298 = arith.constant 0 : i32
        %dma_start3A_299 = arith.constant 0 : i32
        %dma_start3A_300 = tpu.memref_slice %arg2[%dma_start3A_298, %dma_start3A_299] : memref<10240x16xf32, #tpu.memory_space<hbm>> -> memref<10240x16xf32, #tpu.memory_space<hbm>>
        tpu.enqueue_indirect_dma source(%dma_start3A_300 : memref<10240x16xf32, #tpu.memory_space<hbm>>) target(%dma_start3A_294 : memref<128x16xf32, #tpu.memory_space<vmem>>) offsets(%dma_start3A_297 : memref<128xi32, #tpu.memory_space<vmem>>) semaphore(%arg17 : memref<!tpu.dma_semaphore, #tpu.memory_space<semaphore_mem>>)
      } else {
      }
    }
    %scan3A_119 = arith.constant 10 : i32
    %barrier3A_120 = arith.constant 0 : index
    tpu.barrier barrier_id(%barrier3A_120)
    %mul3A_121 = arith.constant 640 : i32
    %mul3A_122 = arith.muli %arg1, %mul3A_121 : i32
    "tpu.region"() ({
      %run_scoped3A_123 = tpu.sem_alloc : memref<!tpu.dma_semaphore, #tpu.memory_space<semaphore_mem>>
      %dma_start3A_124 = arith.constant 0 : i32
      %dma_start3A_125 = arith.constant 0 : i32
      %dma_start3A_126 = tpu.memref_slice %arg4[%arg0, %dma_start3A_124, %dma_start3A_125] : memref<2x10240x16xf32, #tpu.memory_space<hbm>> -> memref<1x10240x16xf32, #tpu.memory_space<hbm>>
      %dma_start3A_127 = tpu.memref_squeeze %dma_start3A_126 : memref<1x10240x16xf32, #tpu.memory_space<hbm>> -> memref<10240x16xf32, #tpu.memory_space<hbm>>
      %dma_start3A_128 = arith.constant 0 : i32
      %dma_start3A_129 = tpu.memref_slice %dma_start3A_127[%mul3A_122, %dma_start3A_128] : memref<10240x16xf32, #tpu.memory_space<hbm>> -> memref<640x16xf32, #tpu.memory_space<hbm>>
      %dma_start3A_130 = arith.constant 0 : i32
      %dma_start3A_131 = tpu.memref_slice %arg9[%mul3A_122, %dma_start3A_130] : memref<10240x16xf32, #tpu.memory_space<vmem_shared>> -> memref<640x16xf32, #tpu.memory_space<vmem_shared>>
      tpu.enqueue_dma source(%dma_start3A_131 : memref<640x16xf32, #tpu.memory_space<vmem_shared>>) target(%dma_start3A_129 : memref<640x16xf32, #tpu.memory_space<hbm>>) target_semaphore(%run_scoped3A_123 : memref<!tpu.dma_semaphore, #tpu.memory_space<semaphore_mem>>)
      %dma_wait3A = arith.constant 0 : i32
      %dma_wait3A_132 = arith.constant 0 : i32
      %dma_wait3A_133 = tpu.memref_slice %arg4[%arg0, %dma_wait3A, %dma_wait3A_132] : memref<2x10240x16xf32, #tpu.memory_space<hbm>> -> memref<1x10240x16xf32, #tpu.memory_space<hbm>>
      %dma_wait3A_134 = tpu.memref_squeeze %dma_wait3A_133 : memref<1x10240x16xf32, #tpu.memory_space<hbm>> -> memref<10240x16xf32, #tpu.memory_space<hbm>>
      %dma_wait3A_135 = arith.constant 0 : i32
      %dma_wait3A_136 = tpu.memref_slice %dma_wait3A_134[%mul3A_122, %dma_wait3A_135] : memref<10240x16xf32, #tpu.memory_space<hbm>> -> memref<640x16xf32, #tpu.memory_space<hbm>>
      %dma_wait3A_137 = arith.constant 0 : i32
      %dma_wait3A_138 = tpu.memref_slice %arg9[%mul3A_122, %dma_wait3A_137] : memref<10240x16xf32, #tpu.memory_space<vmem_shared>> -> memref<640x16xf32, #tpu.memory_space<vmem_shared>>
      tpu.wait_dma2 semaphore(%run_scoped3A_123 : memref<!tpu.dma_semaphore, #tpu.memory_space<semaphore_mem>>) src(%dma_wait3A_138 : memref<640x16xf32, #tpu.memory_space<vmem_shared>>) dst(%dma_wait3A_136 : memref<640x16xf32, #tpu.memory_space<hbm>>)
      tpu.yield
    }) : () -> ()
    return
  }
}

#map = affine_map<(d0, d1) -> (0, 0)>
#map1 = affine_map<(d0, d1) -> (0, 0, 0, 0)>
#map2 = affine_map<(d0, d1) -> (0, 0, 0)>
module attributes {stable_mosaic.version = 14 : i64} {
  func.func @k(%arg0: i32, %arg1: i32, %arg2: memref<10240x16xf32, #tpu.memory_space<hbm>>, %arg3: memref<2x32x80x128xi32, #tpu.memory_space<hbm>>, %arg4: memref<2x10240x16xf32, #tpu.memory_space<hbm>>, %arg5: memref<80x128xi32, #tpu.memory_space<vmem>>, %arg6: memref<80x128xi32, #tpu.memory_space<vmem>>, %arg7: memref<8x128x16xf32, #tpu.memory_space<vmem>>, %arg8: memref<128x16xf32, #tpu.memory_space<vmem>>, %arg9: memref<10240x16xf32, #tpu.memory_space<vmem_shared>>, %arg10: memref<!tpu.dma_semaphore, #tpu.memory_space<semaphore_mem>>, %arg11: memref<!tpu.dma_semaphore, #tpu.memory_space<semaphore_mem>>, %arg12: memref<!tpu.dma_semaphore, #tpu.memory_space<semaphore_mem>>, %arg13: memref<!tpu.dma_semaphore, #tpu.memory_space<semaphore_mem>>, %arg14: memref<!tpu.dma_semaphore, #tpu.memory_space<semaphore_mem>>, %arg15: memref<!tpu.dma_semaphore, #tpu.memory_space<semaphore_mem>>, %arg16: memref<!tpu.dma_semaphore, #tpu.memory_space<semaphore_mem>>, %arg17: memref<!tpu.dma_semaphore, #tpu.memory_space<semaphore_mem>>) attributes {dimension_semantics = [#tpu.dimension_semantics<core_parallel>, #tpu.dimension_semantics<subcore_parallel>], iteration_bounds = array<i64: 2, 16>, scalar_prefetch = 0 : i64, scratch_operands = 13 : i64, tpu.core_type = #tpu.core_type<sc_vector_subcore>, window_params = [{transform_indices = #map}, {transform_indices = #map1}, {transform_indices = #map2}]} {
    %mul3A = arith.constant 16 : i32
    %mul3A_0 = arith.muli %arg0, %mul3A : i32
    %add3A = arith.addi %mul3A_0, %arg1 : i32
    %run_scoped3A = arith.constant 0 : i32
    "tpu.region"() ({
      %run_scoped3A_123 = tpu.sem_alloc : memref<!tpu.dma_semaphore, #tpu.memory_space<semaphore_mem>>
      %dma_start3A_124 = arith.constant 0 : i32
      %dma_start3A_125 = arith.constant 0 : i32
      %dma_start3A_126 = arith.constant 0 : i32
      %dma_start3A_127 = tpu.memref_slice %arg3[%run_scoped3A, %dma_start3A_124, %dma_start3A_125, %dma_start3A_126] : memref<2x32x80x128xi32, #tpu.memory_space<hbm>> -> memref<1x32x80x128xi32, #tpu.memory_space<hbm>>
      %dma_start3A_128 = tpu.memref_squeeze %dma_start3A_127 : memref<1x32x80x128xi32, #tpu.memory_space<hbm>> -> memref<32x80x128xi32, #tpu.memory_space<hbm>>
      %dma_start3A_129 = arith.constant 0 : i32
      %dma_start3A_130 = arith.constant 0 : i32
      %dma_start3A_131 = tpu.memref_slice %dma_start3A_128[%add3A, %dma_start3A_129, %dma_start3A_130] : memref<32x80x128xi32, #tpu.memory_space<hbm>> -> memref<1x80x128xi32, #tpu.memory_space<hbm>>
      %dma_start3A_132 = tpu.memref_squeeze %dma_start3A_131 : memref<1x80x128xi32, #tpu.memory_space<hbm>> -> memref<80x128xi32, #tpu.memory_space<hbm>>
      %dma_start3A_133 = arith.constant 0 : i32
      %dma_start3A_134 = arith.constant 0 : i32
      %dma_start3A_135 = arith.constant 0 : i32
      %dma_start3A_136 = tpu.memref_slice %arg3[%run_scoped3A, %dma_start3A_133, %dma_start3A_134, %dma_start3A_135] : memref<2x32x80x128xi32, #tpu.memory_space<hbm>> -> memref<1x32x80x128xi32, #tpu.memory_space<hbm>>
      %dma_start3A_137 = tpu.memref_squeeze %dma_start3A_136 : memref<1x32x80x128xi32, #tpu.memory_space<hbm>> -> memref<32x80x128xi32, #tpu.memory_space<hbm>>
      %dma_start3A_138 = arith.constant 0 : i32
      %dma_start3A_139 = arith.constant 0 : i32
      %dma_start3A_140 = tpu.memref_slice %dma_start3A_137[%add3A, %dma_start3A_138, %dma_start3A_139] : memref<32x80x128xi32, #tpu.memory_space<hbm>> -> memref<1x80x128xi32, #tpu.memory_space<hbm>>
      %dma_start3A_141 = tpu.memref_squeeze %dma_start3A_140 : memref<1x80x128xi32, #tpu.memory_space<hbm>> -> memref<80x128xi32, #tpu.memory_space<hbm>>
      tpu.enqueue_dma source(%dma_start3A_141 : memref<80x128xi32, #tpu.memory_space<hbm>>) target(%arg5 : memref<80x128xi32, #tpu.memory_space<vmem>>) target_semaphore(%run_scoped3A_123 : memref<!tpu.dma_semaphore, #tpu.memory_space<semaphore_mem>>)
      %dma_wait3A = arith.constant 0 : i32
      %dma_wait3A_142 = arith.constant 0 : i32
      %dma_wait3A_143 = arith.constant 0 : i32
      %dma_wait3A_144 = tpu.memref_slice %arg3[%run_scoped3A, %dma_wait3A, %dma_wait3A_142, %dma_wait3A_143] : memref<2x32x80x128xi32, #tpu.memory_space<hbm>> -> memref<1x32x80x128xi32, #tpu.memory_space<hbm>>
      %dma_wait3A_145 = tpu.memref_squeeze %dma_wait3A_144 : memref<1x32x80x128xi32, #tpu.memory_space<hbm>> -> memref<32x80x128xi32, #tpu.memory_space<hbm>>
      %dma_wait3A_146 = arith.constant 0 : i32
      %dma_wait3A_147 = arith.constant 0 : i32
      %dma_wait3A_148 = tpu.memref_slice %dma_wait3A_145[%add3A, %dma_wait3A_146, %dma_wait3A_147] : memref<32x80x128xi32, #tpu.memory_space<hbm>> -> memref<1x80x128xi32, #tpu.memory_space<hbm>>
      %dma_wait3A_149 = tpu.memref_squeeze %dma_wait3A_148 : memref<1x80x128xi32, #tpu.memory_space<hbm>> -> memref<80x128xi32, #tpu.memory_space<hbm>>
      %dma_wait3A_150 = arith.constant 0 : i32
      %dma_wait3A_151 = arith.constant 0 : i32
      %dma_wait3A_152 = arith.constant 0 : i32
      %dma_wait3A_153 = tpu.memref_slice %arg3[%run_scoped3A, %dma_wait3A_150, %dma_wait3A_151, %dma_wait3A_152] : memref<2x32x80x128xi32, #tpu.memory_space<hbm>> -> memref<1x32x80x128xi32, #tpu.memory_space<hbm>>
      %dma_wait3A_154 = tpu.memref_squeeze %dma_wait3A_153 : memref<1x32x80x128xi32, #tpu.memory_space<hbm>> -> memref<32x80x128xi32, #tpu.memory_space<hbm>>
      %dma_wait3A_155 = arith.constant 0 : i32
      %dma_wait3A_156 = arith.constant 0 : i32
      %dma_wait3A_157 = tpu.memref_slice %dma_wait3A_154[%add3A, %dma_wait3A_155, %dma_wait3A_156] : memref<32x80x128xi32, #tpu.memory_space<hbm>> -> memref<1x80x128xi32, #tpu.memory_space<hbm>>
      %dma_wait3A_158 = tpu.memref_squeeze %dma_wait3A_157 : memref<1x80x128xi32, #tpu.memory_space<hbm>> -> memref<80x128xi32, #tpu.memory_space<hbm>>
      tpu.wait_dma2 semaphore(%run_scoped3A_123 : memref<!tpu.dma_semaphore, #tpu.memory_space<semaphore_mem>>) src(%dma_wait3A_158 : memref<80x128xi32, #tpu.memory_space<hbm>>) dst(%arg5 : memref<80x128xi32, #tpu.memory_space<vmem>>)
      tpu.yield
    }) : () -> ()
    %run_scoped3A_1 = arith.constant 1 : i32
    "tpu.region"() ({
      %run_scoped3A_123 = tpu.sem_alloc : memref<!tpu.dma_semaphore, #tpu.memory_space<semaphore_mem>>
      %dma_start3A_124 = arith.constant 0 : i32
      %dma_start3A_125 = arith.constant 0 : i32
      %dma_start3A_126 = arith.constant 0 : i32
      %dma_start3A_127 = tpu.memref_slice %arg3[%run_scoped3A_1, %dma_start3A_124, %dma_start3A_125, %dma_start3A_126] : memref<2x32x80x128xi32, #tpu.memory_space<hbm>> -> memref<1x32x80x128xi32, #tpu.memory_space<hbm>>
      %dma_start3A_128 = tpu.memref_squeeze %dma_start3A_127 : memref<1x32x80x128xi32, #tpu.memory_space<hbm>> -> memref<32x80x128xi32, #tpu.memory_space<hbm>>
      %dma_start3A_129 = arith.constant 0 : i32
      %dma_start3A_130 = arith.constant 0 : i32
      %dma_start3A_131 = tpu.memref_slice %dma_start3A_128[%add3A, %dma_start3A_129, %dma_start3A_130] : memref<32x80x128xi32, #tpu.memory_space<hbm>> -> memref<1x80x128xi32, #tpu.memory_space<hbm>>
      %dma_start3A_132 = tpu.memref_squeeze %dma_start3A_131 : memref<1x80x128xi32, #tpu.memory_space<hbm>> -> memref<80x128xi32, #tpu.memory_space<hbm>>
      %dma_start3A_133 = arith.constant 0 : i32
      %dma_start3A_134 = arith.constant 0 : i32
      %dma_start3A_135 = arith.constant 0 : i32
      %dma_start3A_136 = tpu.memref_slice %arg3[%run_scoped3A_1, %dma_start3A_133, %dma_start3A_134, %dma_start3A_135] : memref<2x32x80x128xi32, #tpu.memory_space<hbm>> -> memref<1x32x80x128xi32, #tpu.memory_space<hbm>>
      %dma_start3A_137 = tpu.memref_squeeze %dma_start3A_136 : memref<1x32x80x128xi32, #tpu.memory_space<hbm>> -> memref<32x80x128xi32, #tpu.memory_space<hbm>>
      %dma_start3A_138 = arith.constant 0 : i32
      %dma_start3A_139 = arith.constant 0 : i32
      %dma_start3A_140 = tpu.memref_slice %dma_start3A_137[%add3A, %dma_start3A_138, %dma_start3A_139] : memref<32x80x128xi32, #tpu.memory_space<hbm>> -> memref<1x80x128xi32, #tpu.memory_space<hbm>>
      %dma_start3A_141 = tpu.memref_squeeze %dma_start3A_140 : memref<1x80x128xi32, #tpu.memory_space<hbm>> -> memref<80x128xi32, #tpu.memory_space<hbm>>
      tpu.enqueue_dma source(%dma_start3A_141 : memref<80x128xi32, #tpu.memory_space<hbm>>) target(%arg6 : memref<80x128xi32, #tpu.memory_space<vmem>>) target_semaphore(%run_scoped3A_123 : memref<!tpu.dma_semaphore, #tpu.memory_space<semaphore_mem>>)
      %dma_wait3A = arith.constant 0 : i32
      %dma_wait3A_142 = arith.constant 0 : i32
      %dma_wait3A_143 = arith.constant 0 : i32
      %dma_wait3A_144 = tpu.memref_slice %arg3[%run_scoped3A_1, %dma_wait3A, %dma_wait3A_142, %dma_wait3A_143] : memref<2x32x80x128xi32, #tpu.memory_space<hbm>> -> memref<1x32x80x128xi32, #tpu.memory_space<hbm>>
      %dma_wait3A_145 = tpu.memref_squeeze %dma_wait3A_144 : memref<1x32x80x128xi32, #tpu.memory_space<hbm>> -> memref<32x80x128xi32, #tpu.memory_space<hbm>>
      %dma_wait3A_146 = arith.constant 0 : i32
      %dma_wait3A_147 = arith.constant 0 : i32
      %dma_wait3A_148 = tpu.memref_slice %dma_wait3A_145[%add3A, %dma_wait3A_146, %dma_wait3A_147] : memref<32x80x128xi32, #tpu.memory_space<hbm>> -> memref<1x80x128xi32, #tpu.memory_space<hbm>>
      %dma_wait3A_149 = tpu.memref_squeeze %dma_wait3A_148 : memref<1x80x128xi32, #tpu.memory_space<hbm>> -> memref<80x128xi32, #tpu.memory_space<hbm>>
      %dma_wait3A_150 = arith.constant 0 : i32
      %dma_wait3A_151 = arith.constant 0 : i32
      %dma_wait3A_152 = arith.constant 0 : i32
      %dma_wait3A_153 = tpu.memref_slice %arg3[%run_scoped3A_1, %dma_wait3A_150, %dma_wait3A_151, %dma_wait3A_152] : memref<2x32x80x128xi32, #tpu.memory_space<hbm>> -> memref<1x32x80x128xi32, #tpu.memory_space<hbm>>
      %dma_wait3A_154 = tpu.memref_squeeze %dma_wait3A_153 : memref<1x32x80x128xi32, #tpu.memory_space<hbm>> -> memref<32x80x128xi32, #tpu.memory_space<hbm>>
      %dma_wait3A_155 = arith.constant 0 : i32
      %dma_wait3A_156 = arith.constant 0 : i32
      %dma_wait3A_157 = tpu.memref_slice %dma_wait3A_154[%add3A, %dma_wait3A_155, %dma_wait3A_156] : memref<32x80x128xi32, #tpu.memory_space<hbm>> -> memref<1x80x128xi32, #tpu.memory_space<hbm>>
      %dma_wait3A_158 = tpu.memref_squeeze %dma_wait3A_157 : memref<1x80x128xi32, #tpu.memory_space<hbm>> -> memref<80x128xi32, #tpu.memory_space<hbm>>
      tpu.wait_dma2 semaphore(%run_scoped3A_123 : memref<!tpu.dma_semaphore, #tpu.memory_space<semaphore_mem>>) src(%dma_wait3A_158 : memref<80x128xi32, #tpu.memory_space<hbm>>) dst(%arg6 : memref<80x128xi32, #tpu.memory_space<vmem>>)
      tpu.yield
    }) : () -> ()
    %scan3A = arith.constant 0 : i32
    %scan3A_2 = arith.constant 0 : i32
    %scan3A_3 = arith.constant 128 : i32
    %scan3A_4 = arith.addi %scan3A_2, %scan3A_3 : i32
    %scan3A_5 = arith.constant 1 : i32
    scf.for %scan3A_123 = %scan3A_2 to %scan3A_4 step %scan3A_5  : i32 {
      %broadcast_in_dim3A = arith.constant 0.000000e+00 : f32
      %broadcast_in_dim3A_124 = vector.broadcast %broadcast_in_dim3A : f32 to vector<16xf32>
      %swap3A = arith.index_cast %scan3A_123 : i32 to index
      %swap3A_125 = arith.constant 0 : index
      %swap3A_126 = tpu.vector_load %arg8[%swap3A, %swap3A_125] {strides = array<i32>} : memref<128x16xf32, #tpu.memory_space<vmem>>, vector<1x16xf32>,
      %swap3A_127 = vector.shape_cast %swap3A_126 : vector<1x16xf32> to vector<16xf32>
      %swap3A_128 = vector.shape_cast %broadcast_in_dim3A_124 : vector<16xf32> to vector<1x16xf32>
      tpu.vector_store %arg8[%swap3A, %swap3A_125], %swap3A_128 {strides = array<i32>} : memref<128x16xf32, #tpu.memory_space<vmem>>, vector<1x16xf32>,
    }
    %scan3A_6 = arith.constant 128 : i32
    %mul3A_7 = arith.constant 640 : i32
    %mul3A_8 = arith.muli %arg1, %mul3A_7 : i32
    %add3A_9 = arith.constant 0 : i32
    %add3A_10 = arith.addi %mul3A_8, %add3A_9 : i32
    "tpu.region"() ({
      %run_scoped3A_123 = tpu.sem_alloc : memref<!tpu.dma_semaphore, #tpu.memory_space<semaphore_mem>>
      %dma_start3A_124 = arith.constant 0 : i32
      %dma_start3A_125 = tpu.memref_slice %arg9[%add3A_10, %dma_start3A_124] : memref<10240x16xf32, #tpu.memory_space<vmem_shared>> -> memref<128x16xf32, #tpu.memory_space<vmem_shared>>
      %dma_start3A_126 = arith.constant 0 : i32
      %dma_start3A_127 = tpu.memref_slice %arg9[%add3A_10, %dma_start3A_126] : memref<10240x16xf32, #tpu.memory_space<vmem_shared>> -> memref<128x16xf32, #tpu.memory_space<vmem_shared>>
      tpu.enqueue_dma source(%arg8 : memref<128x16xf32, #tpu.memory_space<vmem>>) target(%dma_start3A_127 : memref<128x16xf32, #tpu.memory_space<vmem_shared>>) target_semaphore(%run_scoped3A_123 : memref<!tpu.dma_semaphore, #tpu.memory_space<semaphore_mem>>)
      %dma_wait3A = arith.constant 0 : i32
      %dma_wait3A_128 = tpu.memref_slice %arg9[%add3A_10, %dma_wait3A] : memref<10240x16xf32, #tpu.memory_space<vmem_shared>> -> memref<128x16xf32, #tpu.memory_space<vmem_shared>>
      %dma_wait3A_129 = arith.constant 0 : i32
      %dma_wait3A_130 = tpu.memref_slice %arg9[%add3A_10, %dma_wait3A_129] : memref<10240x16xf32, #tpu.memory_space<vmem_shared>> -> memref<128x16xf32, #tpu.memory_space<vmem_shared>>
      tpu.wait_dma2 semaphore(%run_scoped3A_123 : memref<!tpu.dma_semaphore, #tpu.memory_space<semaphore_mem>>) src(%arg8 : memref<128x16xf32, #tpu.memory_space<vmem>>) dst(%dma_wait3A_130 : memref<128x16xf32, #tpu.memory_space<vmem_shared>>)
      tpu.yield
    }) : () -> ()
    %add3A_11 = arith.constant 128 : i32
    %add3A_12 = arith.addi %mul3A_8, %add3A_11 : i32
    "tpu.region"() ({
      %run_scoped3A_123 = tpu.sem_alloc : memref<!tpu.dma_semaphore, #tpu.memory_space<semaphore_mem>>
      %dma_start3A_124 = arith.constant 0 : i32
      %dma_start3A_125 = tpu.memref_slice %arg9[%add3A_12, %dma_start3A_124] : memref<10240x16xf32, #tpu.memory_space<vmem_shared>> -> memref<128x16xf32, #tpu.memory_space<vmem_shared>>
      %dma_start3A_126 = arith.constant 0 : i32
      %dma_start3A_127 = tpu.memref_slice %arg9[%add3A_12, %dma_start3A_126] : memref<10240x16xf32, #tpu.memory_space<vmem_shared>> -> memref<128x16xf32, #tpu.memory_space<vmem_shared>>
      tpu.enqueue_dma source(%arg8 : memref<128x16xf32, #tpu.memory_space<vmem>>) target(%dma_start3A_127 : memref<128x16xf32, #tpu.memory_space<vmem_shared>>) target_semaphore(%run_scoped3A_123 : memref<!tpu.dma_semaphore, #tpu.memory_space<semaphore_mem>>)
      %dma_wait3A = arith.constant 0 : i32
      %dma_wait3A_128 = tpu.memref_slice %arg9[%add3A_12, %dma_wait3A] : memref<10240x16xf32, #tpu.memory_space<vmem_shared>> -> memref<128x16xf32, #tpu.memory_space<vmem_shared>>
      %dma_wait3A_129 = arith.constant 0 : i32
      %dma_wait3A_130 = tpu.memref_slice %arg9[%add3A_12, %dma_wait3A_129] : memref<10240x16xf32, #tpu.memory_space<vmem_shared>> -> memref<128x16xf32, #tpu.memory_space<vmem_shared>>
      tpu.wait_dma2 semaphore(%run_scoped3A_123 : memref<!tpu.dma_semaphore, #tpu.memory_space<semaphore_mem>>) src(%arg8 : memref<128x16xf32, #tpu.memory_space<vmem>>) dst(%dma_wait3A_130 : memref<128x16xf32, #tpu.memory_space<vmem_shared>>)
      tpu.yield
    }) : () -> ()
    %add3A_13 = arith.constant 256 : i32
    %add3A_14 = arith.addi %mul3A_8, %add3A_13 : i32
    "tpu.region"() ({
      %run_scoped3A_123 = tpu.sem_alloc : memref<!tpu.dma_semaphore, #tpu.memory_space<semaphore_mem>>
      %dma_start3A_124 = arith.constant 0 : i32
      %dma_start3A_125 = tpu.memref_slice %arg9[%add3A_14, %dma_start3A_124] : memref<10240x16xf32, #tpu.memory_space<vmem_shared>> -> memref<128x16xf32, #tpu.memory_space<vmem_shared>>
      %dma_start3A_126 = arith.constant 0 : i32
      %dma_start3A_127 = tpu.memref_slice %arg9[%add3A_14, %dma_start3A_126] : memref<10240x16xf32, #tpu.memory_space<vmem_shared>> -> memref<128x16xf32, #tpu.memory_space<vmem_shared>>
      tpu.enqueue_dma source(%arg8 : memref<128x16xf32, #tpu.memory_space<vmem>>) target(%dma_start3A_127 : memref<128x16xf32, #tpu.memory_space<vmem_shared>>) target_semaphore(%run_scoped3A_123 : memref<!tpu.dma_semaphore, #tpu.memory_space<semaphore_mem>>)
      %dma_wait3A = arith.constant 0 : i32
      %dma_wait3A_128 = tpu.memref_slice %arg9[%add3A_14, %dma_wait3A] : memref<10240x16xf32, #tpu.memory_space<vmem_shared>> -> memref<128x16xf32, #tpu.memory_space<vmem_shared>>
      %dma_wait3A_129 = arith.constant 0 : i32
      %dma_wait3A_130 = tpu.memref_slice %arg9[%add3A_14, %dma_wait3A_129] : memref<10240x16xf32, #tpu.memory_space<vmem_shared>> -> memref<128x16xf32, #tpu.memory_space<vmem_shared>>
      tpu.wait_dma2 semaphore(%run_scoped3A_123 : memref<!tpu.dma_semaphore, #tpu.memory_space<semaphore_mem>>) src(%arg8 : memref<128x16xf32, #tpu.memory_space<vmem>>) dst(%dma_wait3A_130 : memref<128x16xf32, #tpu.memory_space<vmem_shared>>)
      tpu.yield
    }) : () -> ()
    %add3A_15 = arith.constant 384 : i32
    %add3A_16 = arith.addi %mul3A_8, %add3A_15 : i32
    "tpu.region"() ({
      %run_scoped3A_123 = tpu.sem_alloc : memref<!tpu.dma_semaphore, #tpu.memory_space<semaphore_mem>>
      %dma_start3A_124 = arith.constant 0 : i32
      %dma_start3A_125 = tpu.memref_slice %arg9[%add3A_16, %dma_start3A_124] : memref<10240x16xf32, #tpu.memory_space<vmem_shared>> -> memref<128x16xf32, #tpu.memory_space<vmem_shared>>
      %dma_start3A_126 = arith.constant 0 : i32
      %dma_start3A_127 = tpu.memref_slice %arg9[%add3A_16, %dma_start3A_126] : memref<10240x16xf32, #tpu.memory_space<vmem_shared>> -> memref<128x16xf32, #tpu.memory_space<vmem_shared>>
      tpu.enqueue_dma source(%arg8 : memref<128x16xf32, #tpu.memory_space<vmem>>) target(%dma_start3A_127 : memref<128x16xf32, #tpu.memory_space<vmem_shared>>) target_semaphore(%run_scoped3A_123 : memref<!tpu.dma_semaphore, #tpu.memory_space<semaphore_mem>>)
      %dma_wait3A = arith.constant 0 : i32
      %dma_wait3A_128 = tpu.memref_slice %arg9[%add3A_16, %dma_wait3A] : memref<10240x16xf32, #tpu.memory_space<vmem_shared>> -> memref<128x16xf32, #tpu.memory_space<vmem_shared>>
      %dma_wait3A_129 = arith.constant 0 : i32
      %dma_wait3A_130 = tpu.memref_slice %arg9[%add3A_16, %dma_wait3A_129] : memref<10240x16xf32, #tpu.memory_space<vmem_shared>> -> memref<128x16xf32, #tpu.memory_space<vmem_shared>>
      tpu.wait_dma2 semaphore(%run_scoped3A_123 : memref<!tpu.dma_semaphore, #tpu.memory_space<semaphore_mem>>) src(%arg8 : memref<128x16xf32, #tpu.memory_space<vmem>>) dst(%dma_wait3A_130 : memref<128x16xf32, #tpu.memory_space<vmem_shared>>)
      tpu.yield
    }) : () -> ()
    %add3A_17 = arith.constant 512 : i32
    %add3A_18 = arith.addi %mul3A_8, %add3A_17 : i32
    "tpu.region"() ({
      %run_scoped3A_123 = tpu.sem_alloc : memref<!tpu.dma_semaphore, #tpu.memory_space<semaphore_mem>>
      %dma_start3A_124 = arith.constant 0 : i32
      %dma_start3A_125 = tpu.memref_slice %arg9[%add3A_18, %dma_start3A_124] : memref<10240x16xf32, #tpu.memory_space<vmem_shared>> -> memref<128x16xf32, #tpu.memory_space<vmem_shared>>
      %dma_start3A_126 = arith.constant 0 : i32
      %dma_start3A_127 = tpu.memref_slice %arg9[%add3A_18, %dma_start3A_126] : memref<10240x16xf32, #tpu.memory_space<vmem_shared>> -> memref<128x16xf32, #tpu.memory_space<vmem_shared>>
      tpu.enqueue_dma source(%arg8 : memref<128x16xf32, #tpu.memory_space<vmem>>) target(%dma_start3A_127 : memref<128x16xf32, #tpu.memory_space<vmem_shared>>) target_semaphore(%run_scoped3A_123 : memref<!tpu.dma_semaphore, #tpu.memory_space<semaphore_mem>>)
      %dma_wait3A = arith.constant 0 : i32
      %dma_wait3A_128 = tpu.memref_slice %arg9[%add3A_18, %dma_wait3A] : memref<10240x16xf32, #tpu.memory_space<vmem_shared>> -> memref<128x16xf32, #tpu.memory_space<vmem_shared>>
      %dma_wait3A_129 = arith.constant 0 : i32
      %dma_wait3A_130 = tpu.memref_slice %arg9[%add3A_18, %dma_wait3A_129] : memref<10240x16xf32, #tpu.memory_space<vmem_shared>> -> memref<128x16xf32, #tpu.memory_space<vmem_shared>>
      tpu.wait_dma2 semaphore(%run_scoped3A_123 : memref<!tpu.dma_semaphore, #tpu.memory_space<semaphore_mem>>) src(%arg8 : memref<128x16xf32, #tpu.memory_space<vmem>>) dst(%dma_wait3A_130 : memref<128x16xf32, #tpu.memory_space<vmem_shared>>)
      tpu.yield
    }) : () -> ()
    %barrier3A = arith.constant 0 : index
    tpu.barrier barrier_id(%barrier3A)
    %dma_start3A = arith.constant 0 : i32
    %dma_start3A_19 = arith.constant 0 : i32
    %dma_start3A_20 = arith.constant 0 : i32
    %dma_start3A_21 = arith.constant 0 : i32
    %dma_start3A_22 = tpu.memref_slice %arg7[%dma_start3A_19, %dma_start3A_20, %dma_start3A_21] : memref<8x128x16xf32, #tpu.memory_space<vmem>> -> memref<1x128x16xf32, #tpu.memory_space<vmem>>
    %dma_start3A_23 = tpu.memref_squeeze %dma_start3A_22 : memref<1x128x16xf32, #tpu.memory_space<vmem>> -> memref<128x16xf32, #tpu.memory_space<vmem>>
    %dma_start3A_24 = arith.constant 0 : i32
    %dma_start3A_25 = tpu.memref_slice %arg5[%dma_start3A, %dma_start3A_24] : memref<80x128xi32, #tpu.memory_space<vmem>> -> memref<1x128xi32, #tpu.memory_space<vmem>>
    %dma_start3A_26 = tpu.memref_squeeze %dma_start3A_25 : memref<1x128xi32, #tpu.memory_space<vmem>> -> memref<128xi32, #tpu.memory_space<vmem>>
    %dma_start3A_27 = arith.constant 0 : i32
    %dma_start3A_28 = arith.constant 0 : i32
    %dma_start3A_29 = tpu.memref_slice %arg2[%dma_start3A_27, %dma_start3A_28] : memref<10240x16xf32, #tpu.memory_space<hbm>> -> memref<10240x16xf32, #tpu.memory_space<hbm>>
    tpu.enqueue_indirect_dma source(%dma_start3A_29 : memref<10240x16xf32, #tpu.memory_space<hbm>>) target(%dma_start3A_23 : memref<128x16xf32, #tpu.memory_space<vmem>>) offsets(%dma_start3A_26 : memref<128xi32, #tpu.memory_space<vmem>>) semaphore(%arg10 : memref<!tpu.dma_semaphore, #tpu.memory_space<semaphore_mem>>)
    %dma_start3A_30 = arith.constant 1 : i32
    %dma_start3A_31 = arith.constant 1 : i32
    %dma_start3A_32 = arith.constant 0 : i32
    %dma_start3A_33 = arith.constant 0 : i32
    %dma_start3A_34 = tpu.memref_slice %arg7[%dma_start3A_31, %dma_start3A_32, %dma_start3A_33] : memref<8x128x16xf32, #tpu.memory_space<vmem>> -> memref<1x128x16xf32, #tpu.memory_space<vmem>>
    %dma_start3A_35 = tpu.memref_squeeze %dma_start3A_34 : memref<1x128x16xf32, #tpu.memory_space<vmem>> -> memref<128x16xf32, #tpu.memory_space<vmem>>
    %dma_start3A_36 = arith.constant 0 : i32
    %dma_start3A_37 = tpu.memref_slice %arg5[%dma_start3A_30, %dma_start3A_36] : memref<80x128xi32, #tpu.memory_space<vmem>> -> memref<1x128xi32, #tpu.memory_space<vmem>>
    %dma_start3A_38 = tpu.memref_squeeze %dma_start3A_37 : memref<1x128xi32, #tpu.memory_space<vmem>> -> memref<128xi32, #tpu.memory_space<vmem>>
    %dma_start3A_39 = arith.constant 0 : i32
    %dma_start3A_40 = arith.constant 0 : i32
    %dma_start3A_41 = tpu.memref_slice %arg2[%dma_start3A_39, %dma_start3A_40] : memref<10240x16xf32, #tpu.memory_space<hbm>> -> memref<10240x16xf32, #tpu.memory_space<hbm>>
    tpu.enqueue_indirect_dma source(%dma_start3A_41 : memref<10240x16xf32, #tpu.memory_space<hbm>>) target(%dma_start3A_35 : memref<128x16xf32, #tpu.memory_space<vmem>>) offsets(%dma_start3A_38 : memref<128xi32, #tpu.memory_space<vmem>>) semaphore(%arg11 : memref<!tpu.dma_semaphore, #tpu.memory_space<semaphore_mem>>)
    %dma_start3A_42 = arith.constant 2 : i32
    %dma_start3A_43 = arith.constant 2 : i32
    %dma_start3A_44 = arith.constant 0 : i32
    %dma_start3A_45 = arith.constant 0 : i32
    %dma_start3A_46 = tpu.memref_slice %arg7[%dma_start3A_43, %dma_start3A_44, %dma_start3A_45] : memref<8x128x16xf32, #tpu.memory_space<vmem>> -> memref<1x128x16xf32, #tpu.memory_space<vmem>>
    %dma_start3A_47 = tpu.memref_squeeze %dma_start3A_46 : memref<1x128x16xf32, #tpu.memory_space<vmem>> -> memref<128x16xf32, #tpu.memory_space<vmem>>
    %dma_start3A_48 = arith.constant 0 : i32
    %dma_start3A_49 = tpu.memref_slice %arg5[%dma_start3A_42, %dma_start3A_48] : memref<80x128xi32, #tpu.memory_space<vmem>> -> memref<1x128xi32, #tpu.memory_space<vmem>>
    %dma_start3A_50 = tpu.memref_squeeze %dma_start3A_49 : memref<1x128xi32, #tpu.memory_space<vmem>> -> memref<128xi32, #tpu.memory_space<vmem>>
    %dma_start3A_51 = arith.constant 0 : i32
    %dma_start3A_52 = arith.constant 0 : i32
    %dma_start3A_53 = tpu.memref_slice %arg2[%dma_start3A_51, %dma_start3A_52] : memref<10240x16xf32, #tpu.memory_space<hbm>> -> memref<10240x16xf32, #tpu.memory_space<hbm>>
    tpu.enqueue_indirect_dma source(%dma_start3A_53 : memref<10240x16xf32, #tpu.memory_space<hbm>>) target(%dma_start3A_47 : memref<128x16xf32, #tpu.memory_space<vmem>>) offsets(%dma_start3A_50 : memref<128xi32, #tpu.memory_space<vmem>>) semaphore(%arg12 : memref<!tpu.dma_semaphore, #tpu.memory_space<semaphore_mem>>)
    %dma_start3A_54 = arith.constant 3 : i32
    %dma_start3A_55 = arith.constant 3 : i32
    %dma_start3A_56 = arith.constant 0 : i32
    %dma_start3A_57 = arith.constant 0 : i32
    %dma_start3A_58 = tpu.memref_slice %arg7[%dma_start3A_55, %dma_start3A_56, %dma_start3A_57] : memref<8x128x16xf32, #tpu.memory_space<vmem>> -> memref<1x128x16xf32, #tpu.memory_space<vmem>>
    %dma_start3A_59 = tpu.memref_squeeze %dma_start3A_58 : memref<1x128x16xf32, #tpu.memory_space<vmem>> -> memref<128x16xf32, #tpu.memory_space<vmem>>
    %dma_start3A_60 = arith.constant 0 : i32
    %dma_start3A_61 = tpu.memref_slice %arg5[%dma_start3A_54, %dma_start3A_60] : memref<80x128xi32, #tpu.memory_space<vmem>> -> memref<1x128xi32, #tpu.memory_space<vmem>>
    %dma_start3A_62 = tpu.memref_squeeze %dma_start3A_61 : memref<1x128xi32, #tpu.memory_space<vmem>> -> memref<128xi32, #tpu.memory_space<vmem>>
    %dma_start3A_63 = arith.constant 0 : i32
    %dma_start3A_64 = arith.constant 0 : i32
    %dma_start3A_65 = tpu.memref_slice %arg2[%dma_start3A_63, %dma_start3A_64] : memref<10240x16xf32, #tpu.memory_space<hbm>> -> memref<10240x16xf32, #tpu.memory_space<hbm>>
    tpu.enqueue_indirect_dma source(%dma_start3A_65 : memref<10240x16xf32, #tpu.memory_space<hbm>>) target(%dma_start3A_59 : memref<128x16xf32, #tpu.memory_space<vmem>>) offsets(%dma_start3A_62 : memref<128xi32, #tpu.memory_space<vmem>>) semaphore(%arg13 : memref<!tpu.dma_semaphore, #tpu.memory_space<semaphore_mem>>)
    %dma_start3A_66 = arith.constant 4 : i32
    %dma_start3A_67 = arith.constant 4 : i32
    %dma_start3A_68 = arith.constant 0 : i32
    %dma_start3A_69 = arith.constant 0 : i32
    %dma_start3A_70 = tpu.memref_slice %arg7[%dma_start3A_67, %dma_start3A_68, %dma_start3A_69] : memref<8x128x16xf32, #tpu.memory_space<vmem>> -> memref<1x128x16xf32, #tpu.memory_space<vmem>>
    %dma_start3A_71 = tpu.memref_squeeze %dma_start3A_70 : memref<1x128x16xf32, #tpu.memory_space<vmem>> -> memref<128x16xf32, #tpu.memory_space<vmem>>
    %dma_start3A_72 = arith.constant 0 : i32
    %dma_start3A_73 = tpu.memref_slice %arg5[%dma_start3A_66, %dma_start3A_72] : memref<80x128xi32, #tpu.memory_space<vmem>> -> memref<1x128xi32, #tpu.memory_space<vmem>>
    %dma_start3A_74 = tpu.memref_squeeze %dma_start3A_73 : memref<1x128xi32, #tpu.memory_space<vmem>> -> memref<128xi32, #tpu.memory_space<vmem>>
    %dma_start3A_75 = arith.constant 0 : i32
    %dma_start3A_76 = arith.constant 0 : i32
    %dma_start3A_77 = tpu.memref_slice %arg2[%dma_start3A_75, %dma_start3A_76] : memref<10240x16xf32, #tpu.memory_space<hbm>> -> memref<10240x16xf32, #tpu.memory_space<hbm>>
    tpu.enqueue_indirect_dma source(%dma_start3A_77 : memref<10240x16xf32, #tpu.memory_space<hbm>>) target(%dma_start3A_71 : memref<128x16xf32, #tpu.memory_space<vmem>>) offsets(%dma_start3A_74 : memref<128xi32, #tpu.memory_space<vmem>>) semaphore(%arg14 : memref<!tpu.dma_semaphore, #tpu.memory_space<semaphore_mem>>)
    %dma_start3A_78 = arith.constant 5 : i32
    %dma_start3A_79 = arith.constant 5 : i32
    %dma_start3A_80 = arith.constant 0 : i32
    %dma_start3A_81 = arith.constant 0 : i32
    %dma_start3A_82 = tpu.memref_slice %arg7[%dma_start3A_79, %dma_start3A_80, %dma_start3A_81] : memref<8x128x16xf32, #tpu.memory_space<vmem>> -> memref<1x128x16xf32, #tpu.memory_space<vmem>>
    %dma_start3A_83 = tpu.memref_squeeze %dma_start3A_82 : memref<1x128x16xf32, #tpu.memory_space<vmem>> -> memref<128x16xf32, #tpu.memory_space<vmem>>
    %dma_start3A_84 = arith.constant 0 : i32
    %dma_start3A_85 = tpu.memref_slice %arg5[%dma_start3A_78, %dma_start3A_84] : memref<80x128xi32, #tpu.memory_space<vmem>> -> memref<1x128xi32, #tpu.memory_space<vmem>>
    %dma_start3A_86 = tpu.memref_squeeze %dma_start3A_85 : memref<1x128xi32, #tpu.memory_space<vmem>> -> memref<128xi32, #tpu.memory_space<vmem>>
    %dma_start3A_87 = arith.constant 0 : i32
    %dma_start3A_88 = arith.constant 0 : i32
    %dma_start3A_89 = tpu.memref_slice %arg2[%dma_start3A_87, %dma_start3A_88] : memref<10240x16xf32, #tpu.memory_space<hbm>> -> memref<10240x16xf32, #tpu.memory_space<hbm>>
    tpu.enqueue_indirect_dma source(%dma_start3A_89 : memref<10240x16xf32, #tpu.memory_space<hbm>>) target(%dma_start3A_83 : memref<128x16xf32, #tpu.memory_space<vmem>>) offsets(%dma_start3A_86 : memref<128xi32, #tpu.memory_space<vmem>>) semaphore(%arg15 : memref<!tpu.dma_semaphore, #tpu.memory_space<semaphore_mem>>)
    %dma_start3A_90 = arith.constant 6 : i32
    %dma_start3A_91 = arith.constant 6 : i32
    %dma_start3A_92 = arith.constant 0 : i32
    %dma_start3A_93 = arith.constant 0 : i32
    %dma_start3A_94 = tpu.memref_slice %arg7[%dma_start3A_91, %dma_start3A_92, %dma_start3A_93] : memref<8x128x16xf32, #tpu.memory_space<vmem>> -> memref<1x128x16xf32, #tpu.memory_space<vmem>>
    %dma_start3A_95 = tpu.memref_squeeze %dma_start3A_94 : memref<1x128x16xf32, #tpu.memory_space<vmem>> -> memref<128x16xf32, #tpu.memory_space<vmem>>
    %dma_start3A_96 = arith.constant 0 : i32
    %dma_start3A_97 = tpu.memref_slice %arg5[%dma_start3A_90, %dma_start3A_96] : memref<80x128xi32, #tpu.memory_space<vmem>> -> memref<1x128xi32, #tpu.memory_space<vmem>>
    %dma_start3A_98 = tpu.memref_squeeze %dma_start3A_97 : memref<1x128xi32, #tpu.memory_space<vmem>> -> memref<128xi32, #tpu.memory_space<vmem>>
    %dma_start3A_99 = arith.constant 0 : i32
    %dma_start3A_100 = arith.constant 0 : i32
    %dma_start3A_101 = tpu.memref_slice %arg2[%dma_start3A_99, %dma_start3A_100] : memref<10240x16xf32, #tpu.memory_space<hbm>> -> memref<10240x16xf32, #tpu.memory_space<hbm>>
    tpu.enqueue_indirect_dma source(%dma_start3A_101 : memref<10240x16xf32, #tpu.memory_space<hbm>>) target(%dma_start3A_95 : memref<128x16xf32, #tpu.memory_space<vmem>>) offsets(%dma_start3A_98 : memref<128xi32, #tpu.memory_space<vmem>>) semaphore(%arg16 : memref<!tpu.dma_semaphore, #tpu.memory_space<semaphore_mem>>)
    %dma_start3A_102 = arith.constant 7 : i32
    %dma_start3A_103 = arith.constant 7 : i32
    %dma_start3A_104 = arith.constant 0 : i32
    %dma_start3A_105 = arith.constant 0 : i32
    %dma_start3A_106 = tpu.memref_slice %arg7[%dma_start3A_103, %dma_start3A_104, %dma_start3A_105] : memref<8x128x16xf32, #tpu.memory_space<vmem>> -> memref<1x128x16xf32, #tpu.memory_space<vmem>>
    %dma_start3A_107 = tpu.memref_squeeze %dma_start3A_106 : memref<1x128x16xf32, #tpu.memory_space<vmem>> -> memref<128x16xf32, #tpu.memory_space<vmem>>
    %dma_start3A_108 = arith.constant 0 : i32
    %dma_start3A_109 = tpu.memref_slice %arg5[%dma_start3A_102, %dma_start3A_108] : memref<80x128xi32, #tpu.memory_space<vmem>> -> memref<1x128xi32, #tpu.memory_space<vmem>>
    %dma_start3A_110 = tpu.memref_squeeze %dma_start3A_109 : memref<1x128xi32, #tpu.memory_space<vmem>> -> memref<128xi32, #tpu.memory_space<vmem>>
    %dma_start3A_111 = arith.constant 0 : i32
    %dma_start3A_112 = arith.constant 0 : i32
    %dma_start3A_113 = tpu.memref_slice %arg2[%dma_start3A_111, %dma_start3A_112] : memref<10240x16xf32, #tpu.memory_space<hbm>> -> memref<10240x16xf32, #tpu.memory_space<hbm>>
    tpu.enqueue_indirect_dma source(%dma_start3A_113 : memref<10240x16xf32, #tpu.memory_space<hbm>>) target(%dma_start3A_107 : memref<128x16xf32, #tpu.memory_space<vmem>>) offsets(%dma_start3A_110 : memref<128xi32, #tpu.memory_space<vmem>>) semaphore(%arg17 : memref<!tpu.dma_semaphore, #tpu.memory_space<semaphore_mem>>)
    %scan3A_114 = arith.constant 0 : i32
    %scan3A_115 = arith.constant 0 : i32
    %scan3A_116 = arith.constant 10 : i32
    %scan3A_117 = arith.addi %scan3A_115, %scan3A_116 : i32
    %scan3A_118 = arith.constant 1 : i32
    scf.for %scan3A_123 = %scan3A_115 to %scan3A_117 step %scan3A_118  : i32 {
      %mul3A_124 = arith.constant 8 : i32
      %mul3A_125 = arith.muli %scan3A_123, %mul3A_124 : i32
      %add3A_126 = arith.constant 0 : i32
      %add3A_127 = arith.addi %mul3A_125, %add3A_126 : i32
      %dma_wait3A = arith.constant 0 : i32
      %dma_wait3A_128 = arith.constant 0 : i32
      %dma_wait3A_129 = arith.constant 0 : i32
      %dma_wait3A_130 = tpu.memref_slice %arg7[%dma_wait3A, %dma_wait3A_128, %dma_wait3A_129] : memref<8x128x16xf32, #tpu.memory_space<vmem>> -> memref<1x128x16xf32, #tpu.memory_space<vmem>>
      %dma_wait3A_131 = tpu.memref_squeeze %dma_wait3A_130 : memref<1x128x16xf32, #tpu.memory_space<vmem>> -> memref<128x16xf32, #tpu.memory_space<vmem>>
      %dma_wait3A_132 = arith.constant 0 : i32
      %dma_wait3A_133 = tpu.memref_slice %arg5[%add3A_127, %dma_wait3A_132] : memref<80x128xi32, #tpu.memory_space<vmem>> -> memref<1x128xi32, #tpu.memory_space<vmem>>
      %dma_wait3A_134 = tpu.memref_squeeze %dma_wait3A_133 : memref<1x128xi32, #tpu.memory_space<vmem>> -> memref<128xi32, #tpu.memory_space<vmem>>
      %dma_wait3A_135 = arith.constant 0 : i32
      %dma_wait3A_136 = arith.constant 0 : i32
      %dma_wait3A_137 = tpu.memref_slice %arg2[%dma_wait3A_135, %dma_wait3A_136] : memref<10240x16xf32, #tpu.memory_space<hbm>> -> memref<10240x16xf32, #tpu.memory_space<hbm>>
      tpu.wait_indirect_dma semaphore(%arg10 : memref<!tpu.dma_semaphore, #tpu.memory_space<semaphore_mem>>) src(%dma_wait3A_137 : memref<10240x16xf32, #tpu.memory_space<hbm>>) dst(%dma_wait3A_131 : memref<128x16xf32, #tpu.memory_space<vmem>>)
      %run_scoped3A_138 = arith.constant 0 : i32
      "tpu.region"() ({
        %run_scoped3A_288 = tpu.sem_alloc : memref<!tpu.dma_semaphore, #tpu.memory_space<semaphore_mem>>
        %dma_start3A_289 = arith.constant 0 : i32
        %dma_start3A_290 = arith.constant 0 : i32
        %dma_start3A_291 = tpu.memref_slice %arg7[%run_scoped3A_138, %dma_start3A_289, %dma_start3A_290] : memref<8x128x16xf32, #tpu.memory_space<vmem>> -> memref<1x128x16xf32, #tpu.memory_space<vmem>>
        %dma_start3A_292 = tpu.memref_squeeze %dma_start3A_291 : memref<1x128x16xf32, #tpu.memory_space<vmem>> -> memref<128x16xf32, #tpu.memory_space<vmem>>
        %dma_start3A_293 = arith.constant 0 : i32
        %dma_start3A_294 = tpu.memref_slice %arg6[%add3A_127, %dma_start3A_293] : memref<80x128xi32, #tpu.memory_space<vmem>> -> memref<1x128xi32, #tpu.memory_space<vmem>>
        %dma_start3A_295 = tpu.memref_squeeze %dma_start3A_294 : memref<1x128xi32, #tpu.memory_space<vmem>> -> memref<128xi32, #tpu.memory_space<vmem>>
        %dma_start3A_296 = arith.constant 0 : i32
        %dma_start3A_297 = arith.constant 0 : i32
        %dma_start3A_298 = tpu.memref_slice %arg9[%dma_start3A_296, %dma_start3A_297] : memref<10240x16xf32, #tpu.memory_space<vmem_shared>> -> memref<10240x16xf32, #tpu.memory_space<vmem_shared>>
        tpu.enqueue_indirect_dma source(%dma_start3A_292 : memref<128x16xf32, #tpu.memory_space<vmem>>) target(%dma_start3A_298 : memref<10240x16xf32, #tpu.memory_space<vmem_shared>>) offsets(%dma_start3A_295 : memref<128xi32, #tpu.memory_space<vmem>>) semaphore(%run_scoped3A_288 : memref<!tpu.dma_semaphore, #tpu.memory_space<semaphore_mem>>) {add = true}
        %dma_wait3A_299 = arith.constant 0 : i32
        %dma_wait3A_300 = arith.constant 0 : i32
        %dma_wait3A_301 = tpu.memref_slice %arg7[%run_scoped3A_138, %dma_wait3A_299, %dma_wait3A_300] : memref<8x128x16xf32, #tpu.memory_space<vmem>> -> memref<1x128x16xf32, #tpu.memory_space<vmem>>
        %dma_wait3A_302 = tpu.memref_squeeze %dma_wait3A_301 : memref<1x128x16xf32, #tpu.memory_space<vmem>> -> memref<128x16xf32, #tpu.memory_space<vmem>>
        %dma_wait3A_303 = arith.constant 0 : i32
        %dma_wait3A_304 = tpu.memref_slice %arg6[%add3A_127, %dma_wait3A_303] : memref<80x128xi32, #tpu.memory_space<vmem>> -> memref<1x128xi32, #tpu.memory_space<vmem>>
        %dma_wait3A_305 = tpu.memref_squeeze %dma_wait3A_304 : memref<1x128xi32, #tpu.memory_space<vmem>> -> memref<128xi32, #tpu.memory_space<vmem>>
        %dma_wait3A_306 = arith.constant 0 : i32
        %dma_wait3A_307 = arith.constant 0 : i32
        %dma_wait3A_308 = tpu.memref_slice %arg9[%dma_wait3A_306, %dma_wait3A_307] : memref<10240x16xf32, #tpu.memory_space<vmem_shared>> -> memref<10240x16xf32, #tpu.memory_space<vmem_shared>>
        tpu.wait_indirect_dma semaphore(%run_scoped3A_288 : memref<!tpu.dma_semaphore, #tpu.memory_space<semaphore_mem>>) src(%dma_wait3A_302 : memref<128x16xf32, #tpu.memory_space<vmem>>) dst(%dma_wait3A_308 : memref<10240x16xf32, #tpu.memory_space<vmem_shared>>)
        tpu.yield
      }) : () -> ()
      %lt3A = arith.constant 9 : i32
      %lt3A_139 = arith.cmpi slt, %scan3A_123, %lt3A : i32
      %convert_element_type3A = arith.extui %lt3A_139 : i1 to i32
      %cond3A = arith.constant 0 : i32
      %cond3A_140 = arith.cmpi ne, %convert_element_type3A, %cond3A : i32
      scf.if %cond3A_140 {
        %add3A_288 = arith.constant 8 : i32
        %add3A_289 = arith.addi %add3A_127, %add3A_288 : i32
        %dma_start3A_290 = arith.constant 0 : i32
        %dma_start3A_291 = arith.constant 0 : i32
        %dma_start3A_292 = arith.constant 0 : i32
        %dma_start3A_293 = tpu.memref_slice %arg7[%dma_start3A_290, %dma_start3A_291, %dma_start3A_292] : memref<8x128x16xf32, #tpu.memory_space<vmem>> -> memref<1x128x16xf32, #tpu.memory_space<vmem>>
        %dma_start3A_294 = tpu.memref_squeeze %dma_start3A_293 : memref<1x128x16xf32, #tpu.memory_space<vmem>> -> memref<128x16xf32, #tpu.memory_space<vmem>>
        %dma_start3A_295 = arith.constant 0 : i32
        %dma_start3A_296 = tpu.memref_slice %arg5[%add3A_289, %dma_start3A_295] : memref<80x128xi32, #tpu.memory_space<vmem>> -> memref<1x128xi32, #tpu.memory_space<vmem>>
        %dma_start3A_297 = tpu.memref_squeeze %dma_start3A_296 : memref<1x128xi32, #tpu.memory_space<vmem>> -> memref<128xi32, #tpu.memory_space<vmem>>
        %dma_start3A_298 = arith.constant 0 : i32
        %dma_start3A_299 = arith.constant 0 : i32
        %dma_start3A_300 = tpu.memref_slice %arg2[%dma_start3A_298, %dma_start3A_299] : memref<10240x16xf32, #tpu.memory_space<hbm>> -> memref<10240x16xf32, #tpu.memory_space<hbm>>
        tpu.enqueue_indirect_dma source(%dma_start3A_300 : memref<10240x16xf32, #tpu.memory_space<hbm>>) target(%dma_start3A_294 : memref<128x16xf32, #tpu.memory_space<vmem>>) offsets(%dma_start3A_297 : memref<128xi32, #tpu.memory_space<vmem>>) semaphore(%arg10 : memref<!tpu.dma_semaphore, #tpu.memory_space<semaphore_mem>>)
      } else {
      }
      %mul3A_141 = arith.constant 8 : i32
      %mul3A_142 = arith.muli %scan3A_123, %mul3A_141 : i32
      %add3A_143 = arith.constant 1 : i32
      %add3A_144 = arith.addi %mul3A_142, %add3A_143 : i32
      %dma_wait3A_145 = arith.constant 1 : i32
      %dma_wait3A_146 = arith.constant 0 : i32
      %dma_wait3A_147 = arith.constant 0 : i32
      %dma_wait3A_148 = tpu.memref_slice %arg7[%dma_wait3A_145, %dma_wait3A_146, %dma_wait3A_147] : memref<8x128x16xf32, #tpu.memory_space<vmem>> -> memref<1x128x16xf32, #tpu.memory_space<vmem>>
      %dma_wait3A_149 = tpu.memref_squeeze %dma_wait3A_148 : memref<1x128x16xf32, #tpu.memory_space<vmem>> -> memref<128x16xf32, #tpu.memory_space<vmem>>
      %dma_wait3A_150 = arith.constant 0 : i32
      %dma_wait3A_151 = tpu.memref_slice %arg5[%add3A_144, %dma_wait3A_150] : memref<80x128xi32, #tpu.memory_space<vmem>> -> memref<1x128xi32, #tpu.memory_space<vmem>>
      %dma_wait3A_152 = tpu.memref_squeeze %dma_wait3A_151 : memref<1x128xi32, #tpu.memory_space<vmem>> -> memref<128xi32, #tpu.memory_space<vmem>>
      %dma_wait3A_153 = arith.constant 0 : i32
      %dma_wait3A_154 = arith.constant 0 : i32
      %dma_wait3A_155 = tpu.memref_slice %arg2[%dma_wait3A_153, %dma_wait3A_154] : memref<10240x16xf32, #tpu.memory_space<hbm>> -> memref<10240x16xf32, #tpu.memory_space<hbm>>
      tpu.wait_indirect_dma semaphore(%arg11 : memref<!tpu.dma_semaphore, #tpu.memory_space<semaphore_mem>>) src(%dma_wait3A_155 : memref<10240x16xf32, #tpu.memory_space<hbm>>) dst(%dma_wait3A_149 : memref<128x16xf32, #tpu.memory_space<vmem>>)
      %run_scoped3A_156 = arith.constant 1 : i32
      "tpu.region"() ({
        %run_scoped3A_288 = tpu.sem_alloc : memref<!tpu.dma_semaphore, #tpu.memory_space<semaphore_mem>>
        %dma_start3A_289 = arith.constant 0 : i32
        %dma_start3A_290 = arith.constant 0 : i32
        %dma_start3A_291 = tpu.memref_slice %arg7[%run_scoped3A_156, %dma_start3A_289, %dma_start3A_290] : memref<8x128x16xf32, #tpu.memory_space<vmem>> -> memref<1x128x16xf32, #tpu.memory_space<vmem>>
        %dma_start3A_292 = tpu.memref_squeeze %dma_start3A_291 : memref<1x128x16xf32, #tpu.memory_space<vmem>> -> memref<128x16xf32, #tpu.memory_space<vmem>>
        %dma_start3A_293 = arith.constant 0 : i32
        %dma_start3A_294 = tpu.memref_slice %arg6[%add3A_144, %dma_start3A_293] : memref<80x128xi32, #tpu.memory_space<vmem>> -> memref<1x128xi32, #tpu.memory_space<vmem>>
        %dma_start3A_295 = tpu.memref_squeeze %dma_start3A_294 : memref<1x128xi32, #tpu.memory_space<vmem>> -> memref<128xi32, #tpu.memory_space<vmem>>
        %dma_start3A_296 = arith.constant 0 : i32
        %dma_start3A_297 = arith.constant 0 : i32
        %dma_start3A_298 = tpu.memref_slice %arg9[%dma_start3A_296, %dma_start3A_297] : memref<10240x16xf32, #tpu.memory_space<vmem_shared>> -> memref<10240x16xf32, #tpu.memory_space<vmem_shared>>
        tpu.enqueue_indirect_dma source(%dma_start3A_292 : memref<128x16xf32, #tpu.memory_space<vmem>>) target(%dma_start3A_298 : memref<10240x16xf32, #tpu.memory_space<vmem_shared>>) offsets(%dma_start3A_295 : memref<128xi32, #tpu.memory_space<vmem>>) semaphore(%run_scoped3A_288 : memref<!tpu.dma_semaphore, #tpu.memory_space<semaphore_mem>>) {add = true}
        %dma_wait3A_299 = arith.constant 0 : i32
        %dma_wait3A_300 = arith.constant 0 : i32
        %dma_wait3A_301 = tpu.memref_slice %arg7[%run_scoped3A_156, %dma_wait3A_299, %dma_wait3A_300] : memref<8x128x16xf32, #tpu.memory_space<vmem>> -> memref<1x128x16xf32, #tpu.memory_space<vmem>>
        %dma_wait3A_302 = tpu.memref_squeeze %dma_wait3A_301 : memref<1x128x16xf32, #tpu.memory_space<vmem>> -> memref<128x16xf32, #tpu.memory_space<vmem>>
        %dma_wait3A_303 = arith.constant 0 : i32
        %dma_wait3A_304 = tpu.memref_slice %arg6[%add3A_144, %dma_wait3A_303] : memref<80x128xi32, #tpu.memory_space<vmem>> -> memref<1x128xi32, #tpu.memory_space<vmem>>
        %dma_wait3A_305 = tpu.memref_squeeze %dma_wait3A_304 : memref<1x128xi32, #tpu.memory_space<vmem>> -> memref<128xi32, #tpu.memory_space<vmem>>
        %dma_wait3A_306 = arith.constant 0 : i32
        %dma_wait3A_307 = arith.constant 0 : i32
        %dma_wait3A_308 = tpu.memref_slice %arg9[%dma_wait3A_306, %dma_wait3A_307] : memref<10240x16xf32, #tpu.memory_space<vmem_shared>> -> memref<10240x16xf32, #tpu.memory_space<vmem_shared>>
        tpu.wait_indirect_dma semaphore(%run_scoped3A_288 : memref<!tpu.dma_semaphore, #tpu.memory_space<semaphore_mem>>) src(%dma_wait3A_302 : memref<128x16xf32, #tpu.memory_space<vmem>>) dst(%dma_wait3A_308 : memref<10240x16xf32, #tpu.memory_space<vmem_shared>>)
        tpu.yield
      }) : () -> ()
      %lt3A_157 = arith.constant 9 : i32
      %lt3A_158 = arith.cmpi slt, %scan3A_123, %lt3A_157 : i32
      %convert_element_type3A_159 = arith.extui %lt3A_158 : i1 to i32
      %cond3A_160 = arith.constant 0 : i32
      %cond3A_161 = arith.cmpi ne, %convert_element_type3A_159, %cond3A_160 : i32
      scf.if %cond3A_161 {
        %add3A_288 = arith.constant 8 : i32
        %add3A_289 = arith.addi %add3A_144, %add3A_288 : i32
        %dma_start3A_290 = arith.constant 1 : i32
        %dma_start3A_291 = arith.constant 0 : i32
        %dma_start3A_292 = arith.constant 0 : i32
        %dma_start3A_293 = tpu.memref_slice %arg7[%dma_start3A_290, %dma_start3A_291, %dma_start3A_292] : memref<8x128x16xf32, #tpu.memory_space<vmem>> -> memref<1x128x16xf32, #tpu.memory_space<vmem>>
        %dma_start3A_294 = tpu.memref_squeeze %dma_start3A_293 : memref<1x128x16xf32, #tpu.memory_space<vmem>> -> memref<128x16xf32, #tpu.memory_space<vmem>>
        %dma_start3A_295 = arith.constant 0 : i32
        %dma_start3A_296 = tpu.memref_slice %arg5[%add3A_289, %dma_start3A_295] : memref<80x128xi32, #tpu.memory_space<vmem>> -> memref<1x128xi32, #tpu.memory_space<vmem>>
        %dma_start3A_297 = tpu.memref_squeeze %dma_start3A_296 : memref<1x128xi32, #tpu.memory_space<vmem>> -> memref<128xi32, #tpu.memory_space<vmem>>
        %dma_start3A_298 = arith.constant 0 : i32
        %dma_start3A_299 = arith.constant 0 : i32
        %dma_start3A_300 = tpu.memref_slice %arg2[%dma_start3A_298, %dma_start3A_299] : memref<10240x16xf32, #tpu.memory_space<hbm>> -> memref<10240x16xf32, #tpu.memory_space<hbm>>
        tpu.enqueue_indirect_dma source(%dma_start3A_300 : memref<10240x16xf32, #tpu.memory_space<hbm>>) target(%dma_start3A_294 : memref<128x16xf32, #tpu.memory_space<vmem>>) offsets(%dma_start3A_297 : memref<128xi32, #tpu.memory_space<vmem>>) semaphore(%arg11 : memref<!tpu.dma_semaphore, #tpu.memory_space<semaphore_mem>>)
      } else {
      }
      %mul3A_162 = arith.constant 8 : i32
      %mul3A_163 = arith.muli %scan3A_123, %mul3A_162 : i32
      %add3A_164 = arith.constant 2 : i32
      %add3A_165 = arith.addi %mul3A_163, %add3A_164 : i32
      %dma_wait3A_166 = arith.constant 2 : i32
      %dma_wait3A_167 = arith.constant 0 : i32
      %dma_wait3A_168 = arith.constant 0 : i32
      %dma_wait3A_169 = tpu.memref_slice %arg7[%dma_wait3A_166, %dma_wait3A_167, %dma_wait3A_168] : memref<8x128x16xf32, #tpu.memory_space<vmem>> -> memref<1x128x16xf32, #tpu.memory_space<vmem>>
      %dma_wait3A_170 = tpu.memref_squeeze %dma_wait3A_169 : memref<1x128x16xf32, #tpu.memory_space<vmem>> -> memref<128x16xf32, #tpu.memory_space<vmem>>
      %dma_wait3A_171 = arith.constant 0 : i32
      %dma_wait3A_172 = tpu.memref_slice %arg5[%add3A_165, %dma_wait3A_171] : memref<80x128xi32, #tpu.memory_space<vmem>> -> memref<1x128xi32, #tpu.memory_space<vmem>>
      %dma_wait3A_173 = tpu.memref_squeeze %dma_wait3A_172 : memref<1x128xi32, #tpu.memory_space<vmem>> -> memref<128xi32, #tpu.memory_space<vmem>>
      %dma_wait3A_174 = arith.constant 0 : i32
      %dma_wait3A_175 = arith.constant 0 : i32
      %dma_wait3A_176 = tpu.memref_slice %arg2[%dma_wait3A_174, %dma_wait3A_175] : memref<10240x16xf32, #tpu.memory_space<hbm>> -> memref<10240x16xf32, #tpu.memory_space<hbm>>
      tpu.wait_indirect_dma semaphore(%arg12 : memref<!tpu.dma_semaphore, #tpu.memory_space<semaphore_mem>>) src(%dma_wait3A_176 : memref<10240x16xf32, #tpu.memory_space<hbm>>) dst(%dma_wait3A_170 : memref<128x16xf32, #tpu.memory_space<vmem>>)
      %run_scoped3A_177 = arith.constant 2 : i32
      "tpu.region"() ({
        %run_scoped3A_288 = tpu.sem_alloc : memref<!tpu.dma_semaphore, #tpu.memory_space<semaphore_mem>>
        %dma_start3A_289 = arith.constant 0 : i32
        %dma_start3A_290 = arith.constant 0 : i32
        %dma_start3A_291 = tpu.memref_slice %arg7[%run_scoped3A_177, %dma_start3A_289, %dma_start3A_290] : memref<8x128x16xf32, #tpu.memory_space<vmem>> -> memref<1x128x16xf32, #tpu.memory_space<vmem>>
        %dma_start3A_292 = tpu.memref_squeeze %dma_start3A_291 : memref<1x128x16xf32, #tpu.memory_space<vmem>> -> memref<128x16xf32, #tpu.memory_space<vmem>>
        %dma_start3A_293 = arith.constant 0 : i32
        %dma_start3A_294 = tpu.memref_slice %arg6[%add3A_165, %dma_start3A_293] : memref<80x128xi32, #tpu.memory_space<vmem>> -> memref<1x128xi32, #tpu.memory_space<vmem>>
        %dma_start3A_295 = tpu.memref_squeeze %dma_start3A_294 : memref<1x128xi32, #tpu.memory_space<vmem>> -> memref<128xi32, #tpu.memory_space<vmem>>
        %dma_start3A_296 = arith.constant 0 : i32
        %dma_start3A_297 = arith.constant 0 : i32
        %dma_start3A_298 = tpu.memref_slice %arg9[%dma_start3A_296, %dma_start3A_297] : memref<10240x16xf32, #tpu.memory_space<vmem_shared>> -> memref<10240x16xf32, #tpu.memory_space<vmem_shared>>
        tpu.enqueue_indirect_dma source(%dma_start3A_292 : memref<128x16xf32, #tpu.memory_space<vmem>>) target(%dma_start3A_298 : memref<10240x16xf32, #tpu.memory_space<vmem_shared>>) offsets(%dma_start3A_295 : memref<128xi32, #tpu.memory_space<vmem>>) semaphore(%run_scoped3A_288 : memref<!tpu.dma_semaphore, #tpu.memory_space<semaphore_mem>>) {add = true}
        %dma_wait3A_299 = arith.constant 0 : i32
        %dma_wait3A_300 = arith.constant 0 : i32
        %dma_wait3A_301 = tpu.memref_slice %arg7[%run_scoped3A_177, %dma_wait3A_299, %dma_wait3A_300] : memref<8x128x16xf32, #tpu.memory_space<vmem>> -> memref<1x128x16xf32, #tpu.memory_space<vmem>>
        %dma_wait3A_302 = tpu.memref_squeeze %dma_wait3A_301 : memref<1x128x16xf32, #tpu.memory_space<vmem>> -> memref<128x16xf32, #tpu.memory_space<vmem>>
        %dma_wait3A_303 = arith.constant 0 : i32
        %dma_wait3A_304 = tpu.memref_slice %arg6[%add3A_165, %dma_wait3A_303] : memref<80x128xi32, #tpu.memory_space<vmem>> -> memref<1x128xi32, #tpu.memory_space<vmem>>
        %dma_wait3A_305 = tpu.memref_squeeze %dma_wait3A_304 : memref<1x128xi32, #tpu.memory_space<vmem>> -> memref<128xi32, #tpu.memory_space<vmem>>
        %dma_wait3A_306 = arith.constant 0 : i32
        %dma_wait3A_307 = arith.constant 0 : i32
        %dma_wait3A_308 = tpu.memref_slice %arg9[%dma_wait3A_306, %dma_wait3A_307] : memref<10240x16xf32, #tpu.memory_space<vmem_shared>> -> memref<10240x16xf32, #tpu.memory_space<vmem_shared>>
        tpu.wait_indirect_dma semaphore(%run_scoped3A_288 : memref<!tpu.dma_semaphore, #tpu.memory_space<semaphore_mem>>) src(%dma_wait3A_302 : memref<128x16xf32, #tpu.memory_space<vmem>>) dst(%dma_wait3A_308 : memref<10240x16xf32, #tpu.memory_space<vmem_shared>>)
        tpu.yield
      }) : () -> ()
      %lt3A_178 = arith.constant 9 : i32
      %lt3A_179 = arith.cmpi slt, %scan3A_123, %lt3A_178 : i32
      %convert_element_type3A_180 = arith.extui %lt3A_179 : i1 to i32
      %cond3A_181 = arith.constant 0 : i32
      %cond3A_182 = arith.cmpi ne, %convert_element_type3A_180, %cond3A_181 : i32
      scf.if %cond3A_182 {
        %add3A_288 = arith.constant 8 : i32
        %add3A_289 = arith.addi %add3A_165, %add3A_288 : i32
        %dma_start3A_290 = arith.constant 2 : i32
        %dma_start3A_291 = arith.constant 0 : i32
        %dma_start3A_292 = arith.constant 0 : i32
        %dma_start3A_293 = tpu.memref_slice %arg7[%dma_start3A_290, %dma_start3A_291, %dma_start3A_292] : memref<8x128x16xf32, #tpu.memory_space<vmem>> -> memref<1x128x16xf32, #tpu.memory_space<vmem>>
        %dma_start3A_294 = tpu.memref_squeeze %dma_start3A_293 : memref<1x128x16xf32, #tpu.memory_space<vmem>> -> memref<128x16xf32, #tpu.memory_space<vmem>>
        %dma_start3A_295 = arith.constant 0 : i32
        %dma_start3A_296 = tpu.memref_slice %arg5[%add3A_289, %dma_start3A_295] : memref<80x128xi32, #tpu.memory_space<vmem>> -> memref<1x128xi32, #tpu.memory_space<vmem>>
        %dma_start3A_297 = tpu.memref_squeeze %dma_start3A_296 : memref<1x128xi32, #tpu.memory_space<vmem>> -> memref<128xi32, #tpu.memory_space<vmem>>
        %dma_start3A_298 = arith.constant 0 : i32
        %dma_start3A_299 = arith.constant 0 : i32
        %dma_start3A_300 = tpu.memref_slice %arg2[%dma_start3A_298, %dma_start3A_299] : memref<10240x16xf32, #tpu.memory_space<hbm>> -> memref<10240x16xf32, #tpu.memory_space<hbm>>
        tpu.enqueue_indirect_dma source(%dma_start3A_300 : memref<10240x16xf32, #tpu.memory_space<hbm>>) target(%dma_start3A_294 : memref<128x16xf32, #tpu.memory_space<vmem>>) offsets(%dma_start3A_297 : memref<128xi32, #tpu.memory_space<vmem>>) semaphore(%arg12 : memref<!tpu.dma_semaphore, #tpu.memory_space<semaphore_mem>>)
      } else {
      }
      %mul3A_183 = arith.constant 8 : i32
      %mul3A_184 = arith.muli %scan3A_123, %mul3A_183 : i32
      %add3A_185 = arith.constant 3 : i32
      %add3A_186 = arith.addi %mul3A_184, %add3A_185 : i32
      %dma_wait3A_187 = arith.constant 3 : i32
      %dma_wait3A_188 = arith.constant 0 : i32
      %dma_wait3A_189 = arith.constant 0 : i32
      %dma_wait3A_190 = tpu.memref_slice %arg7[%dma_wait3A_187, %dma_wait3A_188, %dma_wait3A_189] : memref<8x128x16xf32, #tpu.memory_space<vmem>> -> memref<1x128x16xf32, #tpu.memory_space<vmem>>
      %dma_wait3A_191 = tpu.memref_squeeze %dma_wait3A_190 : memref<1x128x16xf32, #tpu.memory_space<vmem>> -> memref<128x16xf32, #tpu.memory_space<vmem>>
      %dma_wait3A_192 = arith.constant 0 : i32
      %dma_wait3A_193 = tpu.memref_slice %arg5[%add3A_186, %dma_wait3A_192] : memref<80x128xi32, #tpu.memory_space<vmem>> -> memref<1x128xi32, #tpu.memory_space<vmem>>
      %dma_wait3A_194 = tpu.memref_squeeze %dma_wait3A_193 : memref<1x128xi32, #tpu.memory_space<vmem>> -> memref<128xi32, #tpu.memory_space<vmem>>
      %dma_wait3A_195 = arith.constant 0 : i32
      %dma_wait3A_196 = arith.constant 0 : i32
      %dma_wait3A_197 = tpu.memref_slice %arg2[%dma_wait3A_195, %dma_wait3A_196] : memref<10240x16xf32, #tpu.memory_space<hbm>> -> memref<10240x16xf32, #tpu.memory_space<hbm>>
      tpu.wait_indirect_dma semaphore(%arg13 : memref<!tpu.dma_semaphore, #tpu.memory_space<semaphore_mem>>) src(%dma_wait3A_197 : memref<10240x16xf32, #tpu.memory_space<hbm>>) dst(%dma_wait3A_191 : memref<128x16xf32, #tpu.memory_space<vmem>>)
      %run_scoped3A_198 = arith.constant 3 : i32
      "tpu.region"() ({
        %run_scoped3A_288 = tpu.sem_alloc : memref<!tpu.dma_semaphore, #tpu.memory_space<semaphore_mem>>
        %dma_start3A_289 = arith.constant 0 : i32
        %dma_start3A_290 = arith.constant 0 : i32
        %dma_start3A_291 = tpu.memref_slice %arg7[%run_scoped3A_198, %dma_start3A_289, %dma_start3A_290] : memref<8x128x16xf32, #tpu.memory_space<vmem>> -> memref<1x128x16xf32, #tpu.memory_space<vmem>>
        %dma_start3A_292 = tpu.memref_squeeze %dma_start3A_291 : memref<1x128x16xf32, #tpu.memory_space<vmem>> -> memref<128x16xf32, #tpu.memory_space<vmem>>
        %dma_start3A_293 = arith.constant 0 : i32
        %dma_start3A_294 = tpu.memref_slice %arg6[%add3A_186, %dma_start3A_293] : memref<80x128xi32, #tpu.memory_space<vmem>> -> memref<1x128xi32, #tpu.memory_space<vmem>>
        %dma_start3A_295 = tpu.memref_squeeze %dma_start3A_294 : memref<1x128xi32, #tpu.memory_space<vmem>> -> memref<128xi32, #tpu.memory_space<vmem>>
        %dma_start3A_296 = arith.constant 0 : i32
        %dma_start3A_297 = arith.constant 0 : i32
        %dma_start3A_298 = tpu.memref_slice %arg9[%dma_start3A_296, %dma_start3A_297] : memref<10240x16xf32, #tpu.memory_space<vmem_shared>> -> memref<10240x16xf32, #tpu.memory_space<vmem_shared>>
        tpu.enqueue_indirect_dma source(%dma_start3A_292 : memref<128x16xf32, #tpu.memory_space<vmem>>) target(%dma_start3A_298 : memref<10240x16xf32, #tpu.memory_space<vmem_shared>>) offsets(%dma_start3A_295 : memref<128xi32, #tpu.memory_space<vmem>>) semaphore(%run_scoped3A_288 : memref<!tpu.dma_semaphore, #tpu.memory_space<semaphore_mem>>) {add = true}
        %dma_wait3A_299 = arith.constant 0 : i32
        %dma_wait3A_300 = arith.constant 0 : i32
        %dma_wait3A_301 = tpu.memref_slice %arg7[%run_scoped3A_198, %dma_wait3A_299, %dma_wait3A_300] : memref<8x128x16xf32, #tpu.memory_space<vmem>> -> memref<1x128x16xf32, #tpu.memory_space<vmem>>
        %dma_wait3A_302 = tpu.memref_squeeze %dma_wait3A_301 : memref<1x128x16xf32, #tpu.memory_space<vmem>> -> memref<128x16xf32, #tpu.memory_space<vmem>>
        %dma_wait3A_303 = arith.constant 0 : i32
        %dma_wait3A_304 = tpu.memref_slice %arg6[%add3A_186, %dma_wait3A_303] : memref<80x128xi32, #tpu.memory_space<vmem>> -> memref<1x128xi32, #tpu.memory_space<vmem>>
        %dma_wait3A_305 = tpu.memref_squeeze %dma_wait3A_304 : memref<1x128xi32, #tpu.memory_space<vmem>> -> memref<128xi32, #tpu.memory_space<vmem>>
        %dma_wait3A_306 = arith.constant 0 : i32
        %dma_wait3A_307 = arith.constant 0 : i32
        %dma_wait3A_308 = tpu.memref_slice %arg9[%dma_wait3A_306, %dma_wait3A_307] : memref<10240x16xf32, #tpu.memory_space<vmem_shared>> -> memref<10240x16xf32, #tpu.memory_space<vmem_shared>>
        tpu.wait_indirect_dma semaphore(%run_scoped3A_288 : memref<!tpu.dma_semaphore, #tpu.memory_space<semaphore_mem>>) src(%dma_wait3A_302 : memref<128x16xf32, #tpu.memory_space<vmem>>) dst(%dma_wait3A_308 : memref<10240x16xf32, #tpu.memory_space<vmem_shared>>)
        tpu.yield
      }) : () -> ()
      %lt3A_199 = arith.constant 9 : i32
      %lt3A_200 = arith.cmpi slt, %scan3A_123, %lt3A_199 : i32
      %convert_element_type3A_201 = arith.extui %lt3A_200 : i1 to i32
      %cond3A_202 = arith.constant 0 : i32
      %cond3A_203 = arith.cmpi ne, %convert_element_type3A_201, %cond3A_202 : i32
      scf.if %cond3A_203 {
        %add3A_288 = arith.constant 8 : i32
        %add3A_289 = arith.addi %add3A_186, %add3A_288 : i32
        %dma_start3A_290 = arith.constant 3 : i32
        %dma_start3A_291 = arith.constant 0 : i32
        %dma_start3A_292 = arith.constant 0 : i32
        %dma_start3A_293 = tpu.memref_slice %arg7[%dma_start3A_290, %dma_start3A_291, %dma_start3A_292] : memref<8x128x16xf32, #tpu.memory_space<vmem>> -> memref<1x128x16xf32, #tpu.memory_space<vmem>>
        %dma_start3A_294 = tpu.memref_squeeze %dma_start3A_293 : memref<1x128x16xf32, #tpu.memory_space<vmem>> -> memref<128x16xf32, #tpu.memory_space<vmem>>
        %dma_start3A_295 = arith.constant 0 : i32
        %dma_start3A_296 = tpu.memref_slice %arg5[%add3A_289, %dma_start3A_295] : memref<80x128xi32, #tpu.memory_space<vmem>> -> memref<1x128xi32, #tpu.memory_space<vmem>>
        %dma_start3A_297 = tpu.memref_squeeze %dma_start3A_296 : memref<1x128xi32, #tpu.memory_space<vmem>> -> memref<128xi32, #tpu.memory_space<vmem>>
        %dma_start3A_298 = arith.constant 0 : i32
        %dma_start3A_299 = arith.constant 0 : i32
        %dma_start3A_300 = tpu.memref_slice %arg2[%dma_start3A_298, %dma_start3A_299] : memref<10240x16xf32, #tpu.memory_space<hbm>> -> memref<10240x16xf32, #tpu.memory_space<hbm>>
        tpu.enqueue_indirect_dma source(%dma_start3A_300 : memref<10240x16xf32, #tpu.memory_space<hbm>>) target(%dma_start3A_294 : memref<128x16xf32, #tpu.memory_space<vmem>>) offsets(%dma_start3A_297 : memref<128xi32, #tpu.memory_space<vmem>>) semaphore(%arg13 : memref<!tpu.dma_semaphore, #tpu.memory_space<semaphore_mem>>)
      } else {
      }
      %mul3A_204 = arith.constant 8 : i32
      %mul3A_205 = arith.muli %scan3A_123, %mul3A_204 : i32
      %add3A_206 = arith.constant 4 : i32
      %add3A_207 = arith.addi %mul3A_205, %add3A_206 : i32
      %dma_wait3A_208 = arith.constant 4 : i32
      %dma_wait3A_209 = arith.constant 0 : i32
      %dma_wait3A_210 = arith.constant 0 : i32
      %dma_wait3A_211 = tpu.memref_slice %arg7[%dma_wait3A_208, %dma_wait3A_209, %dma_wait3A_210] : memref<8x128x16xf32, #tpu.memory_space<vmem>> -> memref<1x128x16xf32, #tpu.memory_space<vmem>>
      %dma_wait3A_212 = tpu.memref_squeeze %dma_wait3A_211 : memref<1x128x16xf32, #tpu.memory_space<vmem>> -> memref<128x16xf32, #tpu.memory_space<vmem>>
      %dma_wait3A_213 = arith.constant 0 : i32
      %dma_wait3A_214 = tpu.memref_slice %arg5[%add3A_207, %dma_wait3A_213] : memref<80x128xi32, #tpu.memory_space<vmem>> -> memref<1x128xi32, #tpu.memory_space<vmem>>
      %dma_wait3A_215 = tpu.memref_squeeze %dma_wait3A_214 : memref<1x128xi32, #tpu.memory_space<vmem>> -> memref<128xi32, #tpu.memory_space<vmem>>
      %dma_wait3A_216 = arith.constant 0 : i32
      %dma_wait3A_217 = arith.constant 0 : i32
      %dma_wait3A_218 = tpu.memref_slice %arg2[%dma_wait3A_216, %dma_wait3A_217] : memref<10240x16xf32, #tpu.memory_space<hbm>> -> memref<10240x16xf32, #tpu.memory_space<hbm>>
      tpu.wait_indirect_dma semaphore(%arg14 : memref<!tpu.dma_semaphore, #tpu.memory_space<semaphore_mem>>) src(%dma_wait3A_218 : memref<10240x16xf32, #tpu.memory_space<hbm>>) dst(%dma_wait3A_212 : memref<128x16xf32, #tpu.memory_space<vmem>>)
      %run_scoped3A_219 = arith.constant 4 : i32
      "tpu.region"() ({
        %run_scoped3A_288 = tpu.sem_alloc : memref<!tpu.dma_semaphore, #tpu.memory_space<semaphore_mem>>
        %dma_start3A_289 = arith.constant 0 : i32
        %dma_start3A_290 = arith.constant 0 : i32
        %dma_start3A_291 = tpu.memref_slice %arg7[%run_scoped3A_219, %dma_start3A_289, %dma_start3A_290] : memref<8x128x16xf32, #tpu.memory_space<vmem>> -> memref<1x128x16xf32, #tpu.memory_space<vmem>>
        %dma_start3A_292 = tpu.memref_squeeze %dma_start3A_291 : memref<1x128x16xf32, #tpu.memory_space<vmem>> -> memref<128x16xf32, #tpu.memory_space<vmem>>
        %dma_start3A_293 = arith.constant 0 : i32
        %dma_start3A_294 = tpu.memref_slice %arg6[%add3A_207, %dma_start3A_293] : memref<80x128xi32, #tpu.memory_space<vmem>> -> memref<1x128xi32, #tpu.memory_space<vmem>>
        %dma_start3A_295 = tpu.memref_squeeze %dma_start3A_294 : memref<1x128xi32, #tpu.memory_space<vmem>> -> memref<128xi32, #tpu.memory_space<vmem>>
        %dma_start3A_296 = arith.constant 0 : i32
        %dma_start3A_297 = arith.constant 0 : i32
        %dma_start3A_298 = tpu.memref_slice %arg9[%dma_start3A_296, %dma_start3A_297] : memref<10240x16xf32, #tpu.memory_space<vmem_shared>> -> memref<10240x16xf32, #tpu.memory_space<vmem_shared>>
        tpu.enqueue_indirect_dma source(%dma_start3A_292 : memref<128x16xf32, #tpu.memory_space<vmem>>) target(%dma_start3A_298 : memref<10240x16xf32, #tpu.memory_space<vmem_shared>>) offsets(%dma_start3A_295 : memref<128xi32, #tpu.memory_space<vmem>>) semaphore(%run_scoped3A_288 : memref<!tpu.dma_semaphore, #tpu.memory_space<semaphore_mem>>) {add = true}
        %dma_wait3A_299 = arith.constant 0 : i32
        %dma_wait3A_300 = arith.constant 0 : i32
        %dma_wait3A_301 = tpu.memref_slice %arg7[%run_scoped3A_219, %dma_wait3A_299, %dma_wait3A_300] : memref<8x128x16xf32, #tpu.memory_space<vmem>> -> memref<1x128x16xf32, #tpu.memory_space<vmem>>
        %dma_wait3A_302 = tpu.memref_squeeze %dma_wait3A_301 : memref<1x128x16xf32, #tpu.memory_space<vmem>> -> memref<128x16xf32, #tpu.memory_space<vmem>>
        %dma_wait3A_303 = arith.constant 0 : i32
        %dma_wait3A_304 = tpu.memref_slice %arg6[%add3A_207, %dma_wait3A_303] : memref<80x128xi32, #tpu.memory_space<vmem>> -> memref<1x128xi32, #tpu.memory_space<vmem>>
        %dma_wait3A_305 = tpu.memref_squeeze %dma_wait3A_304 : memref<1x128xi32, #tpu.memory_space<vmem>> -> memref<128xi32, #tpu.memory_space<vmem>>
        %dma_wait3A_306 = arith.constant 0 : i32
        %dma_wait3A_307 = arith.constant 0 : i32
        %dma_wait3A_308 = tpu.memref_slice %arg9[%dma_wait3A_306, %dma_wait3A_307] : memref<10240x16xf32, #tpu.memory_space<vmem_shared>> -> memref<10240x16xf32, #tpu.memory_space<vmem_shared>>
        tpu.wait_indirect_dma semaphore(%run_scoped3A_288 : memref<!tpu.dma_semaphore, #tpu.memory_space<semaphore_mem>>) src(%dma_wait3A_302 : memref<128x16xf32, #tpu.memory_space<vmem>>) dst(%dma_wait3A_308 : memref<10240x16xf32, #tpu.memory_space<vmem_shared>>)
        tpu.yield
      }) : () -> ()
      %lt3A_220 = arith.constant 9 : i32
      %lt3A_221 = arith.cmpi slt, %scan3A_123, %lt3A_220 : i32
      %convert_element_type3A_222 = arith.extui %lt3A_221 : i1 to i32
      %cond3A_223 = arith.constant 0 : i32
      %cond3A_224 = arith.cmpi ne, %convert_element_type3A_222, %cond3A_223 : i32
      scf.if %cond3A_224 {
        %add3A_288 = arith.constant 8 : i32
        %add3A_289 = arith.addi %add3A_207, %add3A_288 : i32
        %dma_start3A_290 = arith.constant 4 : i32
        %dma_start3A_291 = arith.constant 0 : i32
        %dma_start3A_292 = arith.constant 0 : i32
        %dma_start3A_293 = tpu.memref_slice %arg7[%dma_start3A_290, %dma_start3A_291, %dma_start3A_292] : memref<8x128x16xf32, #tpu.memory_space<vmem>> -> memref<1x128x16xf32, #tpu.memory_space<vmem>>
        %dma_start3A_294 = tpu.memref_squeeze %dma_start3A_293 : memref<1x128x16xf32, #tpu.memory_space<vmem>> -> memref<128x16xf32, #tpu.memory_space<vmem>>
        %dma_start3A_295 = arith.constant 0 : i32
        %dma_start3A_296 = tpu.memref_slice %arg5[%add3A_289, %dma_start3A_295] : memref<80x128xi32, #tpu.memory_space<vmem>> -> memref<1x128xi32, #tpu.memory_space<vmem>>
        %dma_start3A_297 = tpu.memref_squeeze %dma_start3A_296 : memref<1x128xi32, #tpu.memory_space<vmem>> -> memref<128xi32, #tpu.memory_space<vmem>>
        %dma_start3A_298 = arith.constant 0 : i32
        %dma_start3A_299 = arith.constant 0 : i32
        %dma_start3A_300 = tpu.memref_slice %arg2[%dma_start3A_298, %dma_start3A_299] : memref<10240x16xf32, #tpu.memory_space<hbm>> -> memref<10240x16xf32, #tpu.memory_space<hbm>>
        tpu.enqueue_indirect_dma source(%dma_start3A_300 : memref<10240x16xf32, #tpu.memory_space<hbm>>) target(%dma_start3A_294 : memref<128x16xf32, #tpu.memory_space<vmem>>) offsets(%dma_start3A_297 : memref<128xi32, #tpu.memory_space<vmem>>) semaphore(%arg14 : memref<!tpu.dma_semaphore, #tpu.memory_space<semaphore_mem>>)
      } else {
      }
      %mul3A_225 = arith.constant 8 : i32
      %mul3A_226 = arith.muli %scan3A_123, %mul3A_225 : i32
      %add3A_227 = arith.constant 5 : i32
      %add3A_228 = arith.addi %mul3A_226, %add3A_227 : i32
      %dma_wait3A_229 = arith.constant 5 : i32
      %dma_wait3A_230 = arith.constant 0 : i32
      %dma_wait3A_231 = arith.constant 0 : i32
      %dma_wait3A_232 = tpu.memref_slice %arg7[%dma_wait3A_229, %dma_wait3A_230, %dma_wait3A_231] : memref<8x128x16xf32, #tpu.memory_space<vmem>> -> memref<1x128x16xf32, #tpu.memory_space<vmem>>
      %dma_wait3A_233 = tpu.memref_squeeze %dma_wait3A_232 : memref<1x128x16xf32, #tpu.memory_space<vmem>> -> memref<128x16xf32, #tpu.memory_space<vmem>>
      %dma_wait3A_234 = arith.constant 0 : i32
      %dma_wait3A_235 = tpu.memref_slice %arg5[%add3A_228, %dma_wait3A_234] : memref<80x128xi32, #tpu.memory_space<vmem>> -> memref<1x128xi32, #tpu.memory_space<vmem>>
      %dma_wait3A_236 = tpu.memref_squeeze %dma_wait3A_235 : memref<1x128xi32, #tpu.memory_space<vmem>> -> memref<128xi32, #tpu.memory_space<vmem>>
      %dma_wait3A_237 = arith.constant 0 : i32
      %dma_wait3A_238 = arith.constant 0 : i32
      %dma_wait3A_239 = tpu.memref_slice %arg2[%dma_wait3A_237, %dma_wait3A_238] : memref<10240x16xf32, #tpu.memory_space<hbm>> -> memref<10240x16xf32, #tpu.memory_space<hbm>>
      tpu.wait_indirect_dma semaphore(%arg15 : memref<!tpu.dma_semaphore, #tpu.memory_space<semaphore_mem>>) src(%dma_wait3A_239 : memref<10240x16xf32, #tpu.memory_space<hbm>>) dst(%dma_wait3A_233 : memref<128x16xf32, #tpu.memory_space<vmem>>)
      %run_scoped3A_240 = arith.constant 5 : i32
      "tpu.region"() ({
        %run_scoped3A_288 = tpu.sem_alloc : memref<!tpu.dma_semaphore, #tpu.memory_space<semaphore_mem>>
        %dma_start3A_289 = arith.constant 0 : i32
        %dma_start3A_290 = arith.constant 0 : i32
        %dma_start3A_291 = tpu.memref_slice %arg7[%run_scoped3A_240, %dma_start3A_289, %dma_start3A_290] : memref<8x128x16xf32, #tpu.memory_space<vmem>> -> memref<1x128x16xf32, #tpu.memory_space<vmem>>
        %dma_start3A_292 = tpu.memref_squeeze %dma_start3A_291 : memref<1x128x16xf32, #tpu.memory_space<vmem>> -> memref<128x16xf32, #tpu.memory_space<vmem>>
        %dma_start3A_293 = arith.constant 0 : i32
        %dma_start3A_294 = tpu.memref_slice %arg6[%add3A_228, %dma_start3A_293] : memref<80x128xi32, #tpu.memory_space<vmem>> -> memref<1x128xi32, #tpu.memory_space<vmem>>
        %dma_start3A_295 = tpu.memref_squeeze %dma_start3A_294 : memref<1x128xi32, #tpu.memory_space<vmem>> -> memref<128xi32, #tpu.memory_space<vmem>>
        %dma_start3A_296 = arith.constant 0 : i32
        %dma_start3A_297 = arith.constant 0 : i32
        %dma_start3A_298 = tpu.memref_slice %arg9[%dma_start3A_296, %dma_start3A_297] : memref<10240x16xf32, #tpu.memory_space<vmem_shared>> -> memref<10240x16xf32, #tpu.memory_space<vmem_shared>>
        tpu.enqueue_indirect_dma source(%dma_start3A_292 : memref<128x16xf32, #tpu.memory_space<vmem>>) target(%dma_start3A_298 : memref<10240x16xf32, #tpu.memory_space<vmem_shared>>) offsets(%dma_start3A_295 : memref<128xi32, #tpu.memory_space<vmem>>) semaphore(%run_scoped3A_288 : memref<!tpu.dma_semaphore, #tpu.memory_space<semaphore_mem>>) {add = true}
        %dma_wait3A_299 = arith.constant 0 : i32
        %dma_wait3A_300 = arith.constant 0 : i32
        %dma_wait3A_301 = tpu.memref_slice %arg7[%run_scoped3A_240, %dma_wait3A_299, %dma_wait3A_300] : memref<8x128x16xf32, #tpu.memory_space<vmem>> -> memref<1x128x16xf32, #tpu.memory_space<vmem>>
        %dma_wait3A_302 = tpu.memref_squeeze %dma_wait3A_301 : memref<1x128x16xf32, #tpu.memory_space<vmem>> -> memref<128x16xf32, #tpu.memory_space<vmem>>
        %dma_wait3A_303 = arith.constant 0 : i32
        %dma_wait3A_304 = tpu.memref_slice %arg6[%add3A_228, %dma_wait3A_303] : memref<80x128xi32, #tpu.memory_space<vmem>> -> memref<1x128xi32, #tpu.memory_space<vmem>>
        %dma_wait3A_305 = tpu.memref_squeeze %dma_wait3A_304 : memref<1x128xi32, #tpu.memory_space<vmem>> -> memref<128xi32, #tpu.memory_space<vmem>>
        %dma_wait3A_306 = arith.constant 0 : i32
        %dma_wait3A_307 = arith.constant 0 : i32
        %dma_wait3A_308 = tpu.memref_slice %arg9[%dma_wait3A_306, %dma_wait3A_307] : memref<10240x16xf32, #tpu.memory_space<vmem_shared>> -> memref<10240x16xf32, #tpu.memory_space<vmem_shared>>
        tpu.wait_indirect_dma semaphore(%run_scoped3A_288 : memref<!tpu.dma_semaphore, #tpu.memory_space<semaphore_mem>>) src(%dma_wait3A_302 : memref<128x16xf32, #tpu.memory_space<vmem>>) dst(%dma_wait3A_308 : memref<10240x16xf32, #tpu.memory_space<vmem_shared>>)
        tpu.yield
      }) : () -> ()
      %lt3A_241 = arith.constant 9 : i32
      %lt3A_242 = arith.cmpi slt, %scan3A_123, %lt3A_241 : i32
      %convert_element_type3A_243 = arith.extui %lt3A_242 : i1 to i32
      %cond3A_244 = arith.constant 0 : i32
      %cond3A_245 = arith.cmpi ne, %convert_element_type3A_243, %cond3A_244 : i32
      scf.if %cond3A_245 {
        %add3A_288 = arith.constant 8 : i32
        %add3A_289 = arith.addi %add3A_228, %add3A_288 : i32
        %dma_start3A_290 = arith.constant 5 : i32
        %dma_start3A_291 = arith.constant 0 : i32
        %dma_start3A_292 = arith.constant 0 : i32
        %dma_start3A_293 = tpu.memref_slice %arg7[%dma_start3A_290, %dma_start3A_291, %dma_start3A_292] : memref<8x128x16xf32, #tpu.memory_space<vmem>> -> memref<1x128x16xf32, #tpu.memory_space<vmem>>
        %dma_start3A_294 = tpu.memref_squeeze %dma_start3A_293 : memref<1x128x16xf32, #tpu.memory_space<vmem>> -> memref<128x16xf32, #tpu.memory_space<vmem>>
        %dma_start3A_295 = arith.constant 0 : i32
        %dma_start3A_296 = tpu.memref_slice %arg5[%add3A_289, %dma_start3A_295] : memref<80x128xi32, #tpu.memory_space<vmem>> -> memref<1x128xi32, #tpu.memory_space<vmem>>
        %dma_start3A_297 = tpu.memref_squeeze %dma_start3A_296 : memref<1x128xi32, #tpu.memory_space<vmem>> -> memref<128xi32, #tpu.memory_space<vmem>>
        %dma_start3A_298 = arith.constant 0 : i32
        %dma_start3A_299 = arith.constant 0 : i32
        %dma_start3A_300 = tpu.memref_slice %arg2[%dma_start3A_298, %dma_start3A_299] : memref<10240x16xf32, #tpu.memory_space<hbm>> -> memref<10240x16xf32, #tpu.memory_space<hbm>>
        tpu.enqueue_indirect_dma source(%dma_start3A_300 : memref<10240x16xf32, #tpu.memory_space<hbm>>) target(%dma_start3A_294 : memref<128x16xf32, #tpu.memory_space<vmem>>) offsets(%dma_start3A_297 : memref<128xi32, #tpu.memory_space<vmem>>) semaphore(%arg15 : memref<!tpu.dma_semaphore, #tpu.memory_space<semaphore_mem>>)
      } else {
      }
      %mul3A_246 = arith.constant 8 : i32
      %mul3A_247 = arith.muli %scan3A_123, %mul3A_246 : i32
      %add3A_248 = arith.constant 6 : i32
      %add3A_249 = arith.addi %mul3A_247, %add3A_248 : i32
      %dma_wait3A_250 = arith.constant 6 : i32
      %dma_wait3A_251 = arith.constant 0 : i32
      %dma_wait3A_252 = arith.constant 0 : i32
      %dma_wait3A_253 = tpu.memref_slice %arg7[%dma_wait3A_250, %dma_wait3A_251, %dma_wait3A_252] : memref<8x128x16xf32, #tpu.memory_space<vmem>> -> memref<1x128x16xf32, #tpu.memory_space<vmem>>
      %dma_wait3A_254 = tpu.memref_squeeze %dma_wait3A_253 : memref<1x128x16xf32, #tpu.memory_space<vmem>> -> memref<128x16xf32, #tpu.memory_space<vmem>>
      %dma_wait3A_255 = arith.constant 0 : i32
      %dma_wait3A_256 = tpu.memref_slice %arg5[%add3A_249, %dma_wait3A_255] : memref<80x128xi32, #tpu.memory_space<vmem>> -> memref<1x128xi32, #tpu.memory_space<vmem>>
      %dma_wait3A_257 = tpu.memref_squeeze %dma_wait3A_256 : memref<1x128xi32, #tpu.memory_space<vmem>> -> memref<128xi32, #tpu.memory_space<vmem>>
      %dma_wait3A_258 = arith.constant 0 : i32
      %dma_wait3A_259 = arith.constant 0 : i32
      %dma_wait3A_260 = tpu.memref_slice %arg2[%dma_wait3A_258, %dma_wait3A_259] : memref<10240x16xf32, #tpu.memory_space<hbm>> -> memref<10240x16xf32, #tpu.memory_space<hbm>>
      tpu.wait_indirect_dma semaphore(%arg16 : memref<!tpu.dma_semaphore, #tpu.memory_space<semaphore_mem>>) src(%dma_wait3A_260 : memref<10240x16xf32, #tpu.memory_space<hbm>>) dst(%dma_wait3A_254 : memref<128x16xf32, #tpu.memory_space<vmem>>)
      %run_scoped3A_261 = arith.constant 6 : i32
      "tpu.region"() ({
        %run_scoped3A_288 = tpu.sem_alloc : memref<!tpu.dma_semaphore, #tpu.memory_space<semaphore_mem>>
        %dma_start3A_289 = arith.constant 0 : i32
        %dma_start3A_290 = arith.constant 0 : i32
        %dma_start3A_291 = tpu.memref_slice %arg7[%run_scoped3A_261, %dma_start3A_289, %dma_start3A_290] : memref<8x128x16xf32, #tpu.memory_space<vmem>> -> memref<1x128x16xf32, #tpu.memory_space<vmem>>
        %dma_start3A_292 = tpu.memref_squeeze %dma_start3A_291 : memref<1x128x16xf32, #tpu.memory_space<vmem>> -> memref<128x16xf32, #tpu.memory_space<vmem>>
        %dma_start3A_293 = arith.constant 0 : i32
        %dma_start3A_294 = tpu.memref_slice %arg6[%add3A_249, %dma_start3A_293] : memref<80x128xi32, #tpu.memory_space<vmem>> -> memref<1x128xi32, #tpu.memory_space<vmem>>
        %dma_start3A_295 = tpu.memref_squeeze %dma_start3A_294 : memref<1x128xi32, #tpu.memory_space<vmem>> -> memref<128xi32, #tpu.memory_space<vmem>>
        %dma_start3A_296 = arith.constant 0 : i32
        %dma_start3A_297 = arith.constant 0 : i32
        %dma_start3A_298 = tpu.memref_slice %arg9[%dma_start3A_296, %dma_start3A_297] : memref<10240x16xf32, #tpu.memory_space<vmem_shared>> -> memref<10240x16xf32, #tpu.memory_space<vmem_shared>>
        tpu.enqueue_indirect_dma source(%dma_start3A_292 : memref<128x16xf32, #tpu.memory_space<vmem>>) target(%dma_start3A_298 : memref<10240x16xf32, #tpu.memory_space<vmem_shared>>) offsets(%dma_start3A_295 : memref<128xi32, #tpu.memory_space<vmem>>) semaphore(%run_scoped3A_288 : memref<!tpu.dma_semaphore, #tpu.memory_space<semaphore_mem>>) {add = true}
        %dma_wait3A_299 = arith.constant 0 : i32
        %dma_wait3A_300 = arith.constant 0 : i32
        %dma_wait3A_301 = tpu.memref_slice %arg7[%run_scoped3A_261, %dma_wait3A_299, %dma_wait3A_300] : memref<8x128x16xf32, #tpu.memory_space<vmem>> -> memref<1x128x16xf32, #tpu.memory_space<vmem>>
        %dma_wait3A_302 = tpu.memref_squeeze %dma_wait3A_301 : memref<1x128x16xf32, #tpu.memory_space<vmem>> -> memref<128x16xf32, #tpu.memory_space<vmem>>
        %dma_wait3A_303 = arith.constant 0 : i32
        %dma_wait3A_304 = tpu.memref_slice %arg6[%add3A_249, %dma_wait3A_303] : memref<80x128xi32, #tpu.memory_space<vmem>> -> memref<1x128xi32, #tpu.memory_space<vmem>>
        %dma_wait3A_305 = tpu.memref_squeeze %dma_wait3A_304 : memref<1x128xi32, #tpu.memory_space<vmem>> -> memref<128xi32, #tpu.memory_space<vmem>>
        %dma_wait3A_306 = arith.constant 0 : i32
        %dma_wait3A_307 = arith.constant 0 : i32
        %dma_wait3A_308 = tpu.memref_slice %arg9[%dma_wait3A_306, %dma_wait3A_307] : memref<10240x16xf32, #tpu.memory_space<vmem_shared>> -> memref<10240x16xf32, #tpu.memory_space<vmem_shared>>
        tpu.wait_indirect_dma semaphore(%run_scoped3A_288 : memref<!tpu.dma_semaphore, #tpu.memory_space<semaphore_mem>>) src(%dma_wait3A_302 : memref<128x16xf32, #tpu.memory_space<vmem>>) dst(%dma_wait3A_308 : memref<10240x16xf32, #tpu.memory_space<vmem_shared>>)
        tpu.yield
      }) : () -> ()
      %lt3A_262 = arith.constant 9 : i32
      %lt3A_263 = arith.cmpi slt, %scan3A_123, %lt3A_262 : i32
      %convert_element_type3A_264 = arith.extui %lt3A_263 : i1 to i32
      %cond3A_265 = arith.constant 0 : i32
      %cond3A_266 = arith.cmpi ne, %convert_element_type3A_264, %cond3A_265 : i32
      scf.if %cond3A_266 {
        %add3A_288 = arith.constant 8 : i32
        %add3A_289 = arith.addi %add3A_249, %add3A_288 : i32
        %dma_start3A_290 = arith.constant 6 : i32
        %dma_start3A_291 = arith.constant 0 : i32
        %dma_start3A_292 = arith.constant 0 : i32
        %dma_start3A_293 = tpu.memref_slice %arg7[%dma_start3A_290, %dma_start3A_291, %dma_start3A_292] : memref<8x128x16xf32, #tpu.memory_space<vmem>> -> memref<1x128x16xf32, #tpu.memory_space<vmem>>
        %dma_start3A_294 = tpu.memref_squeeze %dma_start3A_293 : memref<1x128x16xf32, #tpu.memory_space<vmem>> -> memref<128x16xf32, #tpu.memory_space<vmem>>
        %dma_start3A_295 = arith.constant 0 : i32
        %dma_start3A_296 = tpu.memref_slice %arg5[%add3A_289, %dma_start3A_295] : memref<80x128xi32, #tpu.memory_space<vmem>> -> memref<1x128xi32, #tpu.memory_space<vmem>>
        %dma_start3A_297 = tpu.memref_squeeze %dma_start3A_296 : memref<1x128xi32, #tpu.memory_space<vmem>> -> memref<128xi32, #tpu.memory_space<vmem>>
        %dma_start3A_298 = arith.constant 0 : i32
        %dma_start3A_299 = arith.constant 0 : i32
        %dma_start3A_300 = tpu.memref_slice %arg2[%dma_start3A_298, %dma_start3A_299] : memref<10240x16xf32, #tpu.memory_space<hbm>> -> memref<10240x16xf32, #tpu.memory_space<hbm>>
        tpu.enqueue_indirect_dma source(%dma_start3A_300 : memref<10240x16xf32, #tpu.memory_space<hbm>>) target(%dma_start3A_294 : memref<128x16xf32, #tpu.memory_space<vmem>>) offsets(%dma_start3A_297 : memref<128xi32, #tpu.memory_space<vmem>>) semaphore(%arg16 : memref<!tpu.dma_semaphore, #tpu.memory_space<semaphore_mem>>)
      } else {
      }
      %mul3A_267 = arith.constant 8 : i32
      %mul3A_268 = arith.muli %scan3A_123, %mul3A_267 : i32
      %add3A_269 = arith.constant 7 : i32
      %add3A_270 = arith.addi %mul3A_268, %add3A_269 : i32
      %dma_wait3A_271 = arith.constant 7 : i32
      %dma_wait3A_272 = arith.constant 0 : i32
      %dma_wait3A_273 = arith.constant 0 : i32
      %dma_wait3A_274 = tpu.memref_slice %arg7[%dma_wait3A_271, %dma_wait3A_272, %dma_wait3A_273] : memref<8x128x16xf32, #tpu.memory_space<vmem>> -> memref<1x128x16xf32, #tpu.memory_space<vmem>>
      %dma_wait3A_275 = tpu.memref_squeeze %dma_wait3A_274 : memref<1x128x16xf32, #tpu.memory_space<vmem>> -> memref<128x16xf32, #tpu.memory_space<vmem>>
      %dma_wait3A_276 = arith.constant 0 : i32
      %dma_wait3A_277 = tpu.memref_slice %arg5[%add3A_270, %dma_wait3A_276] : memref<80x128xi32, #tpu.memory_space<vmem>> -> memref<1x128xi32, #tpu.memory_space<vmem>>
      %dma_wait3A_278 = tpu.memref_squeeze %dma_wait3A_277 : memref<1x128xi32, #tpu.memory_space<vmem>> -> memref<128xi32, #tpu.memory_space<vmem>>
      %dma_wait3A_279 = arith.constant 0 : i32
      %dma_wait3A_280 = arith.constant 0 : i32
      %dma_wait3A_281 = tpu.memref_slice %arg2[%dma_wait3A_279, %dma_wait3A_280] : memref<10240x16xf32, #tpu.memory_space<hbm>> -> memref<10240x16xf32, #tpu.memory_space<hbm>>
      tpu.wait_indirect_dma semaphore(%arg17 : memref<!tpu.dma_semaphore, #tpu.memory_space<semaphore_mem>>) src(%dma_wait3A_281 : memref<10240x16xf32, #tpu.memory_space<hbm>>) dst(%dma_wait3A_275 : memref<128x16xf32, #tpu.memory_space<vmem>>)
      %run_scoped3A_282 = arith.constant 7 : i32
      "tpu.region"() ({
        %run_scoped3A_288 = tpu.sem_alloc : memref<!tpu.dma_semaphore, #tpu.memory_space<semaphore_mem>>
        %dma_start3A_289 = arith.constant 0 : i32
        %dma_start3A_290 = arith.constant 0 : i32
        %dma_start3A_291 = tpu.memref_slice %arg7[%run_scoped3A_282, %dma_start3A_289, %dma_start3A_290] : memref<8x128x16xf32, #tpu.memory_space<vmem>> -> memref<1x128x16xf32, #tpu.memory_space<vmem>>
        %dma_start3A_292 = tpu.memref_squeeze %dma_start3A_291 : memref<1x128x16xf32, #tpu.memory_space<vmem>> -> memref<128x16xf32, #tpu.memory_space<vmem>>
        %dma_start3A_293 = arith.constant 0 : i32
        %dma_start3A_294 = tpu.memref_slice %arg6[%add3A_270, %dma_start3A_293] : memref<80x128xi32, #tpu.memory_space<vmem>> -> memref<1x128xi32, #tpu.memory_space<vmem>>
        %dma_start3A_295 = tpu.memref_squeeze %dma_start3A_294 : memref<1x128xi32, #tpu.memory_space<vmem>> -> memref<128xi32, #tpu.memory_space<vmem>>
        %dma_start3A_296 = arith.constant 0 : i32
        %dma_start3A_297 = arith.constant 0 : i32
        %dma_start3A_298 = tpu.memref_slice %arg9[%dma_start3A_296, %dma_start3A_297] : memref<10240x16xf32, #tpu.memory_space<vmem_shared>> -> memref<10240x16xf32, #tpu.memory_space<vmem_shared>>
        tpu.enqueue_indirect_dma source(%dma_start3A_292 : memref<128x16xf32, #tpu.memory_space<vmem>>) target(%dma_start3A_298 : memref<10240x16xf32, #tpu.memory_space<vmem_shared>>) offsets(%dma_start3A_295 : memref<128xi32, #tpu.memory_space<vmem>>) semaphore(%run_scoped3A_288 : memref<!tpu.dma_semaphore, #tpu.memory_space<semaphore_mem>>) {add = true}
        %dma_wait3A_299 = arith.constant 0 : i32
        %dma_wait3A_300 = arith.constant 0 : i32
        %dma_wait3A_301 = tpu.memref_slice %arg7[%run_scoped3A_282, %dma_wait3A_299, %dma_wait3A_300] : memref<8x128x16xf32, #tpu.memory_space<vmem>> -> memref<1x128x16xf32, #tpu.memory_space<vmem>>
        %dma_wait3A_302 = tpu.memref_squeeze %dma_wait3A_301 : memref<1x128x16xf32, #tpu.memory_space<vmem>> -> memref<128x16xf32, #tpu.memory_space<vmem>>
        %dma_wait3A_303 = arith.constant 0 : i32
        %dma_wait3A_304 = tpu.memref_slice %arg6[%add3A_270, %dma_wait3A_303] : memref<80x128xi32, #tpu.memory_space<vmem>> -> memref<1x128xi32, #tpu.memory_space<vmem>>
        %dma_wait3A_305 = tpu.memref_squeeze %dma_wait3A_304 : memref<1x128xi32, #tpu.memory_space<vmem>> -> memref<128xi32, #tpu.memory_space<vmem>>
        %dma_wait3A_306 = arith.constant 0 : i32
        %dma_wait3A_307 = arith.constant 0 : i32
        %dma_wait3A_308 = tpu.memref_slice %arg9[%dma_wait3A_306, %dma_wait3A_307] : memref<10240x16xf32, #tpu.memory_space<vmem_shared>> -> memref<10240x16xf32, #tpu.memory_space<vmem_shared>>
        tpu.wait_indirect_dma semaphore(%run_scoped3A_288 : memref<!tpu.dma_semaphore, #tpu.memory_space<semaphore_mem>>) src(%dma_wait3A_302 : memref<128x16xf32, #tpu.memory_space<vmem>>) dst(%dma_wait3A_308 : memref<10240x16xf32, #tpu.memory_space<vmem_shared>>)
        tpu.yield
      }) : () -> ()
      %lt3A_283 = arith.constant 9 : i32
      %lt3A_284 = arith.cmpi slt, %scan3A_123, %lt3A_283 : i32
      %convert_element_type3A_285 = arith.extui %lt3A_284 : i1 to i32
      %cond3A_286 = arith.constant 0 : i32
      %cond3A_287 = arith.cmpi ne, %convert_element_type3A_285, %cond3A_286 : i32
      scf.if %cond3A_287 {
        %add3A_288 = arith.constant 8 : i32
        %add3A_289 = arith.addi %add3A_270, %add3A_288 : i32
        %dma_start3A_290 = arith.constant 7 : i32
        %dma_start3A_291 = arith.constant 0 : i32
        %dma_start3A_292 = arith.constant 0 : i32
        %dma_start3A_293 = tpu.memref_slice %arg7[%dma_start3A_290, %dma_start3A_291, %dma_start3A_292] : memref<8x128x16xf32, #tpu.memory_space<vmem>> -> memref<1x128x16xf32, #tpu.memory_space<vmem>>
        %dma_start3A_294 = tpu.memref_squeeze %dma_start3A_293 : memref<1x128x16xf32, #tpu.memory_space<vmem>> -> memref<128x16xf32, #tpu.memory_space<vmem>>
        %dma_start3A_295 = arith.constant 0 : i32
        %dma_start3A_296 = tpu.memref_slice %arg5[%add3A_289, %dma_start3A_295] : memref<80x128xi32, #tpu.memory_space<vmem>> -> memref<1x128xi32, #tpu.memory_space<vmem>>
        %dma_start3A_297 = tpu.memref_squeeze %dma_start3A_296 : memref<1x128xi32, #tpu.memory_space<vmem>> -> memref<128xi32, #tpu.memory_space<vmem>>
        %dma_start3A_298 = arith.constant 0 : i32
        %dma_start3A_299 = arith.constant 0 : i32
        %dma_start3A_300 = tpu.memref_slice %arg2[%dma_start3A_298, %dma_start3A_299] : memref<10240x16xf32, #tpu.memory_space<hbm>> -> memref<10240x16xf32, #tpu.memory_space<hbm>>
        tpu.enqueue_indirect_dma source(%dma_start3A_300 : memref<10240x16xf32, #tpu.memory_space<hbm>>) target(%dma_start3A_294 : memref<128x16xf32, #tpu.memory_space<vmem>>) offsets(%dma_start3A_297 : memref<128xi32, #tpu.memory_space<vmem>>) semaphore(%arg17 : memref<!tpu.dma_semaphore, #tpu.memory_space<semaphore_mem>>)
      } else {
      }
    }
    %scan3A_119 = arith.constant 10 : i32
    %barrier3A_120 = arith.constant 0 : index
    tpu.barrier barrier_id(%barrier3A_120)
    %mul3A_121 = arith.constant 640 : i32
    %mul3A_122 = arith.muli %arg1, %mul3A_121 : i32
    "tpu.region"() ({
      %run_scoped3A_123 = tpu.sem_alloc : memref<!tpu.dma_semaphore, #tpu.memory_space<semaphore_mem>>
      %dma_start3A_124 = arith.constant 0 : i32
      %dma_start3A_125 = arith.constant 0 : i32
      %dma_start3A_126 = tpu.memref_slice %arg4[%arg0, %dma_start3A_124, %dma_start3A_125] : memref<2x10240x16xf32, #tpu.memory_space<hbm>> -> memref<1x10240x16xf32, #tpu.memory_space<hbm>>
      %dma_start3A_127 = tpu.memref_squeeze %dma_start3A_126 : memref<1x10240x16xf32, #tpu.memory_space<hbm>> -> memref<10240x16xf32, #tpu.memory_space<hbm>>
      %dma_start3A_128 = arith.constant 0 : i32
      %dma_start3A_129 = tpu.memref_slice %dma_start3A_127[%mul3A_122, %dma_start3A_128] : memref<10240x16xf32, #tpu.memory_space<hbm>> -> memref<640x16xf32, #tpu.memory_space<hbm>>
      %dma_start3A_130 = arith.constant 0 : i32
      %dma_start3A_131 = tpu.memref_slice %arg9[%mul3A_122, %dma_start3A_130] : memref<10240x16xf32, #tpu.memory_space<vmem_shared>> -> memref<640x16xf32, #tpu.memory_space<vmem_shared>>
      tpu.enqueue_dma source(%dma_start3A_131 : memref<640x16xf32, #tpu.memory_space<vmem_shared>>) target(%dma_start3A_129 : memref<640x16xf32, #tpu.memory_space<hbm>>) target_semaphore(%run_scoped3A_123 : memref<!tpu.dma_semaphore, #tpu.memory_space<semaphore_mem>>)
      %dma_wait3A = arith.constant 0 : i32
      %dma_wait3A_132 = arith.constant 0 : i32
      %dma_wait3A_133 = tpu.memref_slice %arg4[%arg0, %dma_wait3A, %dma_wait3A_132] : memref<2x10240x16xf32, #tpu.memory_space<hbm>> -> memref<1x10240x16xf32, #tpu.memory_space<hbm>>
      %dma_wait3A_134 = tpu.memref_squeeze %dma_wait3A_133 : memref<1x10240x16xf32, #tpu.memory_space<hbm>> -> memref<10240x16xf32, #tpu.memory_space<hbm>>
      %dma_wait3A_135 = arith.constant 0 : i32
      %dma_wait3A_136 = tpu.memref_slice %dma_wait3A_134[%mul3A_122, %dma_wait3A_135] : memref<10240x16xf32, #tpu.memory_space<hbm>> -> memref<640x16xf32, #tpu.memory_space<hbm>>
      %dma_wait3A_137 = arith.constant 0 : i32
      %dma_wait3A_138 = tpu.memref_slice %arg9[%mul3A_122, %dma_wait3A_137] : memref<10240x16xf32, #tpu.memory_space<vmem_shared>> -> memref<640x16xf32, #tpu.memory_space<vmem_shared>>
      tpu.wait_dma2 semaphore(%run_scoped3A_123 : memref<!tpu.dma_semaphore, #tpu.memory_space<semaphore_mem>>) src(%dma_wait3A_138 : memref<640x16xf32, #tpu.memory_space<vmem_shared>>) dst(%dma_wait3A_136 : memref<640x16xf32, #tpu.memory_space<hbm>>)
      tpu.yield
    }) : () -> ()
    return
  }
}

#map = affine_map<(d0, d1) -> (0, 0)>
#map1 = affine_map<(d0, d1) -> (0, 0, 0, 0)>
#map2 = affine_map<(d0, d1) -> (0, 0, 0)>
module attributes {stable_mosaic.version = 14 : i64} {
  func.func @k(%arg0: i32, %arg1: i32, %arg2: memref<10240x16xf32, #tpu.memory_space<hbm>>, %arg3: memref<2x32x80x128xi32, #tpu.memory_space<hbm>>, %arg4: memref<2x10240x16xf32, #tpu.memory_space<hbm>>, %arg5: memref<80x128xi32, #tpu.memory_space<vmem>>, %arg6: memref<80x128xi32, #tpu.memory_space<vmem>>, %arg7: memref<8x128x16xf32, #tpu.memory_space<vmem>>, %arg8: memref<128x16xf32, #tpu.memory_space<vmem>>, %arg9: memref<10240x16xf32, #tpu.memory_space<vmem_shared>>, %arg10: memref<!tpu.dma_semaphore, #tpu.memory_space<semaphore_mem>>, %arg11: memref<!tpu.dma_semaphore, #tpu.memory_space<semaphore_mem>>, %arg12: memref<!tpu.dma_semaphore, #tpu.memory_space<semaphore_mem>>, %arg13: memref<!tpu.dma_semaphore, #tpu.memory_space<semaphore_mem>>, %arg14: memref<!tpu.dma_semaphore, #tpu.memory_space<semaphore_mem>>, %arg15: memref<!tpu.dma_semaphore, #tpu.memory_space<semaphore_mem>>, %arg16: memref<!tpu.dma_semaphore, #tpu.memory_space<semaphore_mem>>, %arg17: memref<!tpu.dma_semaphore, #tpu.memory_space<semaphore_mem>>) attributes {dimension_semantics = [#tpu.dimension_semantics<core_parallel>, #tpu.dimension_semantics<subcore_parallel>], iteration_bounds = array<i64: 2, 16>, scalar_prefetch = 0 : i64, scratch_operands = 13 : i64, tpu.core_type = #tpu.core_type<sc_vector_subcore>, window_params = [{transform_indices = #map}, {transform_indices = #map1}, {transform_indices = #map2}]} {
    %mul3A = arith.constant 16 : i32
    %mul3A_0 = arith.muli %arg0, %mul3A : i32
    %add3A = arith.addi %mul3A_0, %arg1 : i32
    %run_scoped3A = arith.constant 0 : i32
    "tpu.region"() ({
      %run_scoped3A_123 = tpu.sem_alloc : memref<!tpu.dma_semaphore, #tpu.memory_space<semaphore_mem>>
      %dma_start3A_124 = arith.constant 0 : i32
      %dma_start3A_125 = arith.constant 0 : i32
      %dma_start3A_126 = arith.constant 0 : i32
      %dma_start3A_127 = tpu.memref_slice %arg3[%run_scoped3A, %dma_start3A_124, %dma_start3A_125, %dma_start3A_126] : memref<2x32x80x128xi32, #tpu.memory_space<hbm>> -> memref<1x32x80x128xi32, #tpu.memory_space<hbm>>
      %dma_start3A_128 = tpu.memref_squeeze %dma_start3A_127 : memref<1x32x80x128xi32, #tpu.memory_space<hbm>> -> memref<32x80x128xi32, #tpu.memory_space<hbm>>
      %dma_start3A_129 = arith.constant 0 : i32
      %dma_start3A_130 = arith.constant 0 : i32
      %dma_start3A_131 = tpu.memref_slice %dma_start3A_128[%add3A, %dma_start3A_129, %dma_start3A_130] : memref<32x80x128xi32, #tpu.memory_space<hbm>> -> memref<1x80x128xi32, #tpu.memory_space<hbm>>
      %dma_start3A_132 = tpu.memref_squeeze %dma_start3A_131 : memref<1x80x128xi32, #tpu.memory_space<hbm>> -> memref<80x128xi32, #tpu.memory_space<hbm>>
      %dma_start3A_133 = arith.constant 0 : i32
      %dma_start3A_134 = arith.constant 0 : i32
      %dma_start3A_135 = arith.constant 0 : i32
      %dma_start3A_136 = tpu.memref_slice %arg3[%run_scoped3A, %dma_start3A_133, %dma_start3A_134, %dma_start3A_135] : memref<2x32x80x128xi32, #tpu.memory_space<hbm>> -> memref<1x32x80x128xi32, #tpu.memory_space<hbm>>
      %dma_start3A_137 = tpu.memref_squeeze %dma_start3A_136 : memref<1x32x80x128xi32, #tpu.memory_space<hbm>> -> memref<32x80x128xi32, #tpu.memory_space<hbm>>
      %dma_start3A_138 = arith.constant 0 : i32
      %dma_start3A_139 = arith.constant 0 : i32
      %dma_start3A_140 = tpu.memref_slice %dma_start3A_137[%add3A, %dma_start3A_138, %dma_start3A_139] : memref<32x80x128xi32, #tpu.memory_space<hbm>> -> memref<1x80x128xi32, #tpu.memory_space<hbm>>
      %dma_start3A_141 = tpu.memref_squeeze %dma_start3A_140 : memref<1x80x128xi32, #tpu.memory_space<hbm>> -> memref<80x128xi32, #tpu.memory_space<hbm>>
      tpu.enqueue_dma source(%dma_start3A_141 : memref<80x128xi32, #tpu.memory_space<hbm>>) target(%arg5 : memref<80x128xi32, #tpu.memory_space<vmem>>) target_semaphore(%run_scoped3A_123 : memref<!tpu.dma_semaphore, #tpu.memory_space<semaphore_mem>>)
      %dma_wait3A = arith.constant 0 : i32
      %dma_wait3A_142 = arith.constant 0 : i32
      %dma_wait3A_143 = arith.constant 0 : i32
      %dma_wait3A_144 = tpu.memref_slice %arg3[%run_scoped3A, %dma_wait3A, %dma_wait3A_142, %dma_wait3A_143] : memref<2x32x80x128xi32, #tpu.memory_space<hbm>> -> memref<1x32x80x128xi32, #tpu.memory_space<hbm>>
      %dma_wait3A_145 = tpu.memref_squeeze %dma_wait3A_144 : memref<1x32x80x128xi32, #tpu.memory_space<hbm>> -> memref<32x80x128xi32, #tpu.memory_space<hbm>>
      %dma_wait3A_146 = arith.constant 0 : i32
      %dma_wait3A_147 = arith.constant 0 : i32
      %dma_wait3A_148 = tpu.memref_slice %dma_wait3A_145[%add3A, %dma_wait3A_146, %dma_wait3A_147] : memref<32x80x128xi32, #tpu.memory_space<hbm>> -> memref<1x80x128xi32, #tpu.memory_space<hbm>>
      %dma_wait3A_149 = tpu.memref_squeeze %dma_wait3A_148 : memref<1x80x128xi32, #tpu.memory_space<hbm>> -> memref<80x128xi32, #tpu.memory_space<hbm>>
      %dma_wait3A_150 = arith.constant 0 : i32
      %dma_wait3A_151 = arith.constant 0 : i32
      %dma_wait3A_152 = arith.constant 0 : i32
      %dma_wait3A_153 = tpu.memref_slice %arg3[%run_scoped3A, %dma_wait3A_150, %dma_wait3A_151, %dma_wait3A_152] : memref<2x32x80x128xi32, #tpu.memory_space<hbm>> -> memref<1x32x80x128xi32, #tpu.memory_space<hbm>>
      %dma_wait3A_154 = tpu.memref_squeeze %dma_wait3A_153 : memref<1x32x80x128xi32, #tpu.memory_space<hbm>> -> memref<32x80x128xi32, #tpu.memory_space<hbm>>
      %dma_wait3A_155 = arith.constant 0 : i32
      %dma_wait3A_156 = arith.constant 0 : i32
      %dma_wait3A_157 = tpu.memref_slice %dma_wait3A_154[%add3A, %dma_wait3A_155, %dma_wait3A_156] : memref<32x80x128xi32, #tpu.memory_space<hbm>> -> memref<1x80x128xi32, #tpu.memory_space<hbm>>
      %dma_wait3A_158 = tpu.memref_squeeze %dma_wait3A_157 : memref<1x80x128xi32, #tpu.memory_space<hbm>> -> memref<80x128xi32, #tpu.memory_space<hbm>>
      tpu.wait_dma2 semaphore(%run_scoped3A_123 : memref<!tpu.dma_semaphore, #tpu.memory_space<semaphore_mem>>) src(%dma_wait3A_158 : memref<80x128xi32, #tpu.memory_space<hbm>>) dst(%arg5 : memref<80x128xi32, #tpu.memory_space<vmem>>)
      tpu.yield
    }) : () -> ()
    %run_scoped3A_1 = arith.constant 1 : i32
    "tpu.region"() ({
      %run_scoped3A_123 = tpu.sem_alloc : memref<!tpu.dma_semaphore, #tpu.memory_space<semaphore_mem>>
      %dma_start3A_124 = arith.constant 0 : i32
      %dma_start3A_125 = arith.constant 0 : i32
      %dma_start3A_126 = arith.constant 0 : i32
      %dma_start3A_127 = tpu.memref_slice %arg3[%run_scoped3A_1, %dma_start3A_124, %dma_start3A_125, %dma_start3A_126] : memref<2x32x80x128xi32, #tpu.memory_space<hbm>> -> memref<1x32x80x128xi32, #tpu.memory_space<hbm>>
      %dma_start3A_128 = tpu.memref_squeeze %dma_start3A_127 : memref<1x32x80x128xi32, #tpu.memory_space<hbm>> -> memref<32x80x128xi32, #tpu.memory_space<hbm>>
      %dma_start3A_129 = arith.constant 0 : i32
      %dma_start3A_130 = arith.constant 0 : i32
      %dma_start3A_131 = tpu.memref_slice %dma_start3A_128[%add3A, %dma_start3A_129, %dma_start3A_130] : memref<32x80x128xi32, #tpu.memory_space<hbm>> -> memref<1x80x128xi32, #tpu.memory_space<hbm>>
      %dma_start3A_132 = tpu.memref_squeeze %dma_start3A_131 : memref<1x80x128xi32, #tpu.memory_space<hbm>> -> memref<80x128xi32, #tpu.memory_space<hbm>>
      %dma_start3A_133 = arith.constant 0 : i32
      %dma_start3A_134 = arith.constant 0 : i32
      %dma_start3A_135 = arith.constant 0 : i32
      %dma_start3A_136 = tpu.memref_slice %arg3[%run_scoped3A_1, %dma_start3A_133, %dma_start3A_134, %dma_start3A_135] : memref<2x32x80x128xi32, #tpu.memory_space<hbm>> -> memref<1x32x80x128xi32, #tpu.memory_space<hbm>>
      %dma_start3A_137 = tpu.memref_squeeze %dma_start3A_136 : memref<1x32x80x128xi32, #tpu.memory_space<hbm>> -> memref<32x80x128xi32, #tpu.memory_space<hbm>>
      %dma_start3A_138 = arith.constant 0 : i32
      %dma_start3A_139 = arith.constant 0 : i32
      %dma_start3A_140 = tpu.memref_slice %dma_start3A_137[%add3A, %dma_start3A_138, %dma_start3A_139] : memref<32x80x128xi32, #tpu.memory_space<hbm>> -> memref<1x80x128xi32, #tpu.memory_space<hbm>>
      %dma_start3A_141 = tpu.memref_squeeze %dma_start3A_140 : memref<1x80x128xi32, #tpu.memory_space<hbm>> -> memref<80x128xi32, #tpu.memory_space<hbm>>
      tpu.enqueue_dma source(%dma_start3A_141 : memref<80x128xi32, #tpu.memory_space<hbm>>) target(%arg6 : memref<80x128xi32, #tpu.memory_space<vmem>>) target_semaphore(%run_scoped3A_123 : memref<!tpu.dma_semaphore, #tpu.memory_space<semaphore_mem>>)
      %dma_wait3A = arith.constant 0 : i32
      %dma_wait3A_142 = arith.constant 0 : i32
      %dma_wait3A_143 = arith.constant 0 : i32
      %dma_wait3A_144 = tpu.memref_slice %arg3[%run_scoped3A_1, %dma_wait3A, %dma_wait3A_142, %dma_wait3A_143] : memref<2x32x80x128xi32, #tpu.memory_space<hbm>> -> memref<1x32x80x128xi32, #tpu.memory_space<hbm>>
      %dma_wait3A_145 = tpu.memref_squeeze %dma_wait3A_144 : memref<1x32x80x128xi32, #tpu.memory_space<hbm>> -> memref<32x80x128xi32, #tpu.memory_space<hbm>>
      %dma_wait3A_146 = arith.constant 0 : i32
      %dma_wait3A_147 = arith.constant 0 : i32
      %dma_wait3A_148 = tpu.memref_slice %dma_wait3A_145[%add3A, %dma_wait3A_146, %dma_wait3A_147] : memref<32x80x128xi32, #tpu.memory_space<hbm>> -> memref<1x80x128xi32, #tpu.memory_space<hbm>>
      %dma_wait3A_149 = tpu.memref_squeeze %dma_wait3A_148 : memref<1x80x128xi32, #tpu.memory_space<hbm>> -> memref<80x128xi32, #tpu.memory_space<hbm>>
      %dma_wait3A_150 = arith.constant 0 : i32
      %dma_wait3A_151 = arith.constant 0 : i32
      %dma_wait3A_152 = arith.constant 0 : i32
      %dma_wait3A_153 = tpu.memref_slice %arg3[%run_scoped3A_1, %dma_wait3A_150, %dma_wait3A_151, %dma_wait3A_152] : memref<2x32x80x128xi32, #tpu.memory_space<hbm>> -> memref<1x32x80x128xi32, #tpu.memory_space<hbm>>
      %dma_wait3A_154 = tpu.memref_squeeze %dma_wait3A_153 : memref<1x32x80x128xi32, #tpu.memory_space<hbm>> -> memref<32x80x128xi32, #tpu.memory_space<hbm>>
      %dma_wait3A_155 = arith.constant 0 : i32
      %dma_wait3A_156 = arith.constant 0 : i32
      %dma_wait3A_157 = tpu.memref_slice %dma_wait3A_154[%add3A, %dma_wait3A_155, %dma_wait3A_156] : memref<32x80x128xi32, #tpu.memory_space<hbm>> -> memref<1x80x128xi32, #tpu.memory_space<hbm>>
      %dma_wait3A_158 = tpu.memref_squeeze %dma_wait3A_157 : memref<1x80x128xi32, #tpu.memory_space<hbm>> -> memref<80x128xi32, #tpu.memory_space<hbm>>
      tpu.wait_dma2 semaphore(%run_scoped3A_123 : memref<!tpu.dma_semaphore, #tpu.memory_space<semaphore_mem>>) src(%dma_wait3A_158 : memref<80x128xi32, #tpu.memory_space<hbm>>) dst(%arg6 : memref<80x128xi32, #tpu.memory_space<vmem>>)
      tpu.yield
    }) : () -> ()
    %scan3A = arith.constant 0 : i32
    %scan3A_2 = arith.constant 0 : i32
    %scan3A_3 = arith.constant 128 : i32
    %scan3A_4 = arith.addi %scan3A_2, %scan3A_3 : i32
    %scan3A_5 = arith.constant 1 : i32
    scf.for %scan3A_123 = %scan3A_2 to %scan3A_4 step %scan3A_5  : i32 {
      %broadcast_in_dim3A = arith.constant 0.000000e+00 : f32
      %broadcast_in_dim3A_124 = vector.broadcast %broadcast_in_dim3A : f32 to vector<16xf32>
      %swap3A = arith.index_cast %scan3A_123 : i32 to index
      %swap3A_125 = arith.constant 0 : index
      %swap3A_126 = tpu.vector_load %arg8[%swap3A, %swap3A_125] {strides = array<i32>} : memref<128x16xf32, #tpu.memory_space<vmem>>, vector<1x16xf32>,
      %swap3A_127 = vector.shape_cast %swap3A_126 : vector<1x16xf32> to vector<16xf32>
      %swap3A_128 = vector.shape_cast %broadcast_in_dim3A_124 : vector<16xf32> to vector<1x16xf32>
      tpu.vector_store %arg8[%swap3A, %swap3A_125], %swap3A_128 {strides = array<i32>} : memref<128x16xf32, #tpu.memory_space<vmem>>, vector<1x16xf32>,
    }
    %scan3A_6 = arith.constant 128 : i32
    %mul3A_7 = arith.constant 640 : i32
    %mul3A_8 = arith.muli %arg1, %mul3A_7 : i32
    %add3A_9 = arith.constant 0 : i32
    %add3A_10 = arith.addi %mul3A_8, %add3A_9 : i32
    "tpu.region"() ({
      %run_scoped3A_123 = tpu.sem_alloc : memref<!tpu.dma_semaphore, #tpu.memory_space<semaphore_mem>>
      %dma_start3A_124 = arith.constant 0 : i32
      %dma_start3A_125 = tpu.memref_slice %arg9[%add3A_10, %dma_start3A_124] : memref<10240x16xf32, #tpu.memory_space<vmem_shared>> -> memref<128x16xf32, #tpu.memory_space<vmem_shared>>
      %dma_start3A_126 = arith.constant 0 : i32
      %dma_start3A_127 = tpu.memref_slice %arg9[%add3A_10, %dma_start3A_126] : memref<10240x16xf32, #tpu.memory_space<vmem_shared>> -> memref<128x16xf32, #tpu.memory_space<vmem_shared>>
      tpu.enqueue_dma source(%arg8 : memref<128x16xf32, #tpu.memory_space<vmem>>) target(%dma_start3A_127 : memref<128x16xf32, #tpu.memory_space<vmem_shared>>) target_semaphore(%run_scoped3A_123 : memref<!tpu.dma_semaphore, #tpu.memory_space<semaphore_mem>>)
      %dma_wait3A = arith.constant 0 : i32
      %dma_wait3A_128 = tpu.memref_slice %arg9[%add3A_10, %dma_wait3A] : memref<10240x16xf32, #tpu.memory_space<vmem_shared>> -> memref<128x16xf32, #tpu.memory_space<vmem_shared>>
      %dma_wait3A_129 = arith.constant 0 : i32
      %dma_wait3A_130 = tpu.memref_slice %arg9[%add3A_10, %dma_wait3A_129] : memref<10240x16xf32, #tpu.memory_space<vmem_shared>> -> memref<128x16xf32, #tpu.memory_space<vmem_shared>>
      tpu.wait_dma2 semaphore(%run_scoped3A_123 : memref<!tpu.dma_semaphore, #tpu.memory_space<semaphore_mem>>) src(%arg8 : memref<128x16xf32, #tpu.memory_space<vmem>>) dst(%dma_wait3A_130 : memref<128x16xf32, #tpu.memory_space<vmem_shared>>)
      tpu.yield
    }) : () -> ()
    %add3A_11 = arith.constant 128 : i32
    %add3A_12 = arith.addi %mul3A_8, %add3A_11 : i32
    "tpu.region"() ({
      %run_scoped3A_123 = tpu.sem_alloc : memref<!tpu.dma_semaphore, #tpu.memory_space<semaphore_mem>>
      %dma_start3A_124 = arith.constant 0 : i32
      %dma_start3A_125 = tpu.memref_slice %arg9[%add3A_12, %dma_start3A_124] : memref<10240x16xf32, #tpu.memory_space<vmem_shared>> -> memref<128x16xf32, #tpu.memory_space<vmem_shared>>
      %dma_start3A_126 = arith.constant 0 : i32
      %dma_start3A_127 = tpu.memref_slice %arg9[%add3A_12, %dma_start3A_126] : memref<10240x16xf32, #tpu.memory_space<vmem_shared>> -> memref<128x16xf32, #tpu.memory_space<vmem_shared>>
      tpu.enqueue_dma source(%arg8 : memref<128x16xf32, #tpu.memory_space<vmem>>) target(%dma_start3A_127 : memref<128x16xf32, #tpu.memory_space<vmem_shared>>) target_semaphore(%run_scoped3A_123 : memref<!tpu.dma_semaphore, #tpu.memory_space<semaphore_mem>>)
      %dma_wait3A = arith.constant 0 : i32
      %dma_wait3A_128 = tpu.memref_slice %arg9[%add3A_12, %dma_wait3A] : memref<10240x16xf32, #tpu.memory_space<vmem_shared>> -> memref<128x16xf32, #tpu.memory_space<vmem_shared>>
      %dma_wait3A_129 = arith.constant 0 : i32
      %dma_wait3A_130 = tpu.memref_slice %arg9[%add3A_12, %dma_wait3A_129] : memref<10240x16xf32, #tpu.memory_space<vmem_shared>> -> memref<128x16xf32, #tpu.memory_space<vmem_shared>>
      tpu.wait_dma2 semaphore(%run_scoped3A_123 : memref<!tpu.dma_semaphore, #tpu.memory_space<semaphore_mem>>) src(%arg8 : memref<128x16xf32, #tpu.memory_space<vmem>>) dst(%dma_wait3A_130 : memref<128x16xf32, #tpu.memory_space<vmem_shared>>)
      tpu.yield
    }) : () -> ()
    %add3A_13 = arith.constant 256 : i32
    %add3A_14 = arith.addi %mul3A_8, %add3A_13 : i32
    "tpu.region"() ({
      %run_scoped3A_123 = tpu.sem_alloc : memref<!tpu.dma_semaphore, #tpu.memory_space<semaphore_mem>>
      %dma_start3A_124 = arith.constant 0 : i32
      %dma_start3A_125 = tpu.memref_slice %arg9[%add3A_14, %dma_start3A_124] : memref<10240x16xf32, #tpu.memory_space<vmem_shared>> -> memref<128x16xf32, #tpu.memory_space<vmem_shared>>
      %dma_start3A_126 = arith.constant 0 : i32
      %dma_start3A_127 = tpu.memref_slice %arg9[%add3A_14, %dma_start3A_126] : memref<10240x16xf32, #tpu.memory_space<vmem_shared>> -> memref<128x16xf32, #tpu.memory_space<vmem_shared>>
      tpu.enqueue_dma source(%arg8 : memref<128x16xf32, #tpu.memory_space<vmem>>) target(%dma_start3A_127 : memref<128x16xf32, #tpu.memory_space<vmem_shared>>) target_semaphore(%run_scoped3A_123 : memref<!tpu.dma_semaphore, #tpu.memory_space<semaphore_mem>>)
      %dma_wait3A = arith.constant 0 : i32
      %dma_wait3A_128 = tpu.memref_slice %arg9[%add3A_14, %dma_wait3A] : memref<10240x16xf32, #tpu.memory_space<vmem_shared>> -> memref<128x16xf32, #tpu.memory_space<vmem_shared>>
      %dma_wait3A_129 = arith.constant 0 : i32
      %dma_wait3A_130 = tpu.memref_slice %arg9[%add3A_14, %dma_wait3A_129] : memref<10240x16xf32, #tpu.memory_space<vmem_shared>> -> memref<128x16xf32, #tpu.memory_space<vmem_shared>>
      tpu.wait_dma2 semaphore(%run_scoped3A_123 : memref<!tpu.dma_semaphore, #tpu.memory_space<semaphore_mem>>) src(%arg8 : memref<128x16xf32, #tpu.memory_space<vmem>>) dst(%dma_wait3A_130 : memref<128x16xf32, #tpu.memory_space<vmem_shared>>)
      tpu.yield
    }) : () -> ()
    %add3A_15 = arith.constant 384 : i32
    %add3A_16 = arith.addi %mul3A_8, %add3A_15 : i32
    "tpu.region"() ({
      %run_scoped3A_123 = tpu.sem_alloc : memref<!tpu.dma_semaphore, #tpu.memory_space<semaphore_mem>>
      %dma_start3A_124 = arith.constant 0 : i32
      %dma_start3A_125 = tpu.memref_slice %arg9[%add3A_16, %dma_start3A_124] : memref<10240x16xf32, #tpu.memory_space<vmem_shared>> -> memref<128x16xf32, #tpu.memory_space<vmem_shared>>
      %dma_start3A_126 = arith.constant 0 : i32
      %dma_start3A_127 = tpu.memref_slice %arg9[%add3A_16, %dma_start3A_126] : memref<10240x16xf32, #tpu.memory_space<vmem_shared>> -> memref<128x16xf32, #tpu.memory_space<vmem_shared>>
      tpu.enqueue_dma source(%arg8 : memref<128x16xf32, #tpu.memory_space<vmem>>) target(%dma_start3A_127 : memref<128x16xf32, #tpu.memory_space<vmem_shared>>) target_semaphore(%run_scoped3A_123 : memref<!tpu.dma_semaphore, #tpu.memory_space<semaphore_mem>>)
      %dma_wait3A = arith.constant 0 : i32
      %dma_wait3A_128 = tpu.memref_slice %arg9[%add3A_16, %dma_wait3A] : memref<10240x16xf32, #tpu.memory_space<vmem_shared>> -> memref<128x16xf32, #tpu.memory_space<vmem_shared>>
      %dma_wait3A_129 = arith.constant 0 : i32
      %dma_wait3A_130 = tpu.memref_slice %arg9[%add3A_16, %dma_wait3A_129] : memref<10240x16xf32, #tpu.memory_space<vmem_shared>> -> memref<128x16xf32, #tpu.memory_space<vmem_shared>>
      tpu.wait_dma2 semaphore(%run_scoped3A_123 : memref<!tpu.dma_semaphore, #tpu.memory_space<semaphore_mem>>) src(%arg8 : memref<128x16xf32, #tpu.memory_space<vmem>>) dst(%dma_wait3A_130 : memref<128x16xf32, #tpu.memory_space<vmem_shared>>)
      tpu.yield
    }) : () -> ()
    %add3A_17 = arith.constant 512 : i32
    %add3A_18 = arith.addi %mul3A_8, %add3A_17 : i32
    "tpu.region"() ({
      %run_scoped3A_123 = tpu.sem_alloc : memref<!tpu.dma_semaphore, #tpu.memory_space<semaphore_mem>>
      %dma_start3A_124 = arith.constant 0 : i32
      %dma_start3A_125 = tpu.memref_slice %arg9[%add3A_18, %dma_start3A_124] : memref<10240x16xf32, #tpu.memory_space<vmem_shared>> -> memref<128x16xf32, #tpu.memory_space<vmem_shared>>
      %dma_start3A_126 = arith.constant 0 : i32
      %dma_start3A_127 = tpu.memref_slice %arg9[%add3A_18, %dma_start3A_126] : memref<10240x16xf32, #tpu.memory_space<vmem_shared>> -> memref<128x16xf32, #tpu.memory_space<vmem_shared>>
      tpu.enqueue_dma source(%arg8 : memref<128x16xf32, #tpu.memory_space<vmem>>) target(%dma_start3A_127 : memref<128x16xf32, #tpu.memory_space<vmem_shared>>) target_semaphore(%run_scoped3A_123 : memref<!tpu.dma_semaphore, #tpu.memory_space<semaphore_mem>>)
      %dma_wait3A = arith.constant 0 : i32
      %dma_wait3A_128 = tpu.memref_slice %arg9[%add3A_18, %dma_wait3A] : memref<10240x16xf32, #tpu.memory_space<vmem_shared>> -> memref<128x16xf32, #tpu.memory_space<vmem_shared>>
      %dma_wait3A_129 = arith.constant 0 : i32
      %dma_wait3A_130 = tpu.memref_slice %arg9[%add3A_18, %dma_wait3A_129] : memref<10240x16xf32, #tpu.memory_space<vmem_shared>> -> memref<128x16xf32, #tpu.memory_space<vmem_shared>>
      tpu.wait_dma2 semaphore(%run_scoped3A_123 : memref<!tpu.dma_semaphore, #tpu.memory_space<semaphore_mem>>) src(%arg8 : memref<128x16xf32, #tpu.memory_space<vmem>>) dst(%dma_wait3A_130 : memref<128x16xf32, #tpu.memory_space<vmem_shared>>)
      tpu.yield
    }) : () -> ()
    %barrier3A = arith.constant 0 : index
    tpu.barrier barrier_id(%barrier3A)
    %dma_start3A = arith.constant 0 : i32
    %dma_start3A_19 = arith.constant 0 : i32
    %dma_start3A_20 = arith.constant 0 : i32
    %dma_start3A_21 = arith.constant 0 : i32
    %dma_start3A_22 = tpu.memref_slice %arg7[%dma_start3A_19, %dma_start3A_20, %dma_start3A_21] : memref<8x128x16xf32, #tpu.memory_space<vmem>> -> memref<1x128x16xf32, #tpu.memory_space<vmem>>
    %dma_start3A_23 = tpu.memref_squeeze %dma_start3A_22 : memref<1x128x16xf32, #tpu.memory_space<vmem>> -> memref<128x16xf32, #tpu.memory_space<vmem>>
    %dma_start3A_24 = arith.constant 0 : i32
    %dma_start3A_25 = tpu.memref_slice %arg5[%dma_start3A, %dma_start3A_24] : memref<80x128xi32, #tpu.memory_space<vmem>> -> memref<1x128xi32, #tpu.memory_space<vmem>>
    %dma_start3A_26 = tpu.memref_squeeze %dma_start3A_25 : memref<1x128xi32, #tpu.memory_space<vmem>> -> memref<128xi32, #tpu.memory_space<vmem>>
    %dma_start3A_27 = arith.constant 0 : i32
    %dma_start3A_28 = arith.constant 0 : i32
    %dma_start3A_29 = tpu.memref_slice %arg2[%dma_start3A_27, %dma_start3A_28] : memref<10240x16xf32, #tpu.memory_space<hbm>> -> memref<10240x16xf32, #tpu.memory_space<hbm>>
    tpu.enqueue_indirect_dma source(%dma_start3A_29 : memref<10240x16xf32, #tpu.memory_space<hbm>>) target(%dma_start3A_23 : memref<128x16xf32, #tpu.memory_space<vmem>>) offsets(%dma_start3A_26 : memref<128xi32, #tpu.memory_space<vmem>>) semaphore(%arg10 : memref<!tpu.dma_semaphore, #tpu.memory_space<semaphore_mem>>)
    %dma_start3A_30 = arith.constant 1 : i32
    %dma_start3A_31 = arith.constant 1 : i32
    %dma_start3A_32 = arith.constant 0 : i32
    %dma_start3A_33 = arith.constant 0 : i32
    %dma_start3A_34 = tpu.memref_slice %arg7[%dma_start3A_31, %dma_start3A_32, %dma_start3A_33] : memref<8x128x16xf32, #tpu.memory_space<vmem>> -> memref<1x128x16xf32, #tpu.memory_space<vmem>>
    %dma_start3A_35 = tpu.memref_squeeze %dma_start3A_34 : memref<1x128x16xf32, #tpu.memory_space<vmem>> -> memref<128x16xf32, #tpu.memory_space<vmem>>
    %dma_start3A_36 = arith.constant 0 : i32
    %dma_start3A_37 = tpu.memref_slice %arg5[%dma_start3A_30, %dma_start3A_36] : memref<80x128xi32, #tpu.memory_space<vmem>> -> memref<1x128xi32, #tpu.memory_space<vmem>>
    %dma_start3A_38 = tpu.memref_squeeze %dma_start3A_37 : memref<1x128xi32, #tpu.memory_space<vmem>> -> memref<128xi32, #tpu.memory_space<vmem>>
    %dma_start3A_39 = arith.constant 0 : i32
    %dma_start3A_40 = arith.constant 0 : i32
    %dma_start3A_41 = tpu.memref_slice %arg2[%dma_start3A_39, %dma_start3A_40] : memref<10240x16xf32, #tpu.memory_space<hbm>> -> memref<10240x16xf32, #tpu.memory_space<hbm>>
    tpu.enqueue_indirect_dma source(%dma_start3A_41 : memref<10240x16xf32, #tpu.memory_space<hbm>>) target(%dma_start3A_35 : memref<128x16xf32, #tpu.memory_space<vmem>>) offsets(%dma_start3A_38 : memref<128xi32, #tpu.memory_space<vmem>>) semaphore(%arg11 : memref<!tpu.dma_semaphore, #tpu.memory_space<semaphore_mem>>)
    %dma_start3A_42 = arith.constant 2 : i32
    %dma_start3A_43 = arith.constant 2 : i32
    %dma_start3A_44 = arith.constant 0 : i32
    %dma_start3A_45 = arith.constant 0 : i32
    %dma_start3A_46 = tpu.memref_slice %arg7[%dma_start3A_43, %dma_start3A_44, %dma_start3A_45] : memref<8x128x16xf32, #tpu.memory_space<vmem>> -> memref<1x128x16xf32, #tpu.memory_space<vmem>>
    %dma_start3A_47 = tpu.memref_squeeze %dma_start3A_46 : memref<1x128x16xf32, #tpu.memory_space<vmem>> -> memref<128x16xf32, #tpu.memory_space<vmem>>
    %dma_start3A_48 = arith.constant 0 : i32
    %dma_start3A_49 = tpu.memref_slice %arg5[%dma_start3A_42, %dma_start3A_48] : memref<80x128xi32, #tpu.memory_space<vmem>> -> memref<1x128xi32, #tpu.memory_space<vmem>>
    %dma_start3A_50 = tpu.memref_squeeze %dma_start3A_49 : memref<1x128xi32, #tpu.memory_space<vmem>> -> memref<128xi32, #tpu.memory_space<vmem>>
    %dma_start3A_51 = arith.constant 0 : i32
    %dma_start3A_52 = arith.constant 0 : i32
    %dma_start3A_53 = tpu.memref_slice %arg2[%dma_start3A_51, %dma_start3A_52] : memref<10240x16xf32, #tpu.memory_space<hbm>> -> memref<10240x16xf32, #tpu.memory_space<hbm>>
    tpu.enqueue_indirect_dma source(%dma_start3A_53 : memref<10240x16xf32, #tpu.memory_space<hbm>>) target(%dma_start3A_47 : memref<128x16xf32, #tpu.memory_space<vmem>>) offsets(%dma_start3A_50 : memref<128xi32, #tpu.memory_space<vmem>>) semaphore(%arg12 : memref<!tpu.dma_semaphore, #tpu.memory_space<semaphore_mem>>)
    %dma_start3A_54 = arith.constant 3 : i32
    %dma_start3A_55 = arith.constant 3 : i32
    %dma_start3A_56 = arith.constant 0 : i32
    %dma_start3A_57 = arith.constant 0 : i32
    %dma_start3A_58 = tpu.memref_slice %arg7[%dma_start3A_55, %dma_start3A_56, %dma_start3A_57] : memref<8x128x16xf32, #tpu.memory_space<vmem>> -> memref<1x128x16xf32, #tpu.memory_space<vmem>>
    %dma_start3A_59 = tpu.memref_squeeze %dma_start3A_58 : memref<1x128x16xf32, #tpu.memory_space<vmem>> -> memref<128x16xf32, #tpu.memory_space<vmem>>
    %dma_start3A_60 = arith.constant 0 : i32
    %dma_start3A_61 = tpu.memref_slice %arg5[%dma_start3A_54, %dma_start3A_60] : memref<80x128xi32, #tpu.memory_space<vmem>> -> memref<1x128xi32, #tpu.memory_space<vmem>>
    %dma_start3A_62 = tpu.memref_squeeze %dma_start3A_61 : memref<1x128xi32, #tpu.memory_space<vmem>> -> memref<128xi32, #tpu.memory_space<vmem>>
    %dma_start3A_63 = arith.constant 0 : i32
    %dma_start3A_64 = arith.constant 0 : i32
    %dma_start3A_65 = tpu.memref_slice %arg2[%dma_start3A_63, %dma_start3A_64] : memref<10240x16xf32, #tpu.memory_space<hbm>> -> memref<10240x16xf32, #tpu.memory_space<hbm>>
    tpu.enqueue_indirect_dma source(%dma_start3A_65 : memref<10240x16xf32, #tpu.memory_space<hbm>>) target(%dma_start3A_59 : memref<128x16xf32, #tpu.memory_space<vmem>>) offsets(%dma_start3A_62 : memref<128xi32, #tpu.memory_space<vmem>>) semaphore(%arg13 : memref<!tpu.dma_semaphore, #tpu.memory_space<semaphore_mem>>)
    %dma_start3A_66 = arith.constant 4 : i32
    %dma_start3A_67 = arith.constant 4 : i32
    %dma_start3A_68 = arith.constant 0 : i32
    %dma_start3A_69 = arith.constant 0 : i32
    %dma_start3A_70 = tpu.memref_slice %arg7[%dma_start3A_67, %dma_start3A_68, %dma_start3A_69] : memref<8x128x16xf32, #tpu.memory_space<vmem>> -> memref<1x128x16xf32, #tpu.memory_space<vmem>>
    %dma_start3A_71 = tpu.memref_squeeze %dma_start3A_70 : memref<1x128x16xf32, #tpu.memory_space<vmem>> -> memref<128x16xf32, #tpu.memory_space<vmem>>
    %dma_start3A_72 = arith.constant 0 : i32
    %dma_start3A_73 = tpu.memref_slice %arg5[%dma_start3A_66, %dma_start3A_72] : memref<80x128xi32, #tpu.memory_space<vmem>> -> memref<1x128xi32, #tpu.memory_space<vmem>>
    %dma_start3A_74 = tpu.memref_squeeze %dma_start3A_73 : memref<1x128xi32, #tpu.memory_space<vmem>> -> memref<128xi32, #tpu.memory_space<vmem>>
    %dma_start3A_75 = arith.constant 0 : i32
    %dma_start3A_76 = arith.constant 0 : i32
    %dma_start3A_77 = tpu.memref_slice %arg2[%dma_start3A_75, %dma_start3A_76] : memref<10240x16xf32, #tpu.memory_space<hbm>> -> memref<10240x16xf32, #tpu.memory_space<hbm>>
    tpu.enqueue_indirect_dma source(%dma_start3A_77 : memref<10240x16xf32, #tpu.memory_space<hbm>>) target(%dma_start3A_71 : memref<128x16xf32, #tpu.memory_space<vmem>>) offsets(%dma_start3A_74 : memref<128xi32, #tpu.memory_space<vmem>>) semaphore(%arg14 : memref<!tpu.dma_semaphore, #tpu.memory_space<semaphore_mem>>)
    %dma_start3A_78 = arith.constant 5 : i32
    %dma_start3A_79 = arith.constant 5 : i32
    %dma_start3A_80 = arith.constant 0 : i32
    %dma_start3A_81 = arith.constant 0 : i32
    %dma_start3A_82 = tpu.memref_slice %arg7[%dma_start3A_79, %dma_start3A_80, %dma_start3A_81] : memref<8x128x16xf32, #tpu.memory_space<vmem>> -> memref<1x128x16xf32, #tpu.memory_space<vmem>>
    %dma_start3A_83 = tpu.memref_squeeze %dma_start3A_82 : memref<1x128x16xf32, #tpu.memory_space<vmem>> -> memref<128x16xf32, #tpu.memory_space<vmem>>
    %dma_start3A_84 = arith.constant 0 : i32
    %dma_start3A_85 = tpu.memref_slice %arg5[%dma_start3A_78, %dma_start3A_84] : memref<80x128xi32, #tpu.memory_space<vmem>> -> memref<1x128xi32, #tpu.memory_space<vmem>>
    %dma_start3A_86 = tpu.memref_squeeze %dma_start3A_85 : memref<1x128xi32, #tpu.memory_space<vmem>> -> memref<128xi32, #tpu.memory_space<vmem>>
    %dma_start3A_87 = arith.constant 0 : i32
    %dma_start3A_88 = arith.constant 0 : i32
    %dma_start3A_89 = tpu.memref_slice %arg2[%dma_start3A_87, %dma_start3A_88] : memref<10240x16xf32, #tpu.memory_space<hbm>> -> memref<10240x16xf32, #tpu.memory_space<hbm>>
    tpu.enqueue_indirect_dma source(%dma_start3A_89 : memref<10240x16xf32, #tpu.memory_space<hbm>>) target(%dma_start3A_83 : memref<128x16xf32, #tpu.memory_space<vmem>>) offsets(%dma_start3A_86 : memref<128xi32, #tpu.memory_space<vmem>>) semaphore(%arg15 : memref<!tpu.dma_semaphore, #tpu.memory_space<semaphore_mem>>)
    %dma_start3A_90 = arith.constant 6 : i32
    %dma_start3A_91 = arith.constant 6 : i32
    %dma_start3A_92 = arith.constant 0 : i32
    %dma_start3A_93 = arith.constant 0 : i32
    %dma_start3A_94 = tpu.memref_slice %arg7[%dma_start3A_91, %dma_start3A_92, %dma_start3A_93] : memref<8x128x16xf32, #tpu.memory_space<vmem>> -> memref<1x128x16xf32, #tpu.memory_space<vmem>>
    %dma_start3A_95 = tpu.memref_squeeze %dma_start3A_94 : memref<1x128x16xf32, #tpu.memory_space<vmem>> -> memref<128x16xf32, #tpu.memory_space<vmem>>
    %dma_start3A_96 = arith.constant 0 : i32
    %dma_start3A_97 = tpu.memref_slice %arg5[%dma_start3A_90, %dma_start3A_96] : memref<80x128xi32, #tpu.memory_space<vmem>> -> memref<1x128xi32, #tpu.memory_space<vmem>>
    %dma_start3A_98 = tpu.memref_squeeze %dma_start3A_97 : memref<1x128xi32, #tpu.memory_space<vmem>> -> memref<128xi32, #tpu.memory_space<vmem>>
    %dma_start3A_99 = arith.constant 0 : i32
    %dma_start3A_100 = arith.constant 0 : i32
    %dma_start3A_101 = tpu.memref_slice %arg2[%dma_start3A_99, %dma_start3A_100] : memref<10240x16xf32, #tpu.memory_space<hbm>> -> memref<10240x16xf32, #tpu.memory_space<hbm>>
    tpu.enqueue_indirect_dma source(%dma_start3A_101 : memref<10240x16xf32, #tpu.memory_space<hbm>>) target(%dma_start3A_95 : memref<128x16xf32, #tpu.memory_space<vmem>>) offsets(%dma_start3A_98 : memref<128xi32, #tpu.memory_space<vmem>>) semaphore(%arg16 : memref<!tpu.dma_semaphore, #tpu.memory_space<semaphore_mem>>)
    %dma_start3A_102 = arith.constant 7 : i32
    %dma_start3A_103 = arith.constant 7 : i32
    %dma_start3A_104 = arith.constant 0 : i32
    %dma_start3A_105 = arith.constant 0 : i32
    %dma_start3A_106 = tpu.memref_slice %arg7[%dma_start3A_103, %dma_start3A_104, %dma_start3A_105] : memref<8x128x16xf32, #tpu.memory_space<vmem>> -> memref<1x128x16xf32, #tpu.memory_space<vmem>>
    %dma_start3A_107 = tpu.memref_squeeze %dma_start3A_106 : memref<1x128x16xf32, #tpu.memory_space<vmem>> -> memref<128x16xf32, #tpu.memory_space<vmem>>
    %dma_start3A_108 = arith.constant 0 : i32
    %dma_start3A_109 = tpu.memref_slice %arg5[%dma_start3A_102, %dma_start3A_108] : memref<80x128xi32, #tpu.memory_space<vmem>> -> memref<1x128xi32, #tpu.memory_space<vmem>>
    %dma_start3A_110 = tpu.memref_squeeze %dma_start3A_109 : memref<1x128xi32, #tpu.memory_space<vmem>> -> memref<128xi32, #tpu.memory_space<vmem>>
    %dma_start3A_111 = arith.constant 0 : i32
    %dma_start3A_112 = arith.constant 0 : i32
    %dma_start3A_113 = tpu.memref_slice %arg2[%dma_start3A_111, %dma_start3A_112] : memref<10240x16xf32, #tpu.memory_space<hbm>> -> memref<10240x16xf32, #tpu.memory_space<hbm>>
    tpu.enqueue_indirect_dma source(%dma_start3A_113 : memref<10240x16xf32, #tpu.memory_space<hbm>>) target(%dma_start3A_107 : memref<128x16xf32, #tpu.memory_space<vmem>>) offsets(%dma_start3A_110 : memref<128xi32, #tpu.memory_space<vmem>>) semaphore(%arg17 : memref<!tpu.dma_semaphore, #tpu.memory_space<semaphore_mem>>)
    %scan3A_114 = arith.constant 0 : i32
    %scan3A_115 = arith.constant 0 : i32
    %scan3A_116 = arith.constant 10 : i32
    %scan3A_117 = arith.addi %scan3A_115, %scan3A_116 : i32
    %scan3A_118 = arith.constant 1 : i32
    scf.for %scan3A_123 = %scan3A_115 to %scan3A_117 step %scan3A_118  : i32 {
      %mul3A_124 = arith.constant 8 : i32
      %mul3A_125 = arith.muli %scan3A_123, %mul3A_124 : i32
      %add3A_126 = arith.constant 0 : i32
      %add3A_127 = arith.addi %mul3A_125, %add3A_126 : i32
      %dma_wait3A = arith.constant 0 : i32
      %dma_wait3A_128 = arith.constant 0 : i32
      %dma_wait3A_129 = arith.constant 0 : i32
      %dma_wait3A_130 = tpu.memref_slice %arg7[%dma_wait3A, %dma_wait3A_128, %dma_wait3A_129] : memref<8x128x16xf32, #tpu.memory_space<vmem>> -> memref<1x128x16xf32, #tpu.memory_space<vmem>>
      %dma_wait3A_131 = tpu.memref_squeeze %dma_wait3A_130 : memref<1x128x16xf32, #tpu.memory_space<vmem>> -> memref<128x16xf32, #tpu.memory_space<vmem>>
      %dma_wait3A_132 = arith.constant 0 : i32
      %dma_wait3A_133 = tpu.memref_slice %arg5[%add3A_127, %dma_wait3A_132] : memref<80x128xi32, #tpu.memory_space<vmem>> -> memref<1x128xi32, #tpu.memory_space<vmem>>
      %dma_wait3A_134 = tpu.memref_squeeze %dma_wait3A_133 : memref<1x128xi32, #tpu.memory_space<vmem>> -> memref<128xi32, #tpu.memory_space<vmem>>
      %dma_wait3A_135 = arith.constant 0 : i32
      %dma_wait3A_136 = arith.constant 0 : i32
      %dma_wait3A_137 = tpu.memref_slice %arg2[%dma_wait3A_135, %dma_wait3A_136] : memref<10240x16xf32, #tpu.memory_space<hbm>> -> memref<10240x16xf32, #tpu.memory_space<hbm>>
      tpu.wait_indirect_dma semaphore(%arg10 : memref<!tpu.dma_semaphore, #tpu.memory_space<semaphore_mem>>) src(%dma_wait3A_137 : memref<10240x16xf32, #tpu.memory_space<hbm>>) dst(%dma_wait3A_131 : memref<128x16xf32, #tpu.memory_space<vmem>>)
      %run_scoped3A_138 = arith.constant 0 : i32
      "tpu.region"() ({
        %run_scoped3A_288 = tpu.sem_alloc : memref<!tpu.dma_semaphore, #tpu.memory_space<semaphore_mem>>
        %dma_start3A_289 = arith.constant 0 : i32
        %dma_start3A_290 = arith.constant 0 : i32
        %dma_start3A_291 = tpu.memref_slice %arg7[%run_scoped3A_138, %dma_start3A_289, %dma_start3A_290] : memref<8x128x16xf32, #tpu.memory_space<vmem>> -> memref<1x128x16xf32, #tpu.memory_space<vmem>>
        %dma_start3A_292 = tpu.memref_squeeze %dma_start3A_291 : memref<1x128x16xf32, #tpu.memory_space<vmem>> -> memref<128x16xf32, #tpu.memory_space<vmem>>
        %dma_start3A_293 = arith.constant 0 : i32
        %dma_start3A_294 = tpu.memref_slice %arg6[%add3A_127, %dma_start3A_293] : memref<80x128xi32, #tpu.memory_space<vmem>> -> memref<1x128xi32, #tpu.memory_space<vmem>>
        %dma_start3A_295 = tpu.memref_squeeze %dma_start3A_294 : memref<1x128xi32, #tpu.memory_space<vmem>> -> memref<128xi32, #tpu.memory_space<vmem>>
        %dma_start3A_296 = arith.constant 0 : i32
        %dma_start3A_297 = arith.constant 0 : i32
        %dma_start3A_298 = tpu.memref_slice %arg9[%dma_start3A_296, %dma_start3A_297] : memref<10240x16xf32, #tpu.memory_space<vmem_shared>> -> memref<10240x16xf32, #tpu.memory_space<vmem_shared>>
        tpu.enqueue_indirect_dma source(%dma_start3A_292 : memref<128x16xf32, #tpu.memory_space<vmem>>) target(%dma_start3A_298 : memref<10240x16xf32, #tpu.memory_space<vmem_shared>>) offsets(%dma_start3A_295 : memref<128xi32, #tpu.memory_space<vmem>>) semaphore(%run_scoped3A_288 : memref<!tpu.dma_semaphore, #tpu.memory_space<semaphore_mem>>) {add = true}
        %dma_wait3A_299 = arith.constant 0 : i32
        %dma_wait3A_300 = arith.constant 0 : i32
        %dma_wait3A_301 = tpu.memref_slice %arg7[%run_scoped3A_138, %dma_wait3A_299, %dma_wait3A_300] : memref<8x128x16xf32, #tpu.memory_space<vmem>> -> memref<1x128x16xf32, #tpu.memory_space<vmem>>
        %dma_wait3A_302 = tpu.memref_squeeze %dma_wait3A_301 : memref<1x128x16xf32, #tpu.memory_space<vmem>> -> memref<128x16xf32, #tpu.memory_space<vmem>>
        %dma_wait3A_303 = arith.constant 0 : i32
        %dma_wait3A_304 = tpu.memref_slice %arg6[%add3A_127, %dma_wait3A_303] : memref<80x128xi32, #tpu.memory_space<vmem>> -> memref<1x128xi32, #tpu.memory_space<vmem>>
        %dma_wait3A_305 = tpu.memref_squeeze %dma_wait3A_304 : memref<1x128xi32, #tpu.memory_space<vmem>> -> memref<128xi32, #tpu.memory_space<vmem>>
        %dma_wait3A_306 = arith.constant 0 : i32
        %dma_wait3A_307 = arith.constant 0 : i32
        %dma_wait3A_308 = tpu.memref_slice %arg9[%dma_wait3A_306, %dma_wait3A_307] : memref<10240x16xf32, #tpu.memory_space<vmem_shared>> -> memref<10240x16xf32, #tpu.memory_space<vmem_shared>>
        tpu.wait_indirect_dma semaphore(%run_scoped3A_288 : memref<!tpu.dma_semaphore, #tpu.memory_space<semaphore_mem>>) src(%dma_wait3A_302 : memref<128x16xf32, #tpu.memory_space<vmem>>) dst(%dma_wait3A_308 : memref<10240x16xf32, #tpu.memory_space<vmem_shared>>)
        tpu.yield
      }) : () -> ()
      %lt3A = arith.constant 9 : i32
      %lt3A_139 = arith.cmpi slt, %scan3A_123, %lt3A : i32
      %convert_element_type3A = arith.extui %lt3A_139 : i1 to i32
      %cond3A = arith.constant 0 : i32
      %cond3A_140 = arith.cmpi ne, %convert_element_type3A, %cond3A : i32
      scf.if %cond3A_140 {
        %add3A_288 = arith.constant 8 : i32
        %add3A_289 = arith.addi %add3A_127, %add3A_288 : i32
        %dma_start3A_290 = arith.constant 0 : i32
        %dma_start3A_291 = arith.constant 0 : i32
        %dma_start3A_292 = arith.constant 0 : i32
        %dma_start3A_293 = tpu.memref_slice %arg7[%dma_start3A_290, %dma_start3A_291, %dma_start3A_292] : memref<8x128x16xf32, #tpu.memory_space<vmem>> -> memref<1x128x16xf32, #tpu.memory_space<vmem>>
        %dma_start3A_294 = tpu.memref_squeeze %dma_start3A_293 : memref<1x128x16xf32, #tpu.memory_space<vmem>> -> memref<128x16xf32, #tpu.memory_space<vmem>>
        %dma_start3A_295 = arith.constant 0 : i32
        %dma_start3A_296 = tpu.memref_slice %arg5[%add3A_289, %dma_start3A_295] : memref<80x128xi32, #tpu.memory_space<vmem>> -> memref<1x128xi32, #tpu.memory_space<vmem>>
        %dma_start3A_297 = tpu.memref_squeeze %dma_start3A_296 : memref<1x128xi32, #tpu.memory_space<vmem>> -> memref<128xi32, #tpu.memory_space<vmem>>
        %dma_start3A_298 = arith.constant 0 : i32
        %dma_start3A_299 = arith.constant 0 : i32
        %dma_start3A_300 = tpu.memref_slice %arg2[%dma_start3A_298, %dma_start3A_299] : memref<10240x16xf32, #tpu.memory_space<hbm>> -> memref<10240x16xf32, #tpu.memory_space<hbm>>
        tpu.enqueue_indirect_dma source(%dma_start3A_300 : memref<10240x16xf32, #tpu.memory_space<hbm>>) target(%dma_start3A_294 : memref<128x16xf32, #tpu.memory_space<vmem>>) offsets(%dma_start3A_297 : memref<128xi32, #tpu.memory_space<vmem>>) semaphore(%arg10 : memref<!tpu.dma_semaphore, #tpu.memory_space<semaphore_mem>>)
      } else {
      }
      %mul3A_141 = arith.constant 8 : i32
      %mul3A_142 = arith.muli %scan3A_123, %mul3A_141 : i32
      %add3A_143 = arith.constant 1 : i32
      %add3A_144 = arith.addi %mul3A_142, %add3A_143 : i32
      %dma_wait3A_145 = arith.constant 1 : i32
      %dma_wait3A_146 = arith.constant 0 : i32
      %dma_wait3A_147 = arith.constant 0 : i32
      %dma_wait3A_148 = tpu.memref_slice %arg7[%dma_wait3A_145, %dma_wait3A_146, %dma_wait3A_147] : memref<8x128x16xf32, #tpu.memory_space<vmem>> -> memref<1x128x16xf32, #tpu.memory_space<vmem>>
      %dma_wait3A_149 = tpu.memref_squeeze %dma_wait3A_148 : memref<1x128x16xf32, #tpu.memory_space<vmem>> -> memref<128x16xf32, #tpu.memory_space<vmem>>
      %dma_wait3A_150 = arith.constant 0 : i32
      %dma_wait3A_151 = tpu.memref_slice %arg5[%add3A_144, %dma_wait3A_150] : memref<80x128xi32, #tpu.memory_space<vmem>> -> memref<1x128xi32, #tpu.memory_space<vmem>>
      %dma_wait3A_152 = tpu.memref_squeeze %dma_wait3A_151 : memref<1x128xi32, #tpu.memory_space<vmem>> -> memref<128xi32, #tpu.memory_space<vmem>>
      %dma_wait3A_153 = arith.constant 0 : i32
      %dma_wait3A_154 = arith.constant 0 : i32
      %dma_wait3A_155 = tpu.memref_slice %arg2[%dma_wait3A_153, %dma_wait3A_154] : memref<10240x16xf32, #tpu.memory_space<hbm>> -> memref<10240x16xf32, #tpu.memory_space<hbm>>
      tpu.wait_indirect_dma semaphore(%arg11 : memref<!tpu.dma_semaphore, #tpu.memory_space<semaphore_mem>>) src(%dma_wait3A_155 : memref<10240x16xf32, #tpu.memory_space<hbm>>) dst(%dma_wait3A_149 : memref<128x16xf32, #tpu.memory_space<vmem>>)
      %run_scoped3A_156 = arith.constant 1 : i32
      "tpu.region"() ({
        %run_scoped3A_288 = tpu.sem_alloc : memref<!tpu.dma_semaphore, #tpu.memory_space<semaphore_mem>>
        %dma_start3A_289 = arith.constant 0 : i32
        %dma_start3A_290 = arith.constant 0 : i32
        %dma_start3A_291 = tpu.memref_slice %arg7[%run_scoped3A_156, %dma_start3A_289, %dma_start3A_290] : memref<8x128x16xf32, #tpu.memory_space<vmem>> -> memref<1x128x16xf32, #tpu.memory_space<vmem>>
        %dma_start3A_292 = tpu.memref_squeeze %dma_start3A_291 : memref<1x128x16xf32, #tpu.memory_space<vmem>> -> memref<128x16xf32, #tpu.memory_space<vmem>>
        %dma_start3A_293 = arith.constant 0 : i32
        %dma_start3A_294 = tpu.memref_slice %arg6[%add3A_144, %dma_start3A_293] : memref<80x128xi32, #tpu.memory_space<vmem>> -> memref<1x128xi32, #tpu.memory_space<vmem>>
        %dma_start3A_295 = tpu.memref_squeeze %dma_start3A_294 : memref<1x128xi32, #tpu.memory_space<vmem>> -> memref<128xi32, #tpu.memory_space<vmem>>
        %dma_start3A_296 = arith.constant 0 : i32
        %dma_start3A_297 = arith.constant 0 : i32
        %dma_start3A_298 = tpu.memref_slice %arg9[%dma_start3A_296, %dma_start3A_297] : memref<10240x16xf32, #tpu.memory_space<vmem_shared>> -> memref<10240x16xf32, #tpu.memory_space<vmem_shared>>
        tpu.enqueue_indirect_dma source(%dma_start3A_292 : memref<128x16xf32, #tpu.memory_space<vmem>>) target(%dma_start3A_298 : memref<10240x16xf32, #tpu.memory_space<vmem_shared>>) offsets(%dma_start3A_295 : memref<128xi32, #tpu.memory_space<vmem>>) semaphore(%run_scoped3A_288 : memref<!tpu.dma_semaphore, #tpu.memory_space<semaphore_mem>>) {add = true}
        %dma_wait3A_299 = arith.constant 0 : i32
        %dma_wait3A_300 = arith.constant 0 : i32
        %dma_wait3A_301 = tpu.memref_slice %arg7[%run_scoped3A_156, %dma_wait3A_299, %dma_wait3A_300] : memref<8x128x16xf32, #tpu.memory_space<vmem>> -> memref<1x128x16xf32, #tpu.memory_space<vmem>>
        %dma_wait3A_302 = tpu.memref_squeeze %dma_wait3A_301 : memref<1x128x16xf32, #tpu.memory_space<vmem>> -> memref<128x16xf32, #tpu.memory_space<vmem>>
        %dma_wait3A_303 = arith.constant 0 : i32
        %dma_wait3A_304 = tpu.memref_slice %arg6[%add3A_144, %dma_wait3A_303] : memref<80x128xi32, #tpu.memory_space<vmem>> -> memref<1x128xi32, #tpu.memory_space<vmem>>
        %dma_wait3A_305 = tpu.memref_squeeze %dma_wait3A_304 : memref<1x128xi32, #tpu.memory_space<vmem>> -> memref<128xi32, #tpu.memory_space<vmem>>
        %dma_wait3A_306 = arith.constant 0 : i32
        %dma_wait3A_307 = arith.constant 0 : i32
        %dma_wait3A_308 = tpu.memref_slice %arg9[%dma_wait3A_306, %dma_wait3A_307] : memref<10240x16xf32, #tpu.memory_space<vmem_shared>> -> memref<10240x16xf32, #tpu.memory_space<vmem_shared>>
        tpu.wait_indirect_dma semaphore(%run_scoped3A_288 : memref<!tpu.dma_semaphore, #tpu.memory_space<semaphore_mem>>) src(%dma_wait3A_302 : memref<128x16xf32, #tpu.memory_space<vmem>>) dst(%dma_wait3A_308 : memref<10240x16xf32, #tpu.memory_space<vmem_shared>>)
        tpu.yield
      }) : () -> ()
      %lt3A_157 = arith.constant 9 : i32
      %lt3A_158 = arith.cmpi slt, %scan3A_123, %lt3A_157 : i32
      %convert_element_type3A_159 = arith.extui %lt3A_158 : i1 to i32
      %cond3A_160 = arith.constant 0 : i32
      %cond3A_161 = arith.cmpi ne, %convert_element_type3A_159, %cond3A_160 : i32
      scf.if %cond3A_161 {
        %add3A_288 = arith.constant 8 : i32
        %add3A_289 = arith.addi %add3A_144, %add3A_288 : i32
        %dma_start3A_290 = arith.constant 1 : i32
        %dma_start3A_291 = arith.constant 0 : i32
        %dma_start3A_292 = arith.constant 0 : i32
        %dma_start3A_293 = tpu.memref_slice %arg7[%dma_start3A_290, %dma_start3A_291, %dma_start3A_292] : memref<8x128x16xf32, #tpu.memory_space<vmem>> -> memref<1x128x16xf32, #tpu.memory_space<vmem>>
        %dma_start3A_294 = tpu.memref_squeeze %dma_start3A_293 : memref<1x128x16xf32, #tpu.memory_space<vmem>> -> memref<128x16xf32, #tpu.memory_space<vmem>>
        %dma_start3A_295 = arith.constant 0 : i32
        %dma_start3A_296 = tpu.memref_slice %arg5[%add3A_289, %dma_start3A_295] : memref<80x128xi32, #tpu.memory_space<vmem>> -> memref<1x128xi32, #tpu.memory_space<vmem>>
        %dma_start3A_297 = tpu.memref_squeeze %dma_start3A_296 : memref<1x128xi32, #tpu.memory_space<vmem>> -> memref<128xi32, #tpu.memory_space<vmem>>
        %dma_start3A_298 = arith.constant 0 : i32
        %dma_start3A_299 = arith.constant 0 : i32
        %dma_start3A_300 = tpu.memref_slice %arg2[%dma_start3A_298, %dma_start3A_299] : memref<10240x16xf32, #tpu.memory_space<hbm>> -> memref<10240x16xf32, #tpu.memory_space<hbm>>
        tpu.enqueue_indirect_dma source(%dma_start3A_300 : memref<10240x16xf32, #tpu.memory_space<hbm>>) target(%dma_start3A_294 : memref<128x16xf32, #tpu.memory_space<vmem>>) offsets(%dma_start3A_297 : memref<128xi32, #tpu.memory_space<vmem>>) semaphore(%arg11 : memref<!tpu.dma_semaphore, #tpu.memory_space<semaphore_mem>>)
      } else {
      }
      %mul3A_162 = arith.constant 8 : i32
      %mul3A_163 = arith.muli %scan3A_123, %mul3A_162 : i32
      %add3A_164 = arith.constant 2 : i32
      %add3A_165 = arith.addi %mul3A_163, %add3A_164 : i32
      %dma_wait3A_166 = arith.constant 2 : i32
      %dma_wait3A_167 = arith.constant 0 : i32
      %dma_wait3A_168 = arith.constant 0 : i32
      %dma_wait3A_169 = tpu.memref_slice %arg7[%dma_wait3A_166, %dma_wait3A_167, %dma_wait3A_168] : memref<8x128x16xf32, #tpu.memory_space<vmem>> -> memref<1x128x16xf32, #tpu.memory_space<vmem>>
      %dma_wait3A_170 = tpu.memref_squeeze %dma_wait3A_169 : memref<1x128x16xf32, #tpu.memory_space<vmem>> -> memref<128x16xf32, #tpu.memory_space<vmem>>
      %dma_wait3A_171 = arith.constant 0 : i32
      %dma_wait3A_172 = tpu.memref_slice %arg5[%add3A_165, %dma_wait3A_171] : memref<80x128xi32, #tpu.memory_space<vmem>> -> memref<1x128xi32, #tpu.memory_space<vmem>>
      %dma_wait3A_173 = tpu.memref_squeeze %dma_wait3A_172 : memref<1x128xi32, #tpu.memory_space<vmem>> -> memref<128xi32, #tpu.memory_space<vmem>>
      %dma_wait3A_174 = arith.constant 0 : i32
      %dma_wait3A_175 = arith.constant 0 : i32
      %dma_wait3A_176 = tpu.memref_slice %arg2[%dma_wait3A_174, %dma_wait3A_175] : memref<10240x16xf32, #tpu.memory_space<hbm>> -> memref<10240x16xf32, #tpu.memory_space<hbm>>
      tpu.wait_indirect_dma semaphore(%arg12 : memref<!tpu.dma_semaphore, #tpu.memory_space<semaphore_mem>>) src(%dma_wait3A_176 : memref<10240x16xf32, #tpu.memory_space<hbm>>) dst(%dma_wait3A_170 : memref<128x16xf32, #tpu.memory_space<vmem>>)
      %run_scoped3A_177 = arith.constant 2 : i32
      "tpu.region"() ({
        %run_scoped3A_288 = tpu.sem_alloc : memref<!tpu.dma_semaphore, #tpu.memory_space<semaphore_mem>>
        %dma_start3A_289 = arith.constant 0 : i32
        %dma_start3A_290 = arith.constant 0 : i32
        %dma_start3A_291 = tpu.memref_slice %arg7[%run_scoped3A_177, %dma_start3A_289, %dma_start3A_290] : memref<8x128x16xf32, #tpu.memory_space<vmem>> -> memref<1x128x16xf32, #tpu.memory_space<vmem>>
        %dma_start3A_292 = tpu.memref_squeeze %dma_start3A_291 : memref<1x128x16xf32, #tpu.memory_space<vmem>> -> memref<128x16xf32, #tpu.memory_space<vmem>>
        %dma_start3A_293 = arith.constant 0 : i32
        %dma_start3A_294 = tpu.memref_slice %arg6[%add3A_165, %dma_start3A_293] : memref<80x128xi32, #tpu.memory_space<vmem>> -> memref<1x128xi32, #tpu.memory_space<vmem>>
        %dma_start3A_295 = tpu.memref_squeeze %dma_start3A_294 : memref<1x128xi32, #tpu.memory_space<vmem>> -> memref<128xi32, #tpu.memory_space<vmem>>
        %dma_start3A_296 = arith.constant 0 : i32
        %dma_start3A_297 = arith.constant 0 : i32
        %dma_start3A_298 = tpu.memref_slice %arg9[%dma_start3A_296, %dma_start3A_297] : memref<10240x16xf32, #tpu.memory_space<vmem_shared>> -> memref<10240x16xf32, #tpu.memory_space<vmem_shared>>
        tpu.enqueue_indirect_dma source(%dma_start3A_292 : memref<128x16xf32, #tpu.memory_space<vmem>>) target(%dma_start3A_298 : memref<10240x16xf32, #tpu.memory_space<vmem_shared>>) offsets(%dma_start3A_295 : memref<128xi32, #tpu.memory_space<vmem>>) semaphore(%run_scoped3A_288 : memref<!tpu.dma_semaphore, #tpu.memory_space<semaphore_mem>>) {add = true}
        %dma_wait3A_299 = arith.constant 0 : i32
        %dma_wait3A_300 = arith.constant 0 : i32
        %dma_wait3A_301 = tpu.memref_slice %arg7[%run_scoped3A_177, %dma_wait3A_299, %dma_wait3A_300] : memref<8x128x16xf32, #tpu.memory_space<vmem>> -> memref<1x128x16xf32, #tpu.memory_space<vmem>>
        %dma_wait3A_302 = tpu.memref_squeeze %dma_wait3A_301 : memref<1x128x16xf32, #tpu.memory_space<vmem>> -> memref<128x16xf32, #tpu.memory_space<vmem>>
        %dma_wait3A_303 = arith.constant 0 : i32
        %dma_wait3A_304 = tpu.memref_slice %arg6[%add3A_165, %dma_wait3A_303] : memref<80x128xi32, #tpu.memory_space<vmem>> -> memref<1x128xi32, #tpu.memory_space<vmem>>
        %dma_wait3A_305 = tpu.memref_squeeze %dma_wait3A_304 : memref<1x128xi32, #tpu.memory_space<vmem>> -> memref<128xi32, #tpu.memory_space<vmem>>
        %dma_wait3A_306 = arith.constant 0 : i32
        %dma_wait3A_307 = arith.constant 0 : i32
        %dma_wait3A_308 = tpu.memref_slice %arg9[%dma_wait3A_306, %dma_wait3A_307] : memref<10240x16xf32, #tpu.memory_space<vmem_shared>> -> memref<10240x16xf32, #tpu.memory_space<vmem_shared>>
        tpu.wait_indirect_dma semaphore(%run_scoped3A_288 : memref<!tpu.dma_semaphore, #tpu.memory_space<semaphore_mem>>) src(%dma_wait3A_302 : memref<128x16xf32, #tpu.memory_space<vmem>>) dst(%dma_wait3A_308 : memref<10240x16xf32, #tpu.memory_space<vmem_shared>>)
        tpu.yield
      }) : () -> ()
      %lt3A_178 = arith.constant 9 : i32
      %lt3A_179 = arith.cmpi slt, %scan3A_123, %lt3A_178 : i32
      %convert_element_type3A_180 = arith.extui %lt3A_179 : i1 to i32
      %cond3A_181 = arith.constant 0 : i32
      %cond3A_182 = arith.cmpi ne, %convert_element_type3A_180, %cond3A_181 : i32
      scf.if %cond3A_182 {
        %add3A_288 = arith.constant 8 : i32
        %add3A_289 = arith.addi %add3A_165, %add3A_288 : i32
        %dma_start3A_290 = arith.constant 2 : i32
        %dma_start3A_291 = arith.constant 0 : i32
        %dma_start3A_292 = arith.constant 0 : i32
        %dma_start3A_293 = tpu.memref_slice %arg7[%dma_start3A_290, %dma_start3A_291, %dma_start3A_292] : memref<8x128x16xf32, #tpu.memory_space<vmem>> -> memref<1x128x16xf32, #tpu.memory_space<vmem>>
        %dma_start3A_294 = tpu.memref_squeeze %dma_start3A_293 : memref<1x128x16xf32, #tpu.memory_space<vmem>> -> memref<128x16xf32, #tpu.memory_space<vmem>>
        %dma_start3A_295 = arith.constant 0 : i32
        %dma_start3A_296 = tpu.memref_slice %arg5[%add3A_289, %dma_start3A_295] : memref<80x128xi32, #tpu.memory_space<vmem>> -> memref<1x128xi32, #tpu.memory_space<vmem>>
        %dma_start3A_297 = tpu.memref_squeeze %dma_start3A_296 : memref<1x128xi32, #tpu.memory_space<vmem>> -> memref<128xi32, #tpu.memory_space<vmem>>
        %dma_start3A_298 = arith.constant 0 : i32
        %dma_start3A_299 = arith.constant 0 : i32
        %dma_start3A_300 = tpu.memref_slice %arg2[%dma_start3A_298, %dma_start3A_299] : memref<10240x16xf32, #tpu.memory_space<hbm>> -> memref<10240x16xf32, #tpu.memory_space<hbm>>
        tpu.enqueue_indirect_dma source(%dma_start3A_300 : memref<10240x16xf32, #tpu.memory_space<hbm>>) target(%dma_start3A_294 : memref<128x16xf32, #tpu.memory_space<vmem>>) offsets(%dma_start3A_297 : memref<128xi32, #tpu.memory_space<vmem>>) semaphore(%arg12 : memref<!tpu.dma_semaphore, #tpu.memory_space<semaphore_mem>>)
      } else {
      }
      %mul3A_183 = arith.constant 8 : i32
      %mul3A_184 = arith.muli %scan3A_123, %mul3A_183 : i32
      %add3A_185 = arith.constant 3 : i32
      %add3A_186 = arith.addi %mul3A_184, %add3A_185 : i32
      %dma_wait3A_187 = arith.constant 3 : i32
      %dma_wait3A_188 = arith.constant 0 : i32
      %dma_wait3A_189 = arith.constant 0 : i32
      %dma_wait3A_190 = tpu.memref_slice %arg7[%dma_wait3A_187, %dma_wait3A_188, %dma_wait3A_189] : memref<8x128x16xf32, #tpu.memory_space<vmem>> -> memref<1x128x16xf32, #tpu.memory_space<vmem>>
      %dma_wait3A_191 = tpu.memref_squeeze %dma_wait3A_190 : memref<1x128x16xf32, #tpu.memory_space<vmem>> -> memref<128x16xf32, #tpu.memory_space<vmem>>
      %dma_wait3A_192 = arith.constant 0 : i32
      %dma_wait3A_193 = tpu.memref_slice %arg5[%add3A_186, %dma_wait3A_192] : memref<80x128xi32, #tpu.memory_space<vmem>> -> memref<1x128xi32, #tpu.memory_space<vmem>>
      %dma_wait3A_194 = tpu.memref_squeeze %dma_wait3A_193 : memref<1x128xi32, #tpu.memory_space<vmem>> -> memref<128xi32, #tpu.memory_space<vmem>>
      %dma_wait3A_195 = arith.constant 0 : i32
      %dma_wait3A_196 = arith.constant 0 : i32
      %dma_wait3A_197 = tpu.memref_slice %arg2[%dma_wait3A_195, %dma_wait3A_196] : memref<10240x16xf32, #tpu.memory_space<hbm>> -> memref<10240x16xf32, #tpu.memory_space<hbm>>
      tpu.wait_indirect_dma semaphore(%arg13 : memref<!tpu.dma_semaphore, #tpu.memory_space<semaphore_mem>>) src(%dma_wait3A_197 : memref<10240x16xf32, #tpu.memory_space<hbm>>) dst(%dma_wait3A_191 : memref<128x16xf32, #tpu.memory_space<vmem>>)
      %run_scoped3A_198 = arith.constant 3 : i32
      "tpu.region"() ({
        %run_scoped3A_288 = tpu.sem_alloc : memref<!tpu.dma_semaphore, #tpu.memory_space<semaphore_mem>>
        %dma_start3A_289 = arith.constant 0 : i32
        %dma_start3A_290 = arith.constant 0 : i32
        %dma_start3A_291 = tpu.memref_slice %arg7[%run_scoped3A_198, %dma_start3A_289, %dma_start3A_290] : memref<8x128x16xf32, #tpu.memory_space<vmem>> -> memref<1x128x16xf32, #tpu.memory_space<vmem>>
        %dma_start3A_292 = tpu.memref_squeeze %dma_start3A_291 : memref<1x128x16xf32, #tpu.memory_space<vmem>> -> memref<128x16xf32, #tpu.memory_space<vmem>>
        %dma_start3A_293 = arith.constant 0 : i32
        %dma_start3A_294 = tpu.memref_slice %arg6[%add3A_186, %dma_start3A_293] : memref<80x128xi32, #tpu.memory_space<vmem>> -> memref<1x128xi32, #tpu.memory_space<vmem>>
        %dma_start3A_295 = tpu.memref_squeeze %dma_start3A_294 : memref<1x128xi32, #tpu.memory_space<vmem>> -> memref<128xi32, #tpu.memory_space<vmem>>
        %dma_start3A_296 = arith.constant 0 : i32
        %dma_start3A_297 = arith.constant 0 : i32
        %dma_start3A_298 = tpu.memref_slice %arg9[%dma_start3A_296, %dma_start3A_297] : memref<10240x16xf32, #tpu.memory_space<vmem_shared>> -> memref<10240x16xf32, #tpu.memory_space<vmem_shared>>
        tpu.enqueue_indirect_dma source(%dma_start3A_292 : memref<128x16xf32, #tpu.memory_space<vmem>>) target(%dma_start3A_298 : memref<10240x16xf32, #tpu.memory_space<vmem_shared>>) offsets(%dma_start3A_295 : memref<128xi32, #tpu.memory_space<vmem>>) semaphore(%run_scoped3A_288 : memref<!tpu.dma_semaphore, #tpu.memory_space<semaphore_mem>>) {add = true}
        %dma_wait3A_299 = arith.constant 0 : i32
        %dma_wait3A_300 = arith.constant 0 : i32
        %dma_wait3A_301 = tpu.memref_slice %arg7[%run_scoped3A_198, %dma_wait3A_299, %dma_wait3A_300] : memref<8x128x16xf32, #tpu.memory_space<vmem>> -> memref<1x128x16xf32, #tpu.memory_space<vmem>>
        %dma_wait3A_302 = tpu.memref_squeeze %dma_wait3A_301 : memref<1x128x16xf32, #tpu.memory_space<vmem>> -> memref<128x16xf32, #tpu.memory_space<vmem>>
        %dma_wait3A_303 = arith.constant 0 : i32
        %dma_wait3A_304 = tpu.memref_slice %arg6[%add3A_186, %dma_wait3A_303] : memref<80x128xi32, #tpu.memory_space<vmem>> -> memref<1x128xi32, #tpu.memory_space<vmem>>
        %dma_wait3A_305 = tpu.memref_squeeze %dma_wait3A_304 : memref<1x128xi32, #tpu.memory_space<vmem>> -> memref<128xi32, #tpu.memory_space<vmem>>
        %dma_wait3A_306 = arith.constant 0 : i32
        %dma_wait3A_307 = arith.constant 0 : i32
        %dma_wait3A_308 = tpu.memref_slice %arg9[%dma_wait3A_306, %dma_wait3A_307] : memref<10240x16xf32, #tpu.memory_space<vmem_shared>> -> memref<10240x16xf32, #tpu.memory_space<vmem_shared>>
        tpu.wait_indirect_dma semaphore(%run_scoped3A_288 : memref<!tpu.dma_semaphore, #tpu.memory_space<semaphore_mem>>) src(%dma_wait3A_302 : memref<128x16xf32, #tpu.memory_space<vmem>>) dst(%dma_wait3A_308 : memref<10240x16xf32, #tpu.memory_space<vmem_shared>>)
        tpu.yield
      }) : () -> ()
      %lt3A_199 = arith.constant 9 : i32
      %lt3A_200 = arith.cmpi slt, %scan3A_123, %lt3A_199 : i32
      %convert_element_type3A_201 = arith.extui %lt3A_200 : i1 to i32
      %cond3A_202 = arith.constant 0 : i32
      %cond3A_203 = arith.cmpi ne, %convert_element_type3A_201, %cond3A_202 : i32
      scf.if %cond3A_203 {
        %add3A_288 = arith.constant 8 : i32
        %add3A_289 = arith.addi %add3A_186, %add3A_288 : i32
        %dma_start3A_290 = arith.constant 3 : i32
        %dma_start3A_291 = arith.constant 0 : i32
        %dma_start3A_292 = arith.constant 0 : i32
        %dma_start3A_293 = tpu.memref_slice %arg7[%dma_start3A_290, %dma_start3A_291, %dma_start3A_292] : memref<8x128x16xf32, #tpu.memory_space<vmem>> -> memref<1x128x16xf32, #tpu.memory_space<vmem>>
        %dma_start3A_294 = tpu.memref_squeeze %dma_start3A_293 : memref<1x128x16xf32, #tpu.memory_space<vmem>> -> memref<128x16xf32, #tpu.memory_space<vmem>>
        %dma_start3A_295 = arith.constant 0 : i32
        %dma_start3A_296 = tpu.memref_slice %arg5[%add3A_289, %dma_start3A_295] : memref<80x128xi32, #tpu.memory_space<vmem>> -> memref<1x128xi32, #tpu.memory_space<vmem>>
        %dma_start3A_297 = tpu.memref_squeeze %dma_start3A_296 : memref<1x128xi32, #tpu.memory_space<vmem>> -> memref<128xi32, #tpu.memory_space<vmem>>
        %dma_start3A_298 = arith.constant 0 : i32
        %dma_start3A_299 = arith.constant 0 : i32
        %dma_start3A_300 = tpu.memref_slice %arg2[%dma_start3A_298, %dma_start3A_299] : memref<10240x16xf32, #tpu.memory_space<hbm>> -> memref<10240x16xf32, #tpu.memory_space<hbm>>
        tpu.enqueue_indirect_dma source(%dma_start3A_300 : memref<10240x16xf32, #tpu.memory_space<hbm>>) target(%dma_start3A_294 : memref<128x16xf32, #tpu.memory_space<vmem>>) offsets(%dma_start3A_297 : memref<128xi32, #tpu.memory_space<vmem>>) semaphore(%arg13 : memref<!tpu.dma_semaphore, #tpu.memory_space<semaphore_mem>>)
      } else {
      }
      %mul3A_204 = arith.constant 8 : i32
      %mul3A_205 = arith.muli %scan3A_123, %mul3A_204 : i32
      %add3A_206 = arith.constant 4 : i32
      %add3A_207 = arith.addi %mul3A_205, %add3A_206 : i32
      %dma_wait3A_208 = arith.constant 4 : i32
      %dma_wait3A_209 = arith.constant 0 : i32
      %dma_wait3A_210 = arith.constant 0 : i32
      %dma_wait3A_211 = tpu.memref_slice %arg7[%dma_wait3A_208, %dma_wait3A_209, %dma_wait3A_210] : memref<8x128x16xf32, #tpu.memory_space<vmem>> -> memref<1x128x16xf32, #tpu.memory_space<vmem>>
      %dma_wait3A_212 = tpu.memref_squeeze %dma_wait3A_211 : memref<1x128x16xf32, #tpu.memory_space<vmem>> -> memref<128x16xf32, #tpu.memory_space<vmem>>
      %dma_wait3A_213 = arith.constant 0 : i32
      %dma_wait3A_214 = tpu.memref_slice %arg5[%add3A_207, %dma_wait3A_213] : memref<80x128xi32, #tpu.memory_space<vmem>> -> memref<1x128xi32, #tpu.memory_space<vmem>>
      %dma_wait3A_215 = tpu.memref_squeeze %dma_wait3A_214 : memref<1x128xi32, #tpu.memory_space<vmem>> -> memref<128xi32, #tpu.memory_space<vmem>>
      %dma_wait3A_216 = arith.constant 0 : i32
      %dma_wait3A_217 = arith.constant 0 : i32
      %dma_wait3A_218 = tpu.memref_slice %arg2[%dma_wait3A_216, %dma_wait3A_217] : memref<10240x16xf32, #tpu.memory_space<hbm>> -> memref<10240x16xf32, #tpu.memory_space<hbm>>
      tpu.wait_indirect_dma semaphore(%arg14 : memref<!tpu.dma_semaphore, #tpu.memory_space<semaphore_mem>>) src(%dma_wait3A_218 : memref<10240x16xf32, #tpu.memory_space<hbm>>) dst(%dma_wait3A_212 : memref<128x16xf32, #tpu.memory_space<vmem>>)
      %run_scoped3A_219 = arith.constant 4 : i32
      "tpu.region"() ({
        %run_scoped3A_288 = tpu.sem_alloc : memref<!tpu.dma_semaphore, #tpu.memory_space<semaphore_mem>>
        %dma_start3A_289 = arith.constant 0 : i32
        %dma_start3A_290 = arith.constant 0 : i32
        %dma_start3A_291 = tpu.memref_slice %arg7[%run_scoped3A_219, %dma_start3A_289, %dma_start3A_290] : memref<8x128x16xf32, #tpu.memory_space<vmem>> -> memref<1x128x16xf32, #tpu.memory_space<vmem>>
        %dma_start3A_292 = tpu.memref_squeeze %dma_start3A_291 : memref<1x128x16xf32, #tpu.memory_space<vmem>> -> memref<128x16xf32, #tpu.memory_space<vmem>>
        %dma_start3A_293 = arith.constant 0 : i32
        %dma_start3A_294 = tpu.memref_slice %arg6[%add3A_207, %dma_start3A_293] : memref<80x128xi32, #tpu.memory_space<vmem>> -> memref<1x128xi32, #tpu.memory_space<vmem>>
        %dma_start3A_295 = tpu.memref_squeeze %dma_start3A_294 : memref<1x128xi32, #tpu.memory_space<vmem>> -> memref<128xi32, #tpu.memory_space<vmem>>
        %dma_start3A_296 = arith.constant 0 : i32
        %dma_start3A_297 = arith.constant 0 : i32
        %dma_start3A_298 = tpu.memref_slice %arg9[%dma_start3A_296, %dma_start3A_297] : memref<10240x16xf32, #tpu.memory_space<vmem_shared>> -> memref<10240x16xf32, #tpu.memory_space<vmem_shared>>
        tpu.enqueue_indirect_dma source(%dma_start3A_292 : memref<128x16xf32, #tpu.memory_space<vmem>>) target(%dma_start3A_298 : memref<10240x16xf32, #tpu.memory_space<vmem_shared>>) offsets(%dma_start3A_295 : memref<128xi32, #tpu.memory_space<vmem>>) semaphore(%run_scoped3A_288 : memref<!tpu.dma_semaphore, #tpu.memory_space<semaphore_mem>>) {add = true}
        %dma_wait3A_299 = arith.constant 0 : i32
        %dma_wait3A_300 = arith.constant 0 : i32
        %dma_wait3A_301 = tpu.memref_slice %arg7[%run_scoped3A_219, %dma_wait3A_299, %dma_wait3A_300] : memref<8x128x16xf32, #tpu.memory_space<vmem>> -> memref<1x128x16xf32, #tpu.memory_space<vmem>>
        %dma_wait3A_302 = tpu.memref_squeeze %dma_wait3A_301 : memref<1x128x16xf32, #tpu.memory_space<vmem>> -> memref<128x16xf32, #tpu.memory_space<vmem>>
        %dma_wait3A_303 = arith.constant 0 : i32
        %dma_wait3A_304 = tpu.memref_slice %arg6[%add3A_207, %dma_wait3A_303] : memref<80x128xi32, #tpu.memory_space<vmem>> -> memref<1x128xi32, #tpu.memory_space<vmem>>
        %dma_wait3A_305 = tpu.memref_squeeze %dma_wait3A_304 : memref<1x128xi32, #tpu.memory_space<vmem>> -> memref<128xi32, #tpu.memory_space<vmem>>
        %dma_wait3A_306 = arith.constant 0 : i32
        %dma_wait3A_307 = arith.constant 0 : i32
        %dma_wait3A_308 = tpu.memref_slice %arg9[%dma_wait3A_306, %dma_wait3A_307] : memref<10240x16xf32, #tpu.memory_space<vmem_shared>> -> memref<10240x16xf32, #tpu.memory_space<vmem_shared>>
        tpu.wait_indirect_dma semaphore(%run_scoped3A_288 : memref<!tpu.dma_semaphore, #tpu.memory_space<semaphore_mem>>) src(%dma_wait3A_302 : memref<128x16xf32, #tpu.memory_space<vmem>>) dst(%dma_wait3A_308 : memref<10240x16xf32, #tpu.memory_space<vmem_shared>>)
        tpu.yield
      }) : () -> ()
      %lt3A_220 = arith.constant 9 : i32
      %lt3A_221 = arith.cmpi slt, %scan3A_123, %lt3A_220 : i32
      %convert_element_type3A_222 = arith.extui %lt3A_221 : i1 to i32
      %cond3A_223 = arith.constant 0 : i32
      %cond3A_224 = arith.cmpi ne, %convert_element_type3A_222, %cond3A_223 : i32
      scf.if %cond3A_224 {
        %add3A_288 = arith.constant 8 : i32
        %add3A_289 = arith.addi %add3A_207, %add3A_288 : i32
        %dma_start3A_290 = arith.constant 4 : i32
        %dma_start3A_291 = arith.constant 0 : i32
        %dma_start3A_292 = arith.constant 0 : i32
        %dma_start3A_293 = tpu.memref_slice %arg7[%dma_start3A_290, %dma_start3A_291, %dma_start3A_292] : memref<8x128x16xf32, #tpu.memory_space<vmem>> -> memref<1x128x16xf32, #tpu.memory_space<vmem>>
        %dma_start3A_294 = tpu.memref_squeeze %dma_start3A_293 : memref<1x128x16xf32, #tpu.memory_space<vmem>> -> memref<128x16xf32, #tpu.memory_space<vmem>>
        %dma_start3A_295 = arith.constant 0 : i32
        %dma_start3A_296 = tpu.memref_slice %arg5[%add3A_289, %dma_start3A_295] : memref<80x128xi32, #tpu.memory_space<vmem>> -> memref<1x128xi32, #tpu.memory_space<vmem>>
        %dma_start3A_297 = tpu.memref_squeeze %dma_start3A_296 : memref<1x128xi32, #tpu.memory_space<vmem>> -> memref<128xi32, #tpu.memory_space<vmem>>
        %dma_start3A_298 = arith.constant 0 : i32
        %dma_start3A_299 = arith.constant 0 : i32
        %dma_start3A_300 = tpu.memref_slice %arg2[%dma_start3A_298, %dma_start3A_299] : memref<10240x16xf32, #tpu.memory_space<hbm>> -> memref<10240x16xf32, #tpu.memory_space<hbm>>
        tpu.enqueue_indirect_dma source(%dma_start3A_300 : memref<10240x16xf32, #tpu.memory_space<hbm>>) target(%dma_start3A_294 : memref<128x16xf32, #tpu.memory_space<vmem>>) offsets(%dma_start3A_297 : memref<128xi32, #tpu.memory_space<vmem>>) semaphore(%arg14 : memref<!tpu.dma_semaphore, #tpu.memory_space<semaphore_mem>>)
      } else {
      }
      %mul3A_225 = arith.constant 8 : i32
      %mul3A_226 = arith.muli %scan3A_123, %mul3A_225 : i32
      %add3A_227 = arith.constant 5 : i32
      %add3A_228 = arith.addi %mul3A_226, %add3A_227 : i32
      %dma_wait3A_229 = arith.constant 5 : i32
      %dma_wait3A_230 = arith.constant 0 : i32
      %dma_wait3A_231 = arith.constant 0 : i32
      %dma_wait3A_232 = tpu.memref_slice %arg7[%dma_wait3A_229, %dma_wait3A_230, %dma_wait3A_231] : memref<8x128x16xf32, #tpu.memory_space<vmem>> -> memref<1x128x16xf32, #tpu.memory_space<vmem>>
      %dma_wait3A_233 = tpu.memref_squeeze %dma_wait3A_232 : memref<1x128x16xf32, #tpu.memory_space<vmem>> -> memref<128x16xf32, #tpu.memory_space<vmem>>
      %dma_wait3A_234 = arith.constant 0 : i32
      %dma_wait3A_235 = tpu.memref_slice %arg5[%add3A_228, %dma_wait3A_234] : memref<80x128xi32, #tpu.memory_space<vmem>> -> memref<1x128xi32, #tpu.memory_space<vmem>>
      %dma_wait3A_236 = tpu.memref_squeeze %dma_wait3A_235 : memref<1x128xi32, #tpu.memory_space<vmem>> -> memref<128xi32, #tpu.memory_space<vmem>>
      %dma_wait3A_237 = arith.constant 0 : i32
      %dma_wait3A_238 = arith.constant 0 : i32
      %dma_wait3A_239 = tpu.memref_slice %arg2[%dma_wait3A_237, %dma_wait3A_238] : memref<10240x16xf32, #tpu.memory_space<hbm>> -> memref<10240x16xf32, #tpu.memory_space<hbm>>
      tpu.wait_indirect_dma semaphore(%arg15 : memref<!tpu.dma_semaphore, #tpu.memory_space<semaphore_mem>>) src(%dma_wait3A_239 : memref<10240x16xf32, #tpu.memory_space<hbm>>) dst(%dma_wait3A_233 : memref<128x16xf32, #tpu.memory_space<vmem>>)
      %run_scoped3A_240 = arith.constant 5 : i32
      "tpu.region"() ({
        %run_scoped3A_288 = tpu.sem_alloc : memref<!tpu.dma_semaphore, #tpu.memory_space<semaphore_mem>>
        %dma_start3A_289 = arith.constant 0 : i32
        %dma_start3A_290 = arith.constant 0 : i32
        %dma_start3A_291 = tpu.memref_slice %arg7[%run_scoped3A_240, %dma_start3A_289, %dma_start3A_290] : memref<8x128x16xf32, #tpu.memory_space<vmem>> -> memref<1x128x16xf32, #tpu.memory_space<vmem>>
        %dma_start3A_292 = tpu.memref_squeeze %dma_start3A_291 : memref<1x128x16xf32, #tpu.memory_space<vmem>> -> memref<128x16xf32, #tpu.memory_space<vmem>>
        %dma_start3A_293 = arith.constant 0 : i32
        %dma_start3A_294 = tpu.memref_slice %arg6[%add3A_228, %dma_start3A_293] : memref<80x128xi32, #tpu.memory_space<vmem>> -> memref<1x128xi32, #tpu.memory_space<vmem>>
        %dma_start3A_295 = tpu.memref_squeeze %dma_start3A_294 : memref<1x128xi32, #tpu.memory_space<vmem>> -> memref<128xi32, #tpu.memory_space<vmem>>
        %dma_start3A_296 = arith.constant 0 : i32
        %dma_start3A_297 = arith.constant 0 : i32
        %dma_start3A_298 = tpu.memref_slice %arg9[%dma_start3A_296, %dma_start3A_297] : memref<10240x16xf32, #tpu.memory_space<vmem_shared>> -> memref<10240x16xf32, #tpu.memory_space<vmem_shared>>
        tpu.enqueue_indirect_dma source(%dma_start3A_292 : memref<128x16xf32, #tpu.memory_space<vmem>>) target(%dma_start3A_298 : memref<10240x16xf32, #tpu.memory_space<vmem_shared>>) offsets(%dma_start3A_295 : memref<128xi32, #tpu.memory_space<vmem>>) semaphore(%run_scoped3A_288 : memref<!tpu.dma_semaphore, #tpu.memory_space<semaphore_mem>>) {add = true}
        %dma_wait3A_299 = arith.constant 0 : i32
        %dma_wait3A_300 = arith.constant 0 : i32
        %dma_wait3A_301 = tpu.memref_slice %arg7[%run_scoped3A_240, %dma_wait3A_299, %dma_wait3A_300] : memref<8x128x16xf32, #tpu.memory_space<vmem>> -> memref<1x128x16xf32, #tpu.memory_space<vmem>>
        %dma_wait3A_302 = tpu.memref_squeeze %dma_wait3A_301 : memref<1x128x16xf32, #tpu.memory_space<vmem>> -> memref<128x16xf32, #tpu.memory_space<vmem>>
        %dma_wait3A_303 = arith.constant 0 : i32
        %dma_wait3A_304 = tpu.memref_slice %arg6[%add3A_228, %dma_wait3A_303] : memref<80x128xi32, #tpu.memory_space<vmem>> -> memref<1x128xi32, #tpu.memory_space<vmem>>
        %dma_wait3A_305 = tpu.memref_squeeze %dma_wait3A_304 : memref<1x128xi32, #tpu.memory_space<vmem>> -> memref<128xi32, #tpu.memory_space<vmem>>
        %dma_wait3A_306 = arith.constant 0 : i32
        %dma_wait3A_307 = arith.constant 0 : i32
        %dma_wait3A_308 = tpu.memref_slice %arg9[%dma_wait3A_306, %dma_wait3A_307] : memref<10240x16xf32, #tpu.memory_space<vmem_shared>> -> memref<10240x16xf32, #tpu.memory_space<vmem_shared>>
        tpu.wait_indirect_dma semaphore(%run_scoped3A_288 : memref<!tpu.dma_semaphore, #tpu.memory_space<semaphore_mem>>) src(%dma_wait3A_302 : memref<128x16xf32, #tpu.memory_space<vmem>>) dst(%dma_wait3A_308 : memref<10240x16xf32, #tpu.memory_space<vmem_shared>>)
        tpu.yield
      }) : () -> ()
      %lt3A_241 = arith.constant 9 : i32
      %lt3A_242 = arith.cmpi slt, %scan3A_123, %lt3A_241 : i32
      %convert_element_type3A_243 = arith.extui %lt3A_242 : i1 to i32
      %cond3A_244 = arith.constant 0 : i32
      %cond3A_245 = arith.cmpi ne, %convert_element_type3A_243, %cond3A_244 : i32
      scf.if %cond3A_245 {
        %add3A_288 = arith.constant 8 : i32
        %add3A_289 = arith.addi %add3A_228, %add3A_288 : i32
        %dma_start3A_290 = arith.constant 5 : i32
        %dma_start3A_291 = arith.constant 0 : i32
        %dma_start3A_292 = arith.constant 0 : i32
        %dma_start3A_293 = tpu.memref_slice %arg7[%dma_start3A_290, %dma_start3A_291, %dma_start3A_292] : memref<8x128x16xf32, #tpu.memory_space<vmem>> -> memref<1x128x16xf32, #tpu.memory_space<vmem>>
        %dma_start3A_294 = tpu.memref_squeeze %dma_start3A_293 : memref<1x128x16xf32, #tpu.memory_space<vmem>> -> memref<128x16xf32, #tpu.memory_space<vmem>>
        %dma_start3A_295 = arith.constant 0 : i32
        %dma_start3A_296 = tpu.memref_slice %arg5[%add3A_289, %dma_start3A_295] : memref<80x128xi32, #tpu.memory_space<vmem>> -> memref<1x128xi32, #tpu.memory_space<vmem>>
        %dma_start3A_297 = tpu.memref_squeeze %dma_start3A_296 : memref<1x128xi32, #tpu.memory_space<vmem>> -> memref<128xi32, #tpu.memory_space<vmem>>
        %dma_start3A_298 = arith.constant 0 : i32
        %dma_start3A_299 = arith.constant 0 : i32
        %dma_start3A_300 = tpu.memref_slice %arg2[%dma_start3A_298, %dma_start3A_299] : memref<10240x16xf32, #tpu.memory_space<hbm>> -> memref<10240x16xf32, #tpu.memory_space<hbm>>
        tpu.enqueue_indirect_dma source(%dma_start3A_300 : memref<10240x16xf32, #tpu.memory_space<hbm>>) target(%dma_start3A_294 : memref<128x16xf32, #tpu.memory_space<vmem>>) offsets(%dma_start3A_297 : memref<128xi32, #tpu.memory_space<vmem>>) semaphore(%arg15 : memref<!tpu.dma_semaphore, #tpu.memory_space<semaphore_mem>>)
      } else {
      }
      %mul3A_246 = arith.constant 8 : i32
      %mul3A_247 = arith.muli %scan3A_123, %mul3A_246 : i32
      %add3A_248 = arith.constant 6 : i32
      %add3A_249 = arith.addi %mul3A_247, %add3A_248 : i32
      %dma_wait3A_250 = arith.constant 6 : i32
      %dma_wait3A_251 = arith.constant 0 : i32
      %dma_wait3A_252 = arith.constant 0 : i32
      %dma_wait3A_253 = tpu.memref_slice %arg7[%dma_wait3A_250, %dma_wait3A_251, %dma_wait3A_252] : memref<8x128x16xf32, #tpu.memory_space<vmem>> -> memref<1x128x16xf32, #tpu.memory_space<vmem>>
      %dma_wait3A_254 = tpu.memref_squeeze %dma_wait3A_253 : memref<1x128x16xf32, #tpu.memory_space<vmem>> -> memref<128x16xf32, #tpu.memory_space<vmem>>
      %dma_wait3A_255 = arith.constant 0 : i32
      %dma_wait3A_256 = tpu.memref_slice %arg5[%add3A_249, %dma_wait3A_255] : memref<80x128xi32, #tpu.memory_space<vmem>> -> memref<1x128xi32, #tpu.memory_space<vmem>>
      %dma_wait3A_257 = tpu.memref_squeeze %dma_wait3A_256 : memref<1x128xi32, #tpu.memory_space<vmem>> -> memref<128xi32, #tpu.memory_space<vmem>>
      %dma_wait3A_258 = arith.constant 0 : i32
      %dma_wait3A_259 = arith.constant 0 : i32
      %dma_wait3A_260 = tpu.memref_slice %arg2[%dma_wait3A_258, %dma_wait3A_259] : memref<10240x16xf32, #tpu.memory_space<hbm>> -> memref<10240x16xf32, #tpu.memory_space<hbm>>
      tpu.wait_indirect_dma semaphore(%arg16 : memref<!tpu.dma_semaphore, #tpu.memory_space<semaphore_mem>>) src(%dma_wait3A_260 : memref<10240x16xf32, #tpu.memory_space<hbm>>) dst(%dma_wait3A_254 : memref<128x16xf32, #tpu.memory_space<vmem>>)
      %run_scoped3A_261 = arith.constant 6 : i32
      "tpu.region"() ({
        %run_scoped3A_288 = tpu.sem_alloc : memref<!tpu.dma_semaphore, #tpu.memory_space<semaphore_mem>>
        %dma_start3A_289 = arith.constant 0 : i32
        %dma_start3A_290 = arith.constant 0 : i32
        %dma_start3A_291 = tpu.memref_slice %arg7[%run_scoped3A_261, %dma_start3A_289, %dma_start3A_290] : memref<8x128x16xf32, #tpu.memory_space<vmem>> -> memref<1x128x16xf32, #tpu.memory_space<vmem>>
        %dma_start3A_292 = tpu.memref_squeeze %dma_start3A_291 : memref<1x128x16xf32, #tpu.memory_space<vmem>> -> memref<128x16xf32, #tpu.memory_space<vmem>>
        %dma_start3A_293 = arith.constant 0 : i32
        %dma_start3A_294 = tpu.memref_slice %arg6[%add3A_249, %dma_start3A_293] : memref<80x128xi32, #tpu.memory_space<vmem>> -> memref<1x128xi32, #tpu.memory_space<vmem>>
        %dma_start3A_295 = tpu.memref_squeeze %dma_start3A_294 : memref<1x128xi32, #tpu.memory_space<vmem>> -> memref<128xi32, #tpu.memory_space<vmem>>
        %dma_start3A_296 = arith.constant 0 : i32
        %dma_start3A_297 = arith.constant 0 : i32
        %dma_start3A_298 = tpu.memref_slice %arg9[%dma_start3A_296, %dma_start3A_297] : memref<10240x16xf32, #tpu.memory_space<vmem_shared>> -> memref<10240x16xf32, #tpu.memory_space<vmem_shared>>
        tpu.enqueue_indirect_dma source(%dma_start3A_292 : memref<128x16xf32, #tpu.memory_space<vmem>>) target(%dma_start3A_298 : memref<10240x16xf32, #tpu.memory_space<vmem_shared>>) offsets(%dma_start3A_295 : memref<128xi32, #tpu.memory_space<vmem>>) semaphore(%run_scoped3A_288 : memref<!tpu.dma_semaphore, #tpu.memory_space<semaphore_mem>>) {add = true}
        %dma_wait3A_299 = arith.constant 0 : i32
        %dma_wait3A_300 = arith.constant 0 : i32
        %dma_wait3A_301 = tpu.memref_slice %arg7[%run_scoped3A_261, %dma_wait3A_299, %dma_wait3A_300] : memref<8x128x16xf32, #tpu.memory_space<vmem>> -> memref<1x128x16xf32, #tpu.memory_space<vmem>>
        %dma_wait3A_302 = tpu.memref_squeeze %dma_wait3A_301 : memref<1x128x16xf32, #tpu.memory_space<vmem>> -> memref<128x16xf32, #tpu.memory_space<vmem>>
        %dma_wait3A_303 = arith.constant 0 : i32
        %dma_wait3A_304 = tpu.memref_slice %arg6[%add3A_249, %dma_wait3A_303] : memref<80x128xi32, #tpu.memory_space<vmem>> -> memref<1x128xi32, #tpu.memory_space<vmem>>
        %dma_wait3A_305 = tpu.memref_squeeze %dma_wait3A_304 : memref<1x128xi32, #tpu.memory_space<vmem>> -> memref<128xi32, #tpu.memory_space<vmem>>
        %dma_wait3A_306 = arith.constant 0 : i32
        %dma_wait3A_307 = arith.constant 0 : i32
        %dma_wait3A_308 = tpu.memref_slice %arg9[%dma_wait3A_306, %dma_wait3A_307] : memref<10240x16xf32, #tpu.memory_space<vmem_shared>> -> memref<10240x16xf32, #tpu.memory_space<vmem_shared>>
        tpu.wait_indirect_dma semaphore(%run_scoped3A_288 : memref<!tpu.dma_semaphore, #tpu.memory_space<semaphore_mem>>) src(%dma_wait3A_302 : memref<128x16xf32, #tpu.memory_space<vmem>>) dst(%dma_wait3A_308 : memref<10240x16xf32, #tpu.memory_space<vmem_shared>>)
        tpu.yield
      }) : () -> ()
      %lt3A_262 = arith.constant 9 : i32
      %lt3A_263 = arith.cmpi slt, %scan3A_123, %lt3A_262 : i32
      %convert_element_type3A_264 = arith.extui %lt3A_263 : i1 to i32
      %cond3A_265 = arith.constant 0 : i32
      %cond3A_266 = arith.cmpi ne, %convert_element_type3A_264, %cond3A_265 : i32
      scf.if %cond3A_266 {
        %add3A_288 = arith.constant 8 : i32
        %add3A_289 = arith.addi %add3A_249, %add3A_288 : i32
        %dma_start3A_290 = arith.constant 6 : i32
        %dma_start3A_291 = arith.constant 0 : i32
        %dma_start3A_292 = arith.constant 0 : i32
        %dma_start3A_293 = tpu.memref_slice %arg7[%dma_start3A_290, %dma_start3A_291, %dma_start3A_292] : memref<8x128x16xf32, #tpu.memory_space<vmem>> -> memref<1x128x16xf32, #tpu.memory_space<vmem>>
        %dma_start3A_294 = tpu.memref_squeeze %dma_start3A_293 : memref<1x128x16xf32, #tpu.memory_space<vmem>> -> memref<128x16xf32, #tpu.memory_space<vmem>>
        %dma_start3A_295 = arith.constant 0 : i32
        %dma_start3A_296 = tpu.memref_slice %arg5[%add3A_289, %dma_start3A_295] : memref<80x128xi32, #tpu.memory_space<vmem>> -> memref<1x128xi32, #tpu.memory_space<vmem>>
        %dma_start3A_297 = tpu.memref_squeeze %dma_start3A_296 : memref<1x128xi32, #tpu.memory_space<vmem>> -> memref<128xi32, #tpu.memory_space<vmem>>
        %dma_start3A_298 = arith.constant 0 : i32
        %dma_start3A_299 = arith.constant 0 : i32
        %dma_start3A_300 = tpu.memref_slice %arg2[%dma_start3A_298, %dma_start3A_299] : memref<10240x16xf32, #tpu.memory_space<hbm>> -> memref<10240x16xf32, #tpu.memory_space<hbm>>
        tpu.enqueue_indirect_dma source(%dma_start3A_300 : memref<10240x16xf32, #tpu.memory_space<hbm>>) target(%dma_start3A_294 : memref<128x16xf32, #tpu.memory_space<vmem>>) offsets(%dma_start3A_297 : memref<128xi32, #tpu.memory_space<vmem>>) semaphore(%arg16 : memref<!tpu.dma_semaphore, #tpu.memory_space<semaphore_mem>>)
      } else {
      }
      %mul3A_267 = arith.constant 8 : i32
      %mul3A_268 = arith.muli %scan3A_123, %mul3A_267 : i32
      %add3A_269 = arith.constant 7 : i32
      %add3A_270 = arith.addi %mul3A_268, %add3A_269 : i32
      %dma_wait3A_271 = arith.constant 7 : i32
      %dma_wait3A_272 = arith.constant 0 : i32
      %dma_wait3A_273 = arith.constant 0 : i32
      %dma_wait3A_274 = tpu.memref_slice %arg7[%dma_wait3A_271, %dma_wait3A_272, %dma_wait3A_273] : memref<8x128x16xf32, #tpu.memory_space<vmem>> -> memref<1x128x16xf32, #tpu.memory_space<vmem>>
      %dma_wait3A_275 = tpu.memref_squeeze %dma_wait3A_274 : memref<1x128x16xf32, #tpu.memory_space<vmem>> -> memref<128x16xf32, #tpu.memory_space<vmem>>
      %dma_wait3A_276 = arith.constant 0 : i32
      %dma_wait3A_277 = tpu.memref_slice %arg5[%add3A_270, %dma_wait3A_276] : memref<80x128xi32, #tpu.memory_space<vmem>> -> memref<1x128xi32, #tpu.memory_space<vmem>>
      %dma_wait3A_278 = tpu.memref_squeeze %dma_wait3A_277 : memref<1x128xi32, #tpu.memory_space<vmem>> -> memref<128xi32, #tpu.memory_space<vmem>>
      %dma_wait3A_279 = arith.constant 0 : i32
      %dma_wait3A_280 = arith.constant 0 : i32
      %dma_wait3A_281 = tpu.memref_slice %arg2[%dma_wait3A_279, %dma_wait3A_280] : memref<10240x16xf32, #tpu.memory_space<hbm>> -> memref<10240x16xf32, #tpu.memory_space<hbm>>
      tpu.wait_indirect_dma semaphore(%arg17 : memref<!tpu.dma_semaphore, #tpu.memory_space<semaphore_mem>>) src(%dma_wait3A_281 : memref<10240x16xf32, #tpu.memory_space<hbm>>) dst(%dma_wait3A_275 : memref<128x16xf32, #tpu.memory_space<vmem>>)
      %run_scoped3A_282 = arith.constant 7 : i32
      "tpu.region"() ({
        %run_scoped3A_288 = tpu.sem_alloc : memref<!tpu.dma_semaphore, #tpu.memory_space<semaphore_mem>>
        %dma_start3A_289 = arith.constant 0 : i32
        %dma_start3A_290 = arith.constant 0 : i32
        %dma_start3A_291 = tpu.memref_slice %arg7[%run_scoped3A_282, %dma_start3A_289, %dma_start3A_290] : memref<8x128x16xf32, #tpu.memory_space<vmem>> -> memref<1x128x16xf32, #tpu.memory_space<vmem>>
        %dma_start3A_292 = tpu.memref_squeeze %dma_start3A_291 : memref<1x128x16xf32, #tpu.memory_space<vmem>> -> memref<128x16xf32, #tpu.memory_space<vmem>>
        %dma_start3A_293 = arith.constant 0 : i32
        %dma_start3A_294 = tpu.memref_slice %arg6[%add3A_270, %dma_start3A_293] : memref<80x128xi32, #tpu.memory_space<vmem>> -> memref<1x128xi32, #tpu.memory_space<vmem>>
        %dma_start3A_295 = tpu.memref_squeeze %dma_start3A_294 : memref<1x128xi32, #tpu.memory_space<vmem>> -> memref<128xi32, #tpu.memory_space<vmem>>
        %dma_start3A_296 = arith.constant 0 : i32
        %dma_start3A_297 = arith.constant 0 : i32
        %dma_start3A_298 = tpu.memref_slice %arg9[%dma_start3A_296, %dma_start3A_297] : memref<10240x16xf32, #tpu.memory_space<vmem_shared>> -> memref<10240x16xf32, #tpu.memory_space<vmem_shared>>
        tpu.enqueue_indirect_dma source(%dma_start3A_292 : memref<128x16xf32, #tpu.memory_space<vmem>>) target(%dma_start3A_298 : memref<10240x16xf32, #tpu.memory_space<vmem_shared>>) offsets(%dma_start3A_295 : memref<128xi32, #tpu.memory_space<vmem>>) semaphore(%run_scoped3A_288 : memref<!tpu.dma_semaphore, #tpu.memory_space<semaphore_mem>>) {add = true}
        %dma_wait3A_299 = arith.constant 0 : i32
        %dma_wait3A_300 = arith.constant 0 : i32
        %dma_wait3A_301 = tpu.memref_slice %arg7[%run_scoped3A_282, %dma_wait3A_299, %dma_wait3A_300] : memref<8x128x16xf32, #tpu.memory_space<vmem>> -> memref<1x128x16xf32, #tpu.memory_space<vmem>>
        %dma_wait3A_302 = tpu.memref_squeeze %dma_wait3A_301 : memref<1x128x16xf32, #tpu.memory_space<vmem>> -> memref<128x16xf32, #tpu.memory_space<vmem>>
        %dma_wait3A_303 = arith.constant 0 : i32
        %dma_wait3A_304 = tpu.memref_slice %arg6[%add3A_270, %dma_wait3A_303] : memref<80x128xi32, #tpu.memory_space<vmem>> -> memref<1x128xi32, #tpu.memory_space<vmem>>
        %dma_wait3A_305 = tpu.memref_squeeze %dma_wait3A_304 : memref<1x128xi32, #tpu.memory_space<vmem>> -> memref<128xi32, #tpu.memory_space<vmem>>
        %dma_wait3A_306 = arith.constant 0 : i32
        %dma_wait3A_307 = arith.constant 0 : i32
        %dma_wait3A_308 = tpu.memref_slice %arg9[%dma_wait3A_306, %dma_wait3A_307] : memref<10240x16xf32, #tpu.memory_space<vmem_shared>> -> memref<10240x16xf32, #tpu.memory_space<vmem_shared>>
        tpu.wait_indirect_dma semaphore(%run_scoped3A_288 : memref<!tpu.dma_semaphore, #tpu.memory_space<semaphore_mem>>) src(%dma_wait3A_302 : memref<128x16xf32, #tpu.memory_space<vmem>>) dst(%dma_wait3A_308 : memref<10240x16xf32, #tpu.memory_space<vmem_shared>>)
        tpu.yield
      }) : () -> ()
      %lt3A_283 = arith.constant 9 : i32
      %lt3A_284 = arith.cmpi slt, %scan3A_123, %lt3A_283 : i32
      %convert_element_type3A_285 = arith.extui %lt3A_284 : i1 to i32
      %cond3A_286 = arith.constant 0 : i32
      %cond3A_287 = arith.cmpi ne, %convert_element_type3A_285, %cond3A_286 : i32
      scf.if %cond3A_287 {
        %add3A_288 = arith.constant 8 : i32
        %add3A_289 = arith.addi %add3A_270, %add3A_288 : i32
        %dma_start3A_290 = arith.constant 7 : i32
        %dma_start3A_291 = arith.constant 0 : i32
        %dma_start3A_292 = arith.constant 0 : i32
        %dma_start3A_293 = tpu.memref_slice %arg7[%dma_start3A_290, %dma_start3A_291, %dma_start3A_292] : memref<8x128x16xf32, #tpu.memory_space<vmem>> -> memref<1x128x16xf32, #tpu.memory_space<vmem>>
        %dma_start3A_294 = tpu.memref_squeeze %dma_start3A_293 : memref<1x128x16xf32, #tpu.memory_space<vmem>> -> memref<128x16xf32, #tpu.memory_space<vmem>>
        %dma_start3A_295 = arith.constant 0 : i32
        %dma_start3A_296 = tpu.memref_slice %arg5[%add3A_289, %dma_start3A_295] : memref<80x128xi32, #tpu.memory_space<vmem>> -> memref<1x128xi32, #tpu.memory_space<vmem>>
        %dma_start3A_297 = tpu.memref_squeeze %dma_start3A_296 : memref<1x128xi32, #tpu.memory_space<vmem>> -> memref<128xi32, #tpu.memory_space<vmem>>
        %dma_start3A_298 = arith.constant 0 : i32
        %dma_start3A_299 = arith.constant 0 : i32
        %dma_start3A_300 = tpu.memref_slice %arg2[%dma_start3A_298, %dma_start3A_299] : memref<10240x16xf32, #tpu.memory_space<hbm>> -> memref<10240x16xf32, #tpu.memory_space<hbm>>
        tpu.enqueue_indirect_dma source(%dma_start3A_300 : memref<10240x16xf32, #tpu.memory_space<hbm>>) target(%dma_start3A_294 : memref<128x16xf32, #tpu.memory_space<vmem>>) offsets(%dma_start3A_297 : memref<128xi32, #tpu.memory_space<vmem>>) semaphore(%arg17 : memref<!tpu.dma_semaphore, #tpu.memory_space<semaphore_mem>>)
      } else {
      }
    }
    %scan3A_119 = arith.constant 10 : i32
    %barrier3A_120 = arith.constant 0 : index
    tpu.barrier barrier_id(%barrier3A_120)
    %mul3A_121 = arith.constant 640 : i32
    %mul3A_122 = arith.muli %arg1, %mul3A_121 : i32
    "tpu.region"() ({
      %run_scoped3A_123 = tpu.sem_alloc : memref<!tpu.dma_semaphore, #tpu.memory_space<semaphore_mem>>
      %dma_start3A_124 = arith.constant 0 : i32
      %dma_start3A_125 = arith.constant 0 : i32
      %dma_start3A_126 = tpu.memref_slice %arg4[%arg0, %dma_start3A_124, %dma_start3A_125] : memref<2x10240x16xf32, #tpu.memory_space<hbm>> -> memref<1x10240x16xf32, #tpu.memory_space<hbm>>
      %dma_start3A_127 = tpu.memref_squeeze %dma_start3A_126 : memref<1x10240x16xf32, #tpu.memory_space<hbm>> -> memref<10240x16xf32, #tpu.memory_space<hbm>>
      %dma_start3A_128 = arith.constant 0 : i32
      %dma_start3A_129 = tpu.memref_slice %dma_start3A_127[%mul3A_122, %dma_start3A_128] : memref<10240x16xf32, #tpu.memory_space<hbm>> -> memref<640x16xf32, #tpu.memory_space<hbm>>
      %dma_start3A_130 = arith.constant 0 : i32
      %dma_start3A_131 = tpu.memref_slice %arg9[%mul3A_122, %dma_start3A_130] : memref<10240x16xf32, #tpu.memory_space<vmem_shared>> -> memref<640x16xf32, #tpu.memory_space<vmem_shared>>
      tpu.enqueue_dma source(%dma_start3A_131 : memref<640x16xf32, #tpu.memory_space<vmem_shared>>) target(%dma_start3A_129 : memref<640x16xf32, #tpu.memory_space<hbm>>) target_semaphore(%run_scoped3A_123 : memref<!tpu.dma_semaphore, #tpu.memory_space<semaphore_mem>>)
      %dma_wait3A = arith.constant 0 : i32
      %dma_wait3A_132 = arith.constant 0 : i32
      %dma_wait3A_133 = tpu.memref_slice %arg4[%arg0, %dma_wait3A, %dma_wait3A_132] : memref<2x10240x16xf32, #tpu.memory_space<hbm>> -> memref<1x10240x16xf32, #tpu.memory_space<hbm>>
      %dma_wait3A_134 = tpu.memref_squeeze %dma_wait3A_133 : memref<1x10240x16xf32, #tpu.memory_space<hbm>> -> memref<10240x16xf32, #tpu.memory_space<hbm>>
      %dma_wait3A_135 = arith.constant 0 : i32
      %dma_wait3A_136 = tpu.memref_slice %dma_wait3A_134[%mul3A_122, %dma_wait3A_135] : memref<10240x16xf32, #tpu.memory_space<hbm>> -> memref<640x16xf32, #tpu.memory_space<hbm>>
      %dma_wait3A_137 = arith.constant 0 : i32
      %dma_wait3A_138 = tpu.memref_slice %arg9[%mul3A_122, %dma_wait3A_137] : memref<10240x16xf32, #tpu.memory_space<vmem_shared>> -> memref<640x16xf32, #tpu.memory_space<vmem_shared>>
      tpu.wait_dma2 semaphore(%run_scoped3A_123 : memref<!tpu.dma_semaphore, #tpu.memory_space<semaphore_mem>>) src(%dma_wait3A_138 : memref<640x16xf32, #tpu.memory_space<vmem_shared>>) dst(%dma_wait3A_136 : memref<640x16xf32, #tpu.memory_space<hbm>>)
      tpu.yield
    }) : () -> ()
    return
  }
}

module attributes {stable_mosaic.version = 14 : i64} {
  func.func @body(%arg0: memref<10000x128xf32, #tpu.memory_space<vmem>>, %arg1: memref<128x16xf32, #tpu.memory_space<vmem>>, %arg2: memref<10000x16xf32, #tpu.memory_space<vmem>>) attributes {dimension_semantics = [], scalar_prefetch = 0 : i64, scratch_operands = 0 : i64, tpu.core_type = #tpu.core_type<tc>} {
    %get3A = arith.constant 0 : index
    %get3A_0 = arith.constant 0 : index
    %get3A_1 = vector.load %arg0[%get3A, %get3A_0] : memref<10000x128xf32, #tpu.memory_space<vmem>>, vector<10000x128xf32>
    %get3A_2 = arith.constant 0 : index
    %get3A_3 = arith.constant 0 : index
    %get3A_4 = vector.load %arg1[%get3A_2, %get3A_3] : memref<128x16xf32, #tpu.memory_space<vmem>>, vector<128x16xf32>
    %dot_general3A = arith.constant dense<0.000000e+00> : vector<10000x16xf32>
    %dot_general3A_5 = tpu.matmul %get3A_1, %get3A_4, %dot_general3A {dimension_numbers = #tpu.dot_dimension_numbers<[1], [0], [0], [1], [0, 0, 1, 1], [], []>, transpose_lhs_hint = false} : vector<10000x128xf32>, vector<128x16xf32>, vector<10000x16xf32> -> vector<10000x16xf32>
    %swap3A = arith.constant 0 : index
    %swap3A_6 = arith.constant 0 : index
    %swap3A_7 = vector.load %arg2[%swap3A, %swap3A_6] : memref<10000x16xf32, #tpu.memory_space<vmem>>, vector<10000x16xf32>
    tpu.vector_store %arg2[%swap3A, %swap3A_6], %dot_general3A_5 {strides = array<i32>} : memref<10000x16xf32, #tpu.memory_space<vmem>>, vector<10000x16xf32>,
    return
  }
}

module attributes {stable_mosaic.version = 14 : i64} {
  func.func @body(%arg0: memref<1250x128xf32, #tpu.memory_space<vmem>>, %arg1: memref<2560x128xf32, #tpu.memory_space<vmem>>, %arg2: memref<1280x128xf32, #tpu.memory_space<vmem>>, %arg3: memref<1280x128xf32, #tpu.memory_space<vmem>>) attributes {dimension_semantics = [], scalar_prefetch = 0 : i64, scratch_operands = 0 : i64, tpu.core_type = #tpu.core_type<tc>} {
    %get3A = arith.constant 0 : index
    %get3A_0 = arith.constant 0 : index
    %get3A_1 = vector.load %arg1[%get3A, %get3A_0] : memref<2560x128xf32, #tpu.memory_space<vmem>>, vector<2560x128xf32>
    %slice3A = vector.extract_strided_slice %get3A_1 {offsets = [0, 0], sizes = [1280, 128], strides = [1, 1]} : vector<2560x128xf32> to vector<1280x128xf32>
    %slice3A_2 = vector.extract_strided_slice %get3A_1 {offsets = [1280, 0], sizes = [1280, 128], strides = [1, 1]} : vector<2560x128xf32> to vector<1280x128xf32>
    %add3A = arith.addf %slice3A, %slice3A_2 : vector<1280x128xf32>
    %add3A_3 = arith.constant 1.000000e+00 : f32
    %add3A_4 = vector.broadcast %add3A_3 : f32 to vector<1280x128xf32>
    %add3A_5 = arith.addf %add3A, %add3A_4 : vector<1280x128xf32>
    %rsqrt3A = math.rsqrt %add3A_5 : vector<1280x128xf32>
    %get3A_6 = arith.constant 0 : index
    %get3A_7 = arith.constant 0 : index
    %get3A_8 = vector.load %arg0[%get3A_6, %get3A_7] : memref<1250x128xf32, #tpu.memory_space<vmem>>, vector<1250x128xf32>
    %jit3A = arith.constant 0 : i32
    %convert_element_type3A = arith.sitofp %jit3A : i32 to f32
    %pad3A = vector.broadcast %convert_element_type3A : f32 to vector<30x128xf32>
    %pad3A_9 = tpu.concatenate %get3A_8, %pad3A in 0 : vector<1250x128xf32>, vector<30x128xf32> -> vector<1280x128xf32>
    %mul3A = arith.mulf %pad3A_9, %rsqrt3A : vector<1280x128xf32>
    %swap3A = arith.constant 0 : index
    %swap3A_10 = arith.constant 0 : index
    %swap3A_11 = vector.load %arg2[%swap3A, %swap3A_10] : memref<1280x128xf32, #tpu.memory_space<vmem>>, vector<1280x128xf32>
    tpu.vector_store %arg2[%swap3A, %swap3A_10], %mul3A {strides = array<i32>} : memref<1280x128xf32, #tpu.memory_space<vmem>>, vector<1280x128xf32>,
    %swap3A_12 = arith.constant 0 : index
    %swap3A_13 = arith.constant 0 : index
    %swap3A_14 = vector.load %arg3[%swap3A_12, %swap3A_13] : memref<1280x128xf32, #tpu.memory_space<vmem>>, vector<1280x128xf32>
    tpu.vector_store %arg3[%swap3A_12, %swap3A_13], %rsqrt3A {strides = array<i32>} : memref<1280x128xf32, #tpu.memory_space<vmem>>, vector<1280x128xf32>,
    return
  }
}

module attributes {stable_mosaic.version = 14 : i64} {
  func.func @body(%arg0: memref<2560x128xf32, #tpu.memory_space<vmem>>, %arg1: memref<1280x128xf32, #tpu.memory_space<vmem>>, %arg2: memref<1280x128xf32, #tpu.memory_space<vmem>>, %arg3: memref<1x16xf32, #tpu.memory_space<vmem>>, %arg4: memref<1x16xf32, #tpu.memory_space<vmem>>, %arg5: memref<1x16xf32, #tpu.memory_space<vmem>>, %arg6: memref<16x16xf32, #tpu.memory_space<vmem>>, %arg7: memref<1280x128xf32, #tpu.memory_space<vmem>>) attributes {dimension_semantics = [], scalar_prefetch = 0 : i64, scratch_operands = 0 : i64, tpu.core_type = #tpu.core_type<tc>} {
    %get3A = arith.constant 0 : index
    %get3A_0 = arith.constant 0 : index
    %get3A_1 = vector.load %arg0[%get3A, %get3A_0] : memref<2560x128xf32, #tpu.memory_space<vmem>>, vector<2560x128xf32>
    %get3A_2 = arith.constant 0 : index
    %get3A_3 = arith.constant 0 : index
    %get3A_4 = vector.load %arg2[%get3A_2, %get3A_3] : memref<1280x128xf32, #tpu.memory_space<vmem>>, vector<1280x128xf32>
    %slice3A = vector.extract_strided_slice %get3A_1 {offsets = [0, 0], sizes = [1280, 128], strides = [1, 1]} : vector<2560x128xf32> to vector<1280x128xf32>
    %slice3A_5 = vector.extract_strided_slice %get3A_1 {offsets = [1280, 0], sizes = [1280, 128], strides = [1, 1]} : vector<2560x128xf32> to vector<1280x128xf32>
    %add3A = arith.addf %slice3A, %slice3A_5 : vector<1280x128xf32>
    %get3A_6 = arith.constant 0 : index
    %get3A_7 = arith.constant 0 : index
    %get3A_8 = vector.load %arg1[%get3A_6, %get3A_7] : memref<1280x128xf32, #tpu.memory_space<vmem>>, vector<1280x128xf32>
    %add3A_9 = arith.addf %add3A, %get3A_8 : vector<1280x128xf32>
    %mul3A = arith.mulf %add3A_9, %get3A_4 : vector<1280x128xf32>
    %get3A_10 = arith.constant 0 : index
    %get3A_11 = arith.constant 0 : index
    %get3A_12 = vector.load %arg3[%get3A_10, %get3A_11] : memref<1x16xf32, #tpu.memory_space<vmem>>, vector<1x16xf32>
    %concatenate3A = tpu.concatenate %get3A_12, %get3A_12, %get3A_12, %get3A_12, %get3A_12, %get3A_12, %get3A_12, %get3A_12 in 1 : vector<1x16xf32>, vector<1x16xf32>, vector<1x16xf32>, vector<1x16xf32>, vector<1x16xf32>, vector<1x16xf32>, vector<1x16xf32>, vector<1x16xf32> -> vector<1x128xf32>
    %add3A_13 = vector.broadcast %concatenate3A : vector<1x128xf32> to vector<1280x128xf32>
    %add3A_14 = arith.addf %mul3A, %add3A_13 : vector<1280x128xf32>
    %max3A = arith.constant 0.000000e+00 : f32
    %max3A_15 = vector.broadcast %max3A : f32 to vector<1280x128xf32>
    %max3A_16 = arith.maximumf %add3A_14, %max3A_15 : vector<1280x128xf32>
    %slice3A_17 = vector.extract_strided_slice %max3A_16 {offsets = [0, 0], sizes = [1250, 128], strides = [1, 1]} : vector<1280x128xf32> to vector<1250x128xf32>
    %reduce_sum3A = arith.constant dense<0.000000e+00> : vector<128xf32>
    %reduce_sum3A_18 = vector.multi_reduction <add>, %slice3A_17, %reduce_sum3A [0] : vector<1250x128xf32> to vector<128xf32>
    %broadcast_in_dim3A = vector.shape_cast %reduce_sum3A_18 : vector<128xf32> to vector<1x128xf32>
    %mul3A_19 = arith.mulf %slice3A_17, %slice3A_17 : vector<1250x128xf32>
    %reduce_sum3A_20 = arith.constant dense<0.000000e+00> : vector<128xf32>
    %reduce_sum3A_21 = vector.multi_reduction <add>, %mul3A_19, %reduce_sum3A_20 [0] : vector<1250x128xf32> to vector<128xf32>
    %broadcast_in_dim3A_22 = vector.shape_cast %reduce_sum3A_21 : vector<128xf32> to vector<1x128xf32>
    %slice3A_23 = vector.extract_strided_slice %broadcast_in_dim3A {offsets = [0, 0], sizes = [1, 16], strides = [1, 1]} : vector<1x128xf32> to vector<1x16xf32>
    %add3A_24 = arith.constant 0.000000e+00 : f32
    %add3A_25 = vector.broadcast %add3A_24 : f32 to vector<1x16xf32>
    %add3A_26 = arith.addf %add3A_25, %slice3A_23 : vector<1x16xf32>
    %slice3A_27 = vector.extract_strided_slice %broadcast_in_dim3A {offsets = [0, 16], sizes = [1, 16], strides = [1, 1]} : vector<1x128xf32> to vector<1x16xf32>
    %add3A_28 = arith.addf %add3A_26, %slice3A_27 : vector<1x16xf32>
    %slice3A_29 = vector.extract_strided_slice %broadcast_in_dim3A {offsets = [0, 32], sizes = [1, 16], strides = [1, 1]} : vector<1x128xf32> to vector<1x16xf32>
    %add3A_30 = arith.addf %add3A_28, %slice3A_29 : vector<1x16xf32>
    %slice3A_31 = vector.extract_strided_slice %broadcast_in_dim3A {offsets = [0, 48], sizes = [1, 16], strides = [1, 1]} : vector<1x128xf32> to vector<1x16xf32>
    %add3A_32 = arith.addf %add3A_30, %slice3A_31 : vector<1x16xf32>
    %slice3A_33 = vector.extract_strided_slice %broadcast_in_dim3A {offsets = [0, 64], sizes = [1, 16], strides = [1, 1]} : vector<1x128xf32> to vector<1x16xf32>
    %add3A_34 = arith.addf %add3A_32, %slice3A_33 : vector<1x16xf32>
    %slice3A_35 = vector.extract_strided_slice %broadcast_in_dim3A {offsets = [0, 80], sizes = [1, 16], strides = [1, 1]} : vector<1x128xf32> to vector<1x16xf32>
    %add3A_36 = arith.addf %add3A_34, %slice3A_35 : vector<1x16xf32>
    %slice3A_37 = vector.extract_strided_slice %broadcast_in_dim3A {offsets = [0, 96], sizes = [1, 16], strides = [1, 1]} : vector<1x128xf32> to vector<1x16xf32>
    %add3A_38 = arith.addf %add3A_36, %slice3A_37 : vector<1x16xf32>
    %slice3A_39 = vector.extract_strided_slice %broadcast_in_dim3A {offsets = [0, 112], sizes = [1, 16], strides = [1, 1]} : vector<1x128xf32> to vector<1x16xf32>
    %add3A_40 = arith.addf %add3A_38, %slice3A_39 : vector<1x16xf32>
    %mul3A_41 = arith.constant 9.99999974E-5 : f32
    %mul3A_42 = vector.broadcast %mul3A_41 : f32 to vector<1x16xf32>
    %mul3A_43 = arith.mulf %add3A_40, %mul3A_42 : vector<1x16xf32>
    %slice3A_44 = vector.extract_strided_slice %broadcast_in_dim3A_22 {offsets = [0, 0], sizes = [1, 16], strides = [1, 1]} : vector<1x128xf32> to vector<1x16xf32>
    %add3A_45 = arith.constant 0.000000e+00 : f32
    %add3A_46 = vector.broadcast %add3A_45 : f32 to vector<1x16xf32>
    %add3A_47 = arith.addf %add3A_46, %slice3A_44 : vector<1x16xf32>
    %slice3A_48 = vector.extract_strided_slice %broadcast_in_dim3A_22 {offsets = [0, 16], sizes = [1, 16], strides = [1, 1]} : vector<1x128xf32> to vector<1x16xf32>
    %add3A_49 = arith.addf %add3A_47, %slice3A_48 : vector<1x16xf32>
    %slice3A_50 = vector.extract_strided_slice %broadcast_in_dim3A_22 {offsets = [0, 32], sizes = [1, 16], strides = [1, 1]} : vector<1x128xf32> to vector<1x16xf32>
    %add3A_51 = arith.addf %add3A_49, %slice3A_50 : vector<1x16xf32>
    %slice3A_52 = vector.extract_strided_slice %broadcast_in_dim3A_22 {offsets = [0, 48], sizes = [1, 16], strides = [1, 1]} : vector<1x128xf32> to vector<1x16xf32>
    %add3A_53 = arith.addf %add3A_51, %slice3A_52 : vector<1x16xf32>
    %slice3A_54 = vector.extract_strided_slice %broadcast_in_dim3A_22 {offsets = [0, 64], sizes = [1, 16], strides = [1, 1]} : vector<1x128xf32> to vector<1x16xf32>
    %add3A_55 = arith.addf %add3A_53, %slice3A_54 : vector<1x16xf32>
    %slice3A_56 = vector.extract_strided_slice %broadcast_in_dim3A_22 {offsets = [0, 80], sizes = [1, 16], strides = [1, 1]} : vector<1x128xf32> to vector<1x16xf32>
    %add3A_57 = arith.addf %add3A_55, %slice3A_56 : vector<1x16xf32>
    %slice3A_58 = vector.extract_strided_slice %broadcast_in_dim3A_22 {offsets = [0, 96], sizes = [1, 16], strides = [1, 1]} : vector<1x128xf32> to vector<1x16xf32>
    %add3A_59 = arith.addf %add3A_57, %slice3A_58 : vector<1x16xf32>
    %slice3A_60 = vector.extract_strided_slice %broadcast_in_dim3A_22 {offsets = [0, 112], sizes = [1, 16], strides = [1, 1]} : vector<1x128xf32> to vector<1x16xf32>
    %add3A_61 = arith.addf %add3A_59, %slice3A_60 : vector<1x16xf32>
    %mul3A_62 = arith.constant 9.99999974E-5 : f32
    %mul3A_63 = vector.broadcast %mul3A_62 : f32 to vector<1x16xf32>
    %mul3A_64 = arith.mulf %add3A_61, %mul3A_63 : vector<1x16xf32>
    %mul3A_65 = arith.mulf %mul3A_43, %mul3A_43 : vector<1x16xf32>
    %sub3A = arith.subf %mul3A_64, %mul3A_65 : vector<1x16xf32>
    %concatenate3A_66 = tpu.concatenate %mul3A_43, %mul3A_43, %mul3A_43, %mul3A_43, %mul3A_43, %mul3A_43, %mul3A_43, %mul3A_43 in 1 : vector<1x16xf32>, vector<1x16xf32>, vector<1x16xf32>, vector<1x16xf32>, vector<1x16xf32>, vector<1x16xf32>, vector<1x16xf32>, vector<1x16xf32> -> vector<1x128xf32>
    %sub3A_67 = vector.broadcast %concatenate3A_66 : vector<1x128xf32> to vector<1280x128xf32>
    %sub3A_68 = arith.subf %max3A_16, %sub3A_67 : vector<1280x128xf32>
    %concatenate3A_69 = tpu.concatenate %sub3A, %sub3A, %sub3A, %sub3A, %sub3A, %sub3A, %sub3A, %sub3A in 1 : vector<1x16xf32>, vector<1x16xf32>, vector<1x16xf32>, vector<1x16xf32>, vector<1x16xf32>, vector<1x16xf32>, vector<1x16xf32>, vector<1x16xf32> -> vector<1x128xf32>
    %add3A_70 = arith.constant 9.99999974E-6 : f32
    %add3A_71 = vector.broadcast %add3A_70 : f32 to vector<1x128xf32>
    %add3A_72 = arith.addf %concatenate3A_69, %add3A_71 : vector<1x128xf32>
    %rsqrt3A = math.rsqrt %add3A_72 : vector<1x128xf32>
    %mul3A_73 = vector.broadcast %rsqrt3A : vector<1x128xf32> to vector<1280x128xf32>
    %mul3A_74 = arith.mulf %sub3A_68, %mul3A_73 : vector<1280x128xf32>
    %get3A_75 = arith.constant 0 : index
    %get3A_76 = arith.constant 0 : index
    %get3A_77 = vector.load %arg4[%get3A_75, %get3A_76] : memref<1x16xf32, #tpu.memory_space<vmem>>, vector<1x16xf32>
    %concatenate3A_78 = tpu.concatenate %get3A_77, %get3A_77, %get3A_77, %get3A_77, %get3A_77, %get3A_77, %get3A_77, %get3A_77 in 1 : vector<1x16xf32>, vector<1x16xf32>, vector<1x16xf32>, vector<1x16xf32>, vector<1x16xf32>, vector<1x16xf32>, vector<1x16xf32>, vector<1x16xf32> -> vector<1x128xf32>
    %mul3A_79 = vector.broadcast %concatenate3A_78 : vector<1x128xf32> to vector<1280x128xf32>
    %mul3A_80 = arith.mulf %mul3A_74, %mul3A_79 : vector<1280x128xf32>
    %get3A_81 = arith.constant 0 : index
    %get3A_82 = arith.constant 0 : index
    %get3A_83 = vector.load %arg5[%get3A_81, %get3A_82] : memref<1x16xf32, #tpu.memory_space<vmem>>, vector<1x16xf32>
    %concatenate3A_84 = tpu.concatenate %get3A_83, %get3A_83, %get3A_83, %get3A_83, %get3A_83, %get3A_83, %get3A_83, %get3A_83 in 1 : vector<1x16xf32>, vector<1x16xf32>, vector<1x16xf32>, vector<1x16xf32>, vector<1x16xf32>, vector<1x16xf32>, vector<1x16xf32>, vector<1x16xf32> -> vector<1x128xf32>
    %add3A_85 = vector.broadcast %concatenate3A_84 : vector<1x128xf32> to vector<1280x128xf32>
    %add3A_86 = arith.addf %mul3A_80, %add3A_85 : vector<1280x128xf32>
    %get3A_87 = arith.constant 0 : index
    %get3A_88 = arith.constant 0 : index
    %get3A_89 = vector.load %arg6[%get3A_87, %get3A_88] : memref<16x16xf32, #tpu.memory_space<vmem>>, vector<16x16xf32>
    %jit3A = arith.constant 0 : i32
    %convert_element_type3A = arith.sitofp %jit3A : i32 to f32
    %pad3A = vector.broadcast %convert_element_type3A : f32 to vector<16x112xf32>
    %pad3A_90 = tpu.concatenate %get3A_89, %pad3A in 1 : vector<16x16xf32>, vector<16x112xf32> -> vector<16x128xf32>
    %jit3A_91 = arith.constant 0 : i32
    %convert_element_type3A_92 = arith.sitofp %jit3A_91 : i32 to f32
    %pad3A_93 = vector.broadcast %convert_element_type3A_92 : f32 to vector<16x16xf32>
    %pad3A_94 = tpu.concatenate %pad3A_93, %get3A_89 in 1 : vector<16x16xf32>, vector<16x16xf32> -> vector<16x32xf32>
    %pad3A_95 = vector.broadcast %convert_element_type3A_92 : f32 to vector<16x96xf32>
    %pad3A_96 = tpu.concatenate %pad3A_94, %pad3A_95 in 1 : vector<16x32xf32>, vector<16x96xf32> -> vector<16x128xf32>
    %jit3A_97 = arith.constant 0 : i32
    %convert_element_type3A_98 = arith.sitofp %jit3A_97 : i32 to f32
    %pad3A_99 = vector.broadcast %convert_element_type3A_98 : f32 to vector<16x32xf32>
    %pad3A_100 = tpu.concatenate %pad3A_99, %get3A_89 in 1 : vector<16x32xf32>, vector<16x16xf32> -> vector<16x48xf32>
    %pad3A_101 = vector.broadcast %convert_element_type3A_98 : f32 to vector<16x80xf32>
    %pad3A_102 = tpu.concatenate %pad3A_100, %pad3A_101 in 1 : vector<16x48xf32>, vector<16x80xf32> -> vector<16x128xf32>
    %jit3A_103 = arith.constant 0 : i32
    %convert_element_type3A_104 = arith.sitofp %jit3A_103 : i32 to f32
    %pad3A_105 = vector.broadcast %convert_element_type3A_104 : f32 to vector<16x48xf32>
    %pad3A_106 = tpu.concatenate %pad3A_105, %get3A_89 in 1 : vector<16x48xf32>, vector<16x16xf32> -> vector<16x64xf32>
    %pad3A_107 = vector.broadcast %convert_element_type3A_104 : f32 to vector<16x64xf32>
    %pad3A_108 = tpu.concatenate %pad3A_106, %pad3A_107 in 1 : vector<16x64xf32>, vector<16x64xf32> -> vector<16x128xf32>
    %jit3A_109 = arith.constant 0 : i32
    %convert_element_type3A_110 = arith.sitofp %jit3A_109 : i32 to f32
    %pad3A_111 = vector.broadcast %convert_element_type3A_110 : f32 to vector<16x64xf32>
    %pad3A_112 = tpu.concatenate %pad3A_111, %get3A_89 in 1 : vector<16x64xf32>, vector<16x16xf32> -> vector<16x80xf32>
    %pad3A_113 = vector.broadcast %convert_element_type3A_110 : f32 to vector<16x48xf32>
    %pad3A_114 = tpu.concatenate %pad3A_112, %pad3A_113 in 1 : vector<16x80xf32>, vector<16x48xf32> -> vector<16x128xf32>
    %jit3A_115 = arith.constant 0 : i32
    %convert_element_type3A_116 = arith.sitofp %jit3A_115 : i32 to f32
    %pad3A_117 = vector.broadcast %convert_element_type3A_116 : f32 to vector<16x80xf32>
    %pad3A_118 = tpu.concatenate %pad3A_117, %get3A_89 in 1 : vector<16x80xf32>, vector<16x16xf32> -> vector<16x96xf32>
    %pad3A_119 = vector.broadcast %convert_element_type3A_116 : f32 to vector<16x32xf32>
    %pad3A_120 = tpu.concatenate %pad3A_118, %pad3A_119 in 1 : vector<16x96xf32>, vector<16x32xf32> -> vector<16x128xf32>
    %jit3A_121 = arith.constant 0 : i32
    %convert_element_type3A_122 = arith.sitofp %jit3A_121 : i32 to f32
    %pad3A_123 = vector.broadcast %convert_element_type3A_122 : f32 to vector<16x96xf32>
    %pad3A_124 = tpu.concatenate %pad3A_123, %get3A_89 in 1 : vector<16x96xf32>, vector<16x16xf32> -> vector<16x112xf32>
    %pad3A_125 = vector.broadcast %convert_element_type3A_122 : f32 to vector<16x16xf32>
    %pad3A_126 = tpu.concatenate %pad3A_124, %pad3A_125 in 1 : vector<16x112xf32>, vector<16x16xf32> -> vector<16x128xf32>
    %jit3A_127 = arith.constant 0 : i32
    %convert_element_type3A_128 = arith.sitofp %jit3A_127 : i32 to f32
    %pad3A_129 = vector.broadcast %convert_element_type3A_128 : f32 to vector<16x112xf32>
    %pad3A_130 = tpu.concatenate %pad3A_129, %get3A_89 in 1 : vector<16x112xf32>, vector<16x16xf32> -> vector<16x128xf32>
    %concatenate3A_131 = tpu.concatenate %pad3A_90, %pad3A_96, %pad3A_102, %pad3A_108, %pad3A_114, %pad3A_120, %pad3A_126, %pad3A_130 in 0 : vector<16x128xf32>, vector<16x128xf32>, vector<16x128xf32>, vector<16x128xf32>, vector<16x128xf32>, vector<16x128xf32>, vector<16x128xf32>, vector<16x128xf32> -> vector<128x128xf32>
    %dot_general3A = arith.constant dense<0.000000e+00> : vector<1280x128xf32>
    %dot_general3A_132 = tpu.matmul %add3A_86, %concatenate3A_131, %dot_general3A {dimension_numbers = #tpu.dot_dimension_numbers<[1], [0], [0], [1], [0, 0, 1, 1], [], []>, transpose_lhs_hint = false} : vector<1280x128xf32>, vector<128x128xf32>, vector<1280x128xf32> -> vector<1280x128xf32>
    %mul3A_133 = arith.mulf %dot_general3A_132, %get3A_4 : vector<1280x128xf32>
    %swap3A = arith.constant 0 : index
    %swap3A_134 = arith.constant 0 : index
    %swap3A_135 = vector.load %arg7[%swap3A, %swap3A_134] : memref<1280x128xf32, #tpu.memory_space<vmem>>, vector<1280x128xf32>
    tpu.vector_store %arg7[%swap3A, %swap3A_134], %mul3A_133 {strides = array<i32>} : memref<1280x128xf32, #tpu.memory_space<vmem>>, vector<1280x128xf32>,
    return
  }
}

module attributes {stable_mosaic.version = 14 : i64} {
  func.func @body(%arg0: memref<2560x128xf32, #tpu.memory_space<vmem>>, %arg1: memref<1280x128xf32, #tpu.memory_space<vmem>>, %arg2: memref<1280x128xf32, #tpu.memory_space<vmem>>, %arg3: memref<1x16xf32, #tpu.memory_space<vmem>>, %arg4: memref<16x2xf32, #tpu.memory_space<vmem>>, %arg5: memref<1x2xf32, #tpu.memory_space<vmem>>, %arg6: memref<1280x16xf32, #tpu.memory_space<vmem>>) attributes {dimension_semantics = [], scalar_prefetch = 0 : i64, scratch_operands = 0 : i64, tpu.core_type = #tpu.core_type<tc>} {
    %get3A = arith.constant 0 : index
    %get3A_0 = arith.constant 0 : index
    %get3A_1 = vector.load %arg0[%get3A, %get3A_0] : memref<2560x128xf32, #tpu.memory_space<vmem>>, vector<2560x128xf32>
    %slice3A = vector.extract_strided_slice %get3A_1 {offsets = [0, 0], sizes = [1280, 128], strides = [1, 1]} : vector<2560x128xf32> to vector<1280x128xf32>
    %slice3A_2 = vector.extract_strided_slice %get3A_1 {offsets = [1280, 0], sizes = [1280, 128], strides = [1, 1]} : vector<2560x128xf32> to vector<1280x128xf32>
    %add3A = arith.addf %slice3A, %slice3A_2 : vector<1280x128xf32>
    %get3A_3 = arith.constant 0 : index
    %get3A_4 = arith.constant 0 : index
    %get3A_5 = vector.load %arg1[%get3A_3, %get3A_4] : memref<1280x128xf32, #tpu.memory_space<vmem>>, vector<1280x128xf32>
    %add3A_6 = arith.addf %add3A, %get3A_5 : vector<1280x128xf32>
    %get3A_7 = arith.constant 0 : index
    %get3A_8 = arith.constant 0 : index
    %get3A_9 = vector.load %arg2[%get3A_7, %get3A_8] : memref<1280x128xf32, #tpu.memory_space<vmem>>, vector<1280x128xf32>
    %mul3A = arith.mulf %add3A_6, %get3A_9 : vector<1280x128xf32>
    %get3A_10 = arith.constant 0 : index
    %get3A_11 = arith.constant 0 : index
    %get3A_12 = vector.load %arg3[%get3A_10, %get3A_11] : memref<1x16xf32, #tpu.memory_space<vmem>>, vector<1x16xf32>
    %concatenate3A = tpu.concatenate %get3A_12, %get3A_12, %get3A_12, %get3A_12, %get3A_12, %get3A_12, %get3A_12, %get3A_12 in 1 : vector<1x16xf32>, vector<1x16xf32>, vector<1x16xf32>, vector<1x16xf32>, vector<1x16xf32>, vector<1x16xf32>, vector<1x16xf32>, vector<1x16xf32> -> vector<1x128xf32>
    %add3A_13 = vector.broadcast %concatenate3A : vector<1x128xf32> to vector<1280x128xf32>
    %add3A_14 = arith.addf %mul3A, %add3A_13 : vector<1280x128xf32>
    %get3A_15 = arith.constant 0 : index
    %get3A_16 = arith.constant 0 : index
    %get3A_17 = vector.load %arg4[%get3A_15, %get3A_16] : memref<16x2xf32, #tpu.memory_space<vmem>>, vector<16x2xf32>
    %jit3A = arith.constant 0 : i32
    %convert_element_type3A = arith.sitofp %jit3A : i32 to f32
    %pad3A = vector.broadcast %convert_element_type3A : f32 to vector<16x14xf32>
    %pad3A_18 = tpu.concatenate %get3A_17, %pad3A in 1 : vector<16x2xf32>, vector<16x14xf32> -> vector<16x16xf32>
    %jit3A_19 = arith.constant 0 : i32
    %convert_element_type3A_20 = arith.sitofp %jit3A_19 : i32 to f32
    %pad3A_21 = vector.broadcast %convert_element_type3A_20 : f32 to vector<16x2xf32>
    %pad3A_22 = tpu.concatenate %pad3A_21, %get3A_17 in 1 : vector<16x2xf32>, vector<16x2xf32> -> vector<16x4xf32>
    %pad3A_23 = vector.broadcast %convert_element_type3A_20 : f32 to vector<16x12xf32>
    %pad3A_24 = tpu.concatenate %pad3A_22, %pad3A_23 in 1 : vector<16x4xf32>, vector<16x12xf32> -> vector<16x16xf32>
    %jit3A_25 = arith.constant 0 : i32
    %convert_element_type3A_26 = arith.sitofp %jit3A_25 : i32 to f32
    %pad3A_27 = vector.broadcast %convert_element_type3A_26 : f32 to vector<16x4xf32>
    %pad3A_28 = tpu.concatenate %pad3A_27, %get3A_17 in 1 : vector<16x4xf32>, vector<16x2xf32> -> vector<16x6xf32>
    %pad3A_29 = vector.broadcast %convert_element_type3A_26 : f32 to vector<16x10xf32>
    %pad3A_30 = tpu.concatenate %pad3A_28, %pad3A_29 in 1 : vector<16x6xf32>, vector<16x10xf32> -> vector<16x16xf32>
    %jit3A_31 = arith.constant 0 : i32
    %convert_element_type3A_32 = arith.sitofp %jit3A_31 : i32 to f32
    %pad3A_33 = vector.broadcast %convert_element_type3A_32 : f32 to vector<16x6xf32>
    %pad3A_34 = tpu.concatenate %pad3A_33, %get3A_17 in 1 : vector<16x6xf32>, vector<16x2xf32> -> vector<16x8xf32>
    %pad3A_35 = vector.broadcast %convert_element_type3A_32 : f32 to vector<16x8xf32>
    %pad3A_36 = tpu.concatenate %pad3A_34, %pad3A_35 in 1 : vector<16x8xf32>, vector<16x8xf32> -> vector<16x16xf32>
    %jit3A_37 = arith.constant 0 : i32
    %convert_element_type3A_38 = arith.sitofp %jit3A_37 : i32 to f32
    %pad3A_39 = vector.broadcast %convert_element_type3A_38 : f32 to vector<16x8xf32>
    %pad3A_40 = tpu.concatenate %pad3A_39, %get3A_17 in 1 : vector<16x8xf32>, vector<16x2xf32> -> vector<16x10xf32>
    %pad3A_41 = vector.broadcast %convert_element_type3A_38 : f32 to vector<16x6xf32>
    %pad3A_42 = tpu.concatenate %pad3A_40, %pad3A_41 in 1 : vector<16x10xf32>, vector<16x6xf32> -> vector<16x16xf32>
    %jit3A_43 = arith.constant 0 : i32
    %convert_element_type3A_44 = arith.sitofp %jit3A_43 : i32 to f32
    %pad3A_45 = vector.broadcast %convert_element_type3A_44 : f32 to vector<16x10xf32>
    %pad3A_46 = tpu.concatenate %pad3A_45, %get3A_17 in 1 : vector<16x10xf32>, vector<16x2xf32> -> vector<16x12xf32>
    %pad3A_47 = vector.broadcast %convert_element_type3A_44 : f32 to vector<16x4xf32>
    %pad3A_48 = tpu.concatenate %pad3A_46, %pad3A_47 in 1 : vector<16x12xf32>, vector<16x4xf32> -> vector<16x16xf32>
    %jit3A_49 = arith.constant 0 : i32
    %convert_element_type3A_50 = arith.sitofp %jit3A_49 : i32 to f32
    %pad3A_51 = vector.broadcast %convert_element_type3A_50 : f32 to vector<16x12xf32>
    %pad3A_52 = tpu.concatenate %pad3A_51, %get3A_17 in 1 : vector<16x12xf32>, vector<16x2xf32> -> vector<16x14xf32>
    %pad3A_53 = vector.broadcast %convert_element_type3A_50 : f32 to vector<16x2xf32>
    %pad3A_54 = tpu.concatenate %pad3A_52, %pad3A_53 in 1 : vector<16x14xf32>, vector<16x2xf32> -> vector<16x16xf32>
    %jit3A_55 = arith.constant 0 : i32
    %convert_element_type3A_56 = arith.sitofp %jit3A_55 : i32 to f32
    %pad3A_57 = vector.broadcast %convert_element_type3A_56 : f32 to vector<16x14xf32>
    %pad3A_58 = tpu.concatenate %pad3A_57, %get3A_17 in 1 : vector<16x14xf32>, vector<16x2xf32> -> vector<16x16xf32>
    %concatenate3A_59 = tpu.concatenate %pad3A_18, %pad3A_24, %pad3A_30, %pad3A_36, %pad3A_42, %pad3A_48, %pad3A_54, %pad3A_58 in 0 : vector<16x16xf32>, vector<16x16xf32>, vector<16x16xf32>, vector<16x16xf32>, vector<16x16xf32>, vector<16x16xf32>, vector<16x16xf32>, vector<16x16xf32> -> vector<128x16xf32>
    %get3A_60 = arith.constant 0 : index
    %get3A_61 = arith.constant 0 : index
    %get3A_62 = vector.load %arg5[%get3A_60, %get3A_61] : memref<1x2xf32, #tpu.memory_space<vmem>>, vector<1x2xf32>
    %concatenate3A_63 = tpu.concatenate %get3A_62, %get3A_62, %get3A_62, %get3A_62, %get3A_62, %get3A_62, %get3A_62, %get3A_62 in 1 : vector<1x2xf32>, vector<1x2xf32>, vector<1x2xf32>, vector<1x2xf32>, vector<1x2xf32>, vector<1x2xf32>, vector<1x2xf32>, vector<1x2xf32> -> vector<1x16xf32>
    %dot_general3A = arith.constant dense<0.000000e+00> : vector<1280x16xf32>
    %dot_general3A_64 = tpu.matmul %add3A_14, %concatenate3A_59, %dot_general3A {dimension_numbers = #tpu.dot_dimension_numbers<[1], [0], [0], [1], [0, 0, 1, 1], [], []>, transpose_lhs_hint = false} : vector<1280x128xf32>, vector<128x16xf32>, vector<1280x16xf32> -> vector<1280x16xf32>
    %add3A_65 = vector.broadcast %concatenate3A_63 : vector<1x16xf32> to vector<1280x16xf32>
    %add3A_66 = arith.addf %dot_general3A_64, %add3A_65 : vector<1280x16xf32>
    %iota3A = tpu.iota {dimensions = array<i32: 0>} : vector<16x8xi32>
    %iota3A_67 = tpu.iota {dimensions = array<i32: 1>} : vector<16x8xi32>
    %mul3A_68 = arith.constant 2 : i32
    %mul3A_69 = vector.broadcast %mul3A_68 : i32 to vector<16x8xi32>
    %mul3A_70 = arith.muli %mul3A_69, %iota3A_67 : vector<16x8xi32>
    %eq3A = arith.cmpi eq, %iota3A, %mul3A_70 : vector<16x8xi32>
    %convert_element_type3A_71 = arith.extui %eq3A : vector<16x8xi1> to vector<16x8xi32>
    %convert_element_type3A_72 = arith.sitofp %convert_element_type3A_71 : vector<16x8xi32> to vector<16x8xf32>
    %mul3A_73 = arith.constant 2 : i32
    %mul3A_74 = vector.broadcast %mul3A_73 : i32 to vector<16x8xi32>
    %mul3A_75 = arith.muli %mul3A_74, %iota3A_67 : vector<16x8xi32>
    %add3A_76 = arith.constant 1 : i32
    %add3A_77 = vector.broadcast %add3A_76 : i32 to vector<16x8xi32>
    %add3A_78 = arith.addi %mul3A_75, %add3A_77 : vector<16x8xi32>
    %eq3A_79 = arith.cmpi eq, %iota3A, %add3A_78 : vector<16x8xi32>
    %convert_element_type3A_80 = arith.extui %eq3A_79 : vector<16x8xi1> to vector<16x8xi32>
    %convert_element_type3A_81 = arith.sitofp %convert_element_type3A_80 : vector<16x8xi32> to vector<16x8xf32>
    %iota3A_82 = tpu.iota {dimensions = array<i32: 0>} : vector<8x16xi32>
    %iota3A_83 = tpu.iota {dimensions = array<i32: 1>} : vector<8x16xi32>
    %jit3A_84 = arith.constant 2 : i32
    %div3A = vector.broadcast %jit3A_84 : i32 to vector<8x16xi32>
    %div3A_85 = arith.divsi %iota3A_83, %div3A : vector<8x16xi32>
    %sign3A = arith.constant 0 : i32
    %sign3A_86 = vector.broadcast %sign3A : i32 to vector<8x16xi32>
    %sign3A_87 = arith.cmpi sgt, %iota3A_83, %sign3A_86 : vector<8x16xi32>
    %sign3A_88 = arith.extui %sign3A_87 : vector<8x16xi1> to vector<8x16xi32>
    %sign3A_89 = arith.constant 0 : i32
    %sign3A_90 = vector.broadcast %sign3A_89 : i32 to vector<8x16xi32>
    %sign3A_91 = arith.cmpi slt, %iota3A_83, %sign3A_90 : vector<8x16xi32>
    %sign3A_92 = arith.extui %sign3A_91 : vector<8x16xi1> to vector<8x16xi32>
    %sign3A_93 = arith.subi %sign3A_88, %sign3A_92 : vector<8x16xi32>
    %sign3A_94 = arith.constant 0 : i32
    %sign3A_95 = arith.cmpi sgt, %jit3A_84, %sign3A_94 : i32
    %sign3A_96 = arith.extui %sign3A_95 : i1 to i32
    %sign3A_97 = arith.constant 0 : i32
    %sign3A_98 = arith.cmpi slt, %jit3A_84, %sign3A_97 : i32
    %sign3A_99 = arith.extui %sign3A_98 : i1 to i32
    %sign3A_100 = arith.subi %sign3A_96, %sign3A_99 : i32
    %ne3A = vector.broadcast %sign3A_100 : i32 to vector<8x16xi32>
    %ne3A_101 = arith.cmpi ne, %sign3A_93, %ne3A : vector<8x16xi32>
    %rem3A = vector.broadcast %jit3A_84 : i32 to vector<8x16xi32>
    %rem3A_102 = arith.remsi %iota3A_83, %rem3A : vector<8x16xi32>
    %ne3A_103 = arith.constant 0 : i32
    %ne3A_104 = vector.broadcast %ne3A_103 : i32 to vector<8x16xi32>
    %ne3A_105 = arith.cmpi ne, %rem3A_102, %ne3A_104 : vector<8x16xi32>
    %and3A = arith.andi %ne3A_101, %ne3A_105 : vector<8x16xi1>
    %sub3A = arith.constant 1 : i32
    %sub3A_106 = vector.broadcast %sub3A : i32 to vector<8x16xi32>
    %sub3A_107 = arith.subi %div3A_85, %sub3A_106 : vector<8x16xi32>
    %select_n3A = arith.select %and3A, %sub3A_107, %div3A_85 : vector<8x16xi1>, vector<8x16xi32>
    %eq3A_108 = arith.cmpi eq, %select_n3A, %iota3A_82 : vector<8x16xi32>
    %convert_element_type3A_109 = arith.extui %eq3A_108 : vector<8x16xi1> to vector<8x16xi32>
    %convert_element_type3A_110 = arith.sitofp %convert_element_type3A_109 : vector<8x16xi32> to vector<8x16xf32>
    %dot_general3A_111 = arith.constant dense<0.000000e+00> : vector<1280x8xf32>
    %dot_general3A_112 = tpu.matmul %add3A_66, %convert_element_type3A_72, %dot_general3A_111 {dimension_numbers = #tpu.dot_dimension_numbers<[1], [0], [0], [1], [0, 0, 1, 1], [], []>, transpose_lhs_hint = false} : vector<1280x16xf32>, vector<16x8xf32>, vector<1280x8xf32> -> vector<1280x8xf32>
    %dot_general3A_113 = arith.constant dense<0.000000e+00> : vector<1280x8xf32>
    %dot_general3A_114 = tpu.matmul %add3A_66, %convert_element_type3A_81, %dot_general3A_113 {dimension_numbers = #tpu.dot_dimension_numbers<[1], [0], [0], [1], [0, 0, 1, 1], [], []>, transpose_lhs_hint = false} : vector<1280x16xf32>, vector<16x8xf32>, vector<1280x8xf32> -> vector<1280x8xf32>
    %max3A = arith.maximumf %dot_general3A_112, %dot_general3A_114 : vector<1280x8xf32>
    %sub3A_115 = arith.subf %dot_general3A_112, %max3A : vector<1280x8xf32>
    %exp3A = math.exp %sub3A_115 : vector<1280x8xf32>
    %sub3A_116 = arith.subf %dot_general3A_114, %max3A : vector<1280x8xf32>
    %exp3A_117 = math.exp %sub3A_116 : vector<1280x8xf32>
    %add3A_118 = arith.addf %exp3A, %exp3A_117 : vector<1280x8xf32>
    %log3A = math.log %add3A_118 : vector<1280x8xf32>
    %add3A_119 = arith.addf %max3A, %log3A : vector<1280x8xf32>
    %dot_general3A_120 = arith.constant dense<0.000000e+00> : vector<1280x16xf32>
    %dot_general3A_121 = tpu.matmul %add3A_119, %convert_element_type3A_110, %dot_general3A_120 {dimension_numbers = #tpu.dot_dimension_numbers<[1], [0], [0], [1], [0, 0, 1, 1], [], []>, transpose_lhs_hint = false} : vector<1280x8xf32>, vector<8x16xf32>, vector<1280x16xf32> -> vector<1280x16xf32>
    %sub3A_122 = arith.subf %add3A_66, %dot_general3A_121 : vector<1280x16xf32>
    %swap3A = arith.constant 0 : index
    %swap3A_123 = arith.constant 0 : index
    %swap3A_124 = vector.load %arg6[%swap3A, %swap3A_123] : memref<1280x16xf32, #tpu.memory_space<vmem>>, vector<1280x16xf32>
    tpu.vector_store %arg6[%swap3A, %swap3A_123], %sub3A_122 {strides = array<i32>} : memref<1280x16xf32, #tpu.memory_space<vmem>>, vector<1280x16xf32>,
    return
  }
}

</mosaic_0001>

<sc_bundles>
// kernel: kernel.11.cloned.1.call-start
scs
__scs_entry_jumppad:
0x0: {  	(pc) =	sbr.rel $0x88, $3  }
0x1: {  	(tag) =	ssettag $0x0;
	lr =	simm.s32 $0x1  }
0x2: {  	[smem:$0x3F93] =	sst lr;
	_ =	strace $0xD0000000  }
0x3: {  	_ = 	snop  }
0x4: {  	_ = 	snop  }
0x5: {  	_ = 	snop  }
0x6: {  	_ = 	snop  }
0x7: {  	_ = 	snop  }
__scs_overlays_trampoline_lowered:
0x8: {  	[smem:$0x3FA2] =	sst s0  }
0x9: {  	[smem:$0x3FA3] =	sst s1  }
0xa: {  	[smem:$0x3FA4] =	sst s2  }
0xb: {  	[smem:$0x3FA5] =	sst s3  }
0xc: {  	[smem:$0x3FA6] =	sst s4  }
0xd: {  	[smem:$0x3FA7] =	sst s5  }
0xe: {  	[smem:$0x3FA8] =	sst s6  }
0xf: {  	[smem:$0x3FA9] =	sst s7  }
0x10: {  	[smem:$0x3FAA] =	sst s8  }
0x11: {  	[smem:$0x3FAB] =	sst s9;
	s0 =	simm.s32 @!p0 $0x0  }
0x12: {  	s1 =	sld [smem:$0x3F91];
	s0 =	simm.s32 @p0 $0x1  }
0x13: {  	[smem:$0x3FAC] =	sst s0;
	s0 =	simm.s32 @!p1 $0x0  }
0x14: {  	s2 =	sld [smem:$0x3F90];
	s0 =	simm.s32 @p1 $0x1  }
0x15: {  	[smem:$0x3FAD] =	sst s0;
	s0 =	simm.s32 @!p2 $0x0  }
0x16: {  	s3 =	sld [smem:$0x3FDB];
	s0 =	simm.s32 @p2 $0x1  }
0x17: {  	s4 =	simm.s32 $0x1BF5;
	[smem:$0x3FAF] =	sst s0  }
0x18: {  	s0 =	sld [smem:$0x3F92];
	_ =	swait.ge [sflag:s4], $0x0  }
0x19: {  	s7 =	sld [smem:$0x3F93]  }
0x1a: {  	s8 =	sadd.s32 $0xFFFFE003, lr  }
0x1b: {  	s9 =	sadd.s32 $0xFFFFFEF7, lr;
	s5 =	simm.s32 $0xFFFFFFFF;
	p2 =	slt.u32 s8, $0xFFFFF086  }
0x1c: {  	p1 =	slt.u32 s9, $0xF7A;
	s5 =	simm.s32 @!p2 $0x0  }
0x1d: {  	s5 =	simm.s32 @p1 $0x1;
	p0 =	seq.s32 s7, s2  }
0x1e: {  	s7 =	smul.u32 @!p0 $0xF7A, s2;
	p2 =	seq.s32 @!p0 s5, $0x0  }
0x1f: {  	s9 =	smul.u32 $0xF7A, s1;
	s8 =	simm.s32 @!p0 $0x1BF5;
	p2 =	por !p2, p0  }
0x20: {  	[sflag:s8] =	ssyncset.s32 @!p0 $0xFFFFF086;
	s6 =	sadd.s32 @!p0 s3, s7;
	s7 =	simm.s32 @!p0 $0x108  }
0x21: {  	s3 =	sadd.s32 s3, s9;
	s6 =	sadd.s32 @!p0 $0x88, s6;
	s7 =	simm.s32 @p2 $0x1082  }
0x22: {  	[simem:s7], [sflag:s8] =	dma.local @!p0 [hbm:s6], $0xF7A  }
0x23: {  	s9 =	sor.u32 $0xD0000000, s2;
	s6 =	simm.s32 $0x108;
	_ =	swait.ge @!p0 [sflag:s8], $0x0  }
0x24: {  	s3 =	sadd.s32 $0x88, s3;
	s6 =	simm.s32 @!p1 $0x1082;
	[sflag:s4] =	ssyncset.s32 $0xFFFFF086  }
0x25: {  	[simem:s6], [sflag:s4] =	dma.local [hbm:s3], $0xF7A  }
0x26: {  	[smem:$0x3F93] =	sst s1;
	(tag) =	ssettag s2;
	_ =	strace s9  }
0x27: {  	s1 =	sld [smem:$0x3FA3]  }
0x28: {  	s2 =	sld [smem:$0x3FA4]  }
0x29: {  	s4 =	sld [smem:$0x3FA6]  }
0x2a: {  	p0 =	seq.s32 s5, $0x0;
	s5 =	sld [smem:$0x3FA7]  }
0x2b: {  	s6 =	sld [smem:$0x3FA8]  }
0x2c: {  	s7 =	sld [smem:$0x3FA9]  }
0x2d: {  	s3 =	simm.s32 $0x108;
	s8 =	sld [smem:$0x3FAA]  }
0x2e: {  	s3 =	simm.s32 @!p0 $0x1082;
	s9 =	sld [smem:$0x3FAB]  }
0x2f: {  	lr =	sadd.s32 s0, s3;
	s0 =	sld [smem:$0x3FA2]  }
0x30: {  	s3 =	sld [smem:$0x3FA5]  }
0x31: {  	[smem:$0x3FAE] =	sst s10  }
0x32: {  	s10 =	sld [smem:$0x3FAC];
	_ =	sdelay $0x3  }
0x33: {  	p0 =	seq.s32 s10, $0x1;
	s10 =	sld [smem:$0x3FAE];
	_ =	sdelay $0x3  }
0x34: {  	[smem:$0x3FAE] =	sst s10  }
0x35: {  	s10 =	sld [smem:$0x3FAD];
	_ =	sdelay $0x3  }
0x36: {  	p1 =	seq.s32 s10, $0x1;
	s10 =	sld [smem:$0x3FAE];
	_ =	sdelay $0x3  }
0x37: {  	[smem:$0x3FAE] =	sst s10  }
0x38: {  	s10 =	sld [smem:$0x3FAF]  }
0x39: {  	_ = 	snop;
	(pc) =	sbr.ind lr, $3  }
0x3a: {  	_ = 	snop  }
0x3b: {  	_ = 	snop  }
0x3c: {  	p2 =	seq.s32 s10, $0x1;
	s10 =	sld [smem:$0x3FAE]  }
0x3d: {  	_ =	shalt  }
0x3e: {  	_ =	shalt  }
0x3f: {  	_ =	shalt  }
0x40: {  	_ =	shalt  }
0x41: {  	_ =	shalt  }
0x42: {  	_ =	shalt  }
0x43: {  	_ =	shalt  }
0x44: {  	_ =	shalt  }
0x45: {  	_ =	shalt  }
0x46: {  	_ =	shalt  }
0x47: {  	_ =	shalt  }
0x48: {  	_ =	shalt  }
0x49: {  	_ =	shalt  }
0x4a: {  	_ =	shalt  }
0x4b: {  	_ =	shalt  }
0x4c: {  	_ =	shalt  }
0x4d: {  	_ =	shalt  }
0x4e: {  	_ =	shalt  }
0x4f: {  	_ =	shalt  }
0x50: {  	_ =	shalt  }
0x51: {  	_ =	shalt  }
0x52: {  	_ =	shalt  }
0x53: {  	_ =	shalt  }
0x54: {  	_ =	shalt  }
0x55: {  	_ =	shalt  }
0x56: {  	_ =	shalt  }
0x57: {  	_ =	shalt  }
0x58: {  	_ =	shalt  }
0x59: {  	_ =	shalt  }
0x5a: {  	_ =	shalt  }
0x5b: {  	_ =	shalt  }
0x5c: {  	_ =	shalt  }
0x5d: {  	_ =	shalt  }
0x5e: {  	_ =	shalt  }
0x5f: {  	_ =	shalt  }
0x60: {  	_ =	shalt  }
0x61: {  	_ =	shalt  }
0x62: {  	_ =	shalt  }
0x63: {  	_ =	shalt  }
0x64: {  	_ =	shalt  }
0x65: {  	_ =	shalt  }
0x66: {  	_ =	shalt  }
0x67: {  	_ =	shalt  }
0x68: {  	_ =	shalt  }
0x69: {  	_ =	shalt  }
0x6a: {  	_ =	shalt  }
0x6b: {  	_ =	shalt  }
0x6c: {  	_ =	shalt  }
0x6d: {  	_ =	shalt  }
0x6e: {  	_ =	shalt  }
0x6f: {  	_ =	shalt  }
0x70: {  	_ =	shalt  }
0x71: {  	_ =	shalt  }
0x72: {  	_ =	shalt  }
0x73: {  	_ =	shalt  }
0x74: {  	_ =	shalt  }
0x75: {  	_ =	shalt  }
0x76: {  	_ =	shalt  }
0x77: {  	_ =	shalt  }
0x78: {  	_ =	shalt  }
0x79: {  	_ =	shalt  }
0x7a: {  	_ =	shalt  }
0x7b: {  	_ =	shalt  }
0x7c: {  	_ =	shalt  }
0x7d: {  	_ =	shalt  }
0x7e: {  	_ =	shalt  }
0x7f: {  	_ =	shalt  }
0x80: {  	_ =	shalt  }
0x81: {  	_ =	shalt  }
0x82: {  	_ =	shalt  }
0x83: {  	_ =	shalt  }
0x84: {  	_ =	shalt  }
0x85: {  	_ =	shalt  }
0x86: {  	_ =	shalt  }
0x87: {  	_ =	shalt  }
.Lfunc_end0:
.L_simem_size_0:
called_computation_lowered:
.L_overlay_start_0:
0x88: {  	s2 =	sld [smem:$0x3FD9]  }
0x89: {  	s3 =	sld [smem:$0x3FFE];
	_ =	sdelay $0x1  }
0x8a: {  	s1 =	srdreg.scid  }
0x8b: {  	s0 =	sand.u32 $0x1, s1  }
0x8c: {  	s16 =	sshll.u32 s0, $0xA;
	s2 =	sadd.s32 s3, s2  }
0x8d: {  	s2 =	sadd.s32 s2, s16  }
0x8e: {  	[smem:$0x3FBA] =	sst s2  }
0x8f: {  	_ = 	snop  }
0x90: {  	(tm) =	ssettm $0x1  }
0x91: {  	s17 =	sld [smem:$0x3FFB];
	_ =	sdelay $0x3  }
0x92: {  	_ =	strace s17  }
0x93: {  	s2 =	sld [smem:$0x3FFC];
	_ =	sdelay $0x3  }
0x94: {  	_ =	strace s2  }
0x95: {  	s2 =	sld [smem:$0x3FFD];
	_ =	sdelay $0x3  }
0x96: {  	_ =	strace s2  }
0x97: {  	_ =	strace $0x8FFFFFFF  }
0x98: {  	s18 =	sld [smem:$0x3FDB];
	_ =	sdelay $0x1  }
0x99: {  	s19 =	simm.s32 $_scs_section_size  }
0x9a: {  	s4 =	simm.s32 $_size__tile_overlayer_lowered;
	s5 =	simm.s32 $_tile_overlayer_lowered  }
0x9b: {  	s22 =	simm.s32 $0x1BFF;
	s21 =	sshll.u32 s5, $0x1;
	s2 =	sadd.s32 s19, s18  }
0x9c: {  	s6 =	simm.s32 $0x0;
	s20 =	sshll.u32 s4, $0x1;
	s4 =	sadd.s32 s21, s2  }
0x9d: {  	[timem:s6], [sflag:s22] =	dma.local [hbm:s4], s20  }
0x9e: {  	_ =	swait.ge [sflag:s22], s20  }
0x9f: {  	s3 =	ssub.s32 $0x0, s20;
	[sflag:s22] =	ssyncset.done $0x0  }
0xa0: {  	[sflag:s22] =	ssyncadd.s32 s3;
	_ =	sdelay $0x1  }
0xa1: {  	s23 =	simm.s32 $0x1B8B  }
0xa2: {  	_ =	swait.ge [sflag:s23], $0x1  }
0xa3: {  	[sflag:s23] =	ssyncset.done $0x0  }
0xa4: {  	s25 =	simm.s32 $0x1B8E;
	s24 =	sld [smem:$0x3FFE];
	[sflag:s23] =	ssyncadd.s32 $0xFFFFFFFF  }
0xa5: {  	s26 =	simm.s32 $execute0_lowered;
	[smem:$0x3FD2] =	sst s25  }
0xa6: {  	s4 =	sshll.u32 s26, $0x1;
	_ =	strace $0x80000046;
	[dreg:$0x1] =	wrdreg $0xFFFFFFFF  }
0xa7: {  	s28 =	simm.s32 $_size_execute0_lowered;
	s2 =	sadd.s32 s2, s4;
	[dreg:$0x0] =	wrdreg $0x0  }
0xa8: {  	s4 =	sshll.u32 s28, $0x1;
	[dreg:$0x2] =	wrdreg s2  }
0xa9: {  	[dreg:$0x3] =	wrdreg s4  }
0xaa: {  	[dreg:$0x4] =	wrdreg $0xC0  }
0xab: {  	_ =	task [dreg:s6], $0x5FFFF  }
0xac: {  	[dreg:$0x1] =	wrdreg $0xFFFFFFFF  }
0xad: {  	[dreg:$0x0] =	wrdreg $0x60  }
0xae: {  	[dreg:$0x2] =	wrdreg s24  }
0xaf: {  	[dreg:$0x3] =	wrdreg $0x30000  }
0xb0: {  	[dreg:$0x4] =	wrdreg $0x9  }
0xb1: {  	_ =	task.clear_ibuf [dreg:s6], $0x5FFFF;
	_ =	strace $0x90000046  }
0xb2: {  	s29 =	simm.s32 $0x9;
	_ =	strace $0x80000048  }
0xb3: {  	_ =	swait.ge [sflag:s29], $0x1  }
0xb4: {  	[sflag:s29] =	ssyncadd.s32 $0xFFFFFFFF  }
0xb5: {  	_ =	strace $0x90000048  }
0xb6: {  	_ =	sfence  }
0xb7: {  	s30 =	sld [smem:$0x0];
	_ =	sdelay $0x2  }
0xb8: {  	s31 =	sshll.u32 s1, $0xD;
	s1 =	sshrl.u32 s1, $0x2  }
0xb9: {  	s3 =	sand.u32 $0x4000, s31;
	s1 =	sadd.s32 s1, s30  }
0xba: {  	s0 =	sor.u32 s3, s0;
	s1 =	sshll.u32 s1, $0x11  }
0xbb: {  	s0 =	sor.u32 s1, s0  }
0xbc: {  	s0 =	sadd.s32 $0x8F2B, s0  }
0xbd: {  	[sflag:s0] =	ssyncadd.remote.s32 $0x1  }
0xbe: {  	_ =	sfence.sel $0xFFFF  }
0xbf: {  	[dreg:$0x0] =	wrdreg $0xFFFFFFFF;
	(pc) =	sbr.abs _section_cstart, $3  }
0xc0: {  	[dreg:$0x1] =	wrdreg $0xFFFFFFFF  }
0xc1: {  	_ =	task.clear_ibuf [dreg:s6], $0x2FFFF;
	_ =	strace $0x9FFFFFFF  }
0xc2: {  	(tm) =	ssettm $0x7FFFFFFF  }
0xc3: {  	_ =	shalt  }
tec
execute0_lowered:
.L_overlay_start_1:
0x0: {  	(tag) =	ssettag $0x1  }
0x1: {  	s4 =	rddreg [dreg:$0x0]  }
0x2: {  	s0 =	srdreg.scid;
	s2 =	rddreg [dreg:$0x1];
	s25 =	simm.s32 $0x0  }
0x3: {  	s12 =	simm.s32 $0x2800;
	s13 =	simm.s32 $0x80;
	s14 =	simm.s32 $0x100  }
0x4: {  	s15 =	simm.s32 $0x180;
	s16 =	simm.s32 $0x200;
	s17 =	simm.s32 $0x280  }
0x5: {  	s18 =	simm.s32 $0x300;
	s19 =	simm.s32 $0x380;
	s20 =	simm.s32 $0x1  }
0x6: {  	s21 =	simm.s32 $0x2;
	s22 =	simm.s32 $0x3;
	s23 =	simm.s32 $0x4  }
0x7: {  	s28 =	simm.s32 $0x7;
	s29 =	simm.s32 $0x8;
	s1 =	sand.u32 $0x1, s0  }
0x8: {  	s30 =	simm.s32 $0x0;
	s0 =	stileid.u32;
	s6 =	smul.u32 $0x5000, s1  }
0x9: {  	[smem:$0x7FF] =	sst s25;
	s3 =	sshll.u32 s1, $0x4;
	s7 =	smul.u32 $0xA000, s0  }
0xa: {  	s1 =	ssub.s32 $0x2, s1;
	s11 =	smul.u32 $0x2800, s0;
	s5 =	sor.u32 s0, s3  }
0xb: {  	_ =	strace $0x80000047;
	s26 =	sshrl.u32 s1, $0x1;
	s5 =	smul.u32 $0x500, s5  }
0xc: {  	s10 =	sadd.s32 s6, s4;
	s31 =	sshrl.u32 s7, $0x2;
	s1 =	ssub.s32 s1, s26  }
0xd: {  	s25 =	sshrl.u32 s11, $0x3;
	s26 =	simm.s32 $0x6;
	s9 =	sadd.s32 s31, s2  }
0xe: {  	s24 =	sadd.s32 $0x18600, s10;
	s10 =	smax.u32 s1, $0x1;
	s5 =	sadd.s32 s5, s4  }
0xf: {  	s6 =	sadd.s32 $0x800, s9;
	s7 =	sadd.s32 $0x1000, s9;
	s8 =	sadd.s32 $0x1800, s9  }
0x10: {  	s9 =	sadd.s32 $0x2000, s9;
	s24 =	sadd.s32 s25, s24;
	s25 =	simm.s32 $0x5  }
0x11: {  	v0 =	vimm.f32 $0.0e+00;
	v1 =	vimm.f32 $1.000000000e+00;
	s4 =	sadd.s32 $0xE600, s5;
	s5 =	sadd.s32 s11, s2;
	s11 =	simm.s32 $0x9  }
.LBB2_1:
0x12: {  	s1 =	simm.s32 $0x0  }
0x13: {  	[tilespmem:s1], [sflag:$0x9] =	stream.linear.gather [hbm4b:s4+s1], $0x2800, $0x38;
	[tilespmem:$0x5800] =	vst v63  }
0x14: {  	_ =	swait.ge [sflag:s11], $0x2800  }
0x15: {  	[sflag:s11] =	ssyncset.done $0x0  }
0x16: {  	s31 =	simm.s32 $0x0;
	s1 =	simm.s32 $0x40;
	[sflag:s11] =	ssyncadd.s32 $0xFFFFD800  }
.LBB2_2:
0x17: {  	p0 =	sne.s32 s1, $0x1FC0;
	[tilespmem:s31+$0x2800] =	vst v0;
	s31 =	smov.u32 s1;
	s1 =	sadd.s32 $0x40, s1  }
.Ltmp0:
0x18: {  	(pc) =	sbr.rel @p0 .LBB2_2-.Ltmp0, $2  }
0x19: {  	_ =	sdelay $0x2  }
0x1a: {  	s31 =	sshra.s32 s31, $0x2  }
0x1b: {  	[tilespmem:s31+$0x2800] =	vst v0  }
0x1c: {  	[spmem:s5] =	stream.linear.scatter [tilespmem:s12], [sflag:$0x9], $0x800, $0x38;
	[tilespmem:$0x5800] =	vst v63  }
0x1d: {  	_ =	swait.ge [sflag:s11], $0x800  }
0x1e: {  	[sflag:s11] =	ssyncset.done $0x0  }
0x1f: {  	[sflag:s11] =	ssyncadd.s32 $0xFFFFF800  }
0x20: {  	[spmem:s6] =	stream.linear.scatter [tilespmem:s12], [sflag:$0x9], $0x800, $0x38;
	[tilespmem:$0x5800] =	vst v63  }
0x21: {  	_ =	swait.ge [sflag:s11], $0x800  }
0x22: {  	[sflag:s11] =	ssyncset.done $0x0  }
0x23: {  	[sflag:s11] =	ssyncadd.s32 $0xFFFFF800  }
0x24: {  	[spmem:s7] =	stream.linear.scatter [tilespmem:s12], [sflag:$0x9], $0x800, $0x38;
	[tilespmem:$0x5800] =	vst v63  }
0x25: {  	_ =	swait.ge [sflag:s11], $0x800  }
0x26: {  	[sflag:s11] =	ssyncset.done $0x0  }
0x27: {  	[sflag:s11] =	ssyncadd.s32 $0xFFFFF800  }
0x28: {  	[spmem:s8] =	stream.linear.scatter [tilespmem:s12], [sflag:$0x9], $0x800, $0x38;
	[tilespmem:$0x5800] =	vst v63  }
0x29: {  	_ =	swait.ge [sflag:s11], $0x800  }
0x2a: {  	[sflag:s11] =	ssyncset.done $0x0  }
0x2b: {  	[sflag:s11] =	ssyncadd.s32 $0xFFFFF800  }
0x2c: {  	[spmem:s9] =	stream.linear.scatter [tilespmem:s12], [sflag:$0x9], $0x800, $0x38;
	[tilespmem:$0x5800] =	vst v63  }
0x2d: {  	_ =	swait.ge [sflag:s11], $0x800  }
0x2e: {  	[sflag:s11] =	ssyncset.done $0x0  }
0x2f: {  	[sflag:s11] =	ssyncadd.s32 $0xFFFFF800  }
0x30: {  	s1 =	simm.s32 $0x40;
	s31 =	simm.s32 $0x0;
	[bflag:$0x0] =	sbarrier.arrive $0xFFFF  }
.LBB2_4:
0x31: {  	p0 =	sne.s32 s1, $0x1FC0;
	[tilespmem:s31+$0x2800] =	vst v1;
	s31 =	smov.u32 s1;
	s1 =	sadd.s32 $0x40, s1  }
.Ltmp1:
0x32: {  	(pc) =	sbr.rel @p0 .LBB2_4-.Ltmp1, $2  }
0x33: {  	_ =	sdelay $0x2  }
0x34: {  	s31 =	sshra.s32 s31, $0x2  }
0x35: {  	[tilespmem:s31+$0x2800] =	vst v1;
	s1 =	simm.s32 $0x0  }
0x36: {  	[spmem:s2] =	stream.indirect.scatter.add.f32 [tilespmem:s12], [sflag:$0x1], $0x10, s1, s13, $0xb8;
	[tilespmem:$0x5800] =	vst v63  }
0x37: {  	_ = 	snop  }
0x38: {  	[spmem:s2] =	stream.indirect.scatter.add.f32 [tilespmem:s12], [sflag:$0x2], $0x10, s13, s13, $0xb8;
	[tilespmem:$0x5800] =	vst v63  }
0x39: {  	_ = 	snop  }
0x3a: {  	[spmem:s2] =	stream.indirect.scatter.add.f32 [tilespmem:s12], [sflag:$0x3], $0x10, s14, s13, $0xb8;
	[tilespmem:$0x5800] =	vst v63  }
0x3b: {  	_ = 	snop  }
0x3c: {  	[spmem:s2] =	stream.indirect.scatter.add.f32 [tilespmem:s12], [sflag:$0x4], $0x10, s15, s13, $0xb8;
	[tilespmem:$0x5800] =	vst v63  }
0x3d: {  	_ = 	snop  }
0x3e: {  	[spmem:s2] =	stream.indirect.scatter.add.f32 [tilespmem:s12], [sflag:$0x5], $0x10, s16, s13, $0xb8;
	[tilespmem:$0x5800] =	vst v63  }
0x3f: {  	_ = 	snop  }
0x40: {  	[spmem:s2] =	stream.indirect.scatter.add.f32 [tilespmem:s12], [sflag:$0x6], $0x10, s17, s13, $0xb8;
	[tilespmem:$0x5800] =	vst v63  }
0x41: {  	_ = 	snop  }
0x42: {  	[spmem:s2] =	stream.indirect.scatter.add.f32 [tilespmem:s12], [sflag:$0x7], $0x10, s18, s13, $0xb8;
	[tilespmem:$0x5800] =	vst v63  }
0x43: {  	_ = 	snop  }
0x44: {  	[spmem:s2] =	stream.indirect.scatter.add.f32 [tilespmem:s12], [sflag:$0x8], $0x10, s19, s13, $0xb8;
	[tilespmem:$0x5800] =	vst v63  }
0x45: {  	_ =	swait.ge [sflag:s20], $0x800  }
0x46: {  	[sflag:s20] =	ssyncset.done $0x0  }
0x47: {  	s3 =	simm.s32 $0x400;
	[sflag:s20] =	ssyncadd.s32 $0xFFFFF800  }
0x48: {  	[spmem:s2] =	stream.indirect.scatter.add.f32 [tilespmem:s12], [sflag:$0x1], $0x10, s3, s13, $0xb8;
	[tilespmem:$0x5800] =	vst v63  }
0x49: {  	_ =	swait.ge [sflag:s21], $0x800  }
0x4a: {  	[sflag:s21] =	ssyncset.done $0x0  }
0x4b: {  	s3 =	simm.s32 $0x480;
	[sflag:s21] =	ssyncadd.s32 $0xFFFFF800  }
0x4c: {  	[spmem:s2] =	stream.indirect.scatter.add.f32 [tilespmem:s12], [sflag:$0x2], $0x10, s3, s13, $0xb8;
	[tilespmem:$0x5800] =	vst v63  }
0x4d: {  	_ =	swait.ge [sflag:s22], $0x800  }
0x4e: {  	[sflag:s22] =	ssyncset.done $0x0  }
0x4f: {  	s3 =	simm.s32 $0x500;
	[sflag:s22] =	ssyncadd.s32 $0xFFFFF800  }
0x50: {  	[spmem:s2] =	stream.indirect.scatter.add.f32 [tilespmem:s12], [sflag:$0x3], $0x10, s3, s13, $0xb8;
	[tilespmem:$0x5800] =	vst v63  }
0x51: {  	_ =	swait.ge [sflag:s23], $0x800  }
0x52: {  	[sflag:s23] =	ssyncset.done $0x0  }
0x53: {  	s3 =	simm.s32 $0x580;
	[sflag:s23] =	ssyncadd.s32 $0xFFFFF800  }
0x54: {  	[spmem:s2] =	stream.indirect.scatter.add.f32 [tilespmem:s12], [sflag:$0x4], $0x10, s3, s13, $0xb8;
	[tilespmem:$0x5800] =	vst v63  }
0x55: {  	_ =	swait.ge [sflag:s25], $0x800  }
0x56: {  	[sflag:s25] =	ssyncset.done $0x0  }
0x57: {  	s3 =	simm.s32 $0x600;
	[sflag:s25] =	ssyncadd.s32 $0xFFFFF800  }
0x58: {  	[spmem:s2] =	stream.indirect.scatter.add.f32 [tilespmem:s12], [sflag:$0x5], $0x10, s3, s13, $0xb8;
	[tilespmem:$0x5800] =	vst v63  }
0x59: {  	_ =	swait.ge [sflag:s26], $0x800  }
0x5a: {  	[sflag:s26] =	ssyncset.done $0x0  }
0x5b: {  	s3 =	simm.s32 $0x680;
	[sflag:s26] =	ssyncadd.s32 $0xFFFFF800  }
0x5c: {  	[spmem:s2] =	stream.indirect.scatter.add.f32 [tilespmem:s12], [sflag:$0x6], $0x10, s3, s13, $0xb8;
	[tilespmem:$0x5800] =	vst v63  }
0x5d: {  	_ =	swait.ge [sflag:s28], $0x800  }
0x5e: {  	[sflag:s28] =	ssyncset.done $0x0  }
0x5f: {  	s3 =	simm.s32 $0x700;
	[sflag:s28] =	ssyncadd.s32 $0xFFFFF800  }
0x60: {  	[spmem:s2] =	stream.indirect.scatter.add.f32 [tilespmem:s12], [sflag:$0x7], $0x10, s3, s13, $0xb8;
	[tilespmem:$0x5800] =	vst v63  }
0x61: {  	_ =	swait.ge [sflag:s29], $0x800  }
0x62: {  	[sflag:s29] =	ssyncset.done $0x0  }
0x63: {  	s31 =	simm.s32 $0x1000;
	s1 =	simm.s32 $0x780;
	[sflag:s29] =	ssyncadd.s32 $0xFFFFF800  }
.LBB2_6:
0x64: {  	[spmem:s2] =	stream.indirect.scatter.add.f32 [tilespmem:s12], [sflag:$0x8], $0x10, s1, s13, $0xb8;
	[tilespmem:$0x5800] =	vst v63  }
0x65: {  	s1 =	smov.u32 s31  }
0x66: {  	p0 =	sne.s32 s31, $0x8000;
	s31 =	sadd.s32 $0x1000, s31;
	_ =	swait.ge [sflag:s20], $0x800  }
0x67: {  	s1 =	sshra.s32 s1, $0x2;
	[sflag:s20] =	ssyncset.done $0x0  }
0x68: {  	s3 =	sadd.s32 $0x400, s1;
	[sflag:s20] =	ssyncadd.s32 $0xFFFFF800  }
0x69: {  	[spmem:s2] =	stream.indirect.scatter.add.f32 [tilespmem:s12], [sflag:$0x1], $0x10, s3, s13, $0xb8;
	[tilespmem:$0x5800] =	vst v63  }
0x6a: {  	_ =	swait.ge [sflag:s21], $0x800  }
0x6b: {  	[sflag:s21] =	ssyncset.done $0x0  }
0x6c: {  	s3 =	sadd.s32 $0x480, s1;
	[sflag:s21] =	ssyncadd.s32 $0xFFFFF800  }
0x6d: {  	[spmem:s2] =	stream.indirect.scatter.add.f32 [tilespmem:s12], [sflag:$0x2], $0x10, s3, s13, $0xb8;
	[tilespmem:$0x5800] =	vst v63  }
0x6e: {  	_ =	swait.ge [sflag:s22], $0x800  }
0x6f: {  	[sflag:s22] =	ssyncset.done $0x0  }
0x70: {  	s3 =	sadd.s32 $0x500, s1;
	[sflag:s22] =	ssyncadd.s32 $0xFFFFF800  }
0x71: {  	[spmem:s2] =	stream.indirect.scatter.add.f32 [tilespmem:s12], [sflag:$0x3], $0x10, s3, s13, $0xb8;
	[tilespmem:$0x5800] =	vst v63  }
0x72: {  	_ =	swait.ge [sflag:s23], $0x800  }
0x73: {  	[sflag:s23] =	ssyncset.done $0x0  }
0x74: {  	s3 =	sadd.s32 $0x580, s1;
	[sflag:s23] =	ssyncadd.s32 $0xFFFFF800  }
0x75: {  	[spmem:s2] =	stream.indirect.scatter.add.f32 [tilespmem:s12], [sflag:$0x4], $0x10, s3, s13, $0xb8;
	[tilespmem:$0x5800] =	vst v63  }
0x76: {  	_ =	swait.ge [sflag:s25], $0x800  }
0x77: {  	[sflag:s25] =	ssyncset.done $0x0  }
0x78: {  	s3 =	sadd.s32 $0x600, s1;
	[sflag:s25] =	ssyncadd.s32 $0xFFFFF800  }
0x79: {  	[spmem:s2] =	stream.indirect.scatter.add.f32 [tilespmem:s12], [sflag:$0x5], $0x10, s3, s13, $0xb8;
	[tilespmem:$0x5800] =	vst v63  }
0x7a: {  	_ =	swait.ge [sflag:s26], $0x800  }
0x7b: {  	[sflag:s26] =	ssyncset.done $0x0  }
0x7c: {  	s3 =	sadd.s32 $0x680, s1;
	[sflag:s26] =	ssyncadd.s32 $0xFFFFF800  }
0x7d: {  	[spmem:s2] =	stream.indirect.scatter.add.f32 [tilespmem:s12], [sflag:$0x6], $0x10, s3, s13, $0xb8;
	[tilespmem:$0x5800] =	vst v63  }
0x7e: {  	_ =	swait.ge [sflag:s28], $0x800  }
0x7f: {  	[sflag:s28] =	ssyncset.done $0x0  }
.Ltmp2:
0x80: {  	s3 =	sadd.s32 $0x700, s1;
	[sflag:s28] =	ssyncadd.s32 $0xFFFFF800;
	(pc) =	sbr.rel @p0 .LBB2_6-.Ltmp2, $4  }
0x81: {  	[spmem:s2] =	stream.indirect.scatter.add.f32 [tilespmem:s12], [sflag:$0x7], $0x10, s3, s13, $0xb8;
	[tilespmem:$0x5800] =	vst v63  }
0x82: {  	_ =	swait.ge [sflag:s29], $0x800  }
0x83: {  	[sflag:s29] =	ssyncset.done $0x0  }
0x84: {  	s1 =	sadd.s32 $0x780, s1;
	[sflag:s29] =	ssyncadd.s32 $0xFFFFF800  }
0x85: {  	[spmem:s2] =	stream.indirect.scatter.add.f32 [tilespmem:s12], [sflag:$0x8], $0x10, s1, s13, $0xb8;
	[tilespmem:$0x5800] =	vst v63  }
0x86: {  	_ =	swait.ge [sflag:s20], $0x800  }
0x87: {  	[sflag:s20] =	ssyncset.done $0x0  }
0x88: {  	[sflag:s20] =	ssyncadd.s32 $0xFFFFF800  }
0x89: {  	_ =	swait.ge [sflag:s21], $0x800  }
0x8a: {  	[sflag:s21] =	ssyncset.done $0x0  }
0x8b: {  	[sflag:s21] =	ssyncadd.s32 $0xFFFFF800  }
0x8c: {  	_ =	swait.ge [sflag:s22], $0x800  }
0x8d: {  	[sflag:s22] =	ssyncset.done $0x0  }
0x8e: {  	[sflag:s22] =	ssyncadd.s32 $0xFFFFF800  }
0x8f: {  	_ =	swait.ge [sflag:s23], $0x800  }
0x90: {  	[sflag:s23] =	ssyncset.done $0x0  }
0x91: {  	[sflag:s23] =	ssyncadd.s32 $0xFFFFF800  }
0x92: {  	_ =	swait.ge [sflag:s25], $0x800  }
0x93: {  	[sflag:s25] =	ssyncset.done $0x0  }
0x94: {  	[sflag:s25] =	ssyncadd.s32 $0xFFFFF800  }
0x95: {  	_ =	swait.ge [sflag:s26], $0x800  }
0x96: {  	[sflag:s26] =	ssyncset.done $0x0  }
0x97: {  	[sflag:s26] =	ssyncadd.s32 $0xFFFFF800  }
0x98: {  	_ =	swait.ge [sflag:s28], $0x800  }
0x99: {  	[sflag:s28] =	ssyncset.done $0x0  }
0x9a: {  	[sflag:s28] =	ssyncadd.s32 $0xFFFFF800  }
0x9b: {  	_ =	swait.ge [sflag:s29], $0x800  }
0x9c: {  	s31 =	sshll.u32 s0, $0x6;
	s30 =	sadd.s32 $0x1, s30;
	[sflag:s29] =	ssyncset.done $0x0  }
0x9d: {  	s3 =	sshrl.u32 s5, $0x3;
	p0 =	sne.s32 s30, s10;
	[sflag:s29] =	ssyncadd.s32 $0xFFFFF800  }
.Ltmp3:
0x9e: {  	s1 =	sor.u32 $0x1C09, s31;
	[bflag:$0x0] =	sbarrier.arrive $0xFFFF;
	(pc) =	sbr.rel @p0 .LBB2_1-.Ltmp3, $4  }
0x9f: {  	[hbm:s24], [sflag:s1] =	dma.local [spmem:s3], $0x500  }
0xa0: {  	_ =	swait.ge [sflag:s11], $0x500  }
0xa1: {  	[sflag:s11] =	ssyncset.done $0x0  }
0xa2: {  	[sflag:s11] =	ssyncadd.s32 $0xFFFFFB00  }
0xa3: {  	_ =	sfence.sel $0x180000  }
0xa4: {  	[bflag:$0x0] =	sbarrier.arrive $0xFFFF  }
0xa5: {  	_ =	strace $0x90000047  }
0xa6: {  	[bflag:$0x2] =	sbarrier.arrive $0xFFFF  }
0xa7: {  	p0 =	sne.s32 s0, $0x0;
	s0 =	rddreg [dreg:$0x2]  }
0xa8: {  	s0 =	sadd.s32 @!p0 $0x100000, s0  }
0xa9: {  	[sflag:s0] =	ssyncadd.tile.s32 @!p0 $0x1;
	_ =	shalt  }
.Lfunc_end2:
_tile_overlayer_lowered:
.L_overlay_start_2:
0xaa: {  	(tag) =	ssettag $0x2  }
0xab: {  	s0 =	rddreg [dreg:$0x0];
	s2 =	stileid.u32  }
0xac: {  	s1 =	rddreg [dreg:$0x1];
	p0 =	sne.s32 s2, $0x0  }
0xad: {  	s3 =	rddreg [dreg:$0x2];
	[bflag:$0x3] =	sbarrier.arrive $0xFFFF;
	s2 =	simm.s32 @!p0 $0x1C09  }
0xae: {  	[timem:s3], [sflag:s2] =	dma.local @!p0 [hbm:s0], s1  }
0xaf: {  	s0 =	simm.s32 @!p0 $0x9  }
0xb0: {  	_ =	swait.ge @!p0 [sflag:s0], s1  }
0xb1: {  	s1 =	ssub.s32 @!p0 $0x0, s1;
	[sflag:s0] =	ssyncset.done @!p0 $0x0  }
0xb2: {  	[sflag:s0] =	ssyncadd.s32 @!p0 s1  }
0xb3: {  	[bflag:$0x3] =	sbarrier.arrive $0xFFFF  }
0xb4: {  	_ =	shalt  }

// kernel: kernel.14.cloned.1.call-start
scs
__scs_entry_jumppad:
0x0: {  	(pc) =	sbr.rel $0x88, $3  }
0x1: {  	(tag) =	ssettag $0x0;
	lr =	simm.s32 $0x1  }
0x2: {  	[smem:$0x3F93] =	sst lr;
	_ =	strace $0xD0000000  }
0x3: {  	_ = 	snop  }
0x4: {  	_ = 	snop  }
0x5: {  	_ = 	snop  }
0x6: {  	_ = 	snop  }
0x7: {  	_ = 	snop  }
__scs_overlays_trampoline_lowered:
0x8: {  	[smem:$0x3FA2] =	sst s0  }
0x9: {  	[smem:$0x3FA3] =	sst s1  }
0xa: {  	[smem:$0x3FA4] =	sst s2  }
0xb: {  	[smem:$0x3FA5] =	sst s3  }
0xc: {  	[smem:$0x3FA6] =	sst s4  }
0xd: {  	[smem:$0x3FA7] =	sst s5  }
0xe: {  	[smem:$0x3FA8] =	sst s6  }
0xf: {  	[smem:$0x3FA9] =	sst s7  }
0x10: {  	[smem:$0x3FAA] =	sst s8  }
0x11: {  	[smem:$0x3FAB] =	sst s9;
	s0 =	simm.s32 @!p0 $0x0  }
0x12: {  	s1 =	sld [smem:$0x3F91];
	s0 =	simm.s32 @p0 $0x1  }
0x13: {  	[smem:$0x3FAC] =	sst s0;
	s0 =	simm.s32 @!p1 $0x0  }
0x14: {  	s2 =	sld [smem:$0x3F90];
	s0 =	simm.s32 @p1 $0x1  }
0x15: {  	[smem:$0x3FAD] =	sst s0;
	s0 =	simm.s32 @!p2 $0x0  }
0x16: {  	s3 =	sld [smem:$0x3FDB];
	s0 =	simm.s32 @p2 $0x1  }
0x17: {  	s4 =	simm.s32 $0x1BF5;
	[smem:$0x3FAF] =	sst s0  }
0x18: {  	s0 =	sld [smem:$0x3F92];
	_ =	swait.ge [sflag:s4], $0x0  }
0x19: {  	s7 =	sld [smem:$0x3F93]  }
0x1a: {  	s8 =	sadd.s32 $0xFFFFE003, lr  }
0x1b: {  	s9 =	sadd.s32 $0xFFFFFEF7, lr;
	s5 =	simm.s32 $0xFFFFFFFF;
	p2 =	slt.u32 s8, $0xFFFFF086  }
0x1c: {  	p1 =	slt.u32 s9, $0xF7A;
	s5 =	simm.s32 @!p2 $0x0  }
0x1d: {  	s5 =	simm.s32 @p1 $0x1;
	p0 =	seq.s32 s7, s2  }
0x1e: {  	s7 =	smul.u32 @!p0 $0xF7A, s2;
	p2 =	seq.s32 @!p0 s5, $0x0  }
0x1f: {  	s9 =	smul.u32 $0xF7A, s1;
	s8 =	simm.s32 @!p0 $0x1BF5;
	p2 =	por !p2, p0  }
0x20: {  	[sflag:s8] =	ssyncset.s32 @!p0 $0xFFFFF086;
	s6 =	sadd.s32 @!p0 s3, s7;
	s7 =	simm.s32 @!p0 $0x108  }
0x21: {  	s3 =	sadd.s32 s3, s9;
	s6 =	sadd.s32 @!p0 $0x88, s6;
	s7 =	simm.s32 @p2 $0x1082  }
0x22: {  	[simem:s7], [sflag:s8] =	dma.local @!p0 [hbm:s6], $0xF7A  }
0x23: {  	s9 =	sor.u32 $0xD0000000, s2;
	s6 =	simm.s32 $0x108;
	_ =	swait.ge @!p0 [sflag:s8], $0x0  }
0x24: {  	s3 =	sadd.s32 $0x88, s3;
	s6 =	simm.s32 @!p1 $0x1082;
	[sflag:s4] =	ssyncset.s32 $0xFFFFF086  }
0x25: {  	[simem:s6], [sflag:s4] =	dma.local [hbm:s3], $0xF7A  }
0x26: {  	[smem:$0x3F93] =	sst s1;
	(tag) =	ssettag s2;
	_ =	strace s9  }
0x27: {  	s1 =	sld [smem:$0x3FA3]  }
0x28: {  	s2 =	sld [smem:$0x3FA4]  }
0x29: {  	s4 =	sld [smem:$0x3FA6]  }
0x2a: {  	p0 =	seq.s32 s5, $0x0;
	s5 =	sld [smem:$0x3FA7]  }
0x2b: {  	s6 =	sld [smem:$0x3FA8]  }
0x2c: {  	s7 =	sld [smem:$0x3FA9]  }
0x2d: {  	s3 =	simm.s32 $0x108;
	s8 =	sld [smem:$0x3FAA]  }
0x2e: {  	s3 =	simm.s32 @!p0 $0x1082;
	s9 =	sld [smem:$0x3FAB]  }
0x2f: {  	lr =	sadd.s32 s0, s3;
	s0 =	sld [smem:$0x3FA2]  }
0x30: {  	s3 =	sld [smem:$0x3FA5]  }
0x31: {  	[smem:$0x3FAE] =	sst s10  }
0x32: {  	s10 =	sld [smem:$0x3FAC];
	_ =	sdelay $0x3  }
0x33: {  	p0 =	seq.s32 s10, $0x1;
	s10 =	sld [smem:$0x3FAE];
	_ =	sdelay $0x3  }
0x34: {  	[smem:$0x3FAE] =	sst s10  }
0x35: {  	s10 =	sld [smem:$0x3FAD];
	_ =	sdelay $0x3  }
0x36: {  	p1 =	seq.s32 s10, $0x1;
	s10 =	sld [smem:$0x3FAE];
	_ =	sdelay $0x3  }
0x37: {  	[smem:$0x3FAE] =	sst s10  }
0x38: {  	s10 =	sld [smem:$0x3FAF]  }
0x39: {  	_ = 	snop;
	(pc) =	sbr.ind lr, $3  }
0x3a: {  	_ = 	snop  }
0x3b: {  	_ = 	snop  }
0x3c: {  	p2 =	seq.s32 s10, $0x1;
	s10 =	sld [smem:$0x3FAE]  }
0x3d: {  	_ =	shalt  }
0x3e: {  	_ =	shalt  }
0x3f: {  	_ =	shalt  }
0x40: {  	_ =	shalt  }
0x41: {  	_ =	shalt  }
0x42: {  	_ =	shalt  }
0x43: {  	_ =	shalt  }
0x44: {  	_ =	shalt  }
0x45: {  	_ =	shalt  }
0x46: {  	_ =	shalt  }
0x47: {  	_ =	shalt  }
0x48: {  	_ =	shalt  }
0x49: {  	_ =	shalt  }
0x4a: {  	_ =	shalt  }
0x4b: {  	_ =	shalt  }
0x4c: {  	_ =	shalt  }
0x4d: {  	_ =	shalt  }
0x4e: {  	_ =	shalt  }
0x4f: {  	_ =	shalt  }
0x50: {  	_ =	shalt  }
0x51: {  	_ =	shalt  }
0x52: {  	_ =	shalt  }
0x53: {  	_ =	shalt  }
0x54: {  	_ =	shalt  }
0x55: {  	_ =	shalt  }
0x56: {  	_ =	shalt  }
0x57: {  	_ =	shalt  }
0x58: {  	_ =	shalt  }
0x59: {  	_ =	shalt  }
0x5a: {  	_ =	shalt  }
0x5b: {  	_ =	shalt  }
0x5c: {  	_ =	shalt  }
0x5d: {  	_ =	shalt  }
0x5e: {  	_ =	shalt  }
0x5f: {  	_ =	shalt  }
0x60: {  	_ =	shalt  }
0x61: {  	_ =	shalt  }
0x62: {  	_ =	shalt  }
0x63: {  	_ =	shalt  }
0x64: {  	_ =	shalt  }
0x65: {  	_ =	shalt  }
0x66: {  	_ =	shalt  }
0x67: {  	_ =	shalt  }
0x68: {  	_ =	shalt  }
0x69: {  	_ =	shalt  }
0x6a: {  	_ =	shalt  }
0x6b: {  	_ =	shalt  }
0x6c: {  	_ =	shalt  }
0x6d: {  	_ =	shalt  }
0x6e: {  	_ =	shalt  }
0x6f: {  	_ =	shalt  }
0x70: {  	_ =	shalt  }
0x71: {  	_ =	shalt  }
0x72: {  	_ =	shalt  }
0x73: {  	_ =	shalt  }
0x74: {  	_ =	shalt  }
0x75: {  	_ =	shalt  }
0x76: {  	_ =	shalt  }
0x77: {  	_ =	shalt  }
0x78: {  	_ =	shalt  }
0x79: {  	_ =	shalt  }
0x7a: {  	_ =	shalt  }
0x7b: {  	_ =	shalt  }
0x7c: {  	_ =	shalt  }
0x7d: {  	_ =	shalt  }
0x7e: {  	_ =	shalt  }
0x7f: {  	_ =	shalt  }
0x80: {  	_ =	shalt  }
0x81: {  	_ =	shalt  }
0x82: {  	_ =	shalt  }
0x83: {  	_ =	shalt  }
0x84: {  	_ =	shalt  }
0x85: {  	_ =	shalt  }
0x86: {  	_ =	shalt  }
0x87: {  	_ =	shalt  }
.Lfunc_end0:
.L_simem_size_0:
called_computation.1_lowered:
.L_overlay_start_0:
0x88: {  	s2 =	sld [smem:$0x3FD9]  }
0x89: {  	s3 =	sld [smem:$0x3FFE];
	_ =	sdelay $0x1  }
0x8a: {  	s1 =	srdreg.scid  }
0x8b: {  	s0 =	sand.u32 $0x1, s1  }
0x8c: {  	s16 =	sshll.u32 s0, $0xA;
	s2 =	sadd.s32 s3, s2  }
0x8d: {  	s2 =	sadd.s32 s2, s16  }
0x8e: {  	[smem:$0x3FBA] =	sst s2  }
0x8f: {  	_ = 	snop  }
0x90: {  	(tm) =	ssettm $0x1  }
0x91: {  	s17 =	sld [smem:$0x3FFB];
	_ =	sdelay $0x3  }
0x92: {  	_ =	strace s17  }
0x93: {  	s2 =	sld [smem:$0x3FFC];
	_ =	sdelay $0x3  }
0x94: {  	_ =	strace s2  }
0x95: {  	s2 =	sld [smem:$0x3FFD];
	_ =	sdelay $0x3  }
0x96: {  	_ =	strace s2  }
0x97: {  	_ =	strace $0x8FFFFFFF  }
0x98: {  	s18 =	sld [smem:$0x3FDB];
	_ =	sdelay $0x1  }
0x99: {  	s19 =	simm.s32 $_scs_section_size  }
0x9a: {  	s4 =	simm.s32 $_size__tile_overlayer_lowered;
	s5 =	simm.s32 $_tile_overlayer_lowered  }
0x9b: {  	s22 =	simm.s32 $0x1BFF;
	s21 =	sshll.u32 s5, $0x1;
	s2 =	sadd.s32 s19, s18  }
0x9c: {  	s6 =	simm.s32 $0x0;
	s20 =	sshll.u32 s4, $0x1;
	s4 =	sadd.s32 s21, s2  }
0x9d: {  	[timem:s6], [sflag:s22] =	dma.local [hbm:s4], s20  }
0x9e: {  	_ =	swait.ge [sflag:s22], s20  }
0x9f: {  	s3 =	ssub.s32 $0x0, s20;
	[sflag:s22] =	ssyncset.done $0x0  }
0xa0: {  	[sflag:s22] =	ssyncadd.s32 s3;
	_ =	sdelay $0x1  }
0xa1: {  	s23 =	simm.s32 $0x1B8B  }
0xa2: {  	_ =	swait.ge [sflag:s23], $0x1  }
0xa3: {  	[sflag:s23] =	ssyncset.done $0x0  }
0xa4: {  	s25 =	simm.s32 $0x1B8E;
	s24 =	sld [smem:$0x3FFE];
	[sflag:s23] =	ssyncadd.s32 $0xFFFFFFFF  }
0xa5: {  	s26 =	simm.s32 $execute0_lowered;
	[smem:$0x3FD2] =	sst s25  }
0xa6: {  	s4 =	sshll.u32 s26, $0x1;
	_ =	strace $0x80000049;
	[dreg:$0x1] =	wrdreg $0xFFFFFFFF  }
0xa7: {  	s28 =	simm.s32 $_size_execute0_lowered;
	s2 =	sadd.s32 s2, s4;
	[dreg:$0x0] =	wrdreg $0x0  }
0xa8: {  	s4 =	sshll.u32 s28, $0x1;
	[dreg:$0x2] =	wrdreg s2  }
0xa9: {  	[dreg:$0x3] =	wrdreg s4  }
0xaa: {  	[dreg:$0x4] =	wrdreg $0xC0  }
0xab: {  	_ =	task [dreg:s6], $0x5FFFF  }
0xac: {  	[dreg:$0x1] =	wrdreg $0xFFFFFFFF  }
0xad: {  	[dreg:$0x0] =	wrdreg $0x60  }
0xae: {  	[dreg:$0x2] =	wrdreg s24  }
0xaf: {  	[dreg:$0x3] =	wrdreg $0x98000  }
0xb0: {  	[dreg:$0x4] =	wrdreg $0x9  }
0xb1: {  	_ =	task.clear_ibuf [dreg:s6], $0x5FFFF;
	_ =	strace $0x90000049  }
0xb2: {  	s29 =	simm.s32 $0x9;
	_ =	strace $0x8000004B  }
0xb3: {  	_ =	swait.ge [sflag:s29], $0x1  }
0xb4: {  	[sflag:s29] =	ssyncadd.s32 $0xFFFFFFFF  }
0xb5: {  	_ =	strace $0x9000004B  }
0xb6: {  	_ =	sfence  }
0xb7: {  	s30 =	sld [smem:$0x0];
	_ =	sdelay $0x2  }
0xb8: {  	s31 =	sshll.u32 s1, $0xD;
	s1 =	sshrl.u32 s1, $0x2  }
0xb9: {  	s3 =	sand.u32 $0x4000, s31;
	s1 =	sadd.s32 s1, s30  }
0xba: {  	s0 =	sor.u32 s3, s0;
	s1 =	sshll.u32 s1, $0x11  }
0xbb: {  	s0 =	sor.u32 s1, s0  }
0xbc: {  	s0 =	sadd.s32 $0x8F2B, s0  }
0xbd: {  	[sflag:s0] =	ssyncadd.remote.s32 $0x1  }
0xbe: {  	_ =	sfence.sel $0xFFFF  }
0xbf: {  	[dreg:$0x0] =	wrdreg $0xFFFFFFFF;
	(pc) =	sbr.abs _section_cstart, $3  }
0xc0: {  	[dreg:$0x1] =	wrdreg $0xFFFFFFFF  }
0xc1: {  	_ =	task.clear_ibuf [dreg:s6], $0x2FFFF;
	_ =	strace $0x9FFFFFFF  }
0xc2: {  	(tm) =	ssettm $0x7FFFFFFF  }
0xc3: {  	_ =	shalt  }
tec
execute0_lowered:
.L_overlay_start_1:
0x0: {  	(tag) =	ssettag $0x1  }
0x1: {  	s0 =	srdreg.scid;
	s1 =	rddreg [dreg:$0x0]  }
0x2: {  	s2 =	rddreg [dreg:$0x1];
	s9 =	stileid.u32;
	s4 =	simm.s32 $0x0  }
0x3: {  	s12 =	simm.s32 $0x9;
	s15 =	simm.s32 $0x9000;
	s16 =	simm.s32 $0x80  }
0x4: {  	s17 =	simm.s32 $0x5000;
	s20 =	simm.s32 $0x6000;
	s25 =	simm.s32 $0x7000  }
0x5: {  	s30 =	simm.s32 $0x8000;
	s14 =	simm.s32 $0x3;
	s18 =	simm.s32 $0x5  }
0x6: {  	s19 =	simm.s32 $0x7;
	s21 =	simm.s32 $0x8;
	s22 =	simm.s32 $0x0  }
0x7: {  	s0 =	sand.u32 $0x1, s0;
	[smem:$0x7FF] =	sst s4;
	s7 =	smul.u32 $0xA000, s9  }
0x8: {  	s4 =	sadd.s32 $0x18600, s1;
	s11 =	smul.u32 $0x2800, s9;
	s3 =	sshll.u32 s0, $0x4  }
0x9: {  	_ =	strace $0x8000004A;
	s5 =	smul.u32 $0x5000, s0;
	s0 =	ssub.s32 $0x2, s0  }
0xa: {  	s3 =	sor.u32 s9, s3;
	s8 =	sshrl.u32 s0, $0x1;
	s7 =	sshrl.u32 s7, $0x2  }
0xb: {  	s31 =	sshrl.u32 s11, $0x3;
	s3 =	smul.u32 $0x500, s3;
	s7 =	sadd.s32 s7, s2  }
0xc: {  	s5 =	sadd.s32 s5, s1;
	s0 =	ssub.s32 s0, s8;
	s26 =	sadd.s32 $0x800, s7  }
0xd: {  	s28 =	sadd.s32 $0x1000, s7;
	s29 =	sadd.s32 $0x1800, s7;
	s10 =	sadd.s32 $0x2000, s7  }
.Ltmp0:
0xe: {  	s5 =	sadd.s32 $0x1D600, s5;
	[dreg:$0x4] =	wrdreg s26;
	(pc) =	sbr.rel .LBB2_1-.Ltmp0, $4  }
0xf: {  	s6 =	sadd.s32 s3, s1;
	s1 =	sadd.s32 $0xE600, s1;
	[dreg:$0x5] =	wrdreg s28  }
0x10: {  	[dreg:$0x6] =	wrdreg s29;
	s24 =	sadd.s32 s31, s5;
	s6 =	sadd.s32 $0x4600, s6  }
0x11: {  	s13 =	sadd.s32 s3, s1;
	s1 =	simm.s32 $0x1;
	[dreg:$0x3] =	wrdreg s6  }
0x12: {  	v0 =	vimm.f32 $0.0e+00;
	s6 =	sadd.s32 s11, s2;
	s11 =	smax.u32 s0, $0x1;
	s0 =	simm.s32 $0x8800  }
.LBB2_6:
0x13: {  	_ =	swait.ge [sflag:s21], $0x800  }
0x14: {  	[sflag:s21] =	ssyncset.done $0x0  }
0x15: {  	[sflag:s21] =	ssyncadd.s32 $0xFFFFF800  }
0x16: {  	[spmem:s2] =	stream.indirect.scatter.add.f32 [tilespmem:s0], [sflag:$0x9], $0x10, s3, s16, $0xb8;
	[tilespmem:$0xC000] =	vst v63  }
0x17: {  	s31 =	stileid.u32;
	_ =	swait.ge [sflag:s12], $0x800  }
0x18: {  	s5 =	sshrl.u32 s6, $0x3;
	s22 =	sadd.s32 $0x1, s22;
	[sflag:s12] =	ssyncset.done $0x0  }
0x19: {  	p0 =	sne.s32 s22, s11;
	s3 =	sshll.u32 s31, $0x6;
	[sflag:s12] =	ssyncadd.s32 $0xFFFFF800  }
.Ltmp1:
0x1a: {  	s3 =	sor.u32 $0x1C09, s3;
	[bflag:$0x0] =	sbarrier.arrive $0xFFFF;
	(pc) =	sbr.rel @!p0 .LBB2_7-.Ltmp1, $4  }
0x1b: {  	[hbm:s24], [sflag:s3] =	dma.local [spmem:s5], $0x500  }
0x1c: {  	_ =	swait.ge [sflag:s12], $0x500  }
0x1d: {  	[sflag:s12] =	ssyncset.done $0x0  }
0x1e: {  	[sflag:s12] =	ssyncadd.s32 $0xFFFFFB00  }
.LBB2_1:
0x1f: {  	s3 =	simm.s32 $0x0;
	s5 =	rddreg [dreg:$0x3]  }
0x20: {  	[tilespmem:s3], [sflag:$0x9] =	stream.linear.gather [hbm4b:s5+s3], $0x2800, $0x38;
	[tilespmem:$0xC000] =	vst v63  }
0x21: {  	_ =	swait.ge [sflag:s12], $0x2800  }
0x22: {  	[sflag:s12] =	ssyncset.done $0x0  }
0x23: {  	s31 =	simm.s32 $0x2800;
	[sflag:s12] =	ssyncadd.s32 $0xFFFFD800  }
0x24: {  	[tilespmem:s31], [sflag:$0x9] =	stream.linear.gather [hbm4b:s13+s3], $0x2800, $0x38;
	[tilespmem:$0xC000] =	vst v63  }
0x25: {  	_ =	swait.ge [sflag:s12], $0x2800  }
0x26: {  	[sflag:s12] =	ssyncset.done $0x0  }
0x27: {  	s5 =	simm.s32 $0x0;
	s3 =	simm.s32 $0x40;
	[sflag:s12] =	ssyncadd.s32 $0xFFFFD800  }
.LBB2_2:
0x28: {  	p0 =	sne.s32 s3, $0x1FC0;
	[tilespmem:s5+$0x9000] =	vst v0;
	s5 =	smov.u32 s3;
	s3 =	sadd.s32 $0x40, s3  }
.Ltmp2:
0x29: {  	(pc) =	sbr.rel @p0 .LBB2_2-.Ltmp2, $2  }
0x2a: {  	_ =	sdelay $0x2  }
0x2b: {  	s5 =	sshra.s32 s5, $0x2  }
0x2c: {  	[tilespmem:s5+$0x9000] =	vst v0  }
0x2d: {  	[spmem:s6] =	stream.linear.scatter [tilespmem:s15], [sflag:$0x9], $0x800, $0x38;
	[tilespmem:$0xC000] =	vst v63  }
0x2e: {  	_ =	swait.ge [sflag:s12], $0x800  }
0x2f: {  	[sflag:s12] =	ssyncset.done $0x0  }
0x30: {  	s3 =	rddreg [dreg:$0x4];
	[sflag:s12] =	ssyncadd.s32 $0xFFFFF800  }
0x31: {  	[spmem:s3] =	stream.linear.scatter [tilespmem:s15], [sflag:$0x9], $0x800, $0x38;
	[tilespmem:$0xC000] =	vst v63  }
0x32: {  	_ =	swait.ge [sflag:s12], $0x800  }
0x33: {  	[sflag:s12] =	ssyncset.done $0x0  }
0x34: {  	s28 =	rddreg [dreg:$0x5];
	[sflag:s12] =	ssyncadd.s32 $0xFFFFF800  }
0x35: {  	[spmem:s28] =	stream.linear.scatter [tilespmem:s15], [sflag:$0x9], $0x800, $0x38;
	[tilespmem:$0xC000] =	vst v63  }
0x36: {  	_ =	swait.ge [sflag:s12], $0x800  }
0x37: {  	[sflag:s12] =	ssyncset.done $0x0  }
0x38: {  	s29 =	rddreg [dreg:$0x6];
	[sflag:s12] =	ssyncadd.s32 $0xFFFFF800  }
0x39: {  	[spmem:s29] =	stream.linear.scatter [tilespmem:s15], [sflag:$0x9], $0x800, $0x38;
	[tilespmem:$0xC000] =	vst v63  }
0x3a: {  	_ =	swait.ge [sflag:s12], $0x800  }
0x3b: {  	[sflag:s12] =	ssyncset.done $0x0  }
0x3c: {  	[sflag:s12] =	ssyncadd.s32 $0xFFFFF800  }
0x3d: {  	[spmem:s10] =	stream.linear.scatter [tilespmem:s15], [sflag:$0x9], $0x800, $0x38;
	[tilespmem:$0xC000] =	vst v63  }
0x3e: {  	_ =	swait.ge [sflag:s12], $0x800  }
0x3f: {  	[sflag:s12] =	ssyncset.done $0x0  }
0x40: {  	[sflag:s12] =	ssyncadd.s32 $0xFFFFF800  }
0x41: {  	s23 =	simm.s32 $0x0;
	[bflag:$0x0] =	sbarrier.arrive $0xFFFF  }
0x42: {  	[tilespmem:s17], [sflag:$0x1] =	stream.indirect.gather [hbm4b:s4+s16], $0x10, s23, s16, $0xb8;
	[tilespmem:$0xC000] =	vst v63  }
0x43: {  	s31 =	simm.s32 $0x5800  }
0x44: {  	[tilespmem:s31], [sflag:$0x2] =	stream.indirect.gather [hbm4b:s4+s16], $0x10, s16, s16, $0xb8;
	[tilespmem:$0xC000] =	vst v63  }
0x45: {  	s5 =	simm.s32 $0x100  }
0x46: {  	[tilespmem:s20], [sflag:$0x3] =	stream.indirect.gather [hbm4b:s4+s16], $0x10, s5, s16, $0xb8;
	[tilespmem:$0xC000] =	vst v63  }
0x47: {  	s7 =	simm.s32 $0x180;
	s8 =	simm.s32 $0x6800  }
0x48: {  	[tilespmem:s8], [sflag:$0x4] =	stream.indirect.gather [hbm4b:s4+s16], $0x10, s7, s16, $0xb8;
	[tilespmem:$0xC000] =	vst v63  }
0x49: {  	s9 =	simm.s32 $0x200  }
0x4a: {  	[tilespmem:s25], [sflag:$0x5] =	stream.indirect.gather [hbm4b:s4+s16], $0x10, s9, s16, $0xb8;
	[tilespmem:$0xC000] =	vst v63  }
0x4b: {  	s26 =	simm.s32 $0x280;
	s28 =	simm.s32 $0x7800  }
0x4c: {  	[tilespmem:s28], [sflag:$0x6] =	stream.indirect.gather [hbm4b:s4+s16], $0x10, s26, s16, $0xb8;
	[tilespmem:$0xC000] =	vst v63  }
0x4d: {  	s29 =	simm.s32 $0x300  }
0x4e: {  	[tilespmem:s30], [sflag:$0x7] =	stream.indirect.gather [hbm4b:s4+s16], $0x10, s29, s16, $0xb8;
	[tilespmem:$0xC000] =	vst v63  }
0x4f: {  	s31 =	simm.s32 $0x380  }
0x50: {  	[tilespmem:s0], [sflag:$0x8] =	stream.indirect.gather [hbm4b:s4+s16], $0x10, s31, s16, $0xb8;
	[tilespmem:$0xC000] =	vst v63  }
.LBB2_4:
0x51: {  	_ =	swait.ge [sflag:s1], $0x800  }
0x52: {  	s26 =	sshra.s32 s23, $0x2;
	[sflag:s1] =	ssyncset.done $0x0  }
0x53: {  	s3 =	sadd.s32 $0x2800, s26;
	[sflag:s1] =	ssyncadd.s32 $0xFFFFF800  }
0x54: {  	[spmem:s2] =	stream.indirect.scatter.add.f32 [tilespmem:s17], [sflag:$0x9], $0x10, s3, s16, $0xb8;
	[tilespmem:$0xC000] =	vst v63  }
0x55: {  	_ =	swait.ge [sflag:s12], $0x800  }
0x56: {  	p0 =	seq.s32 s23, $0x9000;
	[sflag:s12] =	ssyncset.done $0x0  }
0x57: {  	s3 =	simm.s32 @p0 $0x2;
	[sflag:s12] =	ssyncadd.s32 $0xFFFFF800  }
0x58: {  	_ =	swait.ge @p0 [sflag:s3], $0x800  }
0x59: {  	s31 =	sshra.s32 @p0 s23, $0x2;
	s7 =	simm.s32 @p0 $0x5800;
	[sflag:s3] =	ssyncset.done @p0 $0x0  }
0x5a: {  	s5 =	sadd.s32 @p0 $0x2880, s31;
	[sflag:s3] =	ssyncadd.s32 @p0 $0xFFFFF800;
	s3 =	simm.s32 @p0 $0x80  }
0x5b: {  	[spmem:s2] =	stream.indirect.scatter.add.f32 @p0 [tilespmem:s7], [sflag:$0x9], $0x10, s5, s3, $0xb8;
	[tilespmem:$0xC000] =	vst v63  }
0x5c: {  	s5 =	simm.s32 @p0 $0x9  }
0x5d: {  	_ =	swait.ge @p0 [sflag:s5], $0x800  }
0x5e: {  	s28 =	sshra.s32 @!p0 s23, $0x2;
	s29 =	simm.s32 @!p0 $0x80;
	[sflag:s5] =	ssyncset.done @p0 $0x0  }
0x5f: {  	s8 =	simm.s32 @!p0 $0x5000;
	s7 =	sadd.s32 @!p0 $0x400, s28;
	[sflag:s5] =	ssyncadd.s32 @p0 $0xFFFFF800  }
0x60: {  	[tilespmem:s8], [sflag:$0x1] =	stream.indirect.gather @!p0 [hbm4b:s4+s29], $0x10, s7, s29, $0xb8;
	[tilespmem:$0xC000] =	vst v63  }
0x61: {  	s7 =	simm.s32 @!p0 $0x2  }
0x62: {  	_ =	swait.ge @!p0 [sflag:s7], $0x800  }
0x63: {  	[sflag:s7] =	ssyncset.done @!p0 $0x0  }
0x64: {  	s8 =	simm.s32 @!p0 $0x5800;
	[sflag:s7] =	ssyncadd.s32 @!p0 $0xFFFFF800;
	s7 =	sadd.s32 @!p0 $0x2880, s28  }
0x65: {  	[spmem:s2] =	stream.indirect.scatter.add.f32 @!p0 [tilespmem:s8], [sflag:$0x9], $0x10, s7, s29, $0xb8;
	[tilespmem:$0xC000] =	vst v63  }
0x66: {  	s7 =	simm.s32 @!p0 $0x9  }
0x67: {  	_ =	swait.ge @!p0 [sflag:s7], $0x800  }
0x68: {  	[sflag:s7] =	ssyncset.done @!p0 $0x0  }
0x69: {  	s9 =	sadd.s32 @!p0 $0x480, s28;
	[sflag:s7] =	ssyncadd.s32 @!p0 $0xFFFFF800  }
0x6a: {  	[tilespmem:s8], [sflag:$0x2] =	stream.indirect.gather @!p0 [hbm4b:s4+s29], $0x10, s9, s29, $0xb8;
	[tilespmem:$0xC000] =	vst v63  }
0x6b: {  	_ =	swait.ge [sflag:s14], $0x800  }
0x6c: {  	[sflag:s14] =	ssyncset.done $0x0  }
0x6d: {  	s9 =	sadd.s32 $0x2900, s26;
	[sflag:s14] =	ssyncadd.s32 $0xFFFFF800  }
0x6e: {  	[spmem:s2] =	stream.indirect.scatter.add.f32 [tilespmem:s20], [sflag:$0x9], $0x10, s9, s16, $0xb8;
	[tilespmem:$0xC000] =	vst v63  }
0x6f: {  	_ =	swait.ge [sflag:s12], $0x800  }
0x70: {  	[sflag:s12] =	ssyncset.done $0x0  }
0x71: {  	s8 =	simm.s32 @p0 $0x4;
	[sflag:s12] =	ssyncadd.s32 $0xFFFFF800  }
0x72: {  	_ =	swait.ge @p0 [sflag:s8], $0x800  }
0x73: {  	[sflag:s8] =	ssyncset.done @p0 $0x0  }
0x74: {  	s9 =	simm.s32 @p0 $0x6800;
	[sflag:s8] =	ssyncadd.s32 @p0 $0xFFFFF800;
	s8 =	sadd.s32 @p0 $0x2980, s31  }
0x75: {  	[spmem:s2] =	stream.indirect.scatter.add.f32 @p0 [tilespmem:s9], [sflag:$0x9], $0x10, s8, s3, $0xb8;
	[tilespmem:$0xC000] =	vst v63  }
0x76: {  	_ =	swait.ge @p0 [sflag:s5], $0x800  }
0x77: {  	[sflag:s5] =	ssyncset.done @p0 $0x0  }
0x78: {  	s8 =	sadd.s32 @!p0 $0x500, s28;
	s9 =	simm.s32 @!p0 $0x6000;
	[sflag:s5] =	ssyncadd.s32 @p0 $0xFFFFF800  }
0x79: {  	[tilespmem:s9], [sflag:$0x3] =	stream.indirect.gather @!p0 [hbm4b:s4+s29], $0x10, s8, s29, $0xb8;
	[tilespmem:$0xC000] =	vst v63  }
0x7a: {  	s8 =	simm.s32 @!p0 $0x4  }
0x7b: {  	_ =	swait.ge @!p0 [sflag:s8], $0x800  }
0x7c: {  	[sflag:s8] =	ssyncset.done @!p0 $0x0  }
0x7d: {  	s9 =	simm.s32 @!p0 $0x6800;
	[sflag:s8] =	ssyncadd.s32 @!p0 $0xFFFFF800;
	s8 =	sadd.s32 @!p0 $0x2980, s28  }
0x7e: {  	[spmem:s2] =	stream.indirect.scatter.add.f32 @!p0 [tilespmem:s9], [sflag:$0x9], $0x10, s8, s29, $0xb8;
	[tilespmem:$0xC000] =	vst v63  }
0x7f: {  	_ =	swait.ge @!p0 [sflag:s7], $0x800  }
0x80: {  	[sflag:s7] =	ssyncset.done @!p0 $0x0  }
0x81: {  	s8 =	sadd.s32 @!p0 $0x580, s28;
	[sflag:s7] =	ssyncadd.s32 @!p0 $0xFFFFF800  }
0x82: {  	[tilespmem:s9], [sflag:$0x4] =	stream.indirect.gather @!p0 [hbm4b:s4+s29], $0x10, s8, s29, $0xb8;
	[tilespmem:$0xC000] =	vst v63  }
0x83: {  	_ =	swait.ge [sflag:s18], $0x800  }
0x84: {  	[sflag:s18] =	ssyncset.done $0x0  }
0x85: {  	s9 =	sadd.s32 $0x2A00, s26;
	[sflag:s18] =	ssyncadd.s32 $0xFFFFF800  }
0x86: {  	[spmem:s2] =	stream.indirect.scatter.add.f32 [tilespmem:s25], [sflag:$0x9], $0x10, s9, s16, $0xb8;
	[tilespmem:$0xC000] =	vst v63  }
0x87: {  	_ =	swait.ge [sflag:s12], $0x800  }
0x88: {  	[sflag:s12] =	ssyncset.done $0x0  }
0x89: {  	s8 =	simm.s32 @p0 $0x6;
	[sflag:s12] =	ssyncadd.s32 $0xFFFFF800  }
0x8a: {  	_ =	swait.ge @p0 [sflag:s8], $0x800  }
0x8b: {  	[sflag:s8] =	ssyncset.done @p0 $0x0  }
0x8c: {  	s9 =	simm.s32 @p0 $0x7800;
	[sflag:s8] =	ssyncadd.s32 @p0 $0xFFFFF800;
	s8 =	sadd.s32 @p0 $0x2A80, s31  }
0x8d: {  	[spmem:s2] =	stream.indirect.scatter.add.f32 @p0 [tilespmem:s9], [sflag:$0x9], $0x10, s8, s3, $0xb8;
	[tilespmem:$0xC000] =	vst v63  }
0x8e: {  	_ =	swait.ge @p0 [sflag:s5], $0x800  }
0x8f: {  	[sflag:s5] =	ssyncset.done @p0 $0x0  }
0x90: {  	s3 =	sadd.s32 @!p0 $0x600, s28;
	[sflag:s5] =	ssyncadd.s32 @p0 $0xFFFFF800;
	s5 =	simm.s32 @!p0 $0x7000  }
0x91: {  	[tilespmem:s5], [sflag:$0x5] =	stream.indirect.gather @!p0 [hbm4b:s4+s29], $0x10, s3, s29, $0xb8;
	[tilespmem:$0xC000] =	vst v63  }
0x92: {  	s3 =	simm.s32 @!p0 $0x6  }
0x93: {  	_ =	swait.ge @!p0 [sflag:s3], $0x800  }
0x94: {  	[sflag:s3] =	ssyncset.done @!p0 $0x0  }
0x95: {  	s5 =	simm.s32 @!p0 $0x7800;
	[sflag:s3] =	ssyncadd.s32 @!p0 $0xFFFFF800;
	s3 =	sadd.s32 @!p0 $0x2A80, s28  }
0x96: {  	[spmem:s2] =	stream.indirect.scatter.add.f32 @!p0 [tilespmem:s5], [sflag:$0x9], $0x10, s3, s29, $0xb8;
	[tilespmem:$0xC000] =	vst v63  }
0x97: {  	_ =	swait.ge @!p0 [sflag:s7], $0x800  }
0x98: {  	[sflag:s7] =	ssyncset.done @!p0 $0x0  }
0x99: {  	s3 =	sadd.s32 @!p0 $0x680, s28;
	[sflag:s7] =	ssyncadd.s32 @!p0 $0xFFFFF800  }
0x9a: {  	[tilespmem:s5], [sflag:$0x6] =	stream.indirect.gather @!p0 [hbm4b:s4+s29], $0x10, s3, s29, $0xb8;
	[tilespmem:$0xC000] =	vst v63  }
0x9b: {  	_ =	swait.ge [sflag:s19], $0x800  }
0x9c: {  	[sflag:s19] =	ssyncset.done $0x0  }
.Ltmp3:
0x9d: {  	s31 =	sadd.s32 $0x2B00, s26;
	[sflag:s19] =	ssyncadd.s32 $0xFFFFF800;
	(pc) =	sbr.rel @p0 .LBB2_6-.Ltmp3, $4  }
0x9e: {  	[spmem:s2] =	stream.indirect.scatter.add.f32 [tilespmem:s30], [sflag:$0x9], $0x10, s31, s16, $0xb8;
	[tilespmem:$0xC000] =	vst v63  }
0x9f: {  	_ =	swait.ge [sflag:s12], $0x800  }
0xa0: {  	[sflag:s12] =	ssyncset.done $0x0  }
0xa1: {  	s3 =	sadd.s32 $0x2B80, s26;
	[sflag:s12] =	ssyncadd.s32 $0xFFFFF800  }
0xa2: {  	s5 =	sadd.s32 $0x700, s26  }
0xa3: {  	[tilespmem:s30], [sflag:$0x7] =	stream.indirect.gather [hbm4b:s4+s16], $0x10, s5, s16, $0xb8;
	[tilespmem:$0xC000] =	vst v63  }
0xa4: {  	_ =	swait.ge [sflag:s21], $0x800  }
0xa5: {  	[sflag:s21] =	ssyncset.done $0x0  }
0xa6: {  	[sflag:s21] =	ssyncadd.s32 $0xFFFFF800  }
0xa7: {  	[spmem:s2] =	stream.indirect.scatter.add.f32 [tilespmem:s0], [sflag:$0x9], $0x10, s3, s16, $0xb8;
	[tilespmem:$0xC000] =	vst v63  }
.Ltmp4:
0xa8: {  	_ = 	snop;
	(pc) =	sbr.rel .LBB2_4-.Ltmp4, $4  }
0xa9: {  	_ =	swait.ge [sflag:s12], $0x800  }
0xaa: {  	[sflag:s12] =	ssyncset.done $0x0  }
0xab: {  	s31 =	sadd.s32 $0x780, s26;
	s23 =	sadd.s32 $0x1000, s23;
	[sflag:s12] =	ssyncadd.s32 $0xFFFFF800  }
0xac: {  	[tilespmem:s0], [sflag:$0x8] =	stream.indirect.gather [hbm4b:s4+s16], $0x10, s31, s16, $0xb8;
	[tilespmem:$0xC000] =	vst v63  }
.LBB2_7:
0xad: {  	_ =	sfence.sel $0x180000  }
0xae: {  	[bflag:$0x0] =	sbarrier.arrive $0xFFFF  }
0xaf: {  	_ =	strace $0x9000004A  }
0xb0: {  	s0 =	stileid.u32;
	[bflag:$0x2] =	sbarrier.arrive $0xFFFF  }
0xb1: {  	p0 =	sne.s32 s0, $0x0;
	s0 =	rddreg [dreg:$0x2]  }
0xb2: {  	s0 =	sadd.s32 @!p0 $0x100000, s0  }
0xb3: {  	[sflag:s0] =	ssyncadd.tile.s32 @!p0 $0x1;
	_ =	shalt  }
.Lfunc_end2:
_tile_overlayer_lowered:
.L_overlay_start_2:
0xb4: {  	(tag) =	ssettag $0x2  }
0xb5: {  	s0 =	rddreg [dreg:$0x0];
	s2 =	stileid.u32  }
0xb6: {  	s1 =	rddreg [dreg:$0x1];
	p0 =	sne.s32 s2, $0x0  }
0xb7: {  	s3 =	rddreg [dreg:$0x2];
	[bflag:$0x3] =	sbarrier.arrive $0xFFFF;
	s2 =	simm.s32 @!p0 $0x1C09  }
0xb8: {  	[timem:s3], [sflag:s2] =	dma.local @!p0 [hbm:s0], s1  }
0xb9: {  	s0 =	simm.s32 @!p0 $0x9  }
0xba: {  	_ =	swait.ge @!p0 [sflag:s0], s1  }
0xbb: {  	s1 =	ssub.s32 @!p0 $0x0, s1;
	[sflag:s0] =	ssyncset.done @!p0 $0x0  }
0xbc: {  	[sflag:s0] =	ssyncadd.s32 @!p0 s1  }
0xbd: {  	[bflag:$0x3] =	sbarrier.arrive $0xFFFF  }
0xbe: {  	_ =	shalt  }

// kernel: kernel.17.cloned.1.call-start
scs
__scs_entry_jumppad:
0x0: {  	(pc) =	sbr.rel $0x88, $3  }
0x1: {  	(tag) =	ssettag $0x0;
	lr =	simm.s32 $0x1  }
0x2: {  	[smem:$0x3F93] =	sst lr;
	_ =	strace $0xD0000000  }
0x3: {  	_ = 	snop  }
0x4: {  	_ = 	snop  }
0x5: {  	_ = 	snop  }
0x6: {  	_ = 	snop  }
0x7: {  	_ = 	snop  }
__scs_overlays_trampoline_lowered:
0x8: {  	[smem:$0x3FA2] =	sst s0  }
0x9: {  	[smem:$0x3FA3] =	sst s1  }
0xa: {  	[smem:$0x3FA4] =	sst s2  }
0xb: {  	[smem:$0x3FA5] =	sst s3  }
0xc: {  	[smem:$0x3FA6] =	sst s4  }
0xd: {  	[smem:$0x3FA7] =	sst s5  }
0xe: {  	[smem:$0x3FA8] =	sst s6  }
0xf: {  	[smem:$0x3FA9] =	sst s7  }
0x10: {  	[smem:$0x3FAA] =	sst s8  }
0x11: {  	[smem:$0x3FAB] =	sst s9;
	s0 =	simm.s32 @!p0 $0x0  }
0x12: {  	s1 =	sld [smem:$0x3F91];
	s0 =	simm.s32 @p0 $0x1  }
0x13: {  	[smem:$0x3FAC] =	sst s0;
	s0 =	simm.s32 @!p1 $0x0  }
0x14: {  	s2 =	sld [smem:$0x3F90];
	s0 =	simm.s32 @p1 $0x1  }
0x15: {  	[smem:$0x3FAD] =	sst s0;
	s0 =	simm.s32 @!p2 $0x0  }
0x16: {  	s3 =	sld [smem:$0x3FDB];
	s0 =	simm.s32 @p2 $0x1  }
0x17: {  	s4 =	simm.s32 $0x1BF5;
	[smem:$0x3FAF] =	sst s0  }
0x18: {  	s0 =	sld [smem:$0x3F92];
	_ =	swait.ge [sflag:s4], $0x0  }
0x19: {  	s7 =	sld [smem:$0x3F93]  }
0x1a: {  	s8 =	sadd.s32 $0xFFFFE003, lr  }
0x1b: {  	s9 =	sadd.s32 $0xFFFFFEF7, lr;
	s5 =	simm.s32 $0xFFFFFFFF;
	p2 =	slt.u32 s8, $0xFFFFF086  }
0x1c: {  	p1 =	slt.u32 s9, $0xF7A;
	s5 =	simm.s32 @!p2 $0x0  }
0x1d: {  	s5 =	simm.s32 @p1 $0x1;
	p0 =	seq.s32 s7, s2  }
0x1e: {  	s7 =	smul.u32 @!p0 $0xF7A, s2;
	p2 =	seq.s32 @!p0 s5, $0x0  }
0x1f: {  	s9 =	smul.u32 $0xF7A, s1;
	s8 =	simm.s32 @!p0 $0x1BF5;
	p2 =	por !p2, p0  }
0x20: {  	[sflag:s8] =	ssyncset.s32 @!p0 $0xFFFFF086;
	s6 =	sadd.s32 @!p0 s3, s7;
	s7 =	simm.s32 @!p0 $0x108  }
0x21: {  	s3 =	sadd.s32 s3, s9;
	s6 =	sadd.s32 @!p0 $0x88, s6;
	s7 =	simm.s32 @p2 $0x1082  }
0x22: {  	[simem:s7], [sflag:s8] =	dma.local @!p0 [hbm:s6], $0xF7A  }
0x23: {  	s9 =	sor.u32 $0xD0000000, s2;
	s6 =	simm.s32 $0x108;
	_ =	swait.ge @!p0 [sflag:s8], $0x0  }
0x24: {  	s3 =	sadd.s32 $0x88, s3;
	s6 =	simm.s32 @!p1 $0x1082;
	[sflag:s4] =	ssyncset.s32 $0xFFFFF086  }
0x25: {  	[simem:s6], [sflag:s4] =	dma.local [hbm:s3], $0xF7A  }
0x26: {  	[smem:$0x3F93] =	sst s1;
	(tag) =	ssettag s2;
	_ =	strace s9  }
0x27: {  	s1 =	sld [smem:$0x3FA3]  }
0x28: {  	s2 =	sld [smem:$0x3FA4]  }
0x29: {  	s4 =	sld [smem:$0x3FA6]  }
0x2a: {  	p0 =	seq.s32 s5, $0x0;
	s5 =	sld [smem:$0x3FA7]  }
0x2b: {  	s6 =	sld [smem:$0x3FA8]  }
0x2c: {  	s7 =	sld [smem:$0x3FA9]  }
0x2d: {  	s3 =	simm.s32 $0x108;
	s8 =	sld [smem:$0x3FAA]  }
0x2e: {  	s3 =	simm.s32 @!p0 $0x1082;
	s9 =	sld [smem:$0x3FAB]  }
0x2f: {  	lr =	sadd.s32 s0, s3;
	s0 =	sld [smem:$0x3FA2]  }
0x30: {  	s3 =	sld [smem:$0x3FA5]  }
0x31: {  	[smem:$0x3FAE] =	sst s10  }
0x32: {  	s10 =	sld [smem:$0x3FAC];
	_ =	sdelay $0x3  }
0x33: {  	p0 =	seq.s32 s10, $0x1;
	s10 =	sld [smem:$0x3FAE];
	_ =	sdelay $0x3  }
0x34: {  	[smem:$0x3FAE] =	sst s10  }
0x35: {  	s10 =	sld [smem:$0x3FAD];
	_ =	sdelay $0x3  }
0x36: {  	p1 =	seq.s32 s10, $0x1;
	s10 =	sld [smem:$0x3FAE];
	_ =	sdelay $0x3  }
0x37: {  	[smem:$0x3FAE] =	sst s10  }
0x38: {  	s10 =	sld [smem:$0x3FAF]  }
0x39: {  	_ = 	snop;
	(pc) =	sbr.ind lr, $3  }
0x3a: {  	_ = 	snop  }
0x3b: {  	_ = 	snop  }
0x3c: {  	p2 =	seq.s32 s10, $0x1;
	s10 =	sld [smem:$0x3FAE]  }
0x3d: {  	_ =	shalt  }
0x3e: {  	_ =	shalt  }
0x3f: {  	_ =	shalt  }
0x40: {  	_ =	shalt  }
0x41: {  	_ =	shalt  }
0x42: {  	_ =	shalt  }
0x43: {  	_ =	shalt  }
0x44: {  	_ =	shalt  }
0x45: {  	_ =	shalt  }
0x46: {  	_ =	shalt  }
0x47: {  	_ =	shalt  }
0x48: {  	_ =	shalt  }
0x49: {  	_ =	shalt  }
0x4a: {  	_ =	shalt  }
0x4b: {  	_ =	shalt  }
0x4c: {  	_ =	shalt  }
0x4d: {  	_ =	shalt  }
0x4e: {  	_ =	shalt  }
0x4f: {  	_ =	shalt  }
0x50: {  	_ =	shalt  }
0x51: {  	_ =	shalt  }
0x52: {  	_ =	shalt  }
0x53: {  	_ =	shalt  }
0x54: {  	_ =	shalt  }
0x55: {  	_ =	shalt  }
0x56: {  	_ =	shalt  }
0x57: {  	_ =	shalt  }
0x58: {  	_ =	shalt  }
0x59: {  	_ =	shalt  }
0x5a: {  	_ =	shalt  }
0x5b: {  	_ =	shalt  }
0x5c: {  	_ =	shalt  }
0x5d: {  	_ =	shalt  }
0x5e: {  	_ =	shalt  }
0x5f: {  	_ =	shalt  }
0x60: {  	_ =	shalt  }
0x61: {  	_ =	shalt  }
0x62: {  	_ =	shalt  }
0x63: {  	_ =	shalt  }
0x64: {  	_ =	shalt  }
0x65: {  	_ =	shalt  }
0x66: {  	_ =	shalt  }
0x67: {  	_ =	shalt  }
0x68: {  	_ =	shalt  }
0x69: {  	_ =	shalt  }
0x6a: {  	_ =	shalt  }
0x6b: {  	_ =	shalt  }
0x6c: {  	_ =	shalt  }
0x6d: {  	_ =	shalt  }
0x6e: {  	_ =	shalt  }
0x6f: {  	_ =	shalt  }
0x70: {  	_ =	shalt  }
0x71: {  	_ =	shalt  }
0x72: {  	_ =	shalt  }
0x73: {  	_ =	shalt  }
0x74: {  	_ =	shalt  }
0x75: {  	_ =	shalt  }
0x76: {  	_ =	shalt  }
0x77: {  	_ =	shalt  }
0x78: {  	_ =	shalt  }
0x79: {  	_ =	shalt  }
0x7a: {  	_ =	shalt  }
0x7b: {  	_ =	shalt  }
0x7c: {  	_ =	shalt  }
0x7d: {  	_ =	shalt  }
0x7e: {  	_ =	shalt  }
0x7f: {  	_ =	shalt  }
0x80: {  	_ =	shalt  }
0x81: {  	_ =	shalt  }
0x82: {  	_ =	shalt  }
0x83: {  	_ =	shalt  }
0x84: {  	_ =	shalt  }
0x85: {  	_ =	shalt  }
0x86: {  	_ =	shalt  }
0x87: {  	_ =	shalt  }
.Lfunc_end0:
.L_simem_size_0:
called_computation.2_lowered:
.L_overlay_start_0:
0x88: {  	s2 =	sld [smem:$0x3FD9]  }
0x89: {  	s3 =	sld [smem:$0x3FFE];
	_ =	sdelay $0x1  }
0x8a: {  	s1 =	srdreg.scid  }
0x8b: {  	s0 =	sand.u32 $0x1, s1  }
0x8c: {  	s16 =	sshll.u32 s0, $0xA;
	s2 =	sadd.s32 s3, s2  }
0x8d: {  	s2 =	sadd.s32 s2, s16  }
0x8e: {  	[smem:$0x3FBA] =	sst s2  }
0x8f: {  	_ = 	snop  }
0x90: {  	(tm) =	ssettm $0x1  }
0x91: {  	s17 =	sld [smem:$0x3FFB];
	_ =	sdelay $0x3  }
0x92: {  	_ =	strace s17  }
0x93: {  	s2 =	sld [smem:$0x3FFC];
	_ =	sdelay $0x3  }
0x94: {  	_ =	strace s2  }
0x95: {  	s2 =	sld [smem:$0x3FFD];
	_ =	sdelay $0x3  }
0x96: {  	_ =	strace s2  }
0x97: {  	_ =	strace $0x8FFFFFFF  }
0x98: {  	s18 =	sld [smem:$0x3FDB];
	_ =	sdelay $0x1  }
0x99: {  	s19 =	simm.s32 $_scs_section_size  }
0x9a: {  	s4 =	simm.s32 $_size__tile_overlayer_lowered;
	s5 =	simm.s32 $_tile_overlayer_lowered  }
0x9b: {  	s22 =	simm.s32 $0x1BFF;
	s21 =	sshll.u32 s5, $0x1;
	s2 =	sadd.s32 s19, s18  }
0x9c: {  	s6 =	simm.s32 $0x0;
	s20 =	sshll.u32 s4, $0x1;
	s4 =	sadd.s32 s21, s2  }
0x9d: {  	[timem:s6], [sflag:s22] =	dma.local [hbm:s4], s20  }
0x9e: {  	_ =	swait.ge [sflag:s22], s20  }
0x9f: {  	s3 =	ssub.s32 $0x0, s20;
	[sflag:s22] =	ssyncset.done $0x0  }
0xa0: {  	[sflag:s22] =	ssyncadd.s32 s3;
	_ =	sdelay $0x1  }
0xa1: {  	s23 =	simm.s32 $0x1B8B  }
0xa2: {  	_ =	swait.ge [sflag:s23], $0x1  }
0xa3: {  	[sflag:s23] =	ssyncset.done $0x0  }
0xa4: {  	s25 =	simm.s32 $0x1B8E;
	s24 =	sld [smem:$0x3FFE];
	[sflag:s23] =	ssyncadd.s32 $0xFFFFFFFF  }
0xa5: {  	s26 =	simm.s32 $execute0_lowered;
	[smem:$0x3FD2] =	sst s25  }
0xa6: {  	s4 =	sshll.u32 s26, $0x1;
	_ =	strace $0x8000004C;
	[dreg:$0x1] =	wrdreg $0xFFFFFFFF  }
0xa7: {  	s28 =	simm.s32 $_size_execute0_lowered;
	s2 =	sadd.s32 s2, s4;
	[dreg:$0x0] =	wrdreg $0x0  }
0xa8: {  	s4 =	sshll.u32 s28, $0x1;
	[dreg:$0x2] =	wrdreg s2  }
0xa9: {  	[dreg:$0x3] =	wrdreg s4  }
0xaa: {  	[dreg:$0x4] =	wrdreg $0xC0  }
0xab: {  	_ =	task [dreg:s6], $0x5FFFF  }
0xac: {  	[dreg:$0x1] =	wrdreg $0xFFFFFFFF  }
0xad: {  	[dreg:$0x0] =	wrdreg $0x60  }
0xae: {  	[dreg:$0x2] =	wrdreg s24  }
0xaf: {  	[dreg:$0x3] =	wrdreg $0x98000  }
0xb0: {  	[dreg:$0x4] =	wrdreg $0x9  }
0xb1: {  	_ =	task.clear_ibuf [dreg:s6], $0x5FFFF;
	_ =	strace $0x9000004C  }
0xb2: {  	s29 =	simm.s32 $0x9;
	_ =	strace $0x8000004E  }
0xb3: {  	_ =	swait.ge [sflag:s29], $0x1  }
0xb4: {  	[sflag:s29] =	ssyncadd.s32 $0xFFFFFFFF  }
0xb5: {  	_ =	strace $0x9000004E  }
0xb6: {  	_ =	sfence  }
0xb7: {  	s30 =	sld [smem:$0x0];
	_ =	sdelay $0x2  }
0xb8: {  	s31 =	sshll.u32 s1, $0xD;
	s1 =	sshrl.u32 s1, $0x2  }
0xb9: {  	s3 =	sand.u32 $0x4000, s31;
	s1 =	sadd.s32 s1, s30  }
0xba: {  	s0 =	sor.u32 s3, s0;
	s1 =	sshll.u32 s1, $0x11  }
0xbb: {  	s0 =	sor.u32 s1, s0  }
0xbc: {  	s0 =	sadd.s32 $0x8F2B, s0  }
0xbd: {  	[sflag:s0] =	ssyncadd.remote.s32 $0x1  }
0xbe: {  	_ =	sfence.sel $0xFFFF  }
0xbf: {  	[dreg:$0x0] =	wrdreg $0xFFFFFFFF;
	(pc) =	sbr.abs _section_cstart, $3  }
0xc0: {  	[dreg:$0x1] =	wrdreg $0xFFFFFFFF  }
0xc1: {  	_ =	task.clear_ibuf [dreg:s6], $0x2FFFF;
	_ =	strace $0x9FFFFFFF  }
0xc2: {  	(tm) =	ssettm $0x7FFFFFFF  }
0xc3: {  	_ =	shalt  }
tec
execute0_lowered:
.L_overlay_start_1:
0x0: {  	(tag) =	ssettag $0x1  }
0x1: {  	s0 =	srdreg.scid;
	s1 =	rddreg [dreg:$0x0]  }
0x2: {  	s2 =	rddreg [dreg:$0x1];
	s9 =	stileid.u32;
	s4 =	simm.s32 $0x0  }
0x3: {  	s12 =	simm.s32 $0x9;
	s15 =	simm.s32 $0x9000;
	s16 =	simm.s32 $0x80  }
0x4: {  	s17 =	simm.s32 $0x5000;
	s20 =	simm.s32 $0x6000;
	s25 =	simm.s32 $0x7000  }
0x5: {  	s30 =	simm.s32 $0x8000;
	s14 =	simm.s32 $0x3;
	s18 =	simm.s32 $0x5  }
0x6: {  	s19 =	simm.s32 $0x7;
	s21 =	simm.s32 $0x8;
	s22 =	simm.s32 $0x0  }
0x7: {  	s0 =	sand.u32 $0x1, s0;
	[smem:$0x7FF] =	sst s4;
	s7 =	smul.u32 $0xA000, s9  }
0x8: {  	s4 =	sadd.s32 $0x18600, s1;
	s11 =	smul.u32 $0x2800, s9;
	s3 =	sshll.u32 s0, $0x4  }
0x9: {  	_ =	strace $0x8000004D;
	s5 =	smul.u32 $0x5000, s0;
	s0 =	ssub.s32 $0x2, s0  }
0xa: {  	s3 =	sor.u32 s9, s3;
	s8 =	sshrl.u32 s0, $0x1;
	s7 =	sshrl.u32 s7, $0x2  }
0xb: {  	s31 =	sshrl.u32 s11, $0x3;
	s3 =	smul.u32 $0x500, s3;
	s7 =	sadd.s32 s7, s2  }
0xc: {  	s5 =	sadd.s32 s5, s1;
	s0 =	ssub.s32 s0, s8;
	s26 =	sadd.s32 $0x800, s7  }
0xd: {  	s28 =	sadd.s32 $0x1000, s7;
	s29 =	sadd.s32 $0x1800, s7;
	s10 =	sadd.s32 $0x2000, s7  }
.Ltmp0:
0xe: {  	s5 =	sadd.s32 $0x1D600, s5;
	[dreg:$0x4] =	wrdreg s26;
	(pc) =	sbr.rel .LBB2_1-.Ltmp0, $4  }
0xf: {  	s6 =	sadd.s32 s3, s1;
	s1 =	sadd.s32 $0xE600, s1;
	[dreg:$0x5] =	wrdreg s28  }
0x10: {  	[dreg:$0x6] =	wrdreg s29;
	s24 =	sadd.s32 s31, s5;
	s6 =	sadd.s32 $0x4600, s6  }
0x11: {  	s13 =	sadd.s32 s3, s1;
	s1 =	simm.s32 $0x1;
	[dreg:$0x3] =	wrdreg s6  }
0x12: {  	v0 =	vimm.f32 $0.0e+00;
	s6 =	sadd.s32 s11, s2;
	s11 =	smax.u32 s0, $0x1;
	s0 =	simm.s32 $0x8800  }
.LBB2_6:
0x13: {  	_ =	swait.ge [sflag:s21], $0x800  }
0x14: {  	[sflag:s21] =	ssyncset.done $0x0  }
0x15: {  	[sflag:s21] =	ssyncadd.s32 $0xFFFFF800  }
0x16: {  	[spmem:s2] =	stream.indirect.scatter.add.f32 [tilespmem:s0], [sflag:$0x9], $0x10, s3, s16, $0xb8;
	[tilespmem:$0xC000] =	vst v63  }
0x17: {  	s31 =	stileid.u32;
	_ =	swait.ge [sflag:s12], $0x800  }
0x18: {  	s5 =	sshrl.u32 s6, $0x3;
	s22 =	sadd.s32 $0x1, s22;
	[sflag:s12] =	ssyncset.done $0x0  }
0x19: {  	p0 =	sne.s32 s22, s11;
	s3 =	sshll.u32 s31, $0x6;
	[sflag:s12] =	ssyncadd.s32 $0xFFFFF800  }
.Ltmp1:
0x1a: {  	s3 =	sor.u32 $0x1C09, s3;
	[bflag:$0x0] =	sbarrier.arrive $0xFFFF;
	(pc) =	sbr.rel @!p0 .LBB2_7-.Ltmp1, $4  }
0x1b: {  	[hbm:s24], [sflag:s3] =	dma.local [spmem:s5], $0x500  }
0x1c: {  	_ =	swait.ge [sflag:s12], $0x500  }
0x1d: {  	[sflag:s12] =	ssyncset.done $0x0  }
0x1e: {  	[sflag:s12] =	ssyncadd.s32 $0xFFFFFB00  }
.LBB2_1:
0x1f: {  	s3 =	simm.s32 $0x0;
	s5 =	rddreg [dreg:$0x3]  }
0x20: {  	[tilespmem:s3], [sflag:$0x9] =	stream.linear.gather [hbm4b:s5+s3], $0x2800, $0x38;
	[tilespmem:$0xC000] =	vst v63  }
0x21: {  	_ =	swait.ge [sflag:s12], $0x2800  }
0x22: {  	[sflag:s12] =	ssyncset.done $0x0  }
0x23: {  	s31 =	simm.s32 $0x2800;
	[sflag:s12] =	ssyncadd.s32 $0xFFFFD800  }
0x24: {  	[tilespmem:s31], [sflag:$0x9] =	stream.linear.gather [hbm4b:s13+s3], $0x2800, $0x38;
	[tilespmem:$0xC000] =	vst v63  }
0x25: {  	_ =	swait.ge [sflag:s12], $0x2800  }
0x26: {  	[sflag:s12] =	ssyncset.done $0x0  }
0x27: {  	s5 =	simm.s32 $0x0;
	s3 =	simm.s32 $0x40;
	[sflag:s12] =	ssyncadd.s32 $0xFFFFD800  }
.LBB2_2:
0x28: {  	p0 =	sne.s32 s3, $0x1FC0;
	[tilespmem:s5+$0x9000] =	vst v0;
	s5 =	smov.u32 s3;
	s3 =	sadd.s32 $0x40, s3  }
.Ltmp2:
0x29: {  	(pc) =	sbr.rel @p0 .LBB2_2-.Ltmp2, $2  }
0x2a: {  	_ =	sdelay $0x2  }
0x2b: {  	s5 =	sshra.s32 s5, $0x2  }
0x2c: {  	[tilespmem:s5+$0x9000] =	vst v0  }
0x2d: {  	[spmem:s6] =	stream.linear.scatter [tilespmem:s15], [sflag:$0x9], $0x800, $0x38;
	[tilespmem:$0xC000] =	vst v63  }
0x2e: {  	_ =	swait.ge [sflag:s12], $0x800  }
0x2f: {  	[sflag:s12] =	ssyncset.done $0x0  }
0x30: {  	s3 =	rddreg [dreg:$0x4];
	[sflag:s12] =	ssyncadd.s32 $0xFFFFF800  }
0x31: {  	[spmem:s3] =	stream.linear.scatter [tilespmem:s15], [sflag:$0x9], $0x800, $0x38;
	[tilespmem:$0xC000] =	vst v63  }
0x32: {  	_ =	swait.ge [sflag:s12], $0x800  }
0x33: {  	[sflag:s12] =	ssyncset.done $0x0  }
0x34: {  	s28 =	rddreg [dreg:$0x5];
	[sflag:s12] =	ssyncadd.s32 $0xFFFFF800  }
0x35: {  	[spmem:s28] =	stream.linear.scatter [tilespmem:s15], [sflag:$0x9], $0x800, $0x38;
	[tilespmem:$0xC000] =	vst v63  }
0x36: {  	_ =	swait.ge [sflag:s12], $0x800  }
0x37: {  	[sflag:s12] =	ssyncset.done $0x0  }
0x38: {  	s29 =	rddreg [dreg:$0x6];
	[sflag:s12] =	ssyncadd.s32 $0xFFFFF800  }
0x39: {  	[spmem:s29] =	stream.linear.scatter [tilespmem:s15], [sflag:$0x9], $0x800, $0x38;
	[tilespmem:$0xC000] =	vst v63  }
0x3a: {  	_ =	swait.ge [sflag:s12], $0x800  }
0x3b: {  	[sflag:s12] =	ssyncset.done $0x0  }
0x3c: {  	[sflag:s12] =	ssyncadd.s32 $0xFFFFF800  }
0x3d: {  	[spmem:s10] =	stream.linear.scatter [tilespmem:s15], [sflag:$0x9], $0x800, $0x38;
	[tilespmem:$0xC000] =	vst v63  }
0x3e: {  	_ =	swait.ge [sflag:s12], $0x800  }
0x3f: {  	[sflag:s12] =	ssyncset.done $0x0  }
0x40: {  	[sflag:s12] =	ssyncadd.s32 $0xFFFFF800  }
0x41: {  	s23 =	simm.s32 $0x0;
	[bflag:$0x0] =	sbarrier.arrive $0xFFFF  }
0x42: {  	[tilespmem:s17], [sflag:$0x1] =	stream.indirect.gather [hbm4b:s4+s16], $0x10, s23, s16, $0xb8;
	[tilespmem:$0xC000] =	vst v63  }
0x43: {  	s31 =	simm.s32 $0x5800  }
0x44: {  	[tilespmem:s31], [sflag:$0x2] =	stream.indirect.gather [hbm4b:s4+s16], $0x10, s16, s16, $0xb8;
	[tilespmem:$0xC000] =	vst v63  }
0x45: {  	s5 =	simm.s32 $0x100  }
0x46: {  	[tilespmem:s20], [sflag:$0x3] =	stream.indirect.gather [hbm4b:s4+s16], $0x10, s5, s16, $0xb8;
	[tilespmem:$0xC000] =	vst v63  }
0x47: {  	s7 =	simm.s32 $0x180;
	s8 =	simm.s32 $0x6800  }
0x48: {  	[tilespmem:s8], [sflag:$0x4] =	stream.indirect.gather [hbm4b:s4+s16], $0x10, s7, s16, $0xb8;
	[tilespmem:$0xC000] =	vst v63  }
0x49: {  	s9 =	simm.s32 $0x200  }
0x4a: {  	[tilespmem:s25], [sflag:$0x5] =	stream.indirect.gather [hbm4b:s4+s16], $0x10, s9, s16, $0xb8;
	[tilespmem:$0xC000] =	vst v63  }
0x4b: {  	s26 =	simm.s32 $0x280;
	s28 =	simm.s32 $0x7800  }
0x4c: {  	[tilespmem:s28], [sflag:$0x6] =	stream.indirect.gather [hbm4b:s4+s16], $0x10, s26, s16, $0xb8;
	[tilespmem:$0xC000] =	vst v63  }
0x4d: {  	s29 =	simm.s32 $0x300  }
0x4e: {  	[tilespmem:s30], [sflag:$0x7] =	stream.indirect.gather [hbm4b:s4+s16], $0x10, s29, s16, $0xb8;
	[tilespmem:$0xC000] =	vst v63  }
0x4f: {  	s31 =	simm.s32 $0x380  }
0x50: {  	[tilespmem:s0], [sflag:$0x8] =	stream.indirect.gather [hbm4b:s4+s16], $0x10, s31, s16, $0xb8;
	[tilespmem:$0xC000] =	vst v63  }
.LBB2_4:
0x51: {  	_ =	swait.ge [sflag:s1], $0x800  }
0x52: {  	s26 =	sshra.s32 s23, $0x2;
	[sflag:s1] =	ssyncset.done $0x0  }
0x53: {  	s3 =	sadd.s32 $0x2800, s26;
	[sflag:s1] =	ssyncadd.s32 $0xFFFFF800  }
0x54: {  	[spmem:s2] =	stream.indirect.scatter.add.f32 [tilespmem:s17], [sflag:$0x9], $0x10, s3, s16, $0xb8;
	[tilespmem:$0xC000] =	vst v63  }
0x55: {  	_ =	swait.ge [sflag:s12], $0x800  }
0x56: {  	p0 =	seq.s32 s23, $0x9000;
	[sflag:s12] =	ssyncset.done $0x0  }
0x57: {  	s3 =	simm.s32 @p0 $0x2;
	[sflag:s12] =	ssyncadd.s32 $0xFFFFF800  }
0x58: {  	_ =	swait.ge @p0 [sflag:s3], $0x800  }
0x59: {  	s31 =	sshra.s32 @p0 s23, $0x2;
	s7 =	simm.s32 @p0 $0x5800;
	[sflag:s3] =	ssyncset.done @p0 $0x0  }
0x5a: {  	s5 =	sadd.s32 @p0 $0x2880, s31;
	[sflag:s3] =	ssyncadd.s32 @p0 $0xFFFFF800;
	s3 =	simm.s32 @p0 $0x80  }
0x5b: {  	[spmem:s2] =	stream.indirect.scatter.add.f32 @p0 [tilespmem:s7], [sflag:$0x9], $0x10, s5, s3, $0xb8;
	[tilespmem:$0xC000] =	vst v63  }
0x5c: {  	s5 =	simm.s32 @p0 $0x9  }
0x5d: {  	_ =	swait.ge @p0 [sflag:s5], $0x800  }
0x5e: {  	s28 =	sshra.s32 @!p0 s23, $0x2;
	s29 =	simm.s32 @!p0 $0x80;
	[sflag:s5] =	ssyncset.done @p0 $0x0  }
0x5f: {  	s8 =	simm.s32 @!p0 $0x5000;
	s7 =	sadd.s32 @!p0 $0x400, s28;
	[sflag:s5] =	ssyncadd.s32 @p0 $0xFFFFF800  }
0x60: {  	[tilespmem:s8], [sflag:$0x1] =	stream.indirect.gather @!p0 [hbm4b:s4+s29], $0x10, s7, s29, $0xb8;
	[tilespmem:$0xC000] =	vst v63  }
0x61: {  	s7 =	simm.s32 @!p0 $0x2  }
0x62: {  	_ =	swait.ge @!p0 [sflag:s7], $0x800  }
0x63: {  	[sflag:s7] =	ssyncset.done @!p0 $0x0  }
0x64: {  	s8 =	simm.s32 @!p0 $0x5800;
	[sflag:s7] =	ssyncadd.s32 @!p0 $0xFFFFF800;
	s7 =	sadd.s32 @!p0 $0x2880, s28  }
0x65: {  	[spmem:s2] =	stream.indirect.scatter.add.f32 @!p0 [tilespmem:s8], [sflag:$0x9], $0x10, s7, s29, $0xb8;
	[tilespmem:$0xC000] =	vst v63  }
0x66: {  	s7 =	simm.s32 @!p0 $0x9  }
0x67: {  	_ =	swait.ge @!p0 [sflag:s7], $0x800  }
0x68: {  	[sflag:s7] =	ssyncset.done @!p0 $0x0  }
0x69: {  	s9 =	sadd.s32 @!p0 $0x480, s28;
	[sflag:s7] =	ssyncadd.s32 @!p0 $0xFFFFF800  }
0x6a: {  	[tilespmem:s8], [sflag:$0x2] =	stream.indirect.gather @!p0 [hbm4b:s4+s29], $0x10, s9, s29, $0xb8;
	[tilespmem:$0xC000] =	vst v63  }
0x6b: {  	_ =	swait.ge [sflag:s14], $0x800  }
0x6c: {  	[sflag:s14] =	ssyncset.done $0x0  }
0x6d: {  	s9 =	sadd.s32 $0x2900, s26;
	[sflag:s14] =	ssyncadd.s32 $0xFFFFF800  }
0x6e: {  	[spmem:s2] =	stream.indirect.scatter.add.f32 [tilespmem:s20], [sflag:$0x9], $0x10, s9, s16, $0xb8;
	[tilespmem:$0xC000] =	vst v63  }
0x6f: {  	_ =	swait.ge [sflag:s12], $0x800  }
0x70: {  	[sflag:s12] =	ssyncset.done $0x0  }
0x71: {  	s8 =	simm.s32 @p0 $0x4;
	[sflag:s12] =	ssyncadd.s32 $0xFFFFF800  }
0x72: {  	_ =	swait.ge @p0 [sflag:s8], $0x800  }
0x73: {  	[sflag:s8] =	ssyncset.done @p0 $0x0  }
0x74: {  	s9 =	simm.s32 @p0 $0x6800;
	[sflag:s8] =	ssyncadd.s32 @p0 $0xFFFFF800;
	s8 =	sadd.s32 @p0 $0x2980, s31  }
0x75: {  	[spmem:s2] =	stream.indirect.scatter.add.f32 @p0 [tilespmem:s9], [sflag:$0x9], $0x10, s8, s3, $0xb8;
	[tilespmem:$0xC000] =	vst v63  }
0x76: {  	_ =	swait.ge @p0 [sflag:s5], $0x800  }
0x77: {  	[sflag:s5] =	ssyncset.done @p0 $0x0  }
0x78: {  	s8 =	sadd.s32 @!p0 $0x500, s28;
	s9 =	simm.s32 @!p0 $0x6000;
	[sflag:s5] =	ssyncadd.s32 @p0 $0xFFFFF800  }
0x79: {  	[tilespmem:s9], [sflag:$0x3] =	stream.indirect.gather @!p0 [hbm4b:s4+s29], $0x10, s8, s29, $0xb8;
	[tilespmem:$0xC000] =	vst v63  }
0x7a: {  	s8 =	simm.s32 @!p0 $0x4  }
0x7b: {  	_ =	swait.ge @!p0 [sflag:s8], $0x800  }
0x7c: {  	[sflag:s8] =	ssyncset.done @!p0 $0x0  }
0x7d: {  	s9 =	simm.s32 @!p0 $0x6800;
	[sflag:s8] =	ssyncadd.s32 @!p0 $0xFFFFF800;
	s8 =	sadd.s32 @!p0 $0x2980, s28  }
0x7e: {  	[spmem:s2] =	stream.indirect.scatter.add.f32 @!p0 [tilespmem:s9], [sflag:$0x9], $0x10, s8, s29, $0xb8;
	[tilespmem:$0xC000] =	vst v63  }
0x7f: {  	_ =	swait.ge @!p0 [sflag:s7], $0x800  }
0x80: {  	[sflag:s7] =	ssyncset.done @!p0 $0x0  }
0x81: {  	s8 =	sadd.s32 @!p0 $0x580, s28;
	[sflag:s7] =	ssyncadd.s32 @!p0 $0xFFFFF800  }
0x82: {  	[tilespmem:s9], [sflag:$0x4] =	stream.indirect.gather @!p0 [hbm4b:s4+s29], $0x10, s8, s29, $0xb8;
	[tilespmem:$0xC000] =	vst v63  }
0x83: {  	_ =	swait.ge [sflag:s18], $0x800  }
0x84: {  	[sflag:s18] =	ssyncset.done $0x0  }
0x85: {  	s9 =	sadd.s32 $0x2A00, s26;
	[sflag:s18] =	ssyncadd.s32 $0xFFFFF800  }
0x86: {  	[spmem:s2] =	stream.indirect.scatter.add.f32 [tilespmem:s25], [sflag:$0x9], $0x10, s9, s16, $0xb8;
	[tilespmem:$0xC000] =	vst v63  }
0x87: {  	_ =	swait.ge [sflag:s12], $0x800  }
0x88: {  	[sflag:s12] =	ssyncset.done $0x0  }
0x89: {  	s8 =	simm.s32 @p0 $0x6;
	[sflag:s12] =	ssyncadd.s32 $0xFFFFF800  }
0x8a: {  	_ =	swait.ge @p0 [sflag:s8], $0x800  }
0x8b: {  	[sflag:s8] =	ssyncset.done @p0 $0x0  }
0x8c: {  	s9 =	simm.s32 @p0 $0x7800;
	[sflag:s8] =	ssyncadd.s32 @p0 $0xFFFFF800;
	s8 =	sadd.s32 @p0 $0x2A80, s31  }
0x8d: {  	[spmem:s2] =	stream.indirect.scatter.add.f32 @p0 [tilespmem:s9], [sflag:$0x9], $0x10, s8, s3, $0xb8;
	[tilespmem:$0xC000] =	vst v63  }
0x8e: {  	_ =	swait.ge @p0 [sflag:s5], $0x800  }
0x8f: {  	[sflag:s5] =	ssyncset.done @p0 $0x0  }
0x90: {  	s3 =	sadd.s32 @!p0 $0x600, s28;
	[sflag:s5] =	ssyncadd.s32 @p0 $0xFFFFF800;
	s5 =	simm.s32 @!p0 $0x7000  }
0x91: {  	[tilespmem:s5], [sflag:$0x5] =	stream.indirect.gather @!p0 [hbm4b:s4+s29], $0x10, s3, s29, $0xb8;
	[tilespmem:$0xC000] =	vst v63  }
0x92: {  	s3 =	simm.s32 @!p0 $0x6  }
0x93: {  	_ =	swait.ge @!p0 [sflag:s3], $0x800  }
0x94: {  	[sflag:s3] =	ssyncset.done @!p0 $0x0  }
0x95: {  	s5 =	simm.s32 @!p0 $0x7800;
	[sflag:s3] =	ssyncadd.s32 @!p0 $0xFFFFF800;
	s3 =	sadd.s32 @!p0 $0x2A80, s28  }
0x96: {  	[spmem:s2] =	stream.indirect.scatter.add.f32 @!p0 [tilespmem:s5], [sflag:$0x9], $0x10, s3, s29, $0xb8;
	[tilespmem:$0xC000] =	vst v63  }
0x97: {  	_ =	swait.ge @!p0 [sflag:s7], $0x800  }
0x98: {  	[sflag:s7] =	ssyncset.done @!p0 $0x0  }
0x99: {  	s3 =	sadd.s32 @!p0 $0x680, s28;
	[sflag:s7] =	ssyncadd.s32 @!p0 $0xFFFFF800  }
0x9a: {  	[tilespmem:s5], [sflag:$0x6] =	stream.indirect.gather @!p0 [hbm4b:s4+s29], $0x10, s3, s29, $0xb8;
	[tilespmem:$0xC000] =	vst v63  }
0x9b: {  	_ =	swait.ge [sflag:s19], $0x800  }
0x9c: {  	[sflag:s19] =	ssyncset.done $0x0  }
.Ltmp3:
0x9d: {  	s31 =	sadd.s32 $0x2B00, s26;
	[sflag:s19] =	ssyncadd.s32 $0xFFFFF800;
	(pc) =	sbr.rel @p0 .LBB2_6-.Ltmp3, $4  }
0x9e: {  	[spmem:s2] =	stream.indirect.scatter.add.f32 [tilespmem:s30], [sflag:$0x9], $0x10, s31, s16, $0xb8;
	[tilespmem:$0xC000] =	vst v63  }
0x9f: {  	_ =	swait.ge [sflag:s12], $0x800  }
0xa0: {  	[sflag:s12] =	ssyncset.done $0x0  }
0xa1: {  	s3 =	sadd.s32 $0x2B80, s26;
	[sflag:s12] =	ssyncadd.s32 $0xFFFFF800  }
0xa2: {  	s5 =	sadd.s32 $0x700, s26  }
0xa3: {  	[tilespmem:s30], [sflag:$0x7] =	stream.indirect.gather [hbm4b:s4+s16], $0x10, s5, s16, $0xb8;
	[tilespmem:$0xC000] =	vst v63  }
0xa4: {  	_ =	swait.ge [sflag:s21], $0x800  }
0xa5: {  	[sflag:s21] =	ssyncset.done $0x0  }
0xa6: {  	[sflag:s21] =	ssyncadd.s32 $0xFFFFF800  }
0xa7: {  	[spmem:s2] =	stream.indirect.scatter.add.f32 [tilespmem:s0], [sflag:$0x9], $0x10, s3, s16, $0xb8;
	[tilespmem:$0xC000] =	vst v63  }
.Ltmp4:
0xa8: {  	_ = 	snop;
	(pc) =	sbr.rel .LBB2_4-.Ltmp4, $4  }
0xa9: {  	_ =	swait.ge [sflag:s12], $0x800  }
0xaa: {  	[sflag:s12] =	ssyncset.done $0x0  }
0xab: {  	s31 =	sadd.s32 $0x780, s26;
	s23 =	sadd.s32 $0x1000, s23;
	[sflag:s12] =	ssyncadd.s32 $0xFFFFF800  }
0xac: {  	[tilespmem:s0], [sflag:$0x8] =	stream.indirect.gather [hbm4b:s4+s16], $0x10, s31, s16, $0xb8;
	[tilespmem:$0xC000] =	vst v63  }
.LBB2_7:
0xad: {  	_ =	sfence.sel $0x180000  }
0xae: {  	[bflag:$0x0] =	sbarrier.arrive $0xFFFF  }
0xaf: {  	_ =	strace $0x9000004D  }
0xb0: {  	s0 =	stileid.u32;
	[bflag:$0x2] =	sbarrier.arrive $0xFFFF  }
0xb1: {  	p0 =	sne.s32 s0, $0x0;
	s0 =	rddreg [dreg:$0x2]  }
0xb2: {  	s0 =	sadd.s32 @!p0 $0x100000, s0  }
0xb3: {  	[sflag:s0] =	ssyncadd.tile.s32 @!p0 $0x1;
	_ =	shalt  }
.Lfunc_end2:
_tile_overlayer_lowered:
.L_overlay_start_2:
0xb4: {  	(tag) =	ssettag $0x2  }
0xb5: {  	s0 =	rddreg [dreg:$0x0];
	s2 =	stileid.u32  }
0xb6: {  	s1 =	rddreg [dreg:$0x1];
	p0 =	sne.s32 s2, $0x0  }
0xb7: {  	s3 =	rddreg [dreg:$0x2];
	[bflag:$0x3] =	sbarrier.arrive $0xFFFF;
	s2 =	simm.s32 @!p0 $0x1C09  }
0xb8: {  	[timem:s3], [sflag:s2] =	dma.local @!p0 [hbm:s0], s1  }
0xb9: {  	s0 =	simm.s32 @!p0 $0x9  }
0xba: {  	_ =	swait.ge @!p0 [sflag:s0], s1  }
0xbb: {  	s1 =	ssub.s32 @!p0 $0x0, s1;
	[sflag:s0] =	ssyncset.done @!p0 $0x0  }
0xbc: {  	[sflag:s0] =	ssyncadd.s32 @!p0 s1  }
0xbd: {  	[bflag:$0x3] =	sbarrier.arrive $0xFFFF  }
0xbe: {  	_ =	shalt  }

// kernel: kernel.20.cloned.1.call-start
scs
__scs_entry_jumppad:
0x0: {  	(pc) =	sbr.rel $0x88, $3  }
0x1: {  	(tag) =	ssettag $0x0;
	lr =	simm.s32 $0x1  }
0x2: {  	[smem:$0x3F93] =	sst lr;
	_ =	strace $0xD0000000  }
0x3: {  	_ = 	snop  }
0x4: {  	_ = 	snop  }
0x5: {  	_ = 	snop  }
0x6: {  	_ = 	snop  }
0x7: {  	_ = 	snop  }
__scs_overlays_trampoline_lowered:
0x8: {  	[smem:$0x3FA2] =	sst s0  }
0x9: {  	[smem:$0x3FA3] =	sst s1  }
0xa: {  	[smem:$0x3FA4] =	sst s2  }
0xb: {  	[smem:$0x3FA5] =	sst s3  }
0xc: {  	[smem:$0x3FA6] =	sst s4  }
0xd: {  	[smem:$0x3FA7] =	sst s5  }
0xe: {  	[smem:$0x3FA8] =	sst s6  }
0xf: {  	[smem:$0x3FA9] =	sst s7  }
0x10: {  	[smem:$0x3FAA] =	sst s8  }
0x11: {  	[smem:$0x3FAB] =	sst s9;
	s0 =	simm.s32 @!p0 $0x0  }
0x12: {  	s1 =	sld [smem:$0x3F91];
	s0 =	simm.s32 @p0 $0x1  }
0x13: {  	[smem:$0x3FAC] =	sst s0;
	s0 =	simm.s32 @!p1 $0x0  }
0x14: {  	s2 =	sld [smem:$0x3F90];
	s0 =	simm.s32 @p1 $0x1  }
0x15: {  	[smem:$0x3FAD] =	sst s0;
	s0 =	simm.s32 @!p2 $0x0  }
0x16: {  	s3 =	sld [smem:$0x3FDB];
	s0 =	simm.s32 @p2 $0x1  }
0x17: {  	s4 =	simm.s32 $0x1BF5;
	[smem:$0x3FAF] =	sst s0  }
0x18: {  	s0 =	sld [smem:$0x3F92];
	_ =	swait.ge [sflag:s4], $0x0  }
0x19: {  	s7 =	sld [smem:$0x3F93]  }
0x1a: {  	s8 =	sadd.s32 $0xFFFFE003, lr  }
0x1b: {  	s9 =	sadd.s32 $0xFFFFFEF7, lr;
	s5 =	simm.s32 $0xFFFFFFFF;
	p2 =	slt.u32 s8, $0xFFFFF086  }
0x1c: {  	p1 =	slt.u32 s9, $0xF7A;
	s5 =	simm.s32 @!p2 $0x0  }
0x1d: {  	s5 =	simm.s32 @p1 $0x1;
	p0 =	seq.s32 s7, s2  }
0x1e: {  	s7 =	smul.u32 @!p0 $0xF7A, s2;
	p2 =	seq.s32 @!p0 s5, $0x0  }
0x1f: {  	s9 =	smul.u32 $0xF7A, s1;
	s8 =	simm.s32 @!p0 $0x1BF5;
	p2 =	por !p2, p0  }
0x20: {  	[sflag:s8] =	ssyncset.s32 @!p0 $0xFFFFF086;
	s6 =	sadd.s32 @!p0 s3, s7;
	s7 =	simm.s32 @!p0 $0x108  }
0x21: {  	s3 =	sadd.s32 s3, s9;
	s6 =	sadd.s32 @!p0 $0x88, s6;
	s7 =	simm.s32 @p2 $0x1082  }
0x22: {  	[simem:s7], [sflag:s8] =	dma.local @!p0 [hbm:s6], $0xF7A  }
0x23: {  	s9 =	sor.u32 $0xD0000000, s2;
	s6 =	simm.s32 $0x108;
	_ =	swait.ge @!p0 [sflag:s8], $0x0  }
0x24: {  	s3 =	sadd.s32 $0x88, s3;
	s6 =	simm.s32 @!p1 $0x1082;
	[sflag:s4] =	ssyncset.s32 $0xFFFFF086  }
0x25: {  	[simem:s6], [sflag:s4] =	dma.local [hbm:s3], $0xF7A  }
0x26: {  	[smem:$0x3F93] =	sst s1;
	(tag) =	ssettag s2;
	_ =	strace s9  }
0x27: {  	s1 =	sld [smem:$0x3FA3]  }
0x28: {  	s2 =	sld [smem:$0x3FA4]  }
0x29: {  	s4 =	sld [smem:$0x3FA6]  }
0x2a: {  	p0 =	seq.s32 s5, $0x0;
	s5 =	sld [smem:$0x3FA7]  }
0x2b: {  	s6 =	sld [smem:$0x3FA8]  }
0x2c: {  	s7 =	sld [smem:$0x3FA9]  }
0x2d: {  	s3 =	simm.s32 $0x108;
	s8 =	sld [smem:$0x3FAA]  }
0x2e: {  	s3 =	simm.s32 @!p0 $0x1082;
	s9 =	sld [smem:$0x3FAB]  }
0x2f: {  	lr =	sadd.s32 s0, s3;
	s0 =	sld [smem:$0x3FA2]  }
0x30: {  	s3 =	sld [smem:$0x3FA5]  }
0x31: {  	[smem:$0x3FAE] =	sst s10  }
0x32: {  	s10 =	sld [smem:$0x3FAC];
	_ =	sdelay $0x3  }
0x33: {  	p0 =	seq.s32 s10, $0x1;
	s10 =	sld [smem:$0x3FAE];
	_ =	sdelay $0x3  }
0x34: {  	[smem:$0x3FAE] =	sst s10  }
0x35: {  	s10 =	sld [smem:$0x3FAD];
	_ =	sdelay $0x3  }
0x36: {  	p1 =	seq.s32 s10, $0x1;
	s10 =	sld [smem:$0x3FAE];
	_ =	sdelay $0x3  }
0x37: {  	[smem:$0x3FAE] =	sst s10  }
0x38: {  	s10 =	sld [smem:$0x3FAF]  }
0x39: {  	_ = 	snop;
	(pc) =	sbr.ind lr, $3  }
0x3a: {  	_ = 	snop  }
0x3b: {  	_ = 	snop  }
0x3c: {  	p2 =	seq.s32 s10, $0x1;
	s10 =	sld [smem:$0x3FAE]  }
0x3d: {  	_ =	shalt  }
0x3e: {  	_ =	shalt  }
0x3f: {  	_ =	shalt  }
0x40: {  	_ =	shalt  }
0x41: {  	_ =	shalt  }
0x42: {  	_ =	shalt  }
0x43: {  	_ =	shalt  }
0x44: {  	_ =	shalt  }
0x45: {  	_ =	shalt  }
0x46: {  	_ =	shalt  }
0x47: {  	_ =	shalt  }
0x48: {  	_ =	shalt  }
0x49: {  	_ =	shalt  }
0x4a: {  	_ =	shalt  }
0x4b: {  	_ =	shalt  }
0x4c: {  	_ =	shalt  }
0x4d: {  	_ =	shalt  }
0x4e: {  	_ =	shalt  }
0x4f: {  	_ =	shalt  }
0x50: {  	_ =	shalt  }
0x51: {  	_ =	shalt  }
0x52: {  	_ =	shalt  }
0x53: {  	_ =	shalt  }
0x54: {  	_ =	shalt  }
0x55: {  	_ =	shalt  }
0x56: {  	_ =	shalt  }
0x57: {  	_ =	shalt  }
0x58: {  	_ =	shalt  }
0x59: {  	_ =	shalt  }
0x5a: {  	_ =	shalt  }
0x5b: {  	_ =	shalt  }
0x5c: {  	_ =	shalt  }
0x5d: {  	_ =	shalt  }
0x5e: {  	_ =	shalt  }
0x5f: {  	_ =	shalt  }
0x60: {  	_ =	shalt  }
0x61: {  	_ =	shalt  }
0x62: {  	_ =	shalt  }
0x63: {  	_ =	shalt  }
0x64: {  	_ =	shalt  }
0x65: {  	_ =	shalt  }
0x66: {  	_ =	shalt  }
0x67: {  	_ =	shalt  }
0x68: {  	_ =	shalt  }
0x69: {  	_ =	shalt  }
0x6a: {  	_ =	shalt  }
0x6b: {  	_ =	shalt  }
0x6c: {  	_ =	shalt  }
0x6d: {  	_ =	shalt  }
0x6e: {  	_ =	shalt  }
0x6f: {  	_ =	shalt  }
0x70: {  	_ =	shalt  }
0x71: {  	_ =	shalt  }
0x72: {  	_ =	shalt  }
0x73: {  	_ =	shalt  }
0x74: {  	_ =	shalt  }
0x75: {  	_ =	shalt  }
0x76: {  	_ =	shalt  }
0x77: {  	_ =	shalt  }
0x78: {  	_ =	shalt  }
0x79: {  	_ =	shalt  }
0x7a: {  	_ =	shalt  }
0x7b: {  	_ =	shalt  }
0x7c: {  	_ =	shalt  }
0x7d: {  	_ =	shalt  }
0x7e: {  	_ =	shalt  }
0x7f: {  	_ =	shalt  }
0x80: {  	_ =	shalt  }
0x81: {  	_ =	shalt  }
0x82: {  	_ =	shalt  }
0x83: {  	_ =	shalt  }
0x84: {  	_ =	shalt  }
0x85: {  	_ =	shalt  }
0x86: {  	_ =	shalt  }
0x87: {  	_ =	shalt  }
.Lfunc_end0:
.L_simem_size_0:
called_computation.3_lowered:
.L_overlay_start_0:
0x88: {  	s2 =	sld [smem:$0x3FD9]  }
0x89: {  	s3 =	sld [smem:$0x3FFE];
	_ =	sdelay $0x1  }
0x8a: {  	s1 =	srdreg.scid  }
0x8b: {  	s0 =	sand.u32 $0x1, s1  }
0x8c: {  	s16 =	sshll.u32 s0, $0xA;
	s2 =	sadd.s32 s3, s2  }
0x8d: {  	s2 =	sadd.s32 s2, s16  }
0x8e: {  	[smem:$0x3FBA] =	sst s2  }
0x8f: {  	_ = 	snop  }
0x90: {  	(tm) =	ssettm $0x1  }
0x91: {  	s17 =	sld [smem:$0x3FFB];
	_ =	sdelay $0x3  }
0x92: {  	_ =	strace s17  }
0x93: {  	s2 =	sld [smem:$0x3FFC];
	_ =	sdelay $0x3  }
0x94: {  	_ =	strace s2  }
0x95: {  	s2 =	sld [smem:$0x3FFD];
	_ =	sdelay $0x3  }
0x96: {  	_ =	strace s2  }
0x97: {  	_ =	strace $0x8FFFFFFF  }
0x98: {  	s18 =	sld [smem:$0x3FDB];
	_ =	sdelay $0x1  }
0x99: {  	s19 =	simm.s32 $_scs_section_size  }
0x9a: {  	s4 =	simm.s32 $_size__tile_overlayer_lowered;
	s5 =	simm.s32 $_tile_overlayer_lowered  }
0x9b: {  	s22 =	simm.s32 $0x1BFF;
	s21 =	sshll.u32 s5, $0x1;
	s2 =	sadd.s32 s19, s18  }
0x9c: {  	s6 =	simm.s32 $0x0;
	s20 =	sshll.u32 s4, $0x1;
	s4 =	sadd.s32 s21, s2  }
0x9d: {  	[timem:s6], [sflag:s22] =	dma.local [hbm:s4], s20  }
0x9e: {  	_ =	swait.ge [sflag:s22], s20  }
0x9f: {  	s3 =	ssub.s32 $0x0, s20;
	[sflag:s22] =	ssyncset.done $0x0  }
0xa0: {  	[sflag:s22] =	ssyncadd.s32 s3;
	_ =	sdelay $0x1  }
0xa1: {  	s23 =	simm.s32 $0x1B8B  }
0xa2: {  	_ =	swait.ge [sflag:s23], $0x1  }
0xa3: {  	[sflag:s23] =	ssyncset.done $0x0  }
0xa4: {  	s25 =	simm.s32 $0x1B8E;
	s24 =	sld [smem:$0x3FFE];
	[sflag:s23] =	ssyncadd.s32 $0xFFFFFFFF  }
0xa5: {  	s26 =	simm.s32 $execute0_lowered;
	[smem:$0x3FD2] =	sst s25  }
0xa6: {  	s4 =	sshll.u32 s26, $0x1;
	_ =	strace $0x8000004F;
	[dreg:$0x1] =	wrdreg $0xFFFFFFFF  }
0xa7: {  	s28 =	simm.s32 $_size_execute0_lowered;
	s2 =	sadd.s32 s2, s4;
	[dreg:$0x0] =	wrdreg $0x0  }
0xa8: {  	s4 =	sshll.u32 s28, $0x1;
	[dreg:$0x2] =	wrdreg s2  }
0xa9: {  	[dreg:$0x3] =	wrdreg s4  }
0xaa: {  	[dreg:$0x4] =	wrdreg $0xC0  }
0xab: {  	_ =	task [dreg:s6], $0x5FFFF  }
0xac: {  	[dreg:$0x1] =	wrdreg $0xFFFFFFFF  }
0xad: {  	[dreg:$0x0] =	wrdreg $0x60  }
0xae: {  	[dreg:$0x2] =	wrdreg s24  }
0xaf: {  	[dreg:$0x3] =	wrdreg $0x98000  }
0xb0: {  	[dreg:$0x4] =	wrdreg $0x9  }
0xb1: {  	_ =	task.clear_ibuf [dreg:s6], $0x5FFFF;
	_ =	strace $0x9000004F  }
0xb2: {  	s29 =	simm.s32 $0x9;
	_ =	strace $0x80000051  }
0xb3: {  	_ =	swait.ge [sflag:s29], $0x1  }
0xb4: {  	[sflag:s29] =	ssyncadd.s32 $0xFFFFFFFF  }
0xb5: {  	_ =	strace $0x90000051  }
0xb6: {  	_ =	sfence  }
0xb7: {  	s30 =	sld [smem:$0x0];
	_ =	sdelay $0x2  }
0xb8: {  	s31 =	sshll.u32 s1, $0xD;
	s1 =	sshrl.u32 s1, $0x2  }
0xb9: {  	s3 =	sand.u32 $0x4000, s31;
	s1 =	sadd.s32 s1, s30  }
0xba: {  	s0 =	sor.u32 s3, s0;
	s1 =	sshll.u32 s1, $0x11  }
0xbb: {  	s0 =	sor.u32 s1, s0  }
0xbc: {  	s0 =	sadd.s32 $0x8F2B, s0  }
0xbd: {  	[sflag:s0] =	ssyncadd.remote.s32 $0x1  }
0xbe: {  	_ =	sfence.sel $0xFFFF  }
0xbf: {  	[dreg:$0x0] =	wrdreg $0xFFFFFFFF;
	(pc) =	sbr.abs _section_cstart, $3  }
0xc0: {  	[dreg:$0x1] =	wrdreg $0xFFFFFFFF  }
0xc1: {  	_ =	task.clear_ibuf [dreg:s6], $0x2FFFF;
	_ =	strace $0x9FFFFFFF  }
0xc2: {  	(tm) =	ssettm $0x7FFFFFFF  }
0xc3: {  	_ =	shalt  }
tec
execute0_lowered:
.L_overlay_start_1:
0x0: {  	(tag) =	ssettag $0x1  }
0x1: {  	s0 =	srdreg.scid;
	s1 =	rddreg [dreg:$0x0]  }
0x2: {  	s2 =	rddreg [dreg:$0x1];
	s9 =	stileid.u32;
	s4 =	simm.s32 $0x0  }
0x3: {  	s12 =	simm.s32 $0x9;
	s15 =	simm.s32 $0x9000;
	s16 =	simm.s32 $0x80  }
0x4: {  	s17 =	simm.s32 $0x5000;
	s20 =	simm.s32 $0x6000;
	s25 =	simm.s32 $0x7000  }
0x5: {  	s30 =	simm.s32 $0x8000;
	s14 =	simm.s32 $0x3;
	s18 =	simm.s32 $0x5  }
0x6: {  	s19 =	simm.s32 $0x7;
	s21 =	simm.s32 $0x8;
	s22 =	simm.s32 $0x0  }
0x7: {  	s0 =	sand.u32 $0x1, s0;
	[smem:$0x7FF] =	sst s4;
	s7 =	smul.u32 $0xA000, s9  }
0x8: {  	s4 =	sadd.s32 $0x18600, s1;
	s11 =	smul.u32 $0x2800, s9;
	s3 =	sshll.u32 s0, $0x4  }
0x9: {  	_ =	strace $0x80000050;
	s5 =	smul.u32 $0x5000, s0;
	s0 =	ssub.s32 $0x2, s0  }
0xa: {  	s3 =	sor.u32 s9, s3;
	s8 =	sshrl.u32 s0, $0x1;
	s7 =	sshrl.u32 s7, $0x2  }
0xb: {  	s31 =	sshrl.u32 s11, $0x3;
	s3 =	smul.u32 $0x500, s3;
	s7 =	sadd.s32 s7, s2  }
0xc: {  	s5 =	sadd.s32 s5, s1;
	s0 =	ssub.s32 s0, s8;
	s26 =	sadd.s32 $0x800, s7  }
0xd: {  	s28 =	sadd.s32 $0x1000, s7;
	s29 =	sadd.s32 $0x1800, s7;
	s10 =	sadd.s32 $0x2000, s7  }
.Ltmp0:
0xe: {  	s5 =	sadd.s32 $0x1D600, s5;
	[dreg:$0x4] =	wrdreg s26;
	(pc) =	sbr.rel .LBB2_1-.Ltmp0, $4  }
0xf: {  	s6 =	sadd.s32 s3, s1;
	s1 =	sadd.s32 $0xE600, s1;
	[dreg:$0x5] =	wrdreg s28  }
0x10: {  	[dreg:$0x6] =	wrdreg s29;
	s24 =	sadd.s32 s31, s5;
	s6 =	sadd.s32 $0x4600, s6  }
0x11: {  	s13 =	sadd.s32 s3, s1;
	s1 =	simm.s32 $0x1;
	[dreg:$0x3] =	wrdreg s6  }
0x12: {  	v0 =	vimm.f32 $0.0e+00;
	s6 =	sadd.s32 s11, s2;
	s11 =	smax.u32 s0, $0x1;
	s0 =	simm.s32 $0x8800  }
.LBB2_6:
0x13: {  	_ =	swait.ge [sflag:s21], $0x800  }
0x14: {  	[sflag:s21] =	ssyncset.done $0x0  }
0x15: {  	[sflag:s21] =	ssyncadd.s32 $0xFFFFF800  }
0x16: {  	[spmem:s2] =	stream.indirect.scatter.add.f32 [tilespmem:s0], [sflag:$0x9], $0x10, s3, s16, $0xb8;
	[tilespmem:$0xC000] =	vst v63  }
0x17: {  	s31 =	stileid.u32;
	_ =	swait.ge [sflag:s12], $0x800  }
0x18: {  	s5 =	sshrl.u32 s6, $0x3;
	s22 =	sadd.s32 $0x1, s22;
	[sflag:s12] =	ssyncset.done $0x0  }
0x19: {  	p0 =	sne.s32 s22, s11;
	s3 =	sshll.u32 s31, $0x6;
	[sflag:s12] =	ssyncadd.s32 $0xFFFFF800  }
.Ltmp1:
0x1a: {  	s3 =	sor.u32 $0x1C09, s3;
	[bflag:$0x0] =	sbarrier.arrive $0xFFFF;
	(pc) =	sbr.rel @!p0 .LBB2_7-.Ltmp1, $4  }
0x1b: {  	[hbm:s24], [sflag:s3] =	dma.local [spmem:s5], $0x500  }
0x1c: {  	_ =	swait.ge [sflag:s12], $0x500  }
0x1d: {  	[sflag:s12] =	ssyncset.done $0x0  }
0x1e: {  	[sflag:s12] =	ssyncadd.s32 $0xFFFFFB00  }
.LBB2_1:
0x1f: {  	s3 =	simm.s32 $0x0;
	s5 =	rddreg [dreg:$0x3]  }
0x20: {  	[tilespmem:s3], [sflag:$0x9] =	stream.linear.gather [hbm4b:s5+s3], $0x2800, $0x38;
	[tilespmem:$0xC000] =	vst v63  }
0x21: {  	_ =	swait.ge [sflag:s12], $0x2800  }
0x22: {  	[sflag:s12] =	ssyncset.done $0x0  }
0x23: {  	s31 =	simm.s32 $0x2800;
	[sflag:s12] =	ssyncadd.s32 $0xFFFFD800  }
0x24: {  	[tilespmem:s31], [sflag:$0x9] =	stream.linear.gather [hbm4b:s13+s3], $0x2800, $0x38;
	[tilespmem:$0xC000] =	vst v63  }
0x25: {  	_ =	swait.ge [sflag:s12], $0x2800  }
0x26: {  	[sflag:s12] =	ssyncset.done $0x0  }
0x27: {  	s5 =	simm.s32 $0x0;
	s3 =	simm.s32 $0x40;
	[sflag:s12] =	ssyncadd.s32 $0xFFFFD800  }
.LBB2_2:
0x28: {  	p0 =	sne.s32 s3, $0x1FC0;
	[tilespmem:s5+$0x9000] =	vst v0;
	s5 =	smov.u32 s3;
	s3 =	sadd.s32 $0x40, s3  }
.Ltmp2:
0x29: {  	(pc) =	sbr.rel @p0 .LBB2_2-.Ltmp2, $2  }
0x2a: {  	_ =	sdelay $0x2  }
0x2b: {  	s5 =	sshra.s32 s5, $0x2  }
0x2c: {  	[tilespmem:s5+$0x9000] =	vst v0  }
0x2d: {  	[spmem:s6] =	stream.linear.scatter [tilespmem:s15], [sflag:$0x9], $0x800, $0x38;
	[tilespmem:$0xC000] =	vst v63  }
0x2e: {  	_ =	swait.ge [sflag:s12], $0x800  }
0x2f: {  	[sflag:s12] =	ssyncset.done $0x0  }
0x30: {  	s3 =	rddreg [dreg:$0x4];
	[sflag:s12] =	ssyncadd.s32 $0xFFFFF800  }
0x31: {  	[spmem:s3] =	stream.linear.scatter [tilespmem:s15], [sflag:$0x9], $0x800, $0x38;
	[tilespmem:$0xC000] =	vst v63  }
0x32: {  	_ =	swait.ge [sflag:s12], $0x800  }
0x33: {  	[sflag:s12] =	ssyncset.done $0x0  }
0x34: {  	s28 =	rddreg [dreg:$0x5];
	[sflag:s12] =	ssyncadd.s32 $0xFFFFF800  }
0x35: {  	[spmem:s28] =	stream.linear.scatter [tilespmem:s15], [sflag:$0x9], $0x800, $0x38;
	[tilespmem:$0xC000] =	vst v63  }
0x36: {  	_ =	swait.ge [sflag:s12], $0x800  }
0x37: {  	[sflag:s12] =	ssyncset.done $0x0  }
0x38: {  	s29 =	rddreg [dreg:$0x6];
	[sflag:s12] =	ssyncadd.s32 $0xFFFFF800  }
0x39: {  	[spmem:s29] =	stream.linear.scatter [tilespmem:s15], [sflag:$0x9], $0x800, $0x38;
	[tilespmem:$0xC000] =	vst v63  }
0x3a: {  	_ =	swait.ge [sflag:s12], $0x800  }
0x3b: {  	[sflag:s12] =	ssyncset.done $0x0  }
0x3c: {  	[sflag:s12] =	ssyncadd.s32 $0xFFFFF800  }
0x3d: {  	[spmem:s10] =	stream.linear.scatter [tilespmem:s15], [sflag:$0x9], $0x800, $0x38;
	[tilespmem:$0xC000] =	vst v63  }
0x3e: {  	_ =	swait.ge [sflag:s12], $0x800  }
0x3f: {  	[sflag:s12] =	ssyncset.done $0x0  }
0x40: {  	[sflag:s12] =	ssyncadd.s32 $0xFFFFF800  }
0x41: {  	s23 =	simm.s32 $0x0;
	[bflag:$0x0] =	sbarrier.arrive $0xFFFF  }
0x42: {  	[tilespmem:s17], [sflag:$0x1] =	stream.indirect.gather [hbm4b:s4+s16], $0x10, s23, s16, $0xb8;
	[tilespmem:$0xC000] =	vst v63  }
0x43: {  	s31 =	simm.s32 $0x5800  }
0x44: {  	[tilespmem:s31], [sflag:$0x2] =	stream.indirect.gather [hbm4b:s4+s16], $0x10, s16, s16, $0xb8;
	[tilespmem:$0xC000] =	vst v63  }
0x45: {  	s5 =	simm.s32 $0x100  }
0x46: {  	[tilespmem:s20], [sflag:$0x3] =	stream.indirect.gather [hbm4b:s4+s16], $0x10, s5, s16, $0xb8;
	[tilespmem:$0xC000] =	vst v63  }
0x47: {  	s7 =	simm.s32 $0x180;
	s8 =	simm.s32 $0x6800  }
0x48: {  	[tilespmem:s8], [sflag:$0x4] =	stream.indirect.gather [hbm4b:s4+s16], $0x10, s7, s16, $0xb8;
	[tilespmem:$0xC000] =	vst v63  }
0x49: {  	s9 =	simm.s32 $0x200  }
0x4a: {  	[tilespmem:s25], [sflag:$0x5] =	stream.indirect.gather [hbm4b:s4+s16], $0x10, s9, s16, $0xb8;
	[tilespmem:$0xC000] =	vst v63  }
0x4b: {  	s26 =	simm.s32 $0x280;
	s28 =	simm.s32 $0x7800  }
0x4c: {  	[tilespmem:s28], [sflag:$0x6] =	stream.indirect.gather [hbm4b:s4+s16], $0x10, s26, s16, $0xb8;
	[tilespmem:$0xC000] =	vst v63  }
0x4d: {  	s29 =	simm.s32 $0x300  }
0x4e: {  	[tilespmem:s30], [sflag:$0x7] =	stream.indirect.gather [hbm4b:s4+s16], $0x10, s29, s16, $0xb8;
	[tilespmem:$0xC000] =	vst v63  }
0x4f: {  	s31 =	simm.s32 $0x380  }
0x50: {  	[tilespmem:s0], [sflag:$0x8] =	stream.indirect.gather [hbm4b:s4+s16], $0x10, s31, s16, $0xb8;
	[tilespmem:$0xC000] =	vst v63  }
.LBB2_4:
0x51: {  	_ =	swait.ge [sflag:s1], $0x800  }
0x52: {  	s26 =	sshra.s32 s23, $0x2;
	[sflag:s1] =	ssyncset.done $0x0  }
0x53: {  	s3 =	sadd.s32 $0x2800, s26;
	[sflag:s1] =	ssyncadd.s32 $0xFFFFF800  }
0x54: {  	[spmem:s2] =	stream.indirect.scatter.add.f32 [tilespmem:s17], [sflag:$0x9], $0x10, s3, s16, $0xb8;
	[tilespmem:$0xC000] =	vst v63  }
0x55: {  	_ =	swait.ge [sflag:s12], $0x800  }
0x56: {  	p0 =	seq.s32 s23, $0x9000;
	[sflag:s12] =	ssyncset.done $0x0  }
0x57: {  	s3 =	simm.s32 @p0 $0x2;
	[sflag:s12] =	ssyncadd.s32 $0xFFFFF800  }
0x58: {  	_ =	swait.ge @p0 [sflag:s3], $0x800  }
0x59: {  	s31 =	sshra.s32 @p0 s23, $0x2;
	s7 =	simm.s32 @p0 $0x5800;
	[sflag:s3] =	ssyncset.done @p0 $0x0  }
0x5a: {  	s5 =	sadd.s32 @p0 $0x2880, s31;
	[sflag:s3] =	ssyncadd.s32 @p0 $0xFFFFF800;
	s3 =	simm.s32 @p0 $0x80  }
0x5b: {  	[spmem:s2] =	stream.indirect.scatter.add.f32 @p0 [tilespmem:s7], [sflag:$0x9], $0x10, s5, s3, $0xb8;
	[tilespmem:$0xC000] =	vst v63  }
0x5c: {  	s5 =	simm.s32 @p0 $0x9  }
0x5d: {  	_ =	swait.ge @p0 [sflag:s5], $0x800  }
0x5e: {  	s28 =	sshra.s32 @!p0 s23, $0x2;
	s29 =	simm.s32 @!p0 $0x80;
	[sflag:s5] =	ssyncset.done @p0 $0x0  }
0x5f: {  	s8 =	simm.s32 @!p0 $0x5000;
	s7 =	sadd.s32 @!p0 $0x400, s28;
	[sflag:s5] =	ssyncadd.s32 @p0 $0xFFFFF800  }
0x60: {  	[tilespmem:s8], [sflag:$0x1] =	stream.indirect.gather @!p0 [hbm4b:s4+s29], $0x10, s7, s29, $0xb8;
	[tilespmem:$0xC000] =	vst v63  }
0x61: {  	s7 =	simm.s32 @!p0 $0x2  }
0x62: {  	_ =	swait.ge @!p0 [sflag:s7], $0x800  }
0x63: {  	[sflag:s7] =	ssyncset.done @!p0 $0x0  }
0x64: {  	s8 =	simm.s32 @!p0 $0x5800;
	[sflag:s7] =	ssyncadd.s32 @!p0 $0xFFFFF800;
	s7 =	sadd.s32 @!p0 $0x2880, s28  }
0x65: {  	[spmem:s2] =	stream.indirect.scatter.add.f32 @!p0 [tilespmem:s8], [sflag:$0x9], $0x10, s7, s29, $0xb8;
	[tilespmem:$0xC000] =	vst v63  }
0x66: {  	s7 =	simm.s32 @!p0 $0x9  }
0x67: {  	_ =	swait.ge @!p0 [sflag:s7], $0x800  }
0x68: {  	[sflag:s7] =	ssyncset.done @!p0 $0x0  }
0x69: {  	s9 =	sadd.s32 @!p0 $0x480, s28;
	[sflag:s7] =	ssyncadd.s32 @!p0 $0xFFFFF800  }
0x6a: {  	[tilespmem:s8], [sflag:$0x2] =	stream.indirect.gather @!p0 [hbm4b:s4+s29], $0x10, s9, s29, $0xb8;
	[tilespmem:$0xC000] =	vst v63  }
0x6b: {  	_ =	swait.ge [sflag:s14], $0x800  }
0x6c: {  	[sflag:s14] =	ssyncset.done $0x0  }
0x6d: {  	s9 =	sadd.s32 $0x2900, s26;
	[sflag:s14] =	ssyncadd.s32 $0xFFFFF800  }
0x6e: {  	[spmem:s2] =	stream.indirect.scatter.add.f32 [tilespmem:s20], [sflag:$0x9], $0x10, s9, s16, $0xb8;
	[tilespmem:$0xC000] =	vst v63  }
0x6f: {  	_ =	swait.ge [sflag:s12], $0x800  }
0x70: {  	[sflag:s12] =	ssyncset.done $0x0  }
0x71: {  	s8 =	simm.s32 @p0 $0x4;
	[sflag:s12] =	ssyncadd.s32 $0xFFFFF800  }
0x72: {  	_ =	swait.ge @p0 [sflag:s8], $0x800  }
0x73: {  	[sflag:s8] =	ssyncset.done @p0 $0x0  }
0x74: {  	s9 =	simm.s32 @p0 $0x6800;
	[sflag:s8] =	ssyncadd.s32 @p0 $0xFFFFF800;
	s8 =	sadd.s32 @p0 $0x2980, s31  }
0x75: {  	[spmem:s2] =	stream.indirect.scatter.add.f32 @p0 [tilespmem:s9], [sflag:$0x9], $0x10, s8, s3, $0xb8;
	[tilespmem:$0xC000] =	vst v63  }
0x76: {  	_ =	swait.ge @p0 [sflag:s5], $0x800  }
0x77: {  	[sflag:s5] =	ssyncset.done @p0 $0x0  }
0x78: {  	s8 =	sadd.s32 @!p0 $0x500, s28;
	s9 =	simm.s32 @!p0 $0x6000;
	[sflag:s5] =	ssyncadd.s32 @p0 $0xFFFFF800  }
0x79: {  	[tilespmem:s9], [sflag:$0x3] =	stream.indirect.gather @!p0 [hbm4b:s4+s29], $0x10, s8, s29, $0xb8;
	[tilespmem:$0xC000] =	vst v63  }
0x7a: {  	s8 =	simm.s32 @!p0 $0x4  }
0x7b: {  	_ =	swait.ge @!p0 [sflag:s8], $0x800  }
0x7c: {  	[sflag:s8] =	ssyncset.done @!p0 $0x0  }
0x7d: {  	s9 =	simm.s32 @!p0 $0x6800;
	[sflag:s8] =	ssyncadd.s32 @!p0 $0xFFFFF800;
	s8 =	sadd.s32 @!p0 $0x2980, s28  }
0x7e: {  	[spmem:s2] =	stream.indirect.scatter.add.f32 @!p0 [tilespmem:s9], [sflag:$0x9], $0x10, s8, s29, $0xb8;
	[tilespmem:$0xC000] =	vst v63  }
0x7f: {  	_ =	swait.ge @!p0 [sflag:s7], $0x800  }
0x80: {  	[sflag:s7] =	ssyncset.done @!p0 $0x0  }
0x81: {  	s8 =	sadd.s32 @!p0 $0x580, s28;
	[sflag:s7] =	ssyncadd.s32 @!p0 $0xFFFFF800  }
0x82: {  	[tilespmem:s9], [sflag:$0x4] =	stream.indirect.gather @!p0 [hbm4b:s4+s29], $0x10, s8, s29, $0xb8;
	[tilespmem:$0xC000] =	vst v63  }
0x83: {  	_ =	swait.ge [sflag:s18], $0x800  }
0x84: {  	[sflag:s18] =	ssyncset.done $0x0  }
0x85: {  	s9 =	sadd.s32 $0x2A00, s26;
	[sflag:s18] =	ssyncadd.s32 $0xFFFFF800  }
0x86: {  	[spmem:s2] =	stream.indirect.scatter.add.f32 [tilespmem:s25], [sflag:$0x9], $0x10, s9, s16, $0xb8;
	[tilespmem:$0xC000] =	vst v63  }
0x87: {  	_ =	swait.ge [sflag:s12], $0x800  }
0x88: {  	[sflag:s12] =	ssyncset.done $0x0  }
0x89: {  	s8 =	simm.s32 @p0 $0x6;
	[sflag:s12] =	ssyncadd.s32 $0xFFFFF800  }
0x8a: {  	_ =	swait.ge @p0 [sflag:s8], $0x800  }
0x8b: {  	[sflag:s8] =	ssyncset.done @p0 $0x0  }
0x8c: {  	s9 =	simm.s32 @p0 $0x7800;
	[sflag:s8] =	ssyncadd.s32 @p0 $0xFFFFF800;
	s8 =	sadd.s32 @p0 $0x2A80, s31  }
0x8d: {  	[spmem:s2] =	stream.indirect.scatter.add.f32 @p0 [tilespmem:s9], [sflag:$0x9], $0x10, s8, s3, $0xb8;
	[tilespmem:$0xC000] =	vst v63  }
0x8e: {  	_ =	swait.ge @p0 [sflag:s5], $0x800  }
0x8f: {  	[sflag:s5] =	ssyncset.done @p0 $0x0  }
0x90: {  	s3 =	sadd.s32 @!p0 $0x600, s28;
	[sflag:s5] =	ssyncadd.s32 @p0 $0xFFFFF800;
	s5 =	simm.s32 @!p0 $0x7000  }
0x91: {  	[tilespmem:s5], [sflag:$0x5] =	stream.indirect.gather @!p0 [hbm4b:s4+s29], $0x10, s3, s29, $0xb8;
	[tilespmem:$0xC000] =	vst v63  }
0x92: {  	s3 =	simm.s32 @!p0 $0x6  }
0x93: {  	_ =	swait.ge @!p0 [sflag:s3], $0x800  }
0x94: {  	[sflag:s3] =	ssyncset.done @!p0 $0x0  }
0x95: {  	s5 =	simm.s32 @!p0 $0x7800;
	[sflag:s3] =	ssyncadd.s32 @!p0 $0xFFFFF800;
	s3 =	sadd.s32 @!p0 $0x2A80, s28  }
0x96: {  	[spmem:s2] =	stream.indirect.scatter.add.f32 @!p0 [tilespmem:s5], [sflag:$0x9], $0x10, s3, s29, $0xb8;
	[tilespmem:$0xC000] =	vst v63  }
0x97: {  	_ =	swait.ge @!p0 [sflag:s7], $0x800  }
0x98: {  	[sflag:s7] =	ssyncset.done @!p0 $0x0  }
0x99: {  	s3 =	sadd.s32 @!p0 $0x680, s28;
	[sflag:s7] =	ssyncadd.s32 @!p0 $0xFFFFF800  }
0x9a: {  	[tilespmem:s5], [sflag:$0x6] =	stream.indirect.gather @!p0 [hbm4b:s4+s29], $0x10, s3, s29, $0xb8;
	[tilespmem:$0xC000] =	vst v63  }
0x9b: {  	_ =	swait.ge [sflag:s19], $0x800  }
0x9c: {  	[sflag:s19] =	ssyncset.done $0x0  }
.Ltmp3:
0x9d: {  	s31 =	sadd.s32 $0x2B00, s26;
	[sflag:s19] =	ssyncadd.s32 $0xFFFFF800;
	(pc) =	sbr.rel @p0 .LBB2_6-.Ltmp3, $4  }
0x9e: {  	[spmem:s2] =	stream.indirect.scatter.add.f32 [tilespmem:s30], [sflag:$0x9], $0x10, s31, s16, $0xb8;
	[tilespmem:$0xC000] =	vst v63  }
0x9f: {  	_ =	swait.ge [sflag:s12], $0x800  }
0xa0: {  	[sflag:s12] =	ssyncset.done $0x0  }
0xa1: {  	s3 =	sadd.s32 $0x2B80, s26;
	[sflag:s12] =	ssyncadd.s32 $0xFFFFF800  }
0xa2: {  	s5 =	sadd.s32 $0x700, s26  }
0xa3: {  	[tilespmem:s30], [sflag:$0x7] =	stream.indirect.gather [hbm4b:s4+s16], $0x10, s5, s16, $0xb8;
	[tilespmem:$0xC000] =	vst v63  }
0xa4: {  	_ =	swait.ge [sflag:s21], $0x800  }
0xa5: {  	[sflag:s21] =	ssyncset.done $0x0  }
0xa6: {  	[sflag:s21] =	ssyncadd.s32 $0xFFFFF800  }
0xa7: {  	[spmem:s2] =	stream.indirect.scatter.add.f32 [tilespmem:s0], [sflag:$0x9], $0x10, s3, s16, $0xb8;
	[tilespmem:$0xC000] =	vst v63  }
.Ltmp4:
0xa8: {  	_ = 	snop;
	(pc) =	sbr.rel .LBB2_4-.Ltmp4, $4  }
0xa9: {  	_ =	swait.ge [sflag:s12], $0x800  }
0xaa: {  	[sflag:s12] =	ssyncset.done $0x0  }
0xab: {  	s31 =	sadd.s32 $0x780, s26;
	s23 =	sadd.s32 $0x1000, s23;
	[sflag:s12] =	ssyncadd.s32 $0xFFFFF800  }
0xac: {  	[tilespmem:s0], [sflag:$0x8] =	stream.indirect.gather [hbm4b:s4+s16], $0x10, s31, s16, $0xb8;
	[tilespmem:$0xC000] =	vst v63  }
.LBB2_7:
0xad: {  	_ =	sfence.sel $0x180000  }
0xae: {  	[bflag:$0x0] =	sbarrier.arrive $0xFFFF  }
0xaf: {  	_ =	strace $0x90000050  }
0xb0: {  	s0 =	stileid.u32;
	[bflag:$0x2] =	sbarrier.arrive $0xFFFF  }
0xb1: {  	p0 =	sne.s32 s0, $0x0;
	s0 =	rddreg [dreg:$0x2]  }
0xb2: {  	s0 =	sadd.s32 @!p0 $0x100000, s0  }
0xb3: {  	[sflag:s0] =	ssyncadd.tile.s32 @!p0 $0x1;
	_ =	shalt  }
.Lfunc_end2:
_tile_overlayer_lowered:
.L_overlay_start_2:
0xb4: {  	(tag) =	ssettag $0x2  }
0xb5: {  	s0 =	rddreg [dreg:$0x0];
	s2 =	stileid.u32  }
0xb6: {  	s1 =	rddreg [dreg:$0x1];
	p0 =	sne.s32 s2, $0x0  }
0xb7: {  	s3 =	rddreg [dreg:$0x2];
	[bflag:$0x3] =	sbarrier.arrive $0xFFFF;
	s2 =	simm.s32 @!p0 $0x1C09  }
0xb8: {  	[timem:s3], [sflag:s2] =	dma.local @!p0 [hbm:s0], s1  }
0xb9: {  	s0 =	simm.s32 @!p0 $0x9  }
0xba: {  	_ =	swait.ge @!p0 [sflag:s0], s1  }
0xbb: {  	s1 =	ssub.s32 @!p0 $0x0, s1;
	[sflag:s0] =	ssyncset.done @!p0 $0x0  }
0xbc: {  	[sflag:s0] =	ssyncadd.s32 @!p0 s1  }
0xbd: {  	[bflag:$0x3] =	sbarrier.arrive $0xFFFF  }
0xbe: {  	_ =	shalt  }

</sc_bundles>
